<compile_context>
chip_gen: v7x
topology: tpu7x:2x2x1
jax: 0.10.2.dev20260603
libtpu: 0.0.44.dev20260713+nightly
codegen_flags: <defaults>
</compile_context>

<pallas_src>
import functools

import jax
import jax.numpy as jnp
from jax import lax
from jax.experimental import pallas as pl
from jax.experimental.pallas import tpu as pltpu
from jax.experimental.pallas import tpu_sc as plsc

L = 16
NS = 16
NC = 2
RPT = 640
NPAD = NS * RPT
DH = 64
CH = 128
NCH = 162
EPAD = NS * NCH * CH
NVEC = DH // L


def _sc_body(K, x_hbm, pk_hbm, coef_hbm, out_hbm,
             t_sh, acc_sh, deg_sh,
             pk_v, buf0, buf1, zbuf, dis_v, ones_v, coef_v,
             si0, si1, di0, sem_g0, sem_g1):
    bufh = buf0
    c = lax.axis_index("c")
    s = lax.axis_index("s")
    row0 = s * RPT
    feat0 = c * DH

    zeros16 = jnp.zeros((L,), jnp.float32)
    ones16 = jnp.ones((L,), jnp.float32)

    def z_body(i, carry):
        for v in range(NVEC):
            zbuf[i, pl.ds(v * L, L)] = zeros16
        return carry
    lax.fori_loop(0, CH, z_body, 0)

    for i in range(CH // L):
        ones_v[pl.ds(i * L, L)] = ones16

    def zdis_body(i, carry):
        dis_v[pl.ds(i * L, L)] = zeros16
        return carry
    lax.fori_loop(0, RPT // L + 1, zdis_body, 0)

    pltpu.sync_copy(pk_hbm.at[s], pk_v)
    pltpu.sync_copy(coef_hbm, coef_v)

    mask14 = jnp.full((L,), 0x3FFF, jnp.int32)

    def unpack_src(j, ib):
        for i in range(CH // L):
            sl = pl.ds(i * L, L)
            ib[sl] = pk_v[j, sl] & mask14

    def unpack_dst(j, ib):
        for i in range(CH // L):
            sl = pl.ds(i * L, L)
            ib[sl] = lax.shift_right_logical(pk_v[j, sl], 14)

    pltpu.sync_copy(dis_v.at[pl.ds(0, RPT)], deg_sh.at[pl.ds(row0, RPT)])
    plsc.subcore_barrier()

    def deg_body(j, carry):
        unpack_dst(j, di0)
        pltpu.sync_copy(ones_v, deg_sh.at[di0], add=True)
        return carry
    lax.fori_loop(0, NCH, deg_body, 0)
    plsc.subcore_barrier()

    pltpu.sync_copy(deg_sh.at[pl.ds(row0, RPT)], dis_v.at[pl.ds(0, RPT)])

    def rsq_body(i, carry):
        d = dis_v[pl.ds(i * L, L)]
        ib = plsc.bitcast(d, jnp.int32)
        ib = 0x5F3759DF - lax.shift_right_logical(ib, 1)
        y = plsc.bitcast(ib, jnp.float32)
        half = d * 0.5
        for _ in range(3):
            y = y * (1.5 - half * y * y)
        dis_v[pl.ds(i * L, L)] = y
        return carry
    lax.fori_loop(0, RPT // L, rsq_body, 0)

    c0 = coef_v[pl.ds(0, L)][0]
    for m in range(RPT // CH):
        r0 = m * CH
        pltpu.sync_copy(
            x_hbm.at[pl.ds(row0 + r0, CH), pl.ds(feat0, DH)], buf1)

        def init_body(r, carry):
            d = dis_v[pl.ds(r0 + r, L)][0]
            for v in range(NVEC):
                sl = pl.ds(v * L, L)
                xv = buf1[r, sl]
                bufh[r, sl] = c0 * xv
                buf1[r, sl] = d * xv
            return carry
        lax.fori_loop(0, CH, init_body, 0)
        pltpu.sync_copy(buf1, t_sh.at[pl.ds(row0 + r0, CH)])
        pltpu.sync_copy(
            bufh, out_hbm.at[pl.ds(row0 + r0, CH), pl.ds(feat0, DH)])
        pltpu.sync_copy(zbuf, acc_sh.at[pl.ds(row0 + r0, CH)])
    plsc.subcore_barrier()

    def iter_body(k, carry):
        ck = coef_v[pl.ds(k + 1, L)][0]

        unpack_src(0, si0)
        pltpu.async_copy(t_sh.at[si0], buf0, sem_g0)

        def edge_body(i, ecarry):
            j0 = 2 * i
            unpack_src(j0 + 1, si1)
            pltpu.async_copy(t_sh.at[si1], buf1, sem_g1)
            pltpu.make_async_copy(
                t_sh.at[pl.ds(0, CH)], buf0, sem_g0).wait()
            unpack_dst(j0, di0)
            pltpu.sync_copy(buf0, acc_sh.at[di0], add=True)

            @pl.when(i < NCH // 2 - 1)
            def _prefetch():
                unpack_src(j0 + 2, si0)
                pltpu.async_copy(t_sh.at[si0], buf0, sem_g0)

            pltpu.make_async_copy(
                t_sh.at[pl.ds(0, CH)], buf1, sem_g1).wait()
            unpack_dst(j0 + 1, di0)
            pltpu.sync_copy(buf1, acc_sh.at[di0], add=True)
            return ecarry
        lax.fori_loop(0, NCH // 2, edge_body, 0)
        plsc.subcore_barrier()

        for m in range(RPT // CH):
            r0 = m * CH
            pltpu.sync_copy(acc_sh.at[pl.ds(row0 + r0, CH)], buf1)
            pltpu.sync_copy(
                out_hbm.at[pl.ds(row0 + r0, CH), pl.ds(feat0, DH)], bufh)

            def node_body(r, ncarry):
                d = dis_v[pl.ds(r0 + r, L)][0]
                for v in range(NVEC):
                    sl = pl.ds(v * L, L)
                    h = d * buf1[r, sl]
                    bufh[r, sl] = bufh[r, sl] + ck * h
                    buf1[r, sl] = d * h
                return ncarry
            lax.fori_loop(0, CH, node_body, 0)
            pltpu.sync_copy(buf1, t_sh.at[pl.ds(row0 + r0, CH)])
            pltpu.sync_copy(
                bufh, out_hbm.at[pl.ds(row0 + r0, CH), pl.ds(feat0, DH)])
            pltpu.sync_copy(zbuf, acc_sh.at[pl.ds(row0 + r0, CH)])
        plsc.subcore_barrier()
        return carry
    lax.fori_loop(0, K, iter_body, 0)


@functools.partial(jax.jit, static_argnames=("K",))
def _run(x_pad, packed_idx, coeffs_pad, K):
    mesh = plsc.VectorSubcoreMesh(core_axis_name="c", subcore_axis_name="s")
    f32 = jnp.float32
    fn = pl.kernel(
        functools.partial(_sc_body, K),
        out_type=jax.ShapeDtypeStruct((NPAD, NC * DH), f32),
        mesh=mesh,
        compiler_params=pltpu.CompilerParams(
            use_tc_tiling_on_sc=False, needs_layout_passes=False),
        scratch_types=[
            pltpu.VMEM_SHARED((NPAD, DH), f32),
            pltpu.VMEM_SHARED((NPAD, DH), f32),
            pltpu.VMEM_SHARED((NPAD,), f32),
            pltpu.VMEM((NCH, CH), jnp.int32),
            pltpu.VMEM((CH, DH), f32),
            pltpu.VMEM((CH, DH), f32),
            pltpu.VMEM((CH, DH), f32),
            pltpu.VMEM((RPT + L,), f32),
            pltpu.VMEM((CH,), f32),
            pltpu.VMEM((32,), f32),
            pltpu.VMEM((CH,), jnp.int32),
            pltpu.VMEM((CH,), jnp.int32),
            pltpu.VMEM((CH,), jnp.int32),
            pltpu.SemaphoreType.DMA,
            pltpu.SemaphoreType.DMA,
        ],
    )
    return fn(x_pad, packed_idx, coeffs_pad)


def kernel(x, edge_index, coeffs):
    n, d = x.shape
    k = coeffs.shape[0] - 1
    pad_node = n

    src = edge_index[0].astype(jnp.int32)
    dst = edge_index[1].astype(jnp.int32)
    loop = jnp.arange(n, dtype=jnp.int32)
    src = jnp.concatenate([src, loop])
    dst = jnp.concatenate([dst, loop])
    pad_e = EPAD - src.shape[0]
    src = jnp.pad(src, (0, pad_e), constant_values=pad_node)
    dst = jnp.pad(dst, (0, pad_e), constant_values=pad_node)
    packed = (src | (dst << 14)).reshape(NS, NCH, CH)

    x_pad = jnp.pad(x, ((0, NPAD - n), (0, 0)))
    coeffs_pad = jnp.pad(coeffs.astype(jnp.float32), (0, 32 - (k + 1)))

    out = _run(x_pad, packed, coeffs_pad, k)
    return out[:n]

# --- scband reference (transcript-rebuilt; emitter-appended) ---
"""Pipeline reference for scband-garnoldi-89326729822515 (READ-ONLY COPY).

The authoritative reference and input builder live on the scoring server;
editing this copy changes nothing except your own understanding.
"""

import jax, jax.numpy as jnp
import numpy as np

K = 10
N_NODES = 10000


def _chebyshev_lowpass_coeffs(K, lower=0.0, upper=2.0):
    # Fit g_low_pass(lam) = exp(-10*(lam/2)^2)-ish low-pass filter with Chebyshev
    # interpolation on [lower, upper], then apply Jackson damping, mirroring
    # compare_fit_panelA + filter_jackson. Deterministic numpy computation.
    M = K + 1
    j = np.arange(M)
    # Chebyshev nodes mapped to [lower, upper]
    t = np.cos((j + 0.5) * np.pi / M)
    lam = 0.5 * (upper - lower) * t + 0.5 * (upper + lower)
    g = np.exp(-10.0 * (lam / 2.0) ** 2)  # low-pass response
    # Chebyshev coefficients via discrete cosine relation
    c = np.zeros(M)
    for k in range(M):
        c[k] = (2.0 / M) * np.sum(g * np.cos(k * (j + 0.5) * np.pi / M))
    c[0] = c[0] / 2.0
    # Jackson damping
    Mp = M + 1
    kk = np.arange(M)
    gamma = ((Mp - kk) * np.cos(np.pi * kk / Mp) + np.sin(np.pi * kk / Mp) / np.tan(np.pi / Mp)) / Mp
    return (c * gamma).astype(np.float32)


def setup_inputs(seed: int = 0) -> dict:
    key = jax.random.key(seed)
    k1, k2 = jax.random.split(key)
    x = jax.random.normal(k1, (N_NODES, 128), dtype=jnp.float32)
    edge_index = jax.random.randint(k2, (2, 320000), 0, N_NODES, dtype=jnp.int64)
    coeffs = jnp.asarray(_chebyshev_lowpass_coeffs(K), dtype=jnp.float32)  # learned Parameter, shape [K+1]
    return {"x": x, "edge_index": edge_index, "coeffs": coeffs}


def _gcn_norm(edge_index, num_nodes):
    src = edge_index[0]
    dst = edge_index[1]
    loop = jnp.arange(num_nodes, dtype=src.dtype)
    src = jnp.concatenate([src, loop])
    dst = jnp.concatenate([dst, loop])
    deg = jnp.zeros((num_nodes,), dtype=jnp.float32).at[dst].add(1.0)
    deg_inv_sqrt = jnp.where(deg > 0, jax.lax.rsqrt(jnp.maximum(deg, 1e-12)), 0.0)
    norm = deg_inv_sqrt[src] * deg_inv_sqrt[dst]
    return src, dst, norm


def reference(x, edge_index, coeffs):
    num_nodes = x.shape[0]
    src, dst, norm = _gcn_norm(edge_index, num_nodes)
    hidden = x * coeffs[0]
    h = x
    for k in range(K):
        msg = norm[:, None] * h[src]            # gather
        h = jnp.zeros_like(x).at[dst].add(msg)  # scatter-add (aggr='add')
        hidden = hidden + coeffs[k + 1] * h
    return hidden

if __name__ == "__main__":
    import jax
    _d = setup_inputs()
    print(jax.jit(kernel)(*tuple(_d.values())))

</pallas_src>

<mosaic_0001>
#map = affine_map<(d0, d1) -> (0, 0)>
#map1 = affine_map<(d0, d1) -> (0, 0, 0)>
#map2 = affine_map<(d0, d1) -> (0)>
module attributes {stable_mosaic.version = 14 : i64} {
  func.func @_sc_body(%arg0: i32, %arg1: i32, %arg2: memref<10240x128xf32, #tpu.memory_space<hbm>>, %arg3: memref<16x162x128xi32, #tpu.memory_space<hbm>>, %arg4: memref<32xf32, #tpu.memory_space<hbm>>, %arg5: memref<10240x128xf32, #tpu.memory_space<hbm>>, %arg6: memref<10240x64xf32, #tpu.memory_space<vmem_shared>>, %arg7: memref<10240x64xf32, #tpu.memory_space<vmem_shared>>, %arg8: memref<10240xf32, #tpu.memory_space<vmem_shared>>, %arg9: memref<162x128xi32, #tpu.memory_space<vmem>>, %arg10: memref<128x64xf32, #tpu.memory_space<vmem>>, %arg11: memref<128x64xf32, #tpu.memory_space<vmem>>, %arg12: memref<128x64xf32, #tpu.memory_space<vmem>>, %arg13: memref<656xf32, #tpu.memory_space<vmem>>, %arg14: memref<128xf32, #tpu.memory_space<vmem>>, %arg15: memref<32xf32, #tpu.memory_space<vmem>>, %arg16: memref<128xi32, #tpu.memory_space<vmem>>, %arg17: memref<128xi32, #tpu.memory_space<vmem>>, %arg18: memref<128xi32, #tpu.memory_space<vmem>>, %arg19: memref<!tpu.dma_semaphore, #tpu.memory_space<semaphore_mem>>, %arg20: memref<!tpu.dma_semaphore, #tpu.memory_space<semaphore_mem>>) attributes {dimension_semantics = [#tpu.dimension_semantics<core_parallel>, #tpu.dimension_semantics<subcore_parallel>], iteration_bounds = array<i64: 2, 16>, scalar_prefetch = 0 : i64, scratch_operands = 15 : i64, tpu.core_type = #tpu.core_type<sc_vector_subcore>, window_params = [{transform_indices = #map}, {transform_indices = #map1}, {transform_indices = #map2}, {transform_indices = #map}]} {
    %mul3A = arith.constant 640 : i32
    %mul3A_0 = arith.muli %arg1, %mul3A : i32
    %mul3A_1 = arith.constant 64 : i32
    %mul3A_2 = arith.muli %arg0, %mul3A_1 : i32
    %broadcast_in_dim3A = arith.constant 0.000000e+00 : f32
    %broadcast_in_dim3A_3 = vector.broadcast %broadcast_in_dim3A : f32 to vector<16xf32>
    %broadcast_in_dim3A_4 = arith.constant 1.000000e+00 : f32
    %broadcast_in_dim3A_5 = vector.broadcast %broadcast_in_dim3A_4 : f32 to vector<16xf32>
    %scan3A = arith.constant 0 : i32
    %scan3A_6 = arith.constant 0 : i32
    %scan3A_7 = arith.constant 128 : i32
    %scan3A_8 = arith.addi %scan3A_6, %scan3A_7 : i32
    %scan3A_9 = arith.constant 1 : i32
    scf.for %scan3A_124 = %scan3A_6 to %scan3A_8 step %scan3A_9  : i32 {
      %swap3A_125 = arith.index_cast %scan3A_124 : i32 to index
      %swap3A_126 = arith.constant 0 : index
      %swap3A_127 = tpu.vector_load %arg12[%swap3A_125, %swap3A_126] {strides = array<i32>} : memref<128x64xf32, #tpu.memory_space<vmem>>, vector<16xf32>,
      tpu.vector_store %arg12[%swap3A_125, %swap3A_126], %broadcast_in_dim3A_3 {strides = array<i32>} : memref<128x64xf32, #tpu.memory_space<vmem>>, vector<16xf32>,
      %swap3A_128 = arith.index_cast %scan3A_124 : i32 to index
      %swap3A_129 = arith.constant 16 : index
      %swap3A_130 = tpu.vector_load %arg12[%swap3A_128, %swap3A_129] {strides = array<i32>} : memref<128x64xf32, #tpu.memory_space<vmem>>, vector<16xf32>,
      tpu.vector_store %arg12[%swap3A_128, %swap3A_129], %broadcast_in_dim3A_3 {strides = array<i32>} : memref<128x64xf32, #tpu.memory_space<vmem>>, vector<16xf32>,
      %swap3A_131 = arith.index_cast %scan3A_124 : i32 to index
      %swap3A_132 = arith.constant 32 : index
      %swap3A_133 = tpu.vector_load %arg12[%swap3A_131, %swap3A_132] {strides = array<i32>} : memref<128x64xf32, #tpu.memory_space<vmem>>, vector<16xf32>,
      tpu.vector_store %arg12[%swap3A_131, %swap3A_132], %broadcast_in_dim3A_3 {strides = array<i32>} : memref<128x64xf32, #tpu.memory_space<vmem>>, vector<16xf32>,
      %swap3A_134 = arith.index_cast %scan3A_124 : i32 to index
      %swap3A_135 = arith.constant 48 : index
      %swap3A_136 = tpu.vector_load %arg12[%swap3A_134, %swap3A_135] {strides = array<i32>} : memref<128x64xf32, #tpu.memory_space<vmem>>, vector<16xf32>,
      tpu.vector_store %arg12[%swap3A_134, %swap3A_135], %broadcast_in_dim3A_3 {strides = array<i32>} : memref<128x64xf32, #tpu.memory_space<vmem>>, vector<16xf32>,
    }
    %scan3A_10 = arith.constant 128 : i32
    %swap3A = arith.constant 0 : index
    %swap3A_11 = tpu.vector_load %arg14[%swap3A] {strides = array<i32>} : memref<128xf32, #tpu.memory_space<vmem>>, vector<16xf32>,
    tpu.vector_store %arg14[%swap3A], %broadcast_in_dim3A_5 {strides = array<i32>} : memref<128xf32, #tpu.memory_space<vmem>>, vector<16xf32>,
    %swap3A_12 = arith.constant 16 : index
    %swap3A_13 = tpu.vector_load %arg14[%swap3A_12] {strides = array<i32>} : memref<128xf32, #tpu.memory_space<vmem>>, vector<16xf32>,
    tpu.vector_store %arg14[%swap3A_12], %broadcast_in_dim3A_5 {strides = array<i32>} : memref<128xf32, #tpu.memory_space<vmem>>, vector<16xf32>,
    %swap3A_14 = arith.constant 32 : index
    %swap3A_15 = tpu.vector_load %arg14[%swap3A_14] {strides = array<i32>} : memref<128xf32, #tpu.memory_space<vmem>>, vector<16xf32>,
    tpu.vector_store %arg14[%swap3A_14], %broadcast_in_dim3A_5 {strides = array<i32>} : memref<128xf32, #tpu.memory_space<vmem>>, vector<16xf32>,
    %swap3A_16 = arith.constant 48 : index
    %swap3A_17 = tpu.vector_load %arg14[%swap3A_16] {strides = array<i32>} : memref<128xf32, #tpu.memory_space<vmem>>, vector<16xf32>,
    tpu.vector_store %arg14[%swap3A_16], %broadcast_in_dim3A_5 {strides = array<i32>} : memref<128xf32, #tpu.memory_space<vmem>>, vector<16xf32>,
    %swap3A_18 = arith.constant 64 : index
    %swap3A_19 = tpu.vector_load %arg14[%swap3A_18] {strides = array<i32>} : memref<128xf32, #tpu.memory_space<vmem>>, vector<16xf32>,
    tpu.vector_store %arg14[%swap3A_18], %broadcast_in_dim3A_5 {strides = array<i32>} : memref<128xf32, #tpu.memory_space<vmem>>, vector<16xf32>,
    %swap3A_20 = arith.constant 80 : index
    %swap3A_21 = tpu.vector_load %arg14[%swap3A_20] {strides = array<i32>} : memref<128xf32, #tpu.memory_space<vmem>>, vector<16xf32>,
    tpu.vector_store %arg14[%swap3A_20], %broadcast_in_dim3A_5 {strides = array<i32>} : memref<128xf32, #tpu.memory_space<vmem>>, vector<16xf32>,
    %swap3A_22 = arith.constant 96 : index
    %swap3A_23 = tpu.vector_load %arg14[%swap3A_22] {strides = array<i32>} : memref<128xf32, #tpu.memory_space<vmem>>, vector<16xf32>,
    tpu.vector_store %arg14[%swap3A_22], %broadcast_in_dim3A_5 {strides = array<i32>} : memref<128xf32, #tpu.memory_space<vmem>>, vector<16xf32>,
    %swap3A_24 = arith.constant 112 : index
    %swap3A_25 = tpu.vector_load %arg14[%swap3A_24] {strides = array<i32>} : memref<128xf32, #tpu.memory_space<vmem>>, vector<16xf32>,
    tpu.vector_store %arg14[%swap3A_24], %broadcast_in_dim3A_5 {strides = array<i32>} : memref<128xf32, #tpu.memory_space<vmem>>, vector<16xf32>,
    %scan3A_26 = arith.constant 0 : i32
    %scan3A_27 = arith.constant 0 : i32
    %scan3A_28 = arith.constant 41 : i32
    %scan3A_29 = arith.addi %scan3A_27, %scan3A_28 : i32
    %scan3A_30 = arith.constant 1 : i32
    scf.for %scan3A_124 = %scan3A_27 to %scan3A_29 step %scan3A_30  : i32 {
      %mul3A_125 = arith.constant 16 : i32
      %mul3A_126 = arith.muli %scan3A_124, %mul3A_125 : i32
      %swap3A_127 = arith.index_cast %mul3A_126 : i32 to index
      %swap3A_128 = tpu.vector_load %arg13[%swap3A_127] {strides = array<i32>} : memref<656xf32, #tpu.memory_space<vmem>>, vector<16xf32>,
      tpu.vector_store %arg13[%swap3A_127], %broadcast_in_dim3A_3 {strides = array<i32>} : memref<656xf32, #tpu.memory_space<vmem>>, vector<16xf32>,
    }
    %scan3A_31 = arith.constant 41 : i32
    "tpu.region"() ({
      %run_scoped3A = tpu.sem_alloc : memref<!tpu.dma_semaphore, #tpu.memory_space<semaphore_mem>>
      %dma_start3A = arith.constant 0 : i32
      %dma_start3A_124 = arith.constant 0 : i32
      %dma_start3A_125 = tpu.memref_slice %arg3[%arg1, %dma_start3A, %dma_start3A_124] : memref<16x162x128xi32, #tpu.memory_space<hbm>> -> memref<1x162x128xi32, #tpu.memory_space<hbm>>
      %dma_start3A_126 = tpu.memref_squeeze %dma_start3A_125 : memref<1x162x128xi32, #tpu.memory_space<hbm>> -> memref<162x128xi32, #tpu.memory_space<hbm>>
      %dma_start3A_127 = arith.constant 0 : i32
      %dma_start3A_128 = arith.constant 0 : i32
      %dma_start3A_129 = tpu.memref_slice %arg3[%arg1, %dma_start3A_127, %dma_start3A_128] : memref<16x162x128xi32, #tpu.memory_space<hbm>> -> memref<1x162x128xi32, #tpu.memory_space<hbm>>
      %dma_start3A_130 = tpu.memref_squeeze %dma_start3A_129 : memref<1x162x128xi32, #tpu.memory_space<hbm>> -> memref<162x128xi32, #tpu.memory_space<hbm>>
      tpu.enqueue_dma source(%dma_start3A_130 : memref<162x128xi32, #tpu.memory_space<hbm>>) target(%arg9 : memref<162x128xi32, #tpu.memory_space<vmem>>) target_semaphore(%run_scoped3A : memref<!tpu.dma_semaphore, #tpu.memory_space<semaphore_mem>>)
      %dma_wait3A = arith.constant 0 : i32
      %dma_wait3A_131 = arith.constant 0 : i32
      %dma_wait3A_132 = tpu.memref_slice %arg3[%arg1, %dma_wait3A, %dma_wait3A_131] : memref<16x162x128xi32, #tpu.memory_space<hbm>> -> memref<1x162x128xi32, #tpu.memory_space<hbm>>
      %dma_wait3A_133 = tpu.memref_squeeze %dma_wait3A_132 : memref<1x162x128xi32, #tpu.memory_space<hbm>> -> memref<162x128xi32, #tpu.memory_space<hbm>>
      %dma_wait3A_134 = arith.constant 0 : i32
      %dma_wait3A_135 = arith.constant 0 : i32
      %dma_wait3A_136 = tpu.memref_slice %arg3[%arg1, %dma_wait3A_134, %dma_wait3A_135] : memref<16x162x128xi32, #tpu.memory_space<hbm>> -> memref<1x162x128xi32, #tpu.memory_space<hbm>>
      %dma_wait3A_137 = tpu.memref_squeeze %dma_wait3A_136 : memref<1x162x128xi32, #tpu.memory_space<hbm>> -> memref<162x128xi32, #tpu.memory_space<hbm>>
      tpu.wait_dma2 semaphore(%run_scoped3A : memref<!tpu.dma_semaphore, #tpu.memory_space<semaphore_mem>>) src(%dma_wait3A_137 : memref<162x128xi32, #tpu.memory_space<hbm>>) dst(%arg9 : memref<162x128xi32, #tpu.memory_space<vmem>>)
      tpu.yield
    }) : () -> ()
    "tpu.region"() ({
      %run_scoped3A = tpu.sem_alloc : memref<!tpu.dma_semaphore, #tpu.memory_space<semaphore_mem>>
      tpu.enqueue_dma source(%arg4 : memref<32xf32, #tpu.memory_space<hbm>>) target(%arg15 : memref<32xf32, #tpu.memory_space<vmem>>) target_semaphore(%run_scoped3A : memref<!tpu.dma_semaphore, #tpu.memory_space<semaphore_mem>>)
      tpu.wait_dma2 semaphore(%run_scoped3A : memref<!tpu.dma_semaphore, #tpu.memory_space<semaphore_mem>>) src(%arg4 : memref<32xf32, #tpu.memory_space<hbm>>) dst(%arg15 : memref<32xf32, #tpu.memory_space<vmem>>)
      tpu.yield
    }) : () -> ()
    %broadcast_in_dim3A_32 = arith.constant 16383 : i32
    %broadcast_in_dim3A_33 = vector.broadcast %broadcast_in_dim3A_32 : i32 to vector<16xi32>
    "tpu.region"() ({
      %run_scoped3A = tpu.sem_alloc : memref<!tpu.dma_semaphore, #tpu.memory_space<semaphore_mem>>
      %dma_start3A = arith.constant 0 : i32
      %dma_start3A_124 = tpu.memref_slice %arg13[%dma_start3A] : memref<656xf32, #tpu.memory_space<vmem>> -> memref<640xf32, #tpu.memory_space<vmem>>
      %dma_start3A_125 = tpu.memref_slice %arg8[%mul3A_0] : memref<10240xf32, #tpu.memory_space<vmem_shared>> -> memref<640xf32, #tpu.memory_space<vmem_shared>>
      %dma_start3A_126 = tpu.memref_slice %arg8[%mul3A_0] : memref<10240xf32, #tpu.memory_space<vmem_shared>> -> memref<640xf32, #tpu.memory_space<vmem_shared>>
      %dma_start3A_127 = arith.constant 0 : i32
      %dma_start3A_128 = tpu.memref_slice %arg13[%dma_start3A_127] : memref<656xf32, #tpu.memory_space<vmem>> -> memref<640xf32, #tpu.memory_space<vmem>>
      tpu.enqueue_dma source(%dma_start3A_128 : memref<640xf32, #tpu.memory_space<vmem>>) target(%dma_start3A_126 : memref<640xf32, #tpu.memory_space<vmem_shared>>) target_semaphore(%run_scoped3A : memref<!tpu.dma_semaphore, #tpu.memory_space<semaphore_mem>>)
      %dma_wait3A = arith.constant 0 : i32
      %dma_wait3A_129 = tpu.memref_slice %arg13[%dma_wait3A] : memref<656xf32, #tpu.memory_space<vmem>> -> memref<640xf32, #tpu.memory_space<vmem>>
      %dma_wait3A_130 = tpu.memref_slice %arg8[%mul3A_0] : memref<10240xf32, #tpu.memory_space<vmem_shared>> -> memref<640xf32, #tpu.memory_space<vmem_shared>>
      %dma_wait3A_131 = tpu.memref_slice %arg8[%mul3A_0] : memref<10240xf32, #tpu.memory_space<vmem_shared>> -> memref<640xf32, #tpu.memory_space<vmem_shared>>
      %dma_wait3A_132 = arith.constant 0 : i32
      %dma_wait3A_133 = tpu.memref_slice %arg13[%dma_wait3A_132] : memref<656xf32, #tpu.memory_space<vmem>> -> memref<640xf32, #tpu.memory_space<vmem>>
      tpu.wait_dma2 semaphore(%run_scoped3A : memref<!tpu.dma_semaphore, #tpu.memory_space<semaphore_mem>>) src(%dma_wait3A_133 : memref<640xf32, #tpu.memory_space<vmem>>) dst(%dma_wait3A_131 : memref<640xf32, #tpu.memory_space<vmem_shared>>)
      tpu.yield
    }) : () -> ()
    %barrier3A = arith.constant 0 : index
    tpu.barrier barrier_id(%barrier3A)
    %scan3A_34 = arith.constant 0 : i32
    %scan3A_35 = arith.constant 0 : i32
    %scan3A_36 = arith.constant 162 : i32
    %scan3A_37 = arith.addi %scan3A_35, %scan3A_36 : i32
    %scan3A_38 = arith.constant 1 : i32
    scf.for %scan3A_124 = %scan3A_35 to %scan3A_37 step %scan3A_38  : i32 {
      %get3A_125 = arith.index_cast %scan3A_124 : i32 to index
      %get3A_126 = arith.constant 0 : index
      %get3A_127 = tpu.vector_load %arg9[%get3A_125, %get3A_126] {strides = array<i32>} : memref<162x128xi32, #tpu.memory_space<vmem>>, vector<16xi32>,
      %shift_right_logical3A = arith.constant 14 : i32
      %shift_right_logical3A_128 = vector.broadcast %shift_right_logical3A : i32 to vector<16xi32>
      %shift_right_logical3A_129 = arith.shrui %get3A_127, %shift_right_logical3A_128 : vector<16xi32>
      %swap3A_130 = arith.constant 0 : index
      %swap3A_131 = tpu.vector_load %arg18[%swap3A_130] {strides = array<i32>} : memref<128xi32, #tpu.memory_space<vmem>>, vector<16xi32>,
      tpu.vector_store %arg18[%swap3A_130], %shift_right_logical3A_129 {strides = array<i32>} : memref<128xi32, #tpu.memory_space<vmem>>, vector<16xi32>,
      %get3A_132 = arith.index_cast %scan3A_124 : i32 to index
      %get3A_133 = arith.constant 16 : index
      %get3A_134 = tpu.vector_load %arg9[%get3A_132, %get3A_133] {strides = array<i32>} : memref<162x128xi32, #tpu.memory_space<vmem>>, vector<16xi32>,
      %shift_right_logical3A_135 = arith.constant 14 : i32
      %shift_right_logical3A_136 = vector.broadcast %shift_right_logical3A_135 : i32 to vector<16xi32>
      %shift_right_logical3A_137 = arith.shrui %get3A_134, %shift_right_logical3A_136 : vector<16xi32>
      %swap3A_138 = arith.constant 16 : index
      %swap3A_139 = tpu.vector_load %arg18[%swap3A_138] {strides = array<i32>} : memref<128xi32, #tpu.memory_space<vmem>>, vector<16xi32>,
      tpu.vector_store %arg18[%swap3A_138], %shift_right_logical3A_137 {strides = array<i32>} : memref<128xi32, #tpu.memory_space<vmem>>, vector<16xi32>,
      %get3A_140 = arith.index_cast %scan3A_124 : i32 to index
      %get3A_141 = arith.constant 32 : index
      %get3A_142 = tpu.vector_load %arg9[%get3A_140, %get3A_141] {strides = array<i32>} : memref<162x128xi32, #tpu.memory_space<vmem>>, vector<16xi32>,
      %shift_right_logical3A_143 = arith.constant 14 : i32
      %shift_right_logical3A_144 = vector.broadcast %shift_right_logical3A_143 : i32 to vector<16xi32>
      %shift_right_logical3A_145 = arith.shrui %get3A_142, %shift_right_logical3A_144 : vector<16xi32>
      %swap3A_146 = arith.constant 32 : index
      %swap3A_147 = tpu.vector_load %arg18[%swap3A_146] {strides = array<i32>} : memref<128xi32, #tpu.memory_space<vmem>>, vector<16xi32>,
      tpu.vector_store %arg18[%swap3A_146], %shift_right_logical3A_145 {strides = array<i32>} : memref<128xi32, #tpu.memory_space<vmem>>, vector<16xi32>,
      %get3A_148 = arith.index_cast %scan3A_124 : i32 to index
      %get3A_149 = arith.constant 48 : index
      %get3A_150 = tpu.vector_load %arg9[%get3A_148, %get3A_149] {strides = array<i32>} : memref<162x128xi32, #tpu.memory_space<vmem>>, vector<16xi32>,
      %shift_right_logical3A_151 = arith.constant 14 : i32
      %shift_right_logical3A_152 = vector.broadcast %shift_right_logical3A_151 : i32 to vector<16xi32>
      %shift_right_logical3A_153 = arith.shrui %get3A_150, %shift_right_logical3A_152 : vector<16xi32>
      %swap3A_154 = arith.constant 48 : index
      %swap3A_155 = tpu.vector_load %arg18[%swap3A_154] {strides = array<i32>} : memref<128xi32, #tpu.memory_space<vmem>>, vector<16xi32>,
      tpu.vector_store %arg18[%swap3A_154], %shift_right_logical3A_153 {strides = array<i32>} : memref<128xi32, #tpu.memory_space<vmem>>, vector<16xi32>,
      %get3A_156 = arith.index_cast %scan3A_124 : i32 to index
      %get3A_157 = arith.constant 64 : index
      %get3A_158 = tpu.vector_load %arg9[%get3A_156, %get3A_157] {strides = array<i32>} : memref<162x128xi32, #tpu.memory_space<vmem>>, vector<16xi32>,
      %shift_right_logical3A_159 = arith.constant 14 : i32
      %shift_right_logical3A_160 = vector.broadcast %shift_right_logical3A_159 : i32 to vector<16xi32>
      %shift_right_logical3A_161 = arith.shrui %get3A_158, %shift_right_logical3A_160 : vector<16xi32>
      %swap3A_162 = arith.constant 64 : index
      %swap3A_163 = tpu.vector_load %arg18[%swap3A_162] {strides = array<i32>} : memref<128xi32, #tpu.memory_space<vmem>>, vector<16xi32>,
      tpu.vector_store %arg18[%swap3A_162], %shift_right_logical3A_161 {strides = array<i32>} : memref<128xi32, #tpu.memory_space<vmem>>, vector<16xi32>,
      %get3A_164 = arith.index_cast %scan3A_124 : i32 to index
      %get3A_165 = arith.constant 80 : index
      %get3A_166 = tpu.vector_load %arg9[%get3A_164, %get3A_165] {strides = array<i32>} : memref<162x128xi32, #tpu.memory_space<vmem>>, vector<16xi32>,
      %shift_right_logical3A_167 = arith.constant 14 : i32
      %shift_right_logical3A_168 = vector.broadcast %shift_right_logical3A_167 : i32 to vector<16xi32>
      %shift_right_logical3A_169 = arith.shrui %get3A_166, %shift_right_logical3A_168 : vector<16xi32>
      %swap3A_170 = arith.constant 80 : index
      %swap3A_171 = tpu.vector_load %arg18[%swap3A_170] {strides = array<i32>} : memref<128xi32, #tpu.memory_space<vmem>>, vector<16xi32>,
      tpu.vector_store %arg18[%swap3A_170], %shift_right_logical3A_169 {strides = array<i32>} : memref<128xi32, #tpu.memory_space<vmem>>, vector<16xi32>,
      %get3A_172 = arith.index_cast %scan3A_124 : i32 to index
      %get3A_173 = arith.constant 96 : index
      %get3A_174 = tpu.vector_load %arg9[%get3A_172, %get3A_173] {strides = array<i32>} : memref<162x128xi32, #tpu.memory_space<vmem>>, vector<16xi32>,
      %shift_right_logical3A_175 = arith.constant 14 : i32
      %shift_right_logical3A_176 = vector.broadcast %shift_right_logical3A_175 : i32 to vector<16xi32>
      %shift_right_logical3A_177 = arith.shrui %get3A_174, %shift_right_logical3A_176 : vector<16xi32>
      %swap3A_178 = arith.constant 96 : index
      %swap3A_179 = tpu.vector_load %arg18[%swap3A_178] {strides = array<i32>} : memref<128xi32, #tpu.memory_space<vmem>>, vector<16xi32>,
      tpu.vector_store %arg18[%swap3A_178], %shift_right_logical3A_177 {strides = array<i32>} : memref<128xi32, #tpu.memory_space<vmem>>, vector<16xi32>,
      %get3A_180 = arith.index_cast %scan3A_124 : i32 to index
      %get3A_181 = arith.constant 112 : index
      %get3A_182 = tpu.vector_load %arg9[%get3A_180, %get3A_181] {strides = array<i32>} : memref<162x128xi32, #tpu.memory_space<vmem>>, vector<16xi32>,
      %shift_right_logical3A_183 = arith.constant 14 : i32
      %shift_right_logical3A_184 = vector.broadcast %shift_right_logical3A_183 : i32 to vector<16xi32>
      %shift_right_logical3A_185 = arith.shrui %get3A_182, %shift_right_logical3A_184 : vector<16xi32>
      %swap3A_186 = arith.constant 112 : index
      %swap3A_187 = tpu.vector_load %arg18[%swap3A_186] {strides = array<i32>} : memref<128xi32, #tpu.memory_space<vmem>>, vector<16xi32>,
      tpu.vector_store %arg18[%swap3A_186], %shift_right_logical3A_185 {strides = array<i32>} : memref<128xi32, #tpu.memory_space<vmem>>, vector<16xi32>,
      "tpu.region"() ({
        %run_scoped3A = tpu.sem_alloc : memref<!tpu.dma_semaphore, #tpu.memory_space<semaphore_mem>>
        %dma_start3A = arith.constant 0 : i32
        %dma_start3A_188 = tpu.memref_slice %arg8[%dma_start3A] : memref<10240xf32, #tpu.memory_space<vmem_shared>> -> memref<10240xf32, #tpu.memory_space<vmem_shared>>
        tpu.enqueue_indirect_dma source(%arg14 : memref<128xf32, #tpu.memory_space<vmem>>) target(%dma_start3A_188 : memref<10240xf32, #tpu.memory_space<vmem_shared>>) offsets(%arg18 : memref<128xi32, #tpu.memory_space<vmem>>) semaphore(%run_scoped3A : memref<!tpu.dma_semaphore, #tpu.memory_space<semaphore_mem>>) {add = true}
        %dma_wait3A = arith.constant 0 : i32
        %dma_wait3A_189 = tpu.memref_slice %arg8[%dma_wait3A] : memref<10240xf32, #tpu.memory_space<vmem_shared>> -> memref<10240xf32, #tpu.memory_space<vmem_shared>>
        tpu.wait_indirect_dma semaphore(%run_scoped3A : memref<!tpu.dma_semaphore, #tpu.memory_space<semaphore_mem>>) src(%arg14 : memref<128xf32, #tpu.memory_space<vmem>>) dst(%dma_wait3A_189 : memref<10240xf32, #tpu.memory_space<vmem_shared>>)
        tpu.yield
      }) : () -> ()
    }
    %scan3A_39 = arith.constant 162 : i32
    %barrier3A_40 = arith.constant 0 : index
    tpu.barrier barrier_id(%barrier3A_40)
    "tpu.region"() ({
      %run_scoped3A = tpu.sem_alloc : memref<!tpu.dma_semaphore, #tpu.memory_space<semaphore_mem>>
      %dma_start3A = arith.constant 0 : i32
      %dma_start3A_124 = tpu.memref_slice %arg13[%dma_start3A] : memref<656xf32, #tpu.memory_space<vmem>> -> memref<640xf32, #tpu.memory_space<vmem>>
      %dma_start3A_125 = tpu.memref_slice %arg8[%mul3A_0] : memref<10240xf32, #tpu.memory_space<vmem_shared>> -> memref<640xf32, #tpu.memory_space<vmem_shared>>
      %dma_start3A_126 = arith.constant 0 : i32
      %dma_start3A_127 = tpu.memref_slice %arg13[%dma_start3A_126] : memref<656xf32, #tpu.memory_space<vmem>> -> memref<640xf32, #tpu.memory_space<vmem>>
      %dma_start3A_128 = tpu.memref_slice %arg8[%mul3A_0] : memref<10240xf32, #tpu.memory_space<vmem_shared>> -> memref<640xf32, #tpu.memory_space<vmem_shared>>
      tpu.enqueue_dma source(%dma_start3A_128 : memref<640xf32, #tpu.memory_space<vmem_shared>>) target(%dma_start3A_127 : memref<640xf32, #tpu.memory_space<vmem>>) target_semaphore(%run_scoped3A : memref<!tpu.dma_semaphore, #tpu.memory_space<semaphore_mem>>)
      %dma_wait3A = arith.constant 0 : i32
      %dma_wait3A_129 = tpu.memref_slice %arg13[%dma_wait3A] : memref<656xf32, #tpu.memory_space<vmem>> -> memref<640xf32, #tpu.memory_space<vmem>>
      %dma_wait3A_130 = tpu.memref_slice %arg8[%mul3A_0] : memref<10240xf32, #tpu.memory_space<vmem_shared>> -> memref<640xf32, #tpu.memory_space<vmem_shared>>
      %dma_wait3A_131 = arith.constant 0 : i32
      %dma_wait3A_132 = tpu.memref_slice %arg13[%dma_wait3A_131] : memref<656xf32, #tpu.memory_space<vmem>> -> memref<640xf32, #tpu.memory_space<vmem>>
      %dma_wait3A_133 = tpu.memref_slice %arg8[%mul3A_0] : memref<10240xf32, #tpu.memory_space<vmem_shared>> -> memref<640xf32, #tpu.memory_space<vmem_shared>>
      tpu.wait_dma2 semaphore(%run_scoped3A : memref<!tpu.dma_semaphore, #tpu.memory_space<semaphore_mem>>) src(%dma_wait3A_133 : memref<640xf32, #tpu.memory_space<vmem_shared>>) dst(%dma_wait3A_132 : memref<640xf32, #tpu.memory_space<vmem>>)
      tpu.yield
    }) : () -> ()
    %scan3A_41 = arith.constant 0 : i32
    %scan3A_42 = arith.constant 0 : i32
    %scan3A_43 = arith.constant 40 : i32
    %scan3A_44 = arith.addi %scan3A_42, %scan3A_43 : i32
    %scan3A_45 = arith.constant 1 : i32
    scf.for %scan3A_124 = %scan3A_42 to %scan3A_44 step %scan3A_45  : i32 {
      %mul3A_125 = arith.constant 16 : i32
      %mul3A_126 = arith.muli %scan3A_124, %mul3A_125 : i32
      %get3A_127 = arith.index_cast %mul3A_126 : i32 to index
      %get3A_128 = tpu.vector_load %arg13[%get3A_127] {strides = array<i32>} : memref<656xf32, #tpu.memory_space<vmem>>, vector<16xf32>,
      %bitcast3A = vector.bitcast %get3A_128 : vector<16xf32> to vector<16xi32>
      %shift_right_logical3A = arith.constant 1 : i32
      %shift_right_logical3A_129 = vector.broadcast %shift_right_logical3A : i32 to vector<16xi32>
      %shift_right_logical3A_130 = arith.shrui %bitcast3A, %shift_right_logical3A_129 : vector<16xi32>
      %sub3A = arith.constant 1597463007 : i32
      %sub3A_131 = vector.broadcast %sub3A : i32 to vector<16xi32>
      %sub3A_132 = arith.subi %sub3A_131, %shift_right_logical3A_130 : vector<16xi32>
      %bitcast3A_133 = vector.bitcast %sub3A_132 : vector<16xi32> to vector<16xf32>
      %mul3A_134 = arith.constant 5.000000e-01 : f32
      %mul3A_135 = vector.broadcast %mul3A_134 : f32 to vector<16xf32>
      %mul3A_136 = arith.mulf %get3A_128, %mul3A_135 : vector<16xf32>
      %mul3A_137 = arith.mulf %mul3A_136, %bitcast3A_133 : vector<16xf32>
      %mul3A_138 = arith.mulf %mul3A_137, %bitcast3A_133 : vector<16xf32>
      %sub3A_139 = arith.constant 1.500000e+00 : f32
      %sub3A_140 = vector.broadcast %sub3A_139 : f32 to vector<16xf32>
      %sub3A_141 = arith.subf %sub3A_140, %mul3A_138 : vector<16xf32>
      %mul3A_142 = arith.mulf %bitcast3A_133, %sub3A_141 : vector<16xf32>
      %mul3A_143 = arith.mulf %mul3A_136, %mul3A_142 : vector<16xf32>
      %mul3A_144 = arith.mulf %mul3A_143, %mul3A_142 : vector<16xf32>
      %sub3A_145 = arith.constant 1.500000e+00 : f32
      %sub3A_146 = vector.broadcast %sub3A_145 : f32 to vector<16xf32>
      %sub3A_147 = arith.subf %sub3A_146, %mul3A_144 : vector<16xf32>
      %mul3A_148 = arith.mulf %mul3A_142, %sub3A_147 : vector<16xf32>
      %mul3A_149 = arith.mulf %mul3A_136, %mul3A_148 : vector<16xf32>
      %mul3A_150 = arith.mulf %mul3A_149, %mul3A_148 : vector<16xf32>
      %sub3A_151 = arith.constant 1.500000e+00 : f32
      %sub3A_152 = vector.broadcast %sub3A_151 : f32 to vector<16xf32>
      %sub3A_153 = arith.subf %sub3A_152, %mul3A_150 : vector<16xf32>
      %mul3A_154 = arith.mulf %mul3A_148, %sub3A_153 : vector<16xf32>
      %mul3A_155 = arith.constant 16 : i32
      %mul3A_156 = arith.muli %scan3A_124, %mul3A_155 : i32
      %swap3A_157 = arith.index_cast %mul3A_156 : i32 to index
      %swap3A_158 = tpu.vector_load %arg13[%swap3A_157] {strides = array<i32>} : memref<656xf32, #tpu.memory_space<vmem>>, vector<16xf32>,
      tpu.vector_store %arg13[%swap3A_157], %mul3A_154 {strides = array<i32>} : memref<656xf32, #tpu.memory_space<vmem>>, vector<16xf32>,
    }
    %scan3A_46 = arith.constant 40 : i32
    %get3A = arith.constant 0 : index
    %get3A_47 = tpu.vector_load %arg15[%get3A] {strides = array<i32>} : memref<32xf32, #tpu.memory_space<vmem>>, vector<16xf32>,
    %slice3A = vector.extract_strided_slice %get3A_47 {offsets = [0], sizes = [1], strides = [1]} : vector<16xf32> to vector<1xf32>
    %squeeze3A = vector.extract %slice3A[0] : f32 from vector<1xf32>
    %add3A = arith.constant 0 : i32
    %add3A_48 = arith.addi %mul3A_0, %add3A : i32
    "tpu.region"() ({
      %run_scoped3A = tpu.sem_alloc : memref<!tpu.dma_semaphore, #tpu.memory_space<semaphore_mem>>
      %dma_start3A = tpu.memref_slice %arg2[%add3A_48, %mul3A_2] : memref<10240x128xf32, #tpu.memory_space<hbm>> -> memref<128x64xf32, #tpu.memory_space<hbm>>
      %dma_start3A_124 = tpu.memref_slice %arg2[%add3A_48, %mul3A_2] : memref<10240x128xf32, #tpu.memory_space<hbm>> -> memref<128x64xf32, #tpu.memory_space<hbm>>
      tpu.enqueue_dma source(%dma_start3A_124 : memref<128x64xf32, #tpu.memory_space<hbm>>) target(%arg11 : memref<128x64xf32, #tpu.memory_space<vmem>>) target_semaphore(%run_scoped3A : memref<!tpu.dma_semaphore, #tpu.memory_space<semaphore_mem>>)
      %dma_wait3A = tpu.memref_slice %arg2[%add3A_48, %mul3A_2] : memref<10240x128xf32, #tpu.memory_space<hbm>> -> memref<128x64xf32, #tpu.memory_space<hbm>>
      %dma_wait3A_125 = tpu.memref_slice %arg2[%add3A_48, %mul3A_2] : memref<10240x128xf32, #tpu.memory_space<hbm>> -> memref<128x64xf32, #tpu.memory_space<hbm>>
      tpu.wait_dma2 semaphore(%run_scoped3A : memref<!tpu.dma_semaphore, #tpu.memory_space<semaphore_mem>>) src(%dma_wait3A_125 : memref<128x64xf32, #tpu.memory_space<hbm>>) dst(%arg11 : memref<128x64xf32, #tpu.memory_space<vmem>>)
      tpu.yield
    }) : () -> ()
    %scan3A_49 = arith.constant 0 : i32
    %scan3A_50 = arith.constant 0 : i32
    %scan3A_51 = arith.constant 128 : i32
    %scan3A_52 = arith.addi %scan3A_50, %scan3A_51 : i32
    %scan3A_53 = arith.constant 1 : i32
    scf.for %scan3A_124 = %scan3A_50 to %scan3A_52 step %scan3A_53  : i32 {
      %add3A_125 = arith.constant 0 : i32
      %add3A_126 = arith.addi %add3A_125, %scan3A_124 : i32
      %get3A_127 = arith.index_cast %add3A_126 : i32 to index
      %get3A_128 = tpu.vector_load %arg13[%get3A_127] {strides = array<i32>} : memref<656xf32, #tpu.memory_space<vmem>>, vector<16xf32>,
      %slice3A_129 = vector.extract_strided_slice %get3A_128 {offsets = [0], sizes = [1], strides = [1]} : vector<16xf32> to vector<1xf32>
      %squeeze3A_130 = vector.extract %slice3A_129[0] : f32 from vector<1xf32>
      %get3A_131 = arith.index_cast %scan3A_124 : i32 to index
      %get3A_132 = arith.constant 0 : index
      %get3A_133 = tpu.vector_load %arg11[%get3A_131, %get3A_132] {strides = array<i32>} : memref<128x64xf32, #tpu.memory_space<vmem>>, vector<16xf32>,
      %mul3A_134 = vector.broadcast %squeeze3A : f32 to vector<16xf32>
      %mul3A_135 = arith.mulf %mul3A_134, %get3A_133 : vector<16xf32>
      %swap3A_136 = arith.index_cast %scan3A_124 : i32 to index
      %swap3A_137 = arith.constant 0 : index
      %swap3A_138 = tpu.vector_load %arg10[%swap3A_136, %swap3A_137] {strides = array<i32>} : memref<128x64xf32, #tpu.memory_space<vmem>>, vector<16xf32>,
      tpu.vector_store %arg10[%swap3A_136, %swap3A_137], %mul3A_135 {strides = array<i32>} : memref<128x64xf32, #tpu.memory_space<vmem>>, vector<16xf32>,
      %mul3A_139 = vector.broadcast %squeeze3A_130 : f32 to vector<16xf32>
      %mul3A_140 = arith.mulf %mul3A_139, %get3A_133 : vector<16xf32>
      %swap3A_141 = arith.index_cast %scan3A_124 : i32 to index
      %swap3A_142 = arith.constant 0 : index
      %swap3A_143 = tpu.vector_load %arg11[%swap3A_141, %swap3A_142] {strides = array<i32>} : memref<128x64xf32, #tpu.memory_space<vmem>>, vector<16xf32>,
      tpu.vector_store %arg11[%swap3A_141, %swap3A_142], %mul3A_140 {strides = array<i32>} : memref<128x64xf32, #tpu.memory_space<vmem>>, vector<16xf32>,
      %get3A_144 = arith.index_cast %scan3A_124 : i32 to index
      %get3A_145 = arith.constant 16 : index
      %get3A_146 = tpu.vector_load %arg11[%get3A_144, %get3A_145] {strides = array<i32>} : memref<128x64xf32, #tpu.memory_space<vmem>>, vector<16xf32>,
      %mul3A_147 = vector.broadcast %squeeze3A : f32 to vector<16xf32>
      %mul3A_148 = arith.mulf %mul3A_147, %get3A_146 : vector<16xf32>
      %swap3A_149 = arith.index_cast %scan3A_124 : i32 to index
      %swap3A_150 = arith.constant 16 : index
      %swap3A_151 = tpu.vector_load %arg10[%swap3A_149, %swap3A_150] {strides = array<i32>} : memref<128x64xf32, #tpu.memory_space<vmem>>, vector<16xf32>,
      tpu.vector_store %arg10[%swap3A_149, %swap3A_150], %mul3A_148 {strides = array<i32>} : memref<128x64xf32, #tpu.memory_space<vmem>>, vector<16xf32>,
      %mul3A_152 = vector.broadcast %squeeze3A_130 : f32 to vector<16xf32>
      %mul3A_153 = arith.mulf %mul3A_152, %get3A_146 : vector<16xf32>
      %swap3A_154 = arith.index_cast %scan3A_124 : i32 to index
      %swap3A_155 = arith.constant 16 : index
      %swap3A_156 = tpu.vector_load %arg11[%swap3A_154, %swap3A_155] {strides = array<i32>} : memref<128x64xf32, #tpu.memory_space<vmem>>, vector<16xf32>,
      tpu.vector_store %arg11[%swap3A_154, %swap3A_155], %mul3A_153 {strides = array<i32>} : memref<128x64xf32, #tpu.memory_space<vmem>>, vector<16xf32>,
      %get3A_157 = arith.index_cast %scan3A_124 : i32 to index
      %get3A_158 = arith.constant 32 : index
      %get3A_159 = tpu.vector_load %arg11[%get3A_157, %get3A_158] {strides = array<i32>} : memref<128x64xf32, #tpu.memory_space<vmem>>, vector<16xf32>,
      %mul3A_160 = vector.broadcast %squeeze3A : f32 to vector<16xf32>
      %mul3A_161 = arith.mulf %mul3A_160, %get3A_159 : vector<16xf32>
      %swap3A_162 = arith.index_cast %scan3A_124 : i32 to index
      %swap3A_163 = arith.constant 32 : index
      %swap3A_164 = tpu.vector_load %arg10[%swap3A_162, %swap3A_163] {strides = array<i32>} : memref<128x64xf32, #tpu.memory_space<vmem>>, vector<16xf32>,
      tpu.vector_store %arg10[%swap3A_162, %swap3A_163], %mul3A_161 {strides = array<i32>} : memref<128x64xf32, #tpu.memory_space<vmem>>, vector<16xf32>,
      %mul3A_165 = vector.broadcast %squeeze3A_130 : f32 to vector<16xf32>
      %mul3A_166 = arith.mulf %mul3A_165, %get3A_159 : vector<16xf32>
      %swap3A_167 = arith.index_cast %scan3A_124 : i32 to index
      %swap3A_168 = arith.constant 32 : index
      %swap3A_169 = tpu.vector_load %arg11[%swap3A_167, %swap3A_168] {strides = array<i32>} : memref<128x64xf32, #tpu.memory_space<vmem>>, vector<16xf32>,
      tpu.vector_store %arg11[%swap3A_167, %swap3A_168], %mul3A_166 {strides = array<i32>} : memref<128x64xf32, #tpu.memory_space<vmem>>, vector<16xf32>,
      %get3A_170 = arith.index_cast %scan3A_124 : i32 to index
      %get3A_171 = arith.constant 48 : index
      %get3A_172 = tpu.vector_load %arg11[%get3A_170, %get3A_171] {strides = array<i32>} : memref<128x64xf32, #tpu.memory_space<vmem>>, vector<16xf32>,
      %mul3A_173 = vector.broadcast %squeeze3A : f32 to vector<16xf32>
      %mul3A_174 = arith.mulf %mul3A_173, %get3A_172 : vector<16xf32>
      %swap3A_175 = arith.index_cast %scan3A_124 : i32 to index
      %swap3A_176 = arith.constant 48 : index
      %swap3A_177 = tpu.vector_load %arg10[%swap3A_175, %swap3A_176] {strides = array<i32>} : memref<128x64xf32, #tpu.memory_space<vmem>>, vector<16xf32>,
      tpu.vector_store %arg10[%swap3A_175, %swap3A_176], %mul3A_174 {strides = array<i32>} : memref<128x64xf32, #tpu.memory_space<vmem>>, vector<16xf32>,
      %mul3A_178 = vector.broadcast %squeeze3A_130 : f32 to vector<16xf32>
      %mul3A_179 = arith.mulf %mul3A_178, %get3A_172 : vector<16xf32>
      %swap3A_180 = arith.index_cast %scan3A_124 : i32 to index
      %swap3A_181 = arith.constant 48 : index
      %swap3A_182 = tpu.vector_load %arg11[%swap3A_180, %swap3A_181] {strides = array<i32>} : memref<128x64xf32, #tpu.memory_space<vmem>>, vector<16xf32>,
      tpu.vector_store %arg11[%swap3A_180, %swap3A_181], %mul3A_179 {strides = array<i32>} : memref<128x64xf32, #tpu.memory_space<vmem>>, vector<16xf32>,
    }
    %scan3A_54 = arith.constant 128 : i32
    %add3A_55 = arith.constant 0 : i32
    %add3A_56 = arith.addi %mul3A_0, %add3A_55 : i32
    "tpu.region"() ({
      %run_scoped3A = tpu.sem_alloc : memref<!tpu.dma_semaphore, #tpu.memory_space<semaphore_mem>>
      %dma_start3A = arith.constant 0 : i32
      %dma_start3A_124 = tpu.memref_slice %arg6[%add3A_56, %dma_start3A] : memref<10240x64xf32, #tpu.memory_space<vmem_shared>> -> memref<128x64xf32, #tpu.memory_space<vmem_shared>>
      %dma_start3A_125 = arith.constant 0 : i32
      %dma_start3A_126 = tpu.memref_slice %arg6[%add3A_56, %dma_start3A_125] : memref<10240x64xf32, #tpu.memory_space<vmem_shared>> -> memref<128x64xf32, #tpu.memory_space<vmem_shared>>
      tpu.enqueue_dma source(%arg11 : memref<128x64xf32, #tpu.memory_space<vmem>>) target(%dma_start3A_126 : memref<128x64xf32, #tpu.memory_space<vmem_shared>>) target_semaphore(%run_scoped3A : memref<!tpu.dma_semaphore, #tpu.memory_space<semaphore_mem>>)
      %dma_wait3A = arith.constant 0 : i32
      %dma_wait3A_127 = tpu.memref_slice %arg6[%add3A_56, %dma_wait3A] : memref<10240x64xf32, #tpu.memory_space<vmem_shared>> -> memref<128x64xf32, #tpu.memory_space<vmem_shared>>
      %dma_wait3A_128 = arith.constant 0 : i32
      %dma_wait3A_129 = tpu.memref_slice %arg6[%add3A_56, %dma_wait3A_128] : memref<10240x64xf32, #tpu.memory_space<vmem_shared>> -> memref<128x64xf32, #tpu.memory_space<vmem_shared>>
      tpu.wait_dma2 semaphore(%run_scoped3A : memref<!tpu.dma_semaphore, #tpu.memory_space<semaphore_mem>>) src(%arg11 : memref<128x64xf32, #tpu.memory_space<vmem>>) dst(%dma_wait3A_129 : memref<128x64xf32, #tpu.memory_space<vmem_shared>>)
      tpu.yield
    }) : () -> ()
    %add3A_57 = arith.constant 0 : i32
    %add3A_58 = arith.addi %mul3A_0, %add3A_57 : i32
    "tpu.region"() ({
      %run_scoped3A = tpu.sem_alloc : memref<!tpu.dma_semaphore, #tpu.memory_space<semaphore_mem>>
      %dma_start3A = tpu.memref_slice %arg5[%add3A_58, %mul3A_2] : memref<10240x128xf32, #tpu.memory_space<hbm>> -> memref<128x64xf32, #tpu.memory_space<hbm>>
      %dma_start3A_124 = tpu.memref_slice %arg5[%add3A_58, %mul3A_2] : memref<10240x128xf32, #tpu.memory_space<hbm>> -> memref<128x64xf32, #tpu.memory_space<hbm>>
      tpu.enqueue_dma source(%arg10 : memref<128x64xf32, #tpu.memory_space<vmem>>) target(%dma_start3A_124 : memref<128x64xf32, #tpu.memory_space<hbm>>) target_semaphore(%run_scoped3A : memref<!tpu.dma_semaphore, #tpu.memory_space<semaphore_mem>>)
      %dma_wait3A = tpu.memref_slice %arg5[%add3A_58, %mul3A_2] : memref<10240x128xf32, #tpu.memory_space<hbm>> -> memref<128x64xf32, #tpu.memory_space<hbm>>
      %dma_wait3A_125 = tpu.memref_slice %arg5[%add3A_58, %mul3A_2] : memref<10240x128xf32, #tpu.memory_space<hbm>> -> memref<128x64xf32, #tpu.memory_space<hbm>>
      tpu.wait_dma2 semaphore(%run_scoped3A : memref<!tpu.dma_semaphore, #tpu.memory_space<semaphore_mem>>) src(%arg10 : memref<128x64xf32, #tpu.memory_space<vmem>>) dst(%dma_wait3A_125 : memref<128x64xf32, #tpu.memory_space<hbm>>)
      tpu.yield
    }) : () -> ()
    %add3A_59 = arith.constant 0 : i32
    %add3A_60 = arith.addi %mul3A_0, %add3A_59 : i32
    "tpu.region"() ({
      %run_scoped3A = tpu.sem_alloc : memref<!tpu.dma_semaphore, #tpu.memory_space<semaphore_mem>>
      %dma_start3A = arith.constant 0 : i32
      %dma_start3A_124 = tpu.memref_slice %arg7[%add3A_60, %dma_start3A] : memref<10240x64xf32, #tpu.memory_space<vmem_shared>> -> memref<128x64xf32, #tpu.memory_space<vmem_shared>>
      %dma_start3A_125 = arith.constant 0 : i32
      %dma_start3A_126 = tpu.memref_slice %arg7[%add3A_60, %dma_start3A_125] : memref<10240x64xf32, #tpu.memory_space<vmem_shared>> -> memref<128x64xf32, #tpu.memory_space<vmem_shared>>
      tpu.enqueue_dma source(%arg12 : memref<128x64xf32, #tpu.memory_space<vmem>>) target(%dma_start3A_126 : memref<128x64xf32, #tpu.memory_space<vmem_shared>>) target_semaphore(%run_scoped3A : memref<!tpu.dma_semaphore, #tpu.memory_space<semaphore_mem>>)
      %dma_wait3A = arith.constant 0 : i32
      %dma_wait3A_127 = tpu.memref_slice %arg7[%add3A_60, %dma_wait3A] : memref<10240x64xf32, #tpu.memory_space<vmem_shared>> -> memref<128x64xf32, #tpu.memory_space<vmem_shared>>
      %dma_wait3A_128 = arith.constant 0 : i32
      %dma_wait3A_129 = tpu.memref_slice %arg7[%add3A_60, %dma_wait3A_128] : memref<10240x64xf32, #tpu.memory_space<vmem_shared>> -> memref<128x64xf32, #tpu.memory_space<vmem_shared>>
      tpu.wait_dma2 semaphore(%run_scoped3A : memref<!tpu.dma_semaphore, #tpu.memory_space<semaphore_mem>>) src(%arg12 : memref<128x64xf32, #tpu.memory_space<vmem>>) dst(%dma_wait3A_129 : memref<128x64xf32, #tpu.memory_space<vmem_shared>>)
      tpu.yield
    }) : () -> ()
    %add3A_61 = arith.constant 128 : i32
    %add3A_62 = arith.addi %mul3A_0, %add3A_61 : i32
    "tpu.region"() ({
      %run_scoped3A = tpu.sem_alloc : memref<!tpu.dma_semaphore, #tpu.memory_space<semaphore_mem>>
      %dma_start3A = tpu.memref_slice %arg2[%add3A_62, %mul3A_2] : memref<10240x128xf32, #tpu.memory_space<hbm>> -> memref<128x64xf32, #tpu.memory_space<hbm>>
      %dma_start3A_124 = tpu.memref_slice %arg2[%add3A_62, %mul3A_2] : memref<10240x128xf32, #tpu.memory_space<hbm>> -> memref<128x64xf32, #tpu.memory_space<hbm>>
      tpu.enqueue_dma source(%dma_start3A_124 : memref<128x64xf32, #tpu.memory_space<hbm>>) target(%arg11 : memref<128x64xf32, #tpu.memory_space<vmem>>) target_semaphore(%run_scoped3A : memref<!tpu.dma_semaphore, #tpu.memory_space<semaphore_mem>>)
      %dma_wait3A = tpu.memref_slice %arg2[%add3A_62, %mul3A_2] : memref<10240x128xf32, #tpu.memory_space<hbm>> -> memref<128x64xf32, #tpu.memory_space<hbm>>
      %dma_wait3A_125 = tpu.memref_slice %arg2[%add3A_62, %mul3A_2] : memref<10240x128xf32, #tpu.memory_space<hbm>> -> memref<128x64xf32, #tpu.memory_space<hbm>>
      tpu.wait_dma2 semaphore(%run_scoped3A : memref<!tpu.dma_semaphore, #tpu.memory_space<semaphore_mem>>) src(%dma_wait3A_125 : memref<128x64xf32, #tpu.memory_space<hbm>>) dst(%arg11 : memref<128x64xf32, #tpu.memory_space<vmem>>)
      tpu.yield
    }) : () -> ()
    %scan3A_63 = arith.constant 0 : i32
    %scan3A_64 = arith.constant 0 : i32
    %scan3A_65 = arith.constant 128 : i32
    %scan3A_66 = arith.addi %scan3A_64, %scan3A_65 : i32
    %scan3A_67 = arith.constant 1 : i32
    scf.for %scan3A_124 = %scan3A_64 to %scan3A_66 step %scan3A_67  : i32 {
      %add3A_125 = arith.constant 128 : i32
      %add3A_126 = arith.addi %add3A_125, %scan3A_124 : i32
      %get3A_127 = arith.index_cast %add3A_126 : i32 to index
      %get3A_128 = tpu.vector_load %arg13[%get3A_127] {strides = array<i32>} : memref<656xf32, #tpu.memory_space<vmem>>, vector<16xf32>,
      %slice3A_129 = vector.extract_strided_slice %get3A_128 {offsets = [0], sizes = [1], strides = [1]} : vector<16xf32> to vector<1xf32>
      %squeeze3A_130 = vector.extract %slice3A_129[0] : f32 from vector<1xf32>
      %get3A_131 = arith.index_cast %scan3A_124 : i32 to index
      %get3A_132 = arith.constant 0 : index
      %get3A_133 = tpu.vector_load %arg11[%get3A_131, %get3A_132] {strides = array<i32>} : memref<128x64xf32, #tpu.memory_space<vmem>>, vector<16xf32>,
      %mul3A_134 = vector.broadcast %squeeze3A : f32 to vector<16xf32>
      %mul3A_135 = arith.mulf %mul3A_134, %get3A_133 : vector<16xf32>
      %swap3A_136 = arith.index_cast %scan3A_124 : i32 to index
      %swap3A_137 = arith.constant 0 : index
      %swap3A_138 = tpu.vector_load %arg10[%swap3A_136, %swap3A_137] {strides = array<i32>} : memref<128x64xf32, #tpu.memory_space<vmem>>, vector<16xf32>,
      tpu.vector_store %arg10[%swap3A_136, %swap3A_137], %mul3A_135 {strides = array<i32>} : memref<128x64xf32, #tpu.memory_space<vmem>>, vector<16xf32>,
      %mul3A_139 = vector.broadcast %squeeze3A_130 : f32 to vector<16xf32>
      %mul3A_140 = arith.mulf %mul3A_139, %get3A_133 : vector<16xf32>
      %swap3A_141 = arith.index_cast %scan3A_124 : i32 to index
      %swap3A_142 = arith.constant 0 : index
      %swap3A_143 = tpu.vector_load %arg11[%swap3A_141, %swap3A_142] {strides = array<i32>} : memref<128x64xf32, #tpu.memory_space<vmem>>, vector<16xf32>,
      tpu.vector_store %arg11[%swap3A_141, %swap3A_142], %mul3A_140 {strides = array<i32>} : memref<128x64xf32, #tpu.memory_space<vmem>>, vector<16xf32>,
      %get3A_144 = arith.index_cast %scan3A_124 : i32 to index
      %get3A_145 = arith.constant 16 : index
      %get3A_146 = tpu.vector_load %arg11[%get3A_144, %get3A_145] {strides = array<i32>} : memref<128x64xf32, #tpu.memory_space<vmem>>, vector<16xf32>,
      %mul3A_147 = vector.broadcast %squeeze3A : f32 to vector<16xf32>
      %mul3A_148 = arith.mulf %mul3A_147, %get3A_146 : vector<16xf32>
      %swap3A_149 = arith.index_cast %scan3A_124 : i32 to index
      %swap3A_150 = arith.constant 16 : index
      %swap3A_151 = tpu.vector_load %arg10[%swap3A_149, %swap3A_150] {strides = array<i32>} : memref<128x64xf32, #tpu.memory_space<vmem>>, vector<16xf32>,
      tpu.vector_store %arg10[%swap3A_149, %swap3A_150], %mul3A_148 {strides = array<i32>} : memref<128x64xf32, #tpu.memory_space<vmem>>, vector<16xf32>,
      %mul3A_152 = vector.broadcast %squeeze3A_130 : f32 to vector<16xf32>
      %mul3A_153 = arith.mulf %mul3A_152, %get3A_146 : vector<16xf32>
      %swap3A_154 = arith.index_cast %scan3A_124 : i32 to index
      %swap3A_155 = arith.constant 16 : index
      %swap3A_156 = tpu.vector_load %arg11[%swap3A_154, %swap3A_155] {strides = array<i32>} : memref<128x64xf32, #tpu.memory_space<vmem>>, vector<16xf32>,
      tpu.vector_store %arg11[%swap3A_154, %swap3A_155], %mul3A_153 {strides = array<i32>} : memref<128x64xf32, #tpu.memory_space<vmem>>, vector<16xf32>,
      %get3A_157 = arith.index_cast %scan3A_124 : i32 to index
      %get3A_158 = arith.constant 32 : index
      %get3A_159 = tpu.vector_load %arg11[%get3A_157, %get3A_158] {strides = array<i32>} : memref<128x64xf32, #tpu.memory_space<vmem>>, vector<16xf32>,
      %mul3A_160 = vector.broadcast %squeeze3A : f32 to vector<16xf32>
      %mul3A_161 = arith.mulf %mul3A_160, %get3A_159 : vector<16xf32>
      %swap3A_162 = arith.index_cast %scan3A_124 : i32 to index
      %swap3A_163 = arith.constant 32 : index
      %swap3A_164 = tpu.vector_load %arg10[%swap3A_162, %swap3A_163] {strides = array<i32>} : memref<128x64xf32, #tpu.memory_space<vmem>>, vector<16xf32>,
      tpu.vector_store %arg10[%swap3A_162, %swap3A_163], %mul3A_161 {strides = array<i32>} : memref<128x64xf32, #tpu.memory_space<vmem>>, vector<16xf32>,
      %mul3A_165 = vector.broadcast %squeeze3A_130 : f32 to vector<16xf32>
      %mul3A_166 = arith.mulf %mul3A_165, %get3A_159 : vector<16xf32>
      %swap3A_167 = arith.index_cast %scan3A_124 : i32 to index
      %swap3A_168 = arith.constant 32 : index
      %swap3A_169 = tpu.vector_load %arg11[%swap3A_167, %swap3A_168] {strides = array<i32>} : memref<128x64xf32, #tpu.memory_space<vmem>>, vector<16xf32>,
      tpu.vector_store %arg11[%swap3A_167, %swap3A_168], %mul3A_166 {strides = array<i32>} : memref<128x64xf32, #tpu.memory_space<vmem>>, vector<16xf32>,
      %get3A_170 = arith.index_cast %scan3A_124 : i32 to index
      %get3A_171 = arith.constant 48 : index
      %get3A_172 = tpu.vector_load %arg11[%get3A_170, %get3A_171] {strides = array<i32>} : memref<128x64xf32, #tpu.memory_space<vmem>>, vector<16xf32>,
      %mul3A_173 = vector.broadcast %squeeze3A : f32 to vector<16xf32>
      %mul3A_174 = arith.mulf %mul3A_173, %get3A_172 : vector<16xf32>
      %swap3A_175 = arith.index_cast %scan3A_124 : i32 to index
      %swap3A_176 = arith.constant 48 : index
      %swap3A_177 = tpu.vector_load %arg10[%swap3A_175, %swap3A_176] {strides = array<i32>} : memref<128x64xf32, #tpu.memory_space<vmem>>, vector<16xf32>,
      tpu.vector_store %arg10[%swap3A_175, %swap3A_176], %mul3A_174 {strides = array<i32>} : memref<128x64xf32, #tpu.memory_space<vmem>>, vector<16xf32>,
      %mul3A_178 = vector.broadcast %squeeze3A_130 : f32 to vector<16xf32>
      %mul3A_179 = arith.mulf %mul3A_178, %get3A_172 : vector<16xf32>
      %swap3A_180 = arith.index_cast %scan3A_124 : i32 to index
      %swap3A_181 = arith.constant 48 : index
      %swap3A_182 = tpu.vector_load %arg11[%swap3A_180, %swap3A_181] {strides = array<i32>} : memref<128x64xf32, #tpu.memory_space<vmem>>, vector<16xf32>,
      tpu.vector_store %arg11[%swap3A_180, %swap3A_181], %mul3A_179 {strides = array<i32>} : memref<128x64xf32, #tpu.memory_space<vmem>>, vector<16xf32>,
    }
    %scan3A_68 = arith.constant 128 : i32
    %add3A_69 = arith.constant 128 : i32
    %add3A_70 = arith.addi %mul3A_0, %add3A_69 : i32
    "tpu.region"() ({
      %run_scoped3A = tpu.sem_alloc : memref<!tpu.dma_semaphore, #tpu.memory_space<semaphore_mem>>
      %dma_start3A = arith.constant 0 : i32
      %dma_start3A_124 = tpu.memref_slice %arg6[%add3A_70, %dma_start3A] : memref<10240x64xf32, #tpu.memory_space<vmem_shared>> -> memref<128x64xf32, #tpu.memory_space<vmem_shared>>
      %dma_start3A_125 = arith.constant 0 : i32
      %dma_start3A_126 = tpu.memref_slice %arg6[%add3A_70, %dma_start3A_125] : memref<10240x64xf32, #tpu.memory_space<vmem_shared>> -> memref<128x64xf32, #tpu.memory_space<vmem_shared>>
      tpu.enqueue_dma source(%arg11 : memref<128x64xf32, #tpu.memory_space<vmem>>) target(%dma_start3A_126 : memref<128x64xf32, #tpu.memory_space<vmem_shared>>) target_semaphore(%run_scoped3A : memref<!tpu.dma_semaphore, #tpu.memory_space<semaphore_mem>>)
      %dma_wait3A = arith.constant 0 : i32
      %dma_wait3A_127 = tpu.memref_slice %arg6[%add3A_70, %dma_wait3A] : memref<10240x64xf32, #tpu.memory_space<vmem_shared>> -> memref<128x64xf32, #tpu.memory_space<vmem_shared>>
      %dma_wait3A_128 = arith.constant 0 : i32
      %dma_wait3A_129 = tpu.memref_slice %arg6[%add3A_70, %dma_wait3A_128] : memref<10240x64xf32, #tpu.memory_space<vmem_shared>> -> memref<128x64xf32, #tpu.memory_space<vmem_shared>>
      tpu.wait_dma2 semaphore(%run_scoped3A : memref<!tpu.dma_semaphore, #tpu.memory_space<semaphore_mem>>) src(%arg11 : memref<128x64xf32, #tpu.memory_space<vmem>>) dst(%dma_wait3A_129 : memref<128x64xf32, #tpu.memory_space<vmem_shared>>)
      tpu.yield
    }) : () -> ()
    %add3A_71 = arith.constant 128 : i32
    %add3A_72 = arith.addi %mul3A_0, %add3A_71 : i32
    "tpu.region"() ({
      %run_scoped3A = tpu.sem_alloc : memref<!tpu.dma_semaphore, #tpu.memory_space<semaphore_mem>>
      %dma_start3A = tpu.memref_slice %arg5[%add3A_72, %mul3A_2] : memref<10240x128xf32, #tpu.memory_space<hbm>> -> memref<128x64xf32, #tpu.memory_space<hbm>>
      %dma_start3A_124 = tpu.memref_slice %arg5[%add3A_72, %mul3A_2] : memref<10240x128xf32, #tpu.memory_space<hbm>> -> memref<128x64xf32, #tpu.memory_space<hbm>>
      tpu.enqueue_dma source(%arg10 : memref<128x64xf32, #tpu.memory_space<vmem>>) target(%dma_start3A_124 : memref<128x64xf32, #tpu.memory_space<hbm>>) target_semaphore(%run_scoped3A : memref<!tpu.dma_semaphore, #tpu.memory_space<semaphore_mem>>)
      %dma_wait3A = tpu.memref_slice %arg5[%add3A_72, %mul3A_2] : memref<10240x128xf32, #tpu.memory_space<hbm>> -> memref<128x64xf32, #tpu.memory_space<hbm>>
      %dma_wait3A_125 = tpu.memref_slice %arg5[%add3A_72, %mul3A_2] : memref<10240x128xf32, #tpu.memory_space<hbm>> -> memref<128x64xf32, #tpu.memory_space<hbm>>
      tpu.wait_dma2 semaphore(%run_scoped3A : memref<!tpu.dma_semaphore, #tpu.memory_space<semaphore_mem>>) src(%arg10 : memref<128x64xf32, #tpu.memory_space<vmem>>) dst(%dma_wait3A_125 : memref<128x64xf32, #tpu.memory_space<hbm>>)
      tpu.yield
    }) : () -> ()
    %add3A_73 = arith.constant 128 : i32
    %add3A_74 = arith.addi %mul3A_0, %add3A_73 : i32
    "tpu.region"() ({
      %run_scoped3A = tpu.sem_alloc : memref<!tpu.dma_semaphore, #tpu.memory_space<semaphore_mem>>
      %dma_start3A = arith.constant 0 : i32
      %dma_start3A_124 = tpu.memref_slice %arg7[%add3A_74, %dma_start3A] : memref<10240x64xf32, #tpu.memory_space<vmem_shared>> -> memref<128x64xf32, #tpu.memory_space<vmem_shared>>
      %dma_start3A_125 = arith.constant 0 : i32
      %dma_start3A_126 = tpu.memref_slice %arg7[%add3A_74, %dma_start3A_125] : memref<10240x64xf32, #tpu.memory_space<vmem_shared>> -> memref<128x64xf32, #tpu.memory_space<vmem_shared>>
      tpu.enqueue_dma source(%arg12 : memref<128x64xf32, #tpu.memory_space<vmem>>) target(%dma_start3A_126 : memref<128x64xf32, #tpu.memory_space<vmem_shared>>) target_semaphore(%run_scoped3A : memref<!tpu.dma_semaphore, #tpu.memory_space<semaphore_mem>>)
      %dma_wait3A = arith.constant 0 : i32
      %dma_wait3A_127 = tpu.memref_slice %arg7[%add3A_74, %dma_wait3A] : memref<10240x64xf32, #tpu.memory_space<vmem_shared>> -> memref<128x64xf32, #tpu.memory_space<vmem_shared>>
      %dma_wait3A_128 = arith.constant 0 : i32
      %dma_wait3A_129 = tpu.memref_slice %arg7[%add3A_74, %dma_wait3A_128] : memref<10240x64xf32, #tpu.memory_space<vmem_shared>> -> memref<128x64xf32, #tpu.memory_space<vmem_shared>>
      tpu.wait_dma2 semaphore(%run_scoped3A : memref<!tpu.dma_semaphore, #tpu.memory_space<semaphore_mem>>) src(%arg12 : memref<128x64xf32, #tpu.memory_space<vmem>>) dst(%dma_wait3A_129 : memref<128x64xf32, #tpu.memory_space<vmem_shared>>)
      tpu.yield
    }) : () -> ()
    %add3A_75 = arith.constant 256 : i32
    %add3A_76 = arith.addi %mul3A_0, %add3A_75 : i32
    "tpu.region"() ({
      %run_scoped3A = tpu.sem_alloc : memref<!tpu.dma_semaphore, #tpu.memory_space<semaphore_mem>>
      %dma_start3A = tpu.memref_slice %arg2[%add3A_76, %mul3A_2] : memref<10240x128xf32, #tpu.memory_space<hbm>> -> memref<128x64xf32, #tpu.memory_space<hbm>>
      %dma_start3A_124 = tpu.memref_slice %arg2[%add3A_76, %mul3A_2] : memref<10240x128xf32, #tpu.memory_space<hbm>> -> memref<128x64xf32, #tpu.memory_space<hbm>>
      tpu.enqueue_dma source(%dma_start3A_124 : memref<128x64xf32, #tpu.memory_space<hbm>>) target(%arg11 : memref<128x64xf32, #tpu.memory_space<vmem>>) target_semaphore(%run_scoped3A : memref<!tpu.dma_semaphore, #tpu.memory_space<semaphore_mem>>)
      %dma_wait3A = tpu.memref_slice %arg2[%add3A_76, %mul3A_2] : memref<10240x128xf32, #tpu.memory_space<hbm>> -> memref<128x64xf32, #tpu.memory_space<hbm>>
      %dma_wait3A_125 = tpu.memref_slice %arg2[%add3A_76, %mul3A_2] : memref<10240x128xf32, #tpu.memory_space<hbm>> -> memref<128x64xf32, #tpu.memory_space<hbm>>
      tpu.wait_dma2 semaphore(%run_scoped3A : memref<!tpu.dma_semaphore, #tpu.memory_space<semaphore_mem>>) src(%dma_wait3A_125 : memref<128x64xf32, #tpu.memory_space<hbm>>) dst(%arg11 : memref<128x64xf32, #tpu.memory_space<vmem>>)
      tpu.yield
    }) : () -> ()
    %scan3A_77 = arith.constant 0 : i32
    %scan3A_78 = arith.constant 0 : i32
    %scan3A_79 = arith.constant 128 : i32
    %scan3A_80 = arith.addi %scan3A_78, %scan3A_79 : i32
    %scan3A_81 = arith.constant 1 : i32
    scf.for %scan3A_124 = %scan3A_78 to %scan3A_80 step %scan3A_81  : i32 {
      %add3A_125 = arith.constant 256 : i32
      %add3A_126 = arith.addi %add3A_125, %scan3A_124 : i32
      %get3A_127 = arith.index_cast %add3A_126 : i32 to index
      %get3A_128 = tpu.vector_load %arg13[%get3A_127] {strides = array<i32>} : memref<656xf32, #tpu.memory_space<vmem>>, vector<16xf32>,
      %slice3A_129 = vector.extract_strided_slice %get3A_128 {offsets = [0], sizes = [1], strides = [1]} : vector<16xf32> to vector<1xf32>
      %squeeze3A_130 = vector.extract %slice3A_129[0] : f32 from vector<1xf32>
      %get3A_131 = arith.index_cast %scan3A_124 : i32 to index
      %get3A_132 = arith.constant 0 : index
      %get3A_133 = tpu.vector_load %arg11[%get3A_131, %get3A_132] {strides = array<i32>} : memref<128x64xf32, #tpu.memory_space<vmem>>, vector<16xf32>,
      %mul3A_134 = vector.broadcast %squeeze3A : f32 to vector<16xf32>
      %mul3A_135 = arith.mulf %mul3A_134, %get3A_133 : vector<16xf32>
      %swap3A_136 = arith.index_cast %scan3A_124 : i32 to index
      %swap3A_137 = arith.constant 0 : index
      %swap3A_138 = tpu.vector_load %arg10[%swap3A_136, %swap3A_137] {strides = array<i32>} : memref<128x64xf32, #tpu.memory_space<vmem>>, vector<16xf32>,
      tpu.vector_store %arg10[%swap3A_136, %swap3A_137], %mul3A_135 {strides = array<i32>} : memref<128x64xf32, #tpu.memory_space<vmem>>, vector<16xf32>,
      %mul3A_139 = vector.broadcast %squeeze3A_130 : f32 to vector<16xf32>
      %mul3A_140 = arith.mulf %mul3A_139, %get3A_133 : vector<16xf32>
      %swap3A_141 = arith.index_cast %scan3A_124 : i32 to index
      %swap3A_142 = arith.constant 0 : index
      %swap3A_143 = tpu.vector_load %arg11[%swap3A_141, %swap3A_142] {strides = array<i32>} : memref<128x64xf32, #tpu.memory_space<vmem>>, vector<16xf32>,
      tpu.vector_store %arg11[%swap3A_141, %swap3A_142], %mul3A_140 {strides = array<i32>} : memref<128x64xf32, #tpu.memory_space<vmem>>, vector<16xf32>,
      %get3A_144 = arith.index_cast %scan3A_124 : i32 to index
      %get3A_145 = arith.constant 16 : index
      %get3A_146 = tpu.vector_load %arg11[%get3A_144, %get3A_145] {strides = array<i32>} : memref<128x64xf32, #tpu.memory_space<vmem>>, vector<16xf32>,
      %mul3A_147 = vector.broadcast %squeeze3A : f32 to vector<16xf32>
      %mul3A_148 = arith.mulf %mul3A_147, %get3A_146 : vector<16xf32>
      %swap3A_149 = arith.index_cast %scan3A_124 : i32 to index
      %swap3A_150 = arith.constant 16 : index
      %swap3A_151 = tpu.vector_load %arg10[%swap3A_149, %swap3A_150] {strides = array<i32>} : memref<128x64xf32, #tpu.memory_space<vmem>>, vector<16xf32>,
      tpu.vector_store %arg10[%swap3A_149, %swap3A_150], %mul3A_148 {strides = array<i32>} : memref<128x64xf32, #tpu.memory_space<vmem>>, vector<16xf32>,
      %mul3A_152 = vector.broadcast %squeeze3A_130 : f32 to vector<16xf32>
      %mul3A_153 = arith.mulf %mul3A_152, %get3A_146 : vector<16xf32>
      %swap3A_154 = arith.index_cast %scan3A_124 : i32 to index
      %swap3A_155 = arith.constant 16 : index
      %swap3A_156 = tpu.vector_load %arg11[%swap3A_154, %swap3A_155] {strides = array<i32>} : memref<128x64xf32, #tpu.memory_space<vmem>>, vector<16xf32>,
      tpu.vector_store %arg11[%swap3A_154, %swap3A_155], %mul3A_153 {strides = array<i32>} : memref<128x64xf32, #tpu.memory_space<vmem>>, vector<16xf32>,
      %get3A_157 = arith.index_cast %scan3A_124 : i32 to index
      %get3A_158 = arith.constant 32 : index
      %get3A_159 = tpu.vector_load %arg11[%get3A_157, %get3A_158] {strides = array<i32>} : memref<128x64xf32, #tpu.memory_space<vmem>>, vector<16xf32>,
      %mul3A_160 = vector.broadcast %squeeze3A : f32 to vector<16xf32>
      %mul3A_161 = arith.mulf %mul3A_160, %get3A_159 : vector<16xf32>
      %swap3A_162 = arith.index_cast %scan3A_124 : i32 to index
      %swap3A_163 = arith.constant 32 : index
      %swap3A_164 = tpu.vector_load %arg10[%swap3A_162, %swap3A_163] {strides = array<i32>} : memref<128x64xf32, #tpu.memory_space<vmem>>, vector<16xf32>,
      tpu.vector_store %arg10[%swap3A_162, %swap3A_163], %mul3A_161 {strides = array<i32>} : memref<128x64xf32, #tpu.memory_space<vmem>>, vector<16xf32>,
      %mul3A_165 = vector.broadcast %squeeze3A_130 : f32 to vector<16xf32>
      %mul3A_166 = arith.mulf %mul3A_165, %get3A_159 : vector<16xf32>
      %swap3A_167 = arith.index_cast %scan3A_124 : i32 to index
      %swap3A_168 = arith.constant 32 : index
      %swap3A_169 = tpu.vector_load %arg11[%swap3A_167, %swap3A_168] {strides = array<i32>} : memref<128x64xf32, #tpu.memory_space<vmem>>, vector<16xf32>,
      tpu.vector_store %arg11[%swap3A_167, %swap3A_168], %mul3A_166 {strides = array<i32>} : memref<128x64xf32, #tpu.memory_space<vmem>>, vector<16xf32>,
      %get3A_170 = arith.index_cast %scan3A_124 : i32 to index
      %get3A_171 = arith.constant 48 : index
      %get3A_172 = tpu.vector_load %arg11[%get3A_170, %get3A_171] {strides = array<i32>} : memref<128x64xf32, #tpu.memory_space<vmem>>, vector<16xf32>,
      %mul3A_173 = vector.broadcast %squeeze3A : f32 to vector<16xf32>
      %mul3A_174 = arith.mulf %mul3A_173, %get3A_172 : vector<16xf32>
      %swap3A_175 = arith.index_cast %scan3A_124 : i32 to index
      %swap3A_176 = arith.constant 48 : index
      %swap3A_177 = tpu.vector_load %arg10[%swap3A_175, %swap3A_176] {strides = array<i32>} : memref<128x64xf32, #tpu.memory_space<vmem>>, vector<16xf32>,
      tpu.vector_store %arg10[%swap3A_175, %swap3A_176], %mul3A_174 {strides = array<i32>} : memref<128x64xf32, #tpu.memory_space<vmem>>, vector<16xf32>,
      %mul3A_178 = vector.broadcast %squeeze3A_130 : f32 to vector<16xf32>
      %mul3A_179 = arith.mulf %mul3A_178, %get3A_172 : vector<16xf32>
      %swap3A_180 = arith.index_cast %scan3A_124 : i32 to index
      %swap3A_181 = arith.constant 48 : index
      %swap3A_182 = tpu.vector_load %arg11[%swap3A_180, %swap3A_181] {strides = array<i32>} : memref<128x64xf32, #tpu.memory_space<vmem>>, vector<16xf32>,
      tpu.vector_store %arg11[%swap3A_180, %swap3A_181], %mul3A_179 {strides = array<i32>} : memref<128x64xf32, #tpu.memory_space<vmem>>, vector<16xf32>,
    }
    %scan3A_82 = arith.constant 128 : i32
    %add3A_83 = arith.constant 256 : i32
    %add3A_84 = arith.addi %mul3A_0, %add3A_83 : i32
    "tpu.region"() ({
      %run_scoped3A = tpu.sem_alloc : memref<!tpu.dma_semaphore, #tpu.memory_space<semaphore_mem>>
      %dma_start3A = arith.constant 0 : i32
      %dma_start3A_124 = tpu.memref_slice %arg6[%add3A_84, %dma_start3A] : memref<10240x64xf32, #tpu.memory_space<vmem_shared>> -> memref<128x64xf32, #tpu.memory_space<vmem_shared>>
      %dma_start3A_125 = arith.constant 0 : i32
      %dma_start3A_126 = tpu.memref_slice %arg6[%add3A_84, %dma_start3A_125] : memref<10240x64xf32, #tpu.memory_space<vmem_shared>> -> memref<128x64xf32, #tpu.memory_space<vmem_shared>>
      tpu.enqueue_dma source(%arg11 : memref<128x64xf32, #tpu.memory_space<vmem>>) target(%dma_start3A_126 : memref<128x64xf32, #tpu.memory_space<vmem_shared>>) target_semaphore(%run_scoped3A : memref<!tpu.dma_semaphore, #tpu.memory_space<semaphore_mem>>)
      %dma_wait3A = arith.constant 0 : i32
      %dma_wait3A_127 = tpu.memref_slice %arg6[%add3A_84, %dma_wait3A] : memref<10240x64xf32, #tpu.memory_space<vmem_shared>> -> memref<128x64xf32, #tpu.memory_space<vmem_shared>>
      %dma_wait3A_128 = arith.constant 0 : i32
      %dma_wait3A_129 = tpu.memref_slice %arg6[%add3A_84, %dma_wait3A_128] : memref<10240x64xf32, #tpu.memory_space<vmem_shared>> -> memref<128x64xf32, #tpu.memory_space<vmem_shared>>
      tpu.wait_dma2 semaphore(%run_scoped3A : memref<!tpu.dma_semaphore, #tpu.memory_space<semaphore_mem>>) src(%arg11 : memref<128x64xf32, #tpu.memory_space<vmem>>) dst(%dma_wait3A_129 : memref<128x64xf32, #tpu.memory_space<vmem_shared>>)
      tpu.yield
    }) : () -> ()
    %add3A_85 = arith.constant 256 : i32
    %add3A_86 = arith.addi %mul3A_0, %add3A_85 : i32
    "tpu.region"() ({
      %run_scoped3A = tpu.sem_alloc : memref<!tpu.dma_semaphore, #tpu.memory_space<semaphore_mem>>
      %dma_start3A = tpu.memref_slice %arg5[%add3A_86, %mul3A_2] : memref<10240x128xf32, #tpu.memory_space<hbm>> -> memref<128x64xf32, #tpu.memory_space<hbm>>
      %dma_start3A_124 = tpu.memref_slice %arg5[%add3A_86, %mul3A_2] : memref<10240x128xf32, #tpu.memory_space<hbm>> -> memref<128x64xf32, #tpu.memory_space<hbm>>
      tpu.enqueue_dma source(%arg10 : memref<128x64xf32, #tpu.memory_space<vmem>>) target(%dma_start3A_124 : memref<128x64xf32, #tpu.memory_space<hbm>>) target_semaphore(%run_scoped3A : memref<!tpu.dma_semaphore, #tpu.memory_space<semaphore_mem>>)
      %dma_wait3A = tpu.memref_slice %arg5[%add3A_86, %mul3A_2] : memref<10240x128xf32, #tpu.memory_space<hbm>> -> memref<128x64xf32, #tpu.memory_space<hbm>>
      %dma_wait3A_125 = tpu.memref_slice %arg5[%add3A_86, %mul3A_2] : memref<10240x128xf32, #tpu.memory_space<hbm>> -> memref<128x64xf32, #tpu.memory_space<hbm>>
      tpu.wait_dma2 semaphore(%run_scoped3A : memref<!tpu.dma_semaphore, #tpu.memory_space<semaphore_mem>>) src(%arg10 : memref<128x64xf32, #tpu.memory_space<vmem>>) dst(%dma_wait3A_125 : memref<128x64xf32, #tpu.memory_space<hbm>>)
      tpu.yield
    }) : () -> ()
    %add3A_87 = arith.constant 256 : i32
    %add3A_88 = arith.addi %mul3A_0, %add3A_87 : i32
    "tpu.region"() ({
      %run_scoped3A = tpu.sem_alloc : memref<!tpu.dma_semaphore, #tpu.memory_space<semaphore_mem>>
      %dma_start3A = arith.constant 0 : i32
      %dma_start3A_124 = tpu.memref_slice %arg7[%add3A_88, %dma_start3A] : memref<10240x64xf32, #tpu.memory_space<vmem_shared>> -> memref<128x64xf32, #tpu.memory_space<vmem_shared>>
      %dma_start3A_125 = arith.constant 0 : i32
      %dma_start3A_126 = tpu.memref_slice %arg7[%add3A_88, %dma_start3A_125] : memref<10240x64xf32, #tpu.memory_space<vmem_shared>> -> memref<128x64xf32, #tpu.memory_space<vmem_shared>>
      tpu.enqueue_dma source(%arg12 : memref<128x64xf32, #tpu.memory_space<vmem>>) target(%dma_start3A_126 : memref<128x64xf32, #tpu.memory_space<vmem_shared>>) target_semaphore(%run_scoped3A : memref<!tpu.dma_semaphore, #tpu.memory_space<semaphore_mem>>)
      %dma_wait3A = arith.constant 0 : i32
      %dma_wait3A_127 = tpu.memref_slice %arg7[%add3A_88, %dma_wait3A] : memref<10240x64xf32, #tpu.memory_space<vmem_shared>> -> memref<128x64xf32, #tpu.memory_space<vmem_shared>>
      %dma_wait3A_128 = arith.constant 0 : i32
      %dma_wait3A_129 = tpu.memref_slice %arg7[%add3A_88, %dma_wait3A_128] : memref<10240x64xf32, #tpu.memory_space<vmem_shared>> -> memref<128x64xf32, #tpu.memory_space<vmem_shared>>
      tpu.wait_dma2 semaphore(%run_scoped3A : memref<!tpu.dma_semaphore, #tpu.memory_space<semaphore_mem>>) src(%arg12 : memref<128x64xf32, #tpu.memory_space<vmem>>) dst(%dma_wait3A_129 : memref<128x64xf32, #tpu.memory_space<vmem_shared>>)
      tpu.yield
    }) : () -> ()
    %add3A_89 = arith.constant 384 : i32
    %add3A_90 = arith.addi %mul3A_0, %add3A_89 : i32
    "tpu.region"() ({
      %run_scoped3A = tpu.sem_alloc : memref<!tpu.dma_semaphore, #tpu.memory_space<semaphore_mem>>
      %dma_start3A = tpu.memref_slice %arg2[%add3A_90, %mul3A_2] : memref<10240x128xf32, #tpu.memory_space<hbm>> -> memref<128x64xf32, #tpu.memory_space<hbm>>
      %dma_start3A_124 = tpu.memref_slice %arg2[%add3A_90, %mul3A_2] : memref<10240x128xf32, #tpu.memory_space<hbm>> -> memref<128x64xf32, #tpu.memory_space<hbm>>
      tpu.enqueue_dma source(%dma_start3A_124 : memref<128x64xf32, #tpu.memory_space<hbm>>) target(%arg11 : memref<128x64xf32, #tpu.memory_space<vmem>>) target_semaphore(%run_scoped3A : memref<!tpu.dma_semaphore, #tpu.memory_space<semaphore_mem>>)
      %dma_wait3A = tpu.memref_slice %arg2[%add3A_90, %mul3A_2] : memref<10240x128xf32, #tpu.memory_space<hbm>> -> memref<128x64xf32, #tpu.memory_space<hbm>>
      %dma_wait3A_125 = tpu.memref_slice %arg2[%add3A_90, %mul3A_2] : memref<10240x128xf32, #tpu.memory_space<hbm>> -> memref<128x64xf32, #tpu.memory_space<hbm>>
      tpu.wait_dma2 semaphore(%run_scoped3A : memref<!tpu.dma_semaphore, #tpu.memory_space<semaphore_mem>>) src(%dma_wait3A_125 : memref<128x64xf32, #tpu.memory_space<hbm>>) dst(%arg11 : memref<128x64xf32, #tpu.memory_space<vmem>>)
      tpu.yield
    }) : () -> ()
    %scan3A_91 = arith.constant 0 : i32
    %scan3A_92 = arith.constant 0 : i32
    %scan3A_93 = arith.constant 128 : i32
    %scan3A_94 = arith.addi %scan3A_92, %scan3A_93 : i32
    %scan3A_95 = arith.constant 1 : i32
    scf.for %scan3A_124 = %scan3A_92 to %scan3A_94 step %scan3A_95  : i32 {
      %add3A_125 = arith.constant 384 : i32
      %add3A_126 = arith.addi %add3A_125, %scan3A_124 : i32
      %get3A_127 = arith.index_cast %add3A_126 : i32 to index
      %get3A_128 = tpu.vector_load %arg13[%get3A_127] {strides = array<i32>} : memref<656xf32, #tpu.memory_space<vmem>>, vector<16xf32>,
      %slice3A_129 = vector.extract_strided_slice %get3A_128 {offsets = [0], sizes = [1], strides = [1]} : vector<16xf32> to vector<1xf32>
      %squeeze3A_130 = vector.extract %slice3A_129[0] : f32 from vector<1xf32>
      %get3A_131 = arith.index_cast %scan3A_124 : i32 to index
      %get3A_132 = arith.constant 0 : index
      %get3A_133 = tpu.vector_load %arg11[%get3A_131, %get3A_132] {strides = array<i32>} : memref<128x64xf32, #tpu.memory_space<vmem>>, vector<16xf32>,
      %mul3A_134 = vector.broadcast %squeeze3A : f32 to vector<16xf32>
      %mul3A_135 = arith.mulf %mul3A_134, %get3A_133 : vector<16xf32>
      %swap3A_136 = arith.index_cast %scan3A_124 : i32 to index
      %swap3A_137 = arith.constant 0 : index
      %swap3A_138 = tpu.vector_load %arg10[%swap3A_136, %swap3A_137] {strides = array<i32>} : memref<128x64xf32, #tpu.memory_space<vmem>>, vector<16xf32>,
      tpu.vector_store %arg10[%swap3A_136, %swap3A_137], %mul3A_135 {strides = array<i32>} : memref<128x64xf32, #tpu.memory_space<vmem>>, vector<16xf32>,
      %mul3A_139 = vector.broadcast %squeeze3A_130 : f32 to vector<16xf32>
      %mul3A_140 = arith.mulf %mul3A_139, %get3A_133 : vector<16xf32>
      %swap3A_141 = arith.index_cast %scan3A_124 : i32 to index
      %swap3A_142 = arith.constant 0 : index
      %swap3A_143 = tpu.vector_load %arg11[%swap3A_141, %swap3A_142] {strides = array<i32>} : memref<128x64xf32, #tpu.memory_space<vmem>>, vector<16xf32>,
      tpu.vector_store %arg11[%swap3A_141, %swap3A_142], %mul3A_140 {strides = array<i32>} : memref<128x64xf32, #tpu.memory_space<vmem>>, vector<16xf32>,
      %get3A_144 = arith.index_cast %scan3A_124 : i32 to index
      %get3A_145 = arith.constant 16 : index
      %get3A_146 = tpu.vector_load %arg11[%get3A_144, %get3A_145] {strides = array<i32>} : memref<128x64xf32, #tpu.memory_space<vmem>>, vector<16xf32>,
      %mul3A_147 = vector.broadcast %squeeze3A : f32 to vector<16xf32>
      %mul3A_148 = arith.mulf %mul3A_147, %get3A_146 : vector<16xf32>
      %swap3A_149 = arith.index_cast %scan3A_124 : i32 to index
      %swap3A_150 = arith.constant 16 : index
      %swap3A_151 = tpu.vector_load %arg10[%swap3A_149, %swap3A_150] {strides = array<i32>} : memref<128x64xf32, #tpu.memory_space<vmem>>, vector<16xf32>,
      tpu.vector_store %arg10[%swap3A_149, %swap3A_150], %mul3A_148 {strides = array<i32>} : memref<128x64xf32, #tpu.memory_space<vmem>>, vector<16xf32>,
      %mul3A_152 = vector.broadcast %squeeze3A_130 : f32 to vector<16xf32>
      %mul3A_153 = arith.mulf %mul3A_152, %get3A_146 : vector<16xf32>
      %swap3A_154 = arith.index_cast %scan3A_124 : i32 to index
      %swap3A_155 = arith.constant 16 : index
      %swap3A_156 = tpu.vector_load %arg11[%swap3A_154, %swap3A_155] {strides = array<i32>} : memref<128x64xf32, #tpu.memory_space<vmem>>, vector<16xf32>,
      tpu.vector_store %arg11[%swap3A_154, %swap3A_155], %mul3A_153 {strides = array<i32>} : memref<128x64xf32, #tpu.memory_space<vmem>>, vector<16xf32>,
      %get3A_157 = arith.index_cast %scan3A_124 : i32 to index
      %get3A_158 = arith.constant 32 : index
      %get3A_159 = tpu.vector_load %arg11[%get3A_157, %get3A_158] {strides = array<i32>} : memref<128x64xf32, #tpu.memory_space<vmem>>, vector<16xf32>,
      %mul3A_160 = vector.broadcast %squeeze3A : f32 to vector<16xf32>
      %mul3A_161 = arith.mulf %mul3A_160, %get3A_159 : vector<16xf32>
      %swap3A_162 = arith.index_cast %scan3A_124 : i32 to index
      %swap3A_163 = arith.constant 32 : index
      %swap3A_164 = tpu.vector_load %arg10[%swap3A_162, %swap3A_163] {strides = array<i32>} : memref<128x64xf32, #tpu.memory_space<vmem>>, vector<16xf32>,
      tpu.vector_store %arg10[%swap3A_162, %swap3A_163], %mul3A_161 {strides = array<i32>} : memref<128x64xf32, #tpu.memory_space<vmem>>, vector<16xf32>,
      %mul3A_165 = vector.broadcast %squeeze3A_130 : f32 to vector<16xf32>
      %mul3A_166 = arith.mulf %mul3A_165, %get3A_159 : vector<16xf32>
      %swap3A_167 = arith.index_cast %scan3A_124 : i32 to index
      %swap3A_168 = arith.constant 32 : index
      %swap3A_169 = tpu.vector_load %arg11[%swap3A_167, %swap3A_168] {strides = array<i32>} : memref<128x64xf32, #tpu.memory_space<vmem>>, vector<16xf32>,
      tpu.vector_store %arg11[%swap3A_167, %swap3A_168], %mul3A_166 {strides = array<i32>} : memref<128x64xf32, #tpu.memory_space<vmem>>, vector<16xf32>,
      %get3A_170 = arith.index_cast %scan3A_124 : i32 to index
      %get3A_171 = arith.constant 48 : index
      %get3A_172 = tpu.vector_load %arg11[%get3A_170, %get3A_171] {strides = array<i32>} : memref<128x64xf32, #tpu.memory_space<vmem>>, vector<16xf32>,
      %mul3A_173 = vector.broadcast %squeeze3A : f32 to vector<16xf32>
      %mul3A_174 = arith.mulf %mul3A_173, %get3A_172 : vector<16xf32>
      %swap3A_175 = arith.index_cast %scan3A_124 : i32 to index
      %swap3A_176 = arith.constant 48 : index
      %swap3A_177 = tpu.vector_load %arg10[%swap3A_175, %swap3A_176] {strides = array<i32>} : memref<128x64xf32, #tpu.memory_space<vmem>>, vector<16xf32>,
      tpu.vector_store %arg10[%swap3A_175, %swap3A_176], %mul3A_174 {strides = array<i32>} : memref<128x64xf32, #tpu.memory_space<vmem>>, vector<16xf32>,
      %mul3A_178 = vector.broadcast %squeeze3A_130 : f32 to vector<16xf32>
      %mul3A_179 = arith.mulf %mul3A_178, %get3A_172 : vector<16xf32>
      %swap3A_180 = arith.index_cast %scan3A_124 : i32 to index
      %swap3A_181 = arith.constant 48 : index
      %swap3A_182 = tpu.vector_load %arg11[%swap3A_180, %swap3A_181] {strides = array<i32>} : memref<128x64xf32, #tpu.memory_space<vmem>>, vector<16xf32>,
      tpu.vector_store %arg11[%swap3A_180, %swap3A_181], %mul3A_179 {strides = array<i32>} : memref<128x64xf32, #tpu.memory_space<vmem>>, vector<16xf32>,
    }
    %scan3A_96 = arith.constant 128 : i32
    %add3A_97 = arith.constant 384 : i32
    %add3A_98 = arith.addi %mul3A_0, %add3A_97 : i32
    "tpu.region"() ({
      %run_scoped3A = tpu.sem_alloc : memref<!tpu.dma_semaphore, #tpu.memory_space<semaphore_mem>>
      %dma_start3A = arith.constant 0 : i32
      %dma_start3A_124 = tpu.memref_slice %arg6[%add3A_98, %dma_start3A] : memref<10240x64xf32, #tpu.memory_space<vmem_shared>> -> memref<128x64xf32, #tpu.memory_space<vmem_shared>>
      %dma_start3A_125 = arith.constant 0 : i32
      %dma_start3A_126 = tpu.memref_slice %arg6[%add3A_98, %dma_start3A_125] : memref<10240x64xf32, #tpu.memory_space<vmem_shared>> -> memref<128x64xf32, #tpu.memory_space<vmem_shared>>
      tpu.enqueue_dma source(%arg11 : memref<128x64xf32, #tpu.memory_space<vmem>>) target(%dma_start3A_126 : memref<128x64xf32, #tpu.memory_space<vmem_shared>>) target_semaphore(%run_scoped3A : memref<!tpu.dma_semaphore, #tpu.memory_space<semaphore_mem>>)
      %dma_wait3A = arith.constant 0 : i32
      %dma_wait3A_127 = tpu.memref_slice %arg6[%add3A_98, %dma_wait3A] : memref<10240x64xf32, #tpu.memory_space<vmem_shared>> -> memref<128x64xf32, #tpu.memory_space<vmem_shared>>
      %dma_wait3A_128 = arith.constant 0 : i32
      %dma_wait3A_129 = tpu.memref_slice %arg6[%add3A_98, %dma_wait3A_128] : memref<10240x64xf32, #tpu.memory_space<vmem_shared>> -> memref<128x64xf32, #tpu.memory_space<vmem_shared>>
      tpu.wait_dma2 semaphore(%run_scoped3A : memref<!tpu.dma_semaphore, #tpu.memory_space<semaphore_mem>>) src(%arg11 : memref<128x64xf32, #tpu.memory_space<vmem>>) dst(%dma_wait3A_129 : memref<128x64xf32, #tpu.memory_space<vmem_shared>>)
      tpu.yield
    }) : () -> ()
    %add3A_99 = arith.constant 384 : i32
    %add3A_100 = arith.addi %mul3A_0, %add3A_99 : i32
    "tpu.region"() ({
      %run_scoped3A = tpu.sem_alloc : memref<!tpu.dma_semaphore, #tpu.memory_space<semaphore_mem>>
      %dma_start3A = tpu.memref_slice %arg5[%add3A_100, %mul3A_2] : memref<10240x128xf32, #tpu.memory_space<hbm>> -> memref<128x64xf32, #tpu.memory_space<hbm>>
      %dma_start3A_124 = tpu.memref_slice %arg5[%add3A_100, %mul3A_2] : memref<10240x128xf32, #tpu.memory_space<hbm>> -> memref<128x64xf32, #tpu.memory_space<hbm>>
      tpu.enqueue_dma source(%arg10 : memref<128x64xf32, #tpu.memory_space<vmem>>) target(%dma_start3A_124 : memref<128x64xf32, #tpu.memory_space<hbm>>) target_semaphore(%run_scoped3A : memref<!tpu.dma_semaphore, #tpu.memory_space<semaphore_mem>>)
      %dma_wait3A = tpu.memref_slice %arg5[%add3A_100, %mul3A_2] : memref<10240x128xf32, #tpu.memory_space<hbm>> -> memref<128x64xf32, #tpu.memory_space<hbm>>
      %dma_wait3A_125 = tpu.memref_slice %arg5[%add3A_100, %mul3A_2] : memref<10240x128xf32, #tpu.memory_space<hbm>> -> memref<128x64xf32, #tpu.memory_space<hbm>>
      tpu.wait_dma2 semaphore(%run_scoped3A : memref<!tpu.dma_semaphore, #tpu.memory_space<semaphore_mem>>) src(%arg10 : memref<128x64xf32, #tpu.memory_space<vmem>>) dst(%dma_wait3A_125 : memref<128x64xf32, #tpu.memory_space<hbm>>)
      tpu.yield
    }) : () -> ()
    %add3A_101 = arith.constant 384 : i32
    %add3A_102 = arith.addi %mul3A_0, %add3A_101 : i32
    "tpu.region"() ({
      %run_scoped3A = tpu.sem_alloc : memref<!tpu.dma_semaphore, #tpu.memory_space<semaphore_mem>>
      %dma_start3A = arith.constant 0 : i32
      %dma_start3A_124 = tpu.memref_slice %arg7[%add3A_102, %dma_start3A] : memref<10240x64xf32, #tpu.memory_space<vmem_shared>> -> memref<128x64xf32, #tpu.memory_space<vmem_shared>>
      %dma_start3A_125 = arith.constant 0 : i32
      %dma_start3A_126 = tpu.memref_slice %arg7[%add3A_102, %dma_start3A_125] : memref<10240x64xf32, #tpu.memory_space<vmem_shared>> -> memref<128x64xf32, #tpu.memory_space<vmem_shared>>
      tpu.enqueue_dma source(%arg12 : memref<128x64xf32, #tpu.memory_space<vmem>>) target(%dma_start3A_126 : memref<128x64xf32, #tpu.memory_space<vmem_shared>>) target_semaphore(%run_scoped3A : memref<!tpu.dma_semaphore, #tpu.memory_space<semaphore_mem>>)
      %dma_wait3A = arith.constant 0 : i32
      %dma_wait3A_127 = tpu.memref_slice %arg7[%add3A_102, %dma_wait3A] : memref<10240x64xf32, #tpu.memory_space<vmem_shared>> -> memref<128x64xf32, #tpu.memory_space<vmem_shared>>
      %dma_wait3A_128 = arith.constant 0 : i32
      %dma_wait3A_129 = tpu.memref_slice %arg7[%add3A_102, %dma_wait3A_128] : memref<10240x64xf32, #tpu.memory_space<vmem_shared>> -> memref<128x64xf32, #tpu.memory_space<vmem_shared>>
      tpu.wait_dma2 semaphore(%run_scoped3A : memref<!tpu.dma_semaphore, #tpu.memory_space<semaphore_mem>>) src(%arg12 : memref<128x64xf32, #tpu.memory_space<vmem>>) dst(%dma_wait3A_129 : memref<128x64xf32, #tpu.memory_space<vmem_shared>>)
      tpu.yield
    }) : () -> ()
    %add3A_103 = arith.constant 512 : i32
    %add3A_104 = arith.addi %mul3A_0, %add3A_103 : i32
    "tpu.region"() ({
      %run_scoped3A = tpu.sem_alloc : memref<!tpu.dma_semaphore, #tpu.memory_space<semaphore_mem>>
      %dma_start3A = tpu.memref_slice %arg2[%add3A_104, %mul3A_2] : memref<10240x128xf32, #tpu.memory_space<hbm>> -> memref<128x64xf32, #tpu.memory_space<hbm>>
      %dma_start3A_124 = tpu.memref_slice %arg2[%add3A_104, %mul3A_2] : memref<10240x128xf32, #tpu.memory_space<hbm>> -> memref<128x64xf32, #tpu.memory_space<hbm>>
      tpu.enqueue_dma source(%dma_start3A_124 : memref<128x64xf32, #tpu.memory_space<hbm>>) target(%arg11 : memref<128x64xf32, #tpu.memory_space<vmem>>) target_semaphore(%run_scoped3A : memref<!tpu.dma_semaphore, #tpu.memory_space<semaphore_mem>>)
      %dma_wait3A = tpu.memref_slice %arg2[%add3A_104, %mul3A_2] : memref<10240x128xf32, #tpu.memory_space<hbm>> -> memref<128x64xf32, #tpu.memory_space<hbm>>
      %dma_wait3A_125 = tpu.memref_slice %arg2[%add3A_104, %mul3A_2] : memref<10240x128xf32, #tpu.memory_space<hbm>> -> memref<128x64xf32, #tpu.memory_space<hbm>>
      tpu.wait_dma2 semaphore(%run_scoped3A : memref<!tpu.dma_semaphore, #tpu.memory_space<semaphore_mem>>) src(%dma_wait3A_125 : memref<128x64xf32, #tpu.memory_space<hbm>>) dst(%arg11 : memref<128x64xf32, #tpu.memory_space<vmem>>)
      tpu.yield
    }) : () -> ()
    %scan3A_105 = arith.constant 0 : i32
    %scan3A_106 = arith.constant 0 : i32
    %scan3A_107 = arith.constant 128 : i32
    %scan3A_108 = arith.addi %scan3A_106, %scan3A_107 : i32
    %scan3A_109 = arith.constant 1 : i32
    scf.for %scan3A_124 = %scan3A_106 to %scan3A_108 step %scan3A_109  : i32 {
      %add3A_125 = arith.constant 512 : i32
      %add3A_126 = arith.addi %add3A_125, %scan3A_124 : i32
      %get3A_127 = arith.index_cast %add3A_126 : i32 to index
      %get3A_128 = tpu.vector_load %arg13[%get3A_127] {strides = array<i32>} : memref<656xf32, #tpu.memory_space<vmem>>, vector<16xf32>,
      %slice3A_129 = vector.extract_strided_slice %get3A_128 {offsets = [0], sizes = [1], strides = [1]} : vector<16xf32> to vector<1xf32>
      %squeeze3A_130 = vector.extract %slice3A_129[0] : f32 from vector<1xf32>
      %get3A_131 = arith.index_cast %scan3A_124 : i32 to index
      %get3A_132 = arith.constant 0 : index
      %get3A_133 = tpu.vector_load %arg11[%get3A_131, %get3A_132] {strides = array<i32>} : memref<128x64xf32, #tpu.memory_space<vmem>>, vector<16xf32>,
      %mul3A_134 = vector.broadcast %squeeze3A : f32 to vector<16xf32>
      %mul3A_135 = arith.mulf %mul3A_134, %get3A_133 : vector<16xf32>
      %swap3A_136 = arith.index_cast %scan3A_124 : i32 to index
      %swap3A_137 = arith.constant 0 : index
      %swap3A_138 = tpu.vector_load %arg10[%swap3A_136, %swap3A_137] {strides = array<i32>} : memref<128x64xf32, #tpu.memory_space<vmem>>, vector<16xf32>,
      tpu.vector_store %arg10[%swap3A_136, %swap3A_137], %mul3A_135 {strides = array<i32>} : memref<128x64xf32, #tpu.memory_space<vmem>>, vector<16xf32>,
      %mul3A_139 = vector.broadcast %squeeze3A_130 : f32 to vector<16xf32>
      %mul3A_140 = arith.mulf %mul3A_139, %get3A_133 : vector<16xf32>
      %swap3A_141 = arith.index_cast %scan3A_124 : i32 to index
      %swap3A_142 = arith.constant 0 : index
      %swap3A_143 = tpu.vector_load %arg11[%swap3A_141, %swap3A_142] {strides = array<i32>} : memref<128x64xf32, #tpu.memory_space<vmem>>, vector<16xf32>,
      tpu.vector_store %arg11[%swap3A_141, %swap3A_142], %mul3A_140 {strides = array<i32>} : memref<128x64xf32, #tpu.memory_space<vmem>>, vector<16xf32>,
      %get3A_144 = arith.index_cast %scan3A_124 : i32 to index
      %get3A_145 = arith.constant 16 : index
      %get3A_146 = tpu.vector_load %arg11[%get3A_144, %get3A_145] {strides = array<i32>} : memref<128x64xf32, #tpu.memory_space<vmem>>, vector<16xf32>,
      %mul3A_147 = vector.broadcast %squeeze3A : f32 to vector<16xf32>
      %mul3A_148 = arith.mulf %mul3A_147, %get3A_146 : vector<16xf32>
      %swap3A_149 = arith.index_cast %scan3A_124 : i32 to index
      %swap3A_150 = arith.constant 16 : index
      %swap3A_151 = tpu.vector_load %arg10[%swap3A_149, %swap3A_150] {strides = array<i32>} : memref<128x64xf32, #tpu.memory_space<vmem>>, vector<16xf32>,
      tpu.vector_store %arg10[%swap3A_149, %swap3A_150], %mul3A_148 {strides = array<i32>} : memref<128x64xf32, #tpu.memory_space<vmem>>, vector<16xf32>,
      %mul3A_152 = vector.broadcast %squeeze3A_130 : f32 to vector<16xf32>
      %mul3A_153 = arith.mulf %mul3A_152, %get3A_146 : vector<16xf32>
      %swap3A_154 = arith.index_cast %scan3A_124 : i32 to index
      %swap3A_155 = arith.constant 16 : index
      %swap3A_156 = tpu.vector_load %arg11[%swap3A_154, %swap3A_155] {strides = array<i32>} : memref<128x64xf32, #tpu.memory_space<vmem>>, vector<16xf32>,
      tpu.vector_store %arg11[%swap3A_154, %swap3A_155], %mul3A_153 {strides = array<i32>} : memref<128x64xf32, #tpu.memory_space<vmem>>, vector<16xf32>,
      %get3A_157 = arith.index_cast %scan3A_124 : i32 to index
      %get3A_158 = arith.constant 32 : index
      %get3A_159 = tpu.vector_load %arg11[%get3A_157, %get3A_158] {strides = array<i32>} : memref<128x64xf32, #tpu.memory_space<vmem>>, vector<16xf32>,
      %mul3A_160 = vector.broadcast %squeeze3A : f32 to vector<16xf32>
      %mul3A_161 = arith.mulf %mul3A_160, %get3A_159 : vector<16xf32>
      %swap3A_162 = arith.index_cast %scan3A_124 : i32 to index
      %swap3A_163 = arith.constant 32 : index
      %swap3A_164 = tpu.vector_load %arg10[%swap3A_162, %swap3A_163] {strides = array<i32>} : memref<128x64xf32, #tpu.memory_space<vmem>>, vector<16xf32>,
      tpu.vector_store %arg10[%swap3A_162, %swap3A_163], %mul3A_161 {strides = array<i32>} : memref<128x64xf32, #tpu.memory_space<vmem>>, vector<16xf32>,
      %mul3A_165 = vector.broadcast %squeeze3A_130 : f32 to vector<16xf32>
      %mul3A_166 = arith.mulf %mul3A_165, %get3A_159 : vector<16xf32>
      %swap3A_167 = arith.index_cast %scan3A_124 : i32 to index
      %swap3A_168 = arith.constant 32 : index
      %swap3A_169 = tpu.vector_load %arg11[%swap3A_167, %swap3A_168] {strides = array<i32>} : memref<128x64xf32, #tpu.memory_space<vmem>>, vector<16xf32>,
      tpu.vector_store %arg11[%swap3A_167, %swap3A_168], %mul3A_166 {strides = array<i32>} : memref<128x64xf32, #tpu.memory_space<vmem>>, vector<16xf32>,
      %get3A_170 = arith.index_cast %scan3A_124 : i32 to index
      %get3A_171 = arith.constant 48 : index
      %get3A_172 = tpu.vector_load %arg11[%get3A_170, %get3A_171] {strides = array<i32>} : memref<128x64xf32, #tpu.memory_space<vmem>>, vector<16xf32>,
      %mul3A_173 = vector.broadcast %squeeze3A : f32 to vector<16xf32>
      %mul3A_174 = arith.mulf %mul3A_173, %get3A_172 : vector<16xf32>
      %swap3A_175 = arith.index_cast %scan3A_124 : i32 to index
      %swap3A_176 = arith.constant 48 : index
      %swap3A_177 = tpu.vector_load %arg10[%swap3A_175, %swap3A_176] {strides = array<i32>} : memref<128x64xf32, #tpu.memory_space<vmem>>, vector<16xf32>,
      tpu.vector_store %arg10[%swap3A_175, %swap3A_176], %mul3A_174 {strides = array<i32>} : memref<128x64xf32, #tpu.memory_space<vmem>>, vector<16xf32>,
      %mul3A_178 = vector.broadcast %squeeze3A_130 : f32 to vector<16xf32>
      %mul3A_179 = arith.mulf %mul3A_178, %get3A_172 : vector<16xf32>
      %swap3A_180 = arith.index_cast %scan3A_124 : i32 to index
      %swap3A_181 = arith.constant 48 : index
      %swap3A_182 = tpu.vector_load %arg11[%swap3A_180, %swap3A_181] {strides = array<i32>} : memref<128x64xf32, #tpu.memory_space<vmem>>, vector<16xf32>,
      tpu.vector_store %arg11[%swap3A_180, %swap3A_181], %mul3A_179 {strides = array<i32>} : memref<128x64xf32, #tpu.memory_space<vmem>>, vector<16xf32>,
    }
    %scan3A_110 = arith.constant 128 : i32
    %add3A_111 = arith.constant 512 : i32
    %add3A_112 = arith.addi %mul3A_0, %add3A_111 : i32
    "tpu.region"() ({
      %run_scoped3A = tpu.sem_alloc : memref<!tpu.dma_semaphore, #tpu.memory_space<semaphore_mem>>
      %dma_start3A = arith.constant 0 : i32
      %dma_start3A_124 = tpu.memref_slice %arg6[%add3A_112, %dma_start3A] : memref<10240x64xf32, #tpu.memory_space<vmem_shared>> -> memref<128x64xf32, #tpu.memory_space<vmem_shared>>
      %dma_start3A_125 = arith.constant 0 : i32
      %dma_start3A_126 = tpu.memref_slice %arg6[%add3A_112, %dma_start3A_125] : memref<10240x64xf32, #tpu.memory_space<vmem_shared>> -> memref<128x64xf32, #tpu.memory_space<vmem_shared>>
      tpu.enqueue_dma source(%arg11 : memref<128x64xf32, #tpu.memory_space<vmem>>) target(%dma_start3A_126 : memref<128x64xf32, #tpu.memory_space<vmem_shared>>) target_semaphore(%run_scoped3A : memref<!tpu.dma_semaphore, #tpu.memory_space<semaphore_mem>>)
      %dma_wait3A = arith.constant 0 : i32
      %dma_wait3A_127 = tpu.memref_slice %arg6[%add3A_112, %dma_wait3A] : memref<10240x64xf32, #tpu.memory_space<vmem_shared>> -> memref<128x64xf32, #tpu.memory_space<vmem_shared>>
      %dma_wait3A_128 = arith.constant 0 : i32
      %dma_wait3A_129 = tpu.memref_slice %arg6[%add3A_112, %dma_wait3A_128] : memref<10240x64xf32, #tpu.memory_space<vmem_shared>> -> memref<128x64xf32, #tpu.memory_space<vmem_shared>>
      tpu.wait_dma2 semaphore(%run_scoped3A : memref<!tpu.dma_semaphore, #tpu.memory_space<semaphore_mem>>) src(%arg11 : memref<128x64xf32, #tpu.memory_space<vmem>>) dst(%dma_wait3A_129 : memref<128x64xf32, #tpu.memory_space<vmem_shared>>)
      tpu.yield
    }) : () -> ()
    %add3A_113 = arith.constant 512 : i32
    %add3A_114 = arith.addi %mul3A_0, %add3A_113 : i32
    "tpu.region"() ({
      %run_scoped3A = tpu.sem_alloc : memref<!tpu.dma_semaphore, #tpu.memory_space<semaphore_mem>>
      %dma_start3A = tpu.memref_slice %arg5[%add3A_114, %mul3A_2] : memref<10240x128xf32, #tpu.memory_space<hbm>> -> memref<128x64xf32, #tpu.memory_space<hbm>>
      %dma_start3A_124 = tpu.memref_slice %arg5[%add3A_114, %mul3A_2] : memref<10240x128xf32, #tpu.memory_space<hbm>> -> memref<128x64xf32, #tpu.memory_space<hbm>>
      tpu.enqueue_dma source(%arg10 : memref<128x64xf32, #tpu.memory_space<vmem>>) target(%dma_start3A_124 : memref<128x64xf32, #tpu.memory_space<hbm>>) target_semaphore(%run_scoped3A : memref<!tpu.dma_semaphore, #tpu.memory_space<semaphore_mem>>)
      %dma_wait3A = tpu.memref_slice %arg5[%add3A_114, %mul3A_2] : memref<10240x128xf32, #tpu.memory_space<hbm>> -> memref<128x64xf32, #tpu.memory_space<hbm>>
      %dma_wait3A_125 = tpu.memref_slice %arg5[%add3A_114, %mul3A_2] : memref<10240x128xf32, #tpu.memory_space<hbm>> -> memref<128x64xf32, #tpu.memory_space<hbm>>
      tpu.wait_dma2 semaphore(%run_scoped3A : memref<!tpu.dma_semaphore, #tpu.memory_space<semaphore_mem>>) src(%arg10 : memref<128x64xf32, #tpu.memory_space<vmem>>) dst(%dma_wait3A_125 : memref<128x64xf32, #tpu.memory_space<hbm>>)
      tpu.yield
    }) : () -> ()
    %add3A_115 = arith.constant 512 : i32
    %add3A_116 = arith.addi %mul3A_0, %add3A_115 : i32
    "tpu.region"() ({
      %run_scoped3A = tpu.sem_alloc : memref<!tpu.dma_semaphore, #tpu.memory_space<semaphore_mem>>
      %dma_start3A = arith.constant 0 : i32
      %dma_start3A_124 = tpu.memref_slice %arg7[%add3A_116, %dma_start3A] : memref<10240x64xf32, #tpu.memory_space<vmem_shared>> -> memref<128x64xf32, #tpu.memory_space<vmem_shared>>
      %dma_start3A_125 = arith.constant 0 : i32
      %dma_start3A_126 = tpu.memref_slice %arg7[%add3A_116, %dma_start3A_125] : memref<10240x64xf32, #tpu.memory_space<vmem_shared>> -> memref<128x64xf32, #tpu.memory_space<vmem_shared>>
      tpu.enqueue_dma source(%arg12 : memref<128x64xf32, #tpu.memory_space<vmem>>) target(%dma_start3A_126 : memref<128x64xf32, #tpu.memory_space<vmem_shared>>) target_semaphore(%run_scoped3A : memref<!tpu.dma_semaphore, #tpu.memory_space<semaphore_mem>>)
      %dma_wait3A = arith.constant 0 : i32
      %dma_wait3A_127 = tpu.memref_slice %arg7[%add3A_116, %dma_wait3A] : memref<10240x64xf32, #tpu.memory_space<vmem_shared>> -> memref<128x64xf32, #tpu.memory_space<vmem_shared>>
      %dma_wait3A_128 = arith.constant 0 : i32
      %dma_wait3A_129 = tpu.memref_slice %arg7[%add3A_116, %dma_wait3A_128] : memref<10240x64xf32, #tpu.memory_space<vmem_shared>> -> memref<128x64xf32, #tpu.memory_space<vmem_shared>>
      tpu.wait_dma2 semaphore(%run_scoped3A : memref<!tpu.dma_semaphore, #tpu.memory_space<semaphore_mem>>) src(%arg12 : memref<128x64xf32, #tpu.memory_space<vmem>>) dst(%dma_wait3A_129 : memref<128x64xf32, #tpu.memory_space<vmem_shared>>)
      tpu.yield
    }) : () -> ()
    %barrier3A_117 = arith.constant 0 : index
    tpu.barrier barrier_id(%barrier3A_117)
    %scan3A_118 = arith.constant 0 : i32
    %scan3A_119 = arith.constant 0 : i32
    %scan3A_120 = arith.constant 10 : i32
    %scan3A_121 = arith.addi %scan3A_119, %scan3A_120 : i32
    %scan3A_122 = arith.constant 1 : i32
    scf.for %scan3A_124 = %scan3A_119 to %scan3A_121 step %scan3A_122  : i32 {
      %add3A_125 = arith.constant 1 : i32
      %add3A_126 = arith.addi %scan3A_124, %add3A_125 : i32
      %get3A_127 = arith.index_cast %add3A_126 : i32 to index
      %get3A_128 = tpu.vector_load %arg15[%get3A_127] {strides = array<i32>} : memref<32xf32, #tpu.memory_space<vmem>>, vector<16xf32>,
      %slice3A_129 = vector.extract_strided_slice %get3A_128 {offsets = [0], sizes = [1], strides = [1]} : vector<16xf32> to vector<1xf32>
      %squeeze3A_130 = vector.extract %slice3A_129[0] : f32 from vector<1xf32>
      %get3A_131 = arith.constant 0 : i32
      %get3A_132 = arith.index_cast %get3A_131 : i32 to index
      %get3A_133 = arith.constant 0 : index
      %get3A_134 = tpu.vector_load %arg9[%get3A_132, %get3A_133] {strides = array<i32>} : memref<162x128xi32, #tpu.memory_space<vmem>>, vector<16xi32>,
      %and3A = arith.andi %get3A_134, %broadcast_in_dim3A_33 : vector<16xi32>
      %swap3A_135 = arith.constant 0 : index
      %swap3A_136 = tpu.vector_load %arg16[%swap3A_135] {strides = array<i32>} : memref<128xi32, #tpu.memory_space<vmem>>, vector<16xi32>,
      tpu.vector_store %arg16[%swap3A_135], %and3A {strides = array<i32>} : memref<128xi32, #tpu.memory_space<vmem>>, vector<16xi32>,
      %get3A_137 = arith.constant 0 : i32
      %get3A_138 = arith.index_cast %get3A_137 : i32 to index
      %get3A_139 = arith.constant 16 : index
      %get3A_140 = tpu.vector_load %arg9[%get3A_138, %get3A_139] {strides = array<i32>} : memref<162x128xi32, #tpu.memory_space<vmem>>, vector<16xi32>,
      %and3A_141 = arith.andi %get3A_140, %broadcast_in_dim3A_33 : vector<16xi32>
      %swap3A_142 = arith.constant 16 : index
      %swap3A_143 = tpu.vector_load %arg16[%swap3A_142] {strides = array<i32>} : memref<128xi32, #tpu.memory_space<vmem>>, vector<16xi32>,
      tpu.vector_store %arg16[%swap3A_142], %and3A_141 {strides = array<i32>} : memref<128xi32, #tpu.memory_space<vmem>>, vector<16xi32>,
      %get3A_144 = arith.constant 0 : i32
      %get3A_145 = arith.index_cast %get3A_144 : i32 to index
      %get3A_146 = arith.constant 32 : index
      %get3A_147 = tpu.vector_load %arg9[%get3A_145, %get3A_146] {strides = array<i32>} : memref<162x128xi32, #tpu.memory_space<vmem>>, vector<16xi32>,
      %and3A_148 = arith.andi %get3A_147, %broadcast_in_dim3A_33 : vector<16xi32>
      %swap3A_149 = arith.constant 32 : index
      %swap3A_150 = tpu.vector_load %arg16[%swap3A_149] {strides = array<i32>} : memref<128xi32, #tpu.memory_space<vmem>>, vector<16xi32>,
      tpu.vector_store %arg16[%swap3A_149], %and3A_148 {strides = array<i32>} : memref<128xi32, #tpu.memory_space<vmem>>, vector<16xi32>,
      %get3A_151 = arith.constant 0 : i32
      %get3A_152 = arith.index_cast %get3A_151 : i32 to index
      %get3A_153 = arith.constant 48 : index
      %get3A_154 = tpu.vector_load %arg9[%get3A_152, %get3A_153] {strides = array<i32>} : memref<162x128xi32, #tpu.memory_space<vmem>>, vector<16xi32>,
      %and3A_155 = arith.andi %get3A_154, %broadcast_in_dim3A_33 : vector<16xi32>
      %swap3A_156 = arith.constant 48 : index
      %swap3A_157 = tpu.vector_load %arg16[%swap3A_156] {strides = array<i32>} : memref<128xi32, #tpu.memory_space<vmem>>, vector<16xi32>,
      tpu.vector_store %arg16[%swap3A_156], %and3A_155 {strides = array<i32>} : memref<128xi32, #tpu.memory_space<vmem>>, vector<16xi32>,
      %get3A_158 = arith.constant 0 : i32
      %get3A_159 = arith.index_cast %get3A_158 : i32 to index
      %get3A_160 = arith.constant 64 : index
      %get3A_161 = tpu.vector_load %arg9[%get3A_159, %get3A_160] {strides = array<i32>} : memref<162x128xi32, #tpu.memory_space<vmem>>, vector<16xi32>,
      %and3A_162 = arith.andi %get3A_161, %broadcast_in_dim3A_33 : vector<16xi32>
      %swap3A_163 = arith.constant 64 : index
      %swap3A_164 = tpu.vector_load %arg16[%swap3A_163] {strides = array<i32>} : memref<128xi32, #tpu.memory_space<vmem>>, vector<16xi32>,
      tpu.vector_store %arg16[%swap3A_163], %and3A_162 {strides = array<i32>} : memref<128xi32, #tpu.memory_space<vmem>>, vector<16xi32>,
      %get3A_165 = arith.constant 0 : i32
      %get3A_166 = arith.index_cast %get3A_165 : i32 to index
      %get3A_167 = arith.constant 80 : index
      %get3A_168 = tpu.vector_load %arg9[%get3A_166, %get3A_167] {strides = array<i32>} : memref<162x128xi32, #tpu.memory_space<vmem>>, vector<16xi32>,
      %and3A_169 = arith.andi %get3A_168, %broadcast_in_dim3A_33 : vector<16xi32>
      %swap3A_170 = arith.constant 80 : index
      %swap3A_171 = tpu.vector_load %arg16[%swap3A_170] {strides = array<i32>} : memref<128xi32, #tpu.memory_space<vmem>>, vector<16xi32>,
      tpu.vector_store %arg16[%swap3A_170], %and3A_169 {strides = array<i32>} : memref<128xi32, #tpu.memory_space<vmem>>, vector<16xi32>,
      %get3A_172 = arith.constant 0 : i32
      %get3A_173 = arith.index_cast %get3A_172 : i32 to index
      %get3A_174 = arith.constant 96 : index
      %get3A_175 = tpu.vector_load %arg9[%get3A_173, %get3A_174] {strides = array<i32>} : memref<162x128xi32, #tpu.memory_space<vmem>>, vector<16xi32>,
      %and3A_176 = arith.andi %get3A_175, %broadcast_in_dim3A_33 : vector<16xi32>
      %swap3A_177 = arith.constant 96 : index
      %swap3A_178 = tpu.vector_load %arg16[%swap3A_177] {strides = array<i32>} : memref<128xi32, #tpu.memory_space<vmem>>, vector<16xi32>,
      tpu.vector_store %arg16[%swap3A_177], %and3A_176 {strides = array<i32>} : memref<128xi32, #tpu.memory_space<vmem>>, vector<16xi32>,
      %get3A_179 = arith.constant 0 : i32
      %get3A_180 = arith.index_cast %get3A_179 : i32 to index
      %get3A_181 = arith.constant 112 : index
      %get3A_182 = tpu.vector_load %arg9[%get3A_180, %get3A_181] {strides = array<i32>} : memref<162x128xi32, #tpu.memory_space<vmem>>, vector<16xi32>,
      %and3A_183 = arith.andi %get3A_182, %broadcast_in_dim3A_33 : vector<16xi32>
      %swap3A_184 = arith.constant 112 : index
      %swap3A_185 = tpu.vector_load %arg16[%swap3A_184] {strides = array<i32>} : memref<128xi32, #tpu.memory_space<vmem>>, vector<16xi32>,
      tpu.vector_store %arg16[%swap3A_184], %and3A_183 {strides = array<i32>} : memref<128xi32, #tpu.memory_space<vmem>>, vector<16xi32>,
      %dma_start3A = arith.constant 0 : i32
      %dma_start3A_186 = arith.constant 0 : i32
      %dma_start3A_187 = tpu.memref_slice %arg6[%dma_start3A, %dma_start3A_186] : memref<10240x64xf32, #tpu.memory_space<vmem_shared>> -> memref<10240x64xf32, #tpu.memory_space<vmem_shared>>
      tpu.enqueue_indirect_dma source(%dma_start3A_187 : memref<10240x64xf32, #tpu.memory_space<vmem_shared>>) target(%arg10 : memref<128x64xf32, #tpu.memory_space<vmem>>) offsets(%arg16 : memref<128xi32, #tpu.memory_space<vmem>>) semaphore(%arg19 : memref<!tpu.dma_semaphore, #tpu.memory_space<semaphore_mem>>)
      %scan3A_188 = arith.constant 0 : i32
      %scan3A_189 = arith.constant 0 : i32
      %scan3A_190 = arith.constant 81 : i32
      %scan3A_191 = arith.addi %scan3A_189, %scan3A_190 : i32
      %scan3A_192 = arith.constant 1 : i32
      scf.for %scan3A_276 = %scan3A_189 to %scan3A_191 step %scan3A_192  : i32 {
        %mul3A_277 = arith.constant 2 : i32
        %mul3A_278 = arith.muli %mul3A_277, %scan3A_276 : i32
        %add3A_279 = arith.constant 1 : i32
        %add3A_280 = arith.addi %mul3A_278, %add3A_279 : i32
        %get3A_281 = arith.index_cast %add3A_280 : i32 to index
        %get3A_282 = arith.constant 0 : index
        %get3A_283 = tpu.vector_load %arg9[%get3A_281, %get3A_282] {strides = array<i32>} : memref<162x128xi32, #tpu.memory_space<vmem>>, vector<16xi32>,
        %and3A_284 = arith.andi %get3A_283, %broadcast_in_dim3A_33 : vector<16xi32>
        %swap3A_285 = arith.constant 0 : index
        %swap3A_286 = tpu.vector_load %arg17[%swap3A_285] {strides = array<i32>} : memref<128xi32, #tpu.memory_space<vmem>>, vector<16xi32>,
        tpu.vector_store %arg17[%swap3A_285], %and3A_284 {strides = array<i32>} : memref<128xi32, #tpu.memory_space<vmem>>, vector<16xi32>,
        %get3A_287 = arith.index_cast %add3A_280 : i32 to index
        %get3A_288 = arith.constant 16 : index
        %get3A_289 = tpu.vector_load %arg9[%get3A_287, %get3A_288] {strides = array<i32>} : memref<162x128xi32, #tpu.memory_space<vmem>>, vector<16xi32>,
        %and3A_290 = arith.andi %get3A_289, %broadcast_in_dim3A_33 : vector<16xi32>
        %swap3A_291 = arith.constant 16 : index
        %swap3A_292 = tpu.vector_load %arg17[%swap3A_291] {strides = array<i32>} : memref<128xi32, #tpu.memory_space<vmem>>, vector<16xi32>,
        tpu.vector_store %arg17[%swap3A_291], %and3A_290 {strides = array<i32>} : memref<128xi32, #tpu.memory_space<vmem>>, vector<16xi32>,
        %get3A_293 = arith.index_cast %add3A_280 : i32 to index
        %get3A_294 = arith.constant 32 : index
        %get3A_295 = tpu.vector_load %arg9[%get3A_293, %get3A_294] {strides = array<i32>} : memref<162x128xi32, #tpu.memory_space<vmem>>, vector<16xi32>,
        %and3A_296 = arith.andi %get3A_295, %broadcast_in_dim3A_33 : vector<16xi32>
        %swap3A_297 = arith.constant 32 : index
        %swap3A_298 = tpu.vector_load %arg17[%swap3A_297] {strides = array<i32>} : memref<128xi32, #tpu.memory_space<vmem>>, vector<16xi32>,
        tpu.vector_store %arg17[%swap3A_297], %and3A_296 {strides = array<i32>} : memref<128xi32, #tpu.memory_space<vmem>>, vector<16xi32>,
        %get3A_299 = arith.index_cast %add3A_280 : i32 to index
        %get3A_300 = arith.constant 48 : index
        %get3A_301 = tpu.vector_load %arg9[%get3A_299, %get3A_300] {strides = array<i32>} : memref<162x128xi32, #tpu.memory_space<vmem>>, vector<16xi32>,
        %and3A_302 = arith.andi %get3A_301, %broadcast_in_dim3A_33 : vector<16xi32>
        %swap3A_303 = arith.constant 48 : index
        %swap3A_304 = tpu.vector_load %arg17[%swap3A_303] {strides = array<i32>} : memref<128xi32, #tpu.memory_space<vmem>>, vector<16xi32>,
        tpu.vector_store %arg17[%swap3A_303], %and3A_302 {strides = array<i32>} : memref<128xi32, #tpu.memory_space<vmem>>, vector<16xi32>,
        %get3A_305 = arith.index_cast %add3A_280 : i32 to index
        %get3A_306 = arith.constant 64 : index
        %get3A_307 = tpu.vector_load %arg9[%get3A_305, %get3A_306] {strides = array<i32>} : memref<162x128xi32, #tpu.memory_space<vmem>>, vector<16xi32>,
        %and3A_308 = arith.andi %get3A_307, %broadcast_in_dim3A_33 : vector<16xi32>
        %swap3A_309 = arith.constant 64 : index
        %swap3A_310 = tpu.vector_load %arg17[%swap3A_309] {strides = array<i32>} : memref<128xi32, #tpu.memory_space<vmem>>, vector<16xi32>,
        tpu.vector_store %arg17[%swap3A_309], %and3A_308 {strides = array<i32>} : memref<128xi32, #tpu.memory_space<vmem>>, vector<16xi32>,
        %get3A_311 = arith.index_cast %add3A_280 : i32 to index
        %get3A_312 = arith.constant 80 : index
        %get3A_313 = tpu.vector_load %arg9[%get3A_311, %get3A_312] {strides = array<i32>} : memref<162x128xi32, #tpu.memory_space<vmem>>, vector<16xi32>,
        %and3A_314 = arith.andi %get3A_313, %broadcast_in_dim3A_33 : vector<16xi32>
        %swap3A_315 = arith.constant 80 : index
        %swap3A_316 = tpu.vector_load %arg17[%swap3A_315] {strides = array<i32>} : memref<128xi32, #tpu.memory_space<vmem>>, vector<16xi32>,
        tpu.vector_store %arg17[%swap3A_315], %and3A_314 {strides = array<i32>} : memref<128xi32, #tpu.memory_space<vmem>>, vector<16xi32>,
        %get3A_317 = arith.index_cast %add3A_280 : i32 to index
        %get3A_318 = arith.constant 96 : index
        %get3A_319 = tpu.vector_load %arg9[%get3A_317, %get3A_318] {strides = array<i32>} : memref<162x128xi32, #tpu.memory_space<vmem>>, vector<16xi32>,
        %and3A_320 = arith.andi %get3A_319, %broadcast_in_dim3A_33 : vector<16xi32>
        %swap3A_321 = arith.constant 96 : index
        %swap3A_322 = tpu.vector_load %arg17[%swap3A_321] {strides = array<i32>} : memref<128xi32, #tpu.memory_space<vmem>>, vector<16xi32>,
        tpu.vector_store %arg17[%swap3A_321], %and3A_320 {strides = array<i32>} : memref<128xi32, #tpu.memory_space<vmem>>, vector<16xi32>,
        %get3A_323 = arith.index_cast %add3A_280 : i32 to index
        %get3A_324 = arith.constant 112 : index
        %get3A_325 = tpu.vector_load %arg9[%get3A_323, %get3A_324] {strides = array<i32>} : memref<162x128xi32, #tpu.memory_space<vmem>>, vector<16xi32>,
        %and3A_326 = arith.andi %get3A_325, %broadcast_in_dim3A_33 : vector<16xi32>
        %swap3A_327 = arith.constant 112 : index
        %swap3A_328 = tpu.vector_load %arg17[%swap3A_327] {strides = array<i32>} : memref<128xi32, #tpu.memory_space<vmem>>, vector<16xi32>,
        tpu.vector_store %arg17[%swap3A_327], %and3A_326 {strides = array<i32>} : memref<128xi32, #tpu.memory_space<vmem>>, vector<16xi32>,
        %dma_start3A_329 = arith.constant 0 : i32
        %dma_start3A_330 = arith.constant 0 : i32
        %dma_start3A_331 = tpu.memref_slice %arg6[%dma_start3A_329, %dma_start3A_330] : memref<10240x64xf32, #tpu.memory_space<vmem_shared>> -> memref<10240x64xf32, #tpu.memory_space<vmem_shared>>
        tpu.enqueue_indirect_dma source(%dma_start3A_331 : memref<10240x64xf32, #tpu.memory_space<vmem_shared>>) target(%arg11 : memref<128x64xf32, #tpu.memory_space<vmem>>) offsets(%arg17 : memref<128xi32, #tpu.memory_space<vmem>>) semaphore(%arg20 : memref<!tpu.dma_semaphore, #tpu.memory_space<semaphore_mem>>)
        %dma_wait3A = arith.constant 0 : i32
        %dma_wait3A_332 = arith.constant 0 : i32
        %dma_wait3A_333 = tpu.memref_slice %arg6[%dma_wait3A, %dma_wait3A_332] : memref<10240x64xf32, #tpu.memory_space<vmem_shared>> -> memref<128x64xf32, #tpu.memory_space<vmem_shared>>
        %dma_wait3A_334 = arith.constant 0 : i32
        %dma_wait3A_335 = arith.constant 0 : i32
        %dma_wait3A_336 = tpu.memref_slice %arg6[%dma_wait3A_334, %dma_wait3A_335] : memref<10240x64xf32, #tpu.memory_space<vmem_shared>> -> memref<128x64xf32, #tpu.memory_space<vmem_shared>>
        tpu.wait_dma2 semaphore(%arg19 : memref<!tpu.dma_semaphore, #tpu.memory_space<semaphore_mem>>) src(%dma_wait3A_336 : memref<128x64xf32, #tpu.memory_space<vmem_shared>>) dst(%arg10 : memref<128x64xf32, #tpu.memory_space<vmem>>)
        %get3A_337 = arith.index_cast %mul3A_278 : i32 to index
        %get3A_338 = arith.constant 0 : index
        %get3A_339 = tpu.vector_load %arg9[%get3A_337, %get3A_338] {strides = array<i32>} : memref<162x128xi32, #tpu.memory_space<vmem>>, vector<16xi32>,
        %shift_right_logical3A = arith.constant 14 : i32
        %shift_right_logical3A_340 = vector.broadcast %shift_right_logical3A : i32 to vector<16xi32>
        %shift_right_logical3A_341 = arith.shrui %get3A_339, %shift_right_logical3A_340 : vector<16xi32>
        %swap3A_342 = arith.constant 0 : index
        %swap3A_343 = tpu.vector_load %arg18[%swap3A_342] {strides = array<i32>} : memref<128xi32, #tpu.memory_space<vmem>>, vector<16xi32>,
        tpu.vector_store %arg18[%swap3A_342], %shift_right_logical3A_341 {strides = array<i32>} : memref<128xi32, #tpu.memory_space<vmem>>, vector<16xi32>,
        %get3A_344 = arith.index_cast %mul3A_278 : i32 to index
        %get3A_345 = arith.constant 16 : index
        %get3A_346 = tpu.vector_load %arg9[%get3A_344, %get3A_345] {strides = array<i32>} : memref<162x128xi32, #tpu.memory_space<vmem>>, vector<16xi32>,
        %shift_right_logical3A_347 = arith.constant 14 : i32
        %shift_right_logical3A_348 = vector.broadcast %shift_right_logical3A_347 : i32 to vector<16xi32>
        %shift_right_logical3A_349 = arith.shrui %get3A_346, %shift_right_logical3A_348 : vector<16xi32>
        %swap3A_350 = arith.constant 16 : index
        %swap3A_351 = tpu.vector_load %arg18[%swap3A_350] {strides = array<i32>} : memref<128xi32, #tpu.memory_space<vmem>>, vector<16xi32>,
        tpu.vector_store %arg18[%swap3A_350], %shift_right_logical3A_349 {strides = array<i32>} : memref<128xi32, #tpu.memory_space<vmem>>, vector<16xi32>,
        %get3A_352 = arith.index_cast %mul3A_278 : i32 to index
        %get3A_353 = arith.constant 32 : index
        %get3A_354 = tpu.vector_load %arg9[%get3A_352, %get3A_353] {strides = array<i32>} : memref<162x128xi32, #tpu.memory_space<vmem>>, vector<16xi32>,
        %shift_right_logical3A_355 = arith.constant 14 : i32
        %shift_right_logical3A_356 = vector.broadcast %shift_right_logical3A_355 : i32 to vector<16xi32>
        %shift_right_logical3A_357 = arith.shrui %get3A_354, %shift_right_logical3A_356 : vector<16xi32>
        %swap3A_358 = arith.constant 32 : index
        %swap3A_359 = tpu.vector_load %arg18[%swap3A_358] {strides = array<i32>} : memref<128xi32, #tpu.memory_space<vmem>>, vector<16xi32>,
        tpu.vector_store %arg18[%swap3A_358], %shift_right_logical3A_357 {strides = array<i32>} : memref<128xi32, #tpu.memory_space<vmem>>, vector<16xi32>,
        %get3A_360 = arith.index_cast %mul3A_278 : i32 to index
        %get3A_361 = arith.constant 48 : index
        %get3A_362 = tpu.vector_load %arg9[%get3A_360, %get3A_361] {strides = array<i32>} : memref<162x128xi32, #tpu.memory_space<vmem>>, vector<16xi32>,
        %shift_right_logical3A_363 = arith.constant 14 : i32
        %shift_right_logical3A_364 = vector.broadcast %shift_right_logical3A_363 : i32 to vector<16xi32>
        %shift_right_logical3A_365 = arith.shrui %get3A_362, %shift_right_logical3A_364 : vector<16xi32>
        %swap3A_366 = arith.constant 48 : index
        %swap3A_367 = tpu.vector_load %arg18[%swap3A_366] {strides = array<i32>} : memref<128xi32, #tpu.memory_space<vmem>>, vector<16xi32>,
        tpu.vector_store %arg18[%swap3A_366], %shift_right_logical3A_365 {strides = array<i32>} : memref<128xi32, #tpu.memory_space<vmem>>, vector<16xi32>,
        %get3A_368 = arith.index_cast %mul3A_278 : i32 to index
        %get3A_369 = arith.constant 64 : index
        %get3A_370 = tpu.vector_load %arg9[%get3A_368, %get3A_369] {strides = array<i32>} : memref<162x128xi32, #tpu.memory_space<vmem>>, vector<16xi32>,
        %shift_right_logical3A_371 = arith.constant 14 : i32
        %shift_right_logical3A_372 = vector.broadcast %shift_right_logical3A_371 : i32 to vector<16xi32>
        %shift_right_logical3A_373 = arith.shrui %get3A_370, %shift_right_logical3A_372 : vector<16xi32>
        %swap3A_374 = arith.constant 64 : index
        %swap3A_375 = tpu.vector_load %arg18[%swap3A_374] {strides = array<i32>} : memref<128xi32, #tpu.memory_space<vmem>>, vector<16xi32>,
        tpu.vector_store %arg18[%swap3A_374], %shift_right_logical3A_373 {strides = array<i32>} : memref<128xi32, #tpu.memory_space<vmem>>, vector<16xi32>,
        %get3A_376 = arith.index_cast %mul3A_278 : i32 to index
        %get3A_377 = arith.constant 80 : index
        %get3A_378 = tpu.vector_load %arg9[%get3A_376, %get3A_377] {strides = array<i32>} : memref<162x128xi32, #tpu.memory_space<vmem>>, vector<16xi32>,
        %shift_right_logical3A_379 = arith.constant 14 : i32
        %shift_right_logical3A_380 = vector.broadcast %shift_right_logical3A_379 : i32 to vector<16xi32>
        %shift_right_logical3A_381 = arith.shrui %get3A_378, %shift_right_logical3A_380 : vector<16xi32>
        %swap3A_382 = arith.constant 80 : index
        %swap3A_383 = tpu.vector_load %arg18[%swap3A_382] {strides = array<i32>} : memref<128xi32, #tpu.memory_space<vmem>>, vector<16xi32>,
        tpu.vector_store %arg18[%swap3A_382], %shift_right_logical3A_381 {strides = array<i32>} : memref<128xi32, #tpu.memory_space<vmem>>, vector<16xi32>,
        %get3A_384 = arith.index_cast %mul3A_278 : i32 to index
        %get3A_385 = arith.constant 96 : index
        %get3A_386 = tpu.vector_load %arg9[%get3A_384, %get3A_385] {strides = array<i32>} : memref<162x128xi32, #tpu.memory_space<vmem>>, vector<16xi32>,
        %shift_right_logical3A_387 = arith.constant 14 : i32
        %shift_right_logical3A_388 = vector.broadcast %shift_right_logical3A_387 : i32 to vector<16xi32>
        %shift_right_logical3A_389 = arith.shrui %get3A_386, %shift_right_logical3A_388 : vector<16xi32>
        %swap3A_390 = arith.constant 96 : index
        %swap3A_391 = tpu.vector_load %arg18[%swap3A_390] {strides = array<i32>} : memref<128xi32, #tpu.memory_space<vmem>>, vector<16xi32>,
        tpu.vector_store %arg18[%swap3A_390], %shift_right_logical3A_389 {strides = array<i32>} : memref<128xi32, #tpu.memory_space<vmem>>, vector<16xi32>,
        %get3A_392 = arith.index_cast %mul3A_278 : i32 to index
        %get3A_393 = arith.constant 112 : index
        %get3A_394 = tpu.vector_load %arg9[%get3A_392, %get3A_393] {strides = array<i32>} : memref<162x128xi32, #tpu.memory_space<vmem>>, vector<16xi32>,
        %shift_right_logical3A_395 = arith.constant 14 : i32
        %shift_right_logical3A_396 = vector.broadcast %shift_right_logical3A_395 : i32 to vector<16xi32>
        %shift_right_logical3A_397 = arith.shrui %get3A_394, %shift_right_logical3A_396 : vector<16xi32>
        %swap3A_398 = arith.constant 112 : index
        %swap3A_399 = tpu.vector_load %arg18[%swap3A_398] {strides = array<i32>} : memref<128xi32, #tpu.memory_space<vmem>>, vector<16xi32>,
        tpu.vector_store %arg18[%swap3A_398], %shift_right_logical3A_397 {strides = array<i32>} : memref<128xi32, #tpu.memory_space<vmem>>, vector<16xi32>,
        "tpu.region"() ({
          %run_scoped3A = tpu.sem_alloc : memref<!tpu.dma_semaphore, #tpu.memory_space<semaphore_mem>>
          %dma_start3A_474 = arith.constant 0 : i32
          %dma_start3A_475 = arith.constant 0 : i32
          %dma_start3A_476 = tpu.memref_slice %arg7[%dma_start3A_474, %dma_start3A_475] : memref<10240x64xf32, #tpu.memory_space<vmem_shared>> -> memref<10240x64xf32, #tpu.memory_space<vmem_shared>>
          tpu.enqueue_indirect_dma source(%arg10 : memref<128x64xf32, #tpu.memory_space<vmem>>) target(%dma_start3A_476 : memref<10240x64xf32, #tpu.memory_space<vmem_shared>>) offsets(%arg18 : memref<128xi32, #tpu.memory_space<vmem>>) semaphore(%run_scoped3A : memref<!tpu.dma_semaphore, #tpu.memory_space<semaphore_mem>>) {add = true}
          %dma_wait3A_477 = arith.constant 0 : i32
          %dma_wait3A_478 = arith.constant 0 : i32
          %dma_wait3A_479 = tpu.memref_slice %arg7[%dma_wait3A_477, %dma_wait3A_478] : memref<10240x64xf32, #tpu.memory_space<vmem_shared>> -> memref<10240x64xf32, #tpu.memory_space<vmem_shared>>
          tpu.wait_indirect_dma semaphore(%run_scoped3A : memref<!tpu.dma_semaphore, #tpu.memory_space<semaphore_mem>>) src(%arg10 : memref<128x64xf32, #tpu.memory_space<vmem>>) dst(%dma_wait3A_479 : memref<10240x64xf32, #tpu.memory_space<vmem_shared>>)
          tpu.yield
        }) : () -> ()
        %lt3A = arith.constant 80 : i32
        %lt3A_400 = arith.cmpi slt, %scan3A_276, %lt3A : i32
        %convert_element_type3A = arith.extui %lt3A_400 : i1 to i32
        %cond3A = arith.constant 0 : i32
        %cond3A_401 = arith.cmpi ne, %convert_element_type3A, %cond3A : i32
        scf.if %cond3A_401 {
          %add3A_474 = arith.constant 2 : i32
          %add3A_475 = arith.addi %mul3A_278, %add3A_474 : i32
          %get3A_476 = arith.index_cast %add3A_475 : i32 to index
          %get3A_477 = arith.constant 0 : index
          %get3A_478 = tpu.vector_load %arg9[%get3A_476, %get3A_477] {strides = array<i32>} : memref<162x128xi32, #tpu.memory_space<vmem>>, vector<16xi32>,
          %and3A_479 = arith.andi %get3A_478, %broadcast_in_dim3A_33 : vector<16xi32>
          %swap3A_480 = arith.constant 0 : index
          %swap3A_481 = tpu.vector_load %arg16[%swap3A_480] {strides = array<i32>} : memref<128xi32, #tpu.memory_space<vmem>>, vector<16xi32>,
          tpu.vector_store %arg16[%swap3A_480], %and3A_479 {strides = array<i32>} : memref<128xi32, #tpu.memory_space<vmem>>, vector<16xi32>,
          %get3A_482 = arith.index_cast %add3A_475 : i32 to index
          %get3A_483 = arith.constant 16 : index
          %get3A_484 = tpu.vector_load %arg9[%get3A_482, %get3A_483] {strides = array<i32>} : memref<162x128xi32, #tpu.memory_space<vmem>>, vector<16xi32>,
          %and3A_485 = arith.andi %get3A_484, %broadcast_in_dim3A_33 : vector<16xi32>
          %swap3A_486 = arith.constant 16 : index
          %swap3A_487 = tpu.vector_load %arg16[%swap3A_486] {strides = array<i32>} : memref<128xi32, #tpu.memory_space<vmem>>, vector<16xi32>,
          tpu.vector_store %arg16[%swap3A_486], %and3A_485 {strides = array<i32>} : memref<128xi32, #tpu.memory_space<vmem>>, vector<16xi32>,
          %get3A_488 = arith.index_cast %add3A_475 : i32 to index
          %get3A_489 = arith.constant 32 : index
          %get3A_490 = tpu.vector_load %arg9[%get3A_488, %get3A_489] {strides = array<i32>} : memref<162x128xi32, #tpu.memory_space<vmem>>, vector<16xi32>,
          %and3A_491 = arith.andi %get3A_490, %broadcast_in_dim3A_33 : vector<16xi32>
          %swap3A_492 = arith.constant 32 : index
          %swap3A_493 = tpu.vector_load %arg16[%swap3A_492] {strides = array<i32>} : memref<128xi32, #tpu.memory_space<vmem>>, vector<16xi32>,
          tpu.vector_store %arg16[%swap3A_492], %and3A_491 {strides = array<i32>} : memref<128xi32, #tpu.memory_space<vmem>>, vector<16xi32>,
          %get3A_494 = arith.index_cast %add3A_475 : i32 to index
          %get3A_495 = arith.constant 48 : index
          %get3A_496 = tpu.vector_load %arg9[%get3A_494, %get3A_495] {strides = array<i32>} : memref<162x128xi32, #tpu.memory_space<vmem>>, vector<16xi32>,
          %and3A_497 = arith.andi %get3A_496, %broadcast_in_dim3A_33 : vector<16xi32>
          %swap3A_498 = arith.constant 48 : index
          %swap3A_499 = tpu.vector_load %arg16[%swap3A_498] {strides = array<i32>} : memref<128xi32, #tpu.memory_space<vmem>>, vector<16xi32>,
          tpu.vector_store %arg16[%swap3A_498], %and3A_497 {strides = array<i32>} : memref<128xi32, #tpu.memory_space<vmem>>, vector<16xi32>,
          %get3A_500 = arith.index_cast %add3A_475 : i32 to index
          %get3A_501 = arith.constant 64 : index
          %get3A_502 = tpu.vector_load %arg9[%get3A_500, %get3A_501] {strides = array<i32>} : memref<162x128xi32, #tpu.memory_space<vmem>>, vector<16xi32>,
          %and3A_503 = arith.andi %get3A_502, %broadcast_in_dim3A_33 : vector<16xi32>
          %swap3A_504 = arith.constant 64 : index
          %swap3A_505 = tpu.vector_load %arg16[%swap3A_504] {strides = array<i32>} : memref<128xi32, #tpu.memory_space<vmem>>, vector<16xi32>,
          tpu.vector_store %arg16[%swap3A_504], %and3A_503 {strides = array<i32>} : memref<128xi32, #tpu.memory_space<vmem>>, vector<16xi32>,
          %get3A_506 = arith.index_cast %add3A_475 : i32 to index
          %get3A_507 = arith.constant 80 : index
          %get3A_508 = tpu.vector_load %arg9[%get3A_506, %get3A_507] {strides = array<i32>} : memref<162x128xi32, #tpu.memory_space<vmem>>, vector<16xi32>,
          %and3A_509 = arith.andi %get3A_508, %broadcast_in_dim3A_33 : vector<16xi32>
          %swap3A_510 = arith.constant 80 : index
          %swap3A_511 = tpu.vector_load %arg16[%swap3A_510] {strides = array<i32>} : memref<128xi32, #tpu.memory_space<vmem>>, vector<16xi32>,
          tpu.vector_store %arg16[%swap3A_510], %and3A_509 {strides = array<i32>} : memref<128xi32, #tpu.memory_space<vmem>>, vector<16xi32>,
          %get3A_512 = arith.index_cast %add3A_475 : i32 to index
          %get3A_513 = arith.constant 96 : index
          %get3A_514 = tpu.vector_load %arg9[%get3A_512, %get3A_513] {strides = array<i32>} : memref<162x128xi32, #tpu.memory_space<vmem>>, vector<16xi32>,
          %and3A_515 = arith.andi %get3A_514, %broadcast_in_dim3A_33 : vector<16xi32>
          %swap3A_516 = arith.constant 96 : index
          %swap3A_517 = tpu.vector_load %arg16[%swap3A_516] {strides = array<i32>} : memref<128xi32, #tpu.memory_space<vmem>>, vector<16xi32>,
          tpu.vector_store %arg16[%swap3A_516], %and3A_515 {strides = array<i32>} : memref<128xi32, #tpu.memory_space<vmem>>, vector<16xi32>,
          %get3A_518 = arith.index_cast %add3A_475 : i32 to index
          %get3A_519 = arith.constant 112 : index
          %get3A_520 = tpu.vector_load %arg9[%get3A_518, %get3A_519] {strides = array<i32>} : memref<162x128xi32, #tpu.memory_space<vmem>>, vector<16xi32>,
          %and3A_521 = arith.andi %get3A_520, %broadcast_in_dim3A_33 : vector<16xi32>
          %swap3A_522 = arith.constant 112 : index
          %swap3A_523 = tpu.vector_load %arg16[%swap3A_522] {strides = array<i32>} : memref<128xi32, #tpu.memory_space<vmem>>, vector<16xi32>,
          tpu.vector_store %arg16[%swap3A_522], %and3A_521 {strides = array<i32>} : memref<128xi32, #tpu.memory_space<vmem>>, vector<16xi32>,
          %dma_start3A_524 = arith.constant 0 : i32
          %dma_start3A_525 = arith.constant 0 : i32
          %dma_start3A_526 = tpu.memref_slice %arg6[%dma_start3A_524, %dma_start3A_525] : memref<10240x64xf32, #tpu.memory_space<vmem_shared>> -> memref<10240x64xf32, #tpu.memory_space<vmem_shared>>
          tpu.enqueue_indirect_dma source(%dma_start3A_526 : memref<10240x64xf32, #tpu.memory_space<vmem_shared>>) target(%arg10 : memref<128x64xf32, #tpu.memory_space<vmem>>) offsets(%arg16 : memref<128xi32, #tpu.memory_space<vmem>>) semaphore(%arg19 : memref<!tpu.dma_semaphore, #tpu.memory_space<semaphore_mem>>)
        } else {
        }
        %dma_wait3A_402 = arith.constant 0 : i32
        %dma_wait3A_403 = arith.constant 0 : i32
        %dma_wait3A_404 = tpu.memref_slice %arg6[%dma_wait3A_402, %dma_wait3A_403] : memref<10240x64xf32, #tpu.memory_space<vmem_shared>> -> memref<128x64xf32, #tpu.memory_space<vmem_shared>>
        %dma_wait3A_405 = arith.constant 0 : i32
        %dma_wait3A_406 = arith.constant 0 : i32
        %dma_wait3A_407 = tpu.memref_slice %arg6[%dma_wait3A_405, %dma_wait3A_406] : memref<10240x64xf32, #tpu.memory_space<vmem_shared>> -> memref<128x64xf32, #tpu.memory_space<vmem_shared>>
        tpu.wait_dma2 semaphore(%arg20 : memref<!tpu.dma_semaphore, #tpu.memory_space<semaphore_mem>>) src(%dma_wait3A_407 : memref<128x64xf32, #tpu.memory_space<vmem_shared>>) dst(%arg11 : memref<128x64xf32, #tpu.memory_space<vmem>>)
        %add3A_408 = arith.constant 1 : i32
        %add3A_409 = arith.addi %mul3A_278, %add3A_408 : i32
        %get3A_410 = arith.index_cast %add3A_409 : i32 to index
        %get3A_411 = arith.constant 0 : index
        %get3A_412 = tpu.vector_load %arg9[%get3A_410, %get3A_411] {strides = array<i32>} : memref<162x128xi32, #tpu.memory_space<vmem>>, vector<16xi32>,
        %shift_right_logical3A_413 = arith.constant 14 : i32
        %shift_right_logical3A_414 = vector.broadcast %shift_right_logical3A_413 : i32 to vector<16xi32>
        %shift_right_logical3A_415 = arith.shrui %get3A_412, %shift_right_logical3A_414 : vector<16xi32>
        %swap3A_416 = arith.constant 0 : index
        %swap3A_417 = tpu.vector_load %arg18[%swap3A_416] {strides = array<i32>} : memref<128xi32, #tpu.memory_space<vmem>>, vector<16xi32>,
        tpu.vector_store %arg18[%swap3A_416], %shift_right_logical3A_415 {strides = array<i32>} : memref<128xi32, #tpu.memory_space<vmem>>, vector<16xi32>,
        %get3A_418 = arith.index_cast %add3A_409 : i32 to index
        %get3A_419 = arith.constant 16 : index
        %get3A_420 = tpu.vector_load %arg9[%get3A_418, %get3A_419] {strides = array<i32>} : memref<162x128xi32, #tpu.memory_space<vmem>>, vector<16xi32>,
        %shift_right_logical3A_421 = arith.constant 14 : i32
        %shift_right_logical3A_422 = vector.broadcast %shift_right_logical3A_421 : i32 to vector<16xi32>
        %shift_right_logical3A_423 = arith.shrui %get3A_420, %shift_right_logical3A_422 : vector<16xi32>
        %swap3A_424 = arith.constant 16 : index
        %swap3A_425 = tpu.vector_load %arg18[%swap3A_424] {strides = array<i32>} : memref<128xi32, #tpu.memory_space<vmem>>, vector<16xi32>,
        tpu.vector_store %arg18[%swap3A_424], %shift_right_logical3A_423 {strides = array<i32>} : memref<128xi32, #tpu.memory_space<vmem>>, vector<16xi32>,
        %get3A_426 = arith.index_cast %add3A_409 : i32 to index
        %get3A_427 = arith.constant 32 : index
        %get3A_428 = tpu.vector_load %arg9[%get3A_426, %get3A_427] {strides = array<i32>} : memref<162x128xi32, #tpu.memory_space<vmem>>, vector<16xi32>,
        %shift_right_logical3A_429 = arith.constant 14 : i32
        %shift_right_logical3A_430 = vector.broadcast %shift_right_logical3A_429 : i32 to vector<16xi32>
        %shift_right_logical3A_431 = arith.shrui %get3A_428, %shift_right_logical3A_430 : vector<16xi32>
        %swap3A_432 = arith.constant 32 : index
        %swap3A_433 = tpu.vector_load %arg18[%swap3A_432] {strides = array<i32>} : memref<128xi32, #tpu.memory_space<vmem>>, vector<16xi32>,
        tpu.vector_store %arg18[%swap3A_432], %shift_right_logical3A_431 {strides = array<i32>} : memref<128xi32, #tpu.memory_space<vmem>>, vector<16xi32>,
        %get3A_434 = arith.index_cast %add3A_409 : i32 to index
        %get3A_435 = arith.constant 48 : index
        %get3A_436 = tpu.vector_load %arg9[%get3A_434, %get3A_435] {strides = array<i32>} : memref<162x128xi32, #tpu.memory_space<vmem>>, vector<16xi32>,
        %shift_right_logical3A_437 = arith.constant 14 : i32
        %shift_right_logical3A_438 = vector.broadcast %shift_right_logical3A_437 : i32 to vector<16xi32>
        %shift_right_logical3A_439 = arith.shrui %get3A_436, %shift_right_logical3A_438 : vector<16xi32>
        %swap3A_440 = arith.constant 48 : index
        %swap3A_441 = tpu.vector_load %arg18[%swap3A_440] {strides = array<i32>} : memref<128xi32, #tpu.memory_space<vmem>>, vector<16xi32>,
        tpu.vector_store %arg18[%swap3A_440], %shift_right_logical3A_439 {strides = array<i32>} : memref<128xi32, #tpu.memory_space<vmem>>, vector<16xi32>,
        %get3A_442 = arith.index_cast %add3A_409 : i32 to index
        %get3A_443 = arith.constant 64 : index
        %get3A_444 = tpu.vector_load %arg9[%get3A_442, %get3A_443] {strides = array<i32>} : memref<162x128xi32, #tpu.memory_space<vmem>>, vector<16xi32>,
        %shift_right_logical3A_445 = arith.constant 14 : i32
        %shift_right_logical3A_446 = vector.broadcast %shift_right_logical3A_445 : i32 to vector<16xi32>
        %shift_right_logical3A_447 = arith.shrui %get3A_444, %shift_right_logical3A_446 : vector<16xi32>
        %swap3A_448 = arith.constant 64 : index
        %swap3A_449 = tpu.vector_load %arg18[%swap3A_448] {strides = array<i32>} : memref<128xi32, #tpu.memory_space<vmem>>, vector<16xi32>,
        tpu.vector_store %arg18[%swap3A_448], %shift_right_logical3A_447 {strides = array<i32>} : memref<128xi32, #tpu.memory_space<vmem>>, vector<16xi32>,
        %get3A_450 = arith.index_cast %add3A_409 : i32 to index
        %get3A_451 = arith.constant 80 : index
        %get3A_452 = tpu.vector_load %arg9[%get3A_450, %get3A_451] {strides = array<i32>} : memref<162x128xi32, #tpu.memory_space<vmem>>, vector<16xi32>,
        %shift_right_logical3A_453 = arith.constant 14 : i32
        %shift_right_logical3A_454 = vector.broadcast %shift_right_logical3A_453 : i32 to vector<16xi32>
        %shift_right_logical3A_455 = arith.shrui %get3A_452, %shift_right_logical3A_454 : vector<16xi32>
        %swap3A_456 = arith.constant 80 : index
        %swap3A_457 = tpu.vector_load %arg18[%swap3A_456] {strides = array<i32>} : memref<128xi32, #tpu.memory_space<vmem>>, vector<16xi32>,
        tpu.vector_store %arg18[%swap3A_456], %shift_right_logical3A_455 {strides = array<i32>} : memref<128xi32, #tpu.memory_space<vmem>>, vector<16xi32>,
        %get3A_458 = arith.index_cast %add3A_409 : i32 to index
        %get3A_459 = arith.constant 96 : index
        %get3A_460 = tpu.vector_load %arg9[%get3A_458, %get3A_459] {strides = array<i32>} : memref<162x128xi32, #tpu.memory_space<vmem>>, vector<16xi32>,
        %shift_right_logical3A_461 = arith.constant 14 : i32
        %shift_right_logical3A_462 = vector.broadcast %shift_right_logical3A_461 : i32 to vector<16xi32>
        %shift_right_logical3A_463 = arith.shrui %get3A_460, %shift_right_logical3A_462 : vector<16xi32>
        %swap3A_464 = arith.constant 96 : index
        %swap3A_465 = tpu.vector_load %arg18[%swap3A_464] {strides = array<i32>} : memref<128xi32, #tpu.memory_space<vmem>>, vector<16xi32>,
        tpu.vector_store %arg18[%swap3A_464], %shift_right_logical3A_463 {strides = array<i32>} : memref<128xi32, #tpu.memory_space<vmem>>, vector<16xi32>,
        %get3A_466 = arith.index_cast %add3A_409 : i32 to index
        %get3A_467 = arith.constant 112 : index
        %get3A_468 = tpu.vector_load %arg9[%get3A_466, %get3A_467] {strides = array<i32>} : memref<162x128xi32, #tpu.memory_space<vmem>>, vector<16xi32>,
        %shift_right_logical3A_469 = arith.constant 14 : i32
        %shift_right_logical3A_470 = vector.broadcast %shift_right_logical3A_469 : i32 to vector<16xi32>
        %shift_right_logical3A_471 = arith.shrui %get3A_468, %shift_right_logical3A_470 : vector<16xi32>
        %swap3A_472 = arith.constant 112 : index
        %swap3A_473 = tpu.vector_load %arg18[%swap3A_472] {strides = array<i32>} : memref<128xi32, #tpu.memory_space<vmem>>, vector<16xi32>,
        tpu.vector_store %arg18[%swap3A_472], %shift_right_logical3A_471 {strides = array<i32>} : memref<128xi32, #tpu.memory_space<vmem>>, vector<16xi32>,
        "tpu.region"() ({
          %run_scoped3A = tpu.sem_alloc : memref<!tpu.dma_semaphore, #tpu.memory_space<semaphore_mem>>
          %dma_start3A_474 = arith.constant 0 : i32
          %dma_start3A_475 = arith.constant 0 : i32
          %dma_start3A_476 = tpu.memref_slice %arg7[%dma_start3A_474, %dma_start3A_475] : memref<10240x64xf32, #tpu.memory_space<vmem_shared>> -> memref<10240x64xf32, #tpu.memory_space<vmem_shared>>
          tpu.enqueue_indirect_dma source(%arg11 : memref<128x64xf32, #tpu.memory_space<vmem>>) target(%dma_start3A_476 : memref<10240x64xf32, #tpu.memory_space<vmem_shared>>) offsets(%arg18 : memref<128xi32, #tpu.memory_space<vmem>>) semaphore(%run_scoped3A : memref<!tpu.dma_semaphore, #tpu.memory_space<semaphore_mem>>) {add = true}
          %dma_wait3A_477 = arith.constant 0 : i32
          %dma_wait3A_478 = arith.constant 0 : i32
          %dma_wait3A_479 = tpu.memref_slice %arg7[%dma_wait3A_477, %dma_wait3A_478] : memref<10240x64xf32, #tpu.memory_space<vmem_shared>> -> memref<10240x64xf32, #tpu.memory_space<vmem_shared>>
          tpu.wait_indirect_dma semaphore(%run_scoped3A : memref<!tpu.dma_semaphore, #tpu.memory_space<semaphore_mem>>) src(%arg11 : memref<128x64xf32, #tpu.memory_space<vmem>>) dst(%dma_wait3A_479 : memref<10240x64xf32, #tpu.memory_space<vmem_shared>>)
          tpu.yield
        }) : () -> ()
      }
      %scan3A_193 = arith.constant 81 : i32
      %barrier3A_194 = arith.constant 0 : index
      tpu.barrier barrier_id(%barrier3A_194)
      %add3A_195 = arith.constant 0 : i32
      %add3A_196 = arith.addi %mul3A_0, %add3A_195 : i32
      "tpu.region"() ({
        %run_scoped3A = tpu.sem_alloc : memref<!tpu.dma_semaphore, #tpu.memory_space<semaphore_mem>>
        %dma_start3A_276 = arith.constant 0 : i32
        %dma_start3A_277 = tpu.memref_slice %arg7[%add3A_196, %dma_start3A_276] : memref<10240x64xf32, #tpu.memory_space<vmem_shared>> -> memref<128x64xf32, #tpu.memory_space<vmem_shared>>
        %dma_start3A_278 = arith.constant 0 : i32
        %dma_start3A_279 = tpu.memref_slice %arg7[%add3A_196, %dma_start3A_278] : memref<10240x64xf32, #tpu.memory_space<vmem_shared>> -> memref<128x64xf32, #tpu.memory_space<vmem_shared>>
        tpu.enqueue_dma source(%dma_start3A_279 : memref<128x64xf32, #tpu.memory_space<vmem_shared>>) target(%arg11 : memref<128x64xf32, #tpu.memory_space<vmem>>) target_semaphore(%run_scoped3A : memref<!tpu.dma_semaphore, #tpu.memory_space<semaphore_mem>>)
        %dma_wait3A = arith.constant 0 : i32
        %dma_wait3A_280 = tpu.memref_slice %arg7[%add3A_196, %dma_wait3A] : memref<10240x64xf32, #tpu.memory_space<vmem_shared>> -> memref<128x64xf32, #tpu.memory_space<vmem_shared>>
        %dma_wait3A_281 = arith.constant 0 : i32
        %dma_wait3A_282 = tpu.memref_slice %arg7[%add3A_196, %dma_wait3A_281] : memref<10240x64xf32, #tpu.memory_space<vmem_shared>> -> memref<128x64xf32, #tpu.memory_space<vmem_shared>>
        tpu.wait_dma2 semaphore(%run_scoped3A : memref<!tpu.dma_semaphore, #tpu.memory_space<semaphore_mem>>) src(%dma_wait3A_282 : memref<128x64xf32, #tpu.memory_space<vmem_shared>>) dst(%arg11 : memref<128x64xf32, #tpu.memory_space<vmem>>)
        tpu.yield
      }) : () -> ()
      %add3A_197 = arith.constant 0 : i32
      %add3A_198 = arith.addi %mul3A_0, %add3A_197 : i32
      "tpu.region"() ({
        %run_scoped3A = tpu.sem_alloc : memref<!tpu.dma_semaphore, #tpu.memory_space<semaphore_mem>>
        %dma_start3A_276 = tpu.memref_slice %arg5[%add3A_198, %mul3A_2] : memref<10240x128xf32, #tpu.memory_space<hbm>> -> memref<128x64xf32, #tpu.memory_space<hbm>>
        %dma_start3A_277 = tpu.memref_slice %arg5[%add3A_198, %mul3A_2] : memref<10240x128xf32, #tpu.memory_space<hbm>> -> memref<128x64xf32, #tpu.memory_space<hbm>>
        tpu.enqueue_dma source(%dma_start3A_277 : memref<128x64xf32, #tpu.memory_space<hbm>>) target(%arg10 : memref<128x64xf32, #tpu.memory_space<vmem>>) target_semaphore(%run_scoped3A : memref<!tpu.dma_semaphore, #tpu.memory_space<semaphore_mem>>)
        %dma_wait3A = tpu.memref_slice %arg5[%add3A_198, %mul3A_2] : memref<10240x128xf32, #tpu.memory_space<hbm>> -> memref<128x64xf32, #tpu.memory_space<hbm>>
        %dma_wait3A_278 = tpu.memref_slice %arg5[%add3A_198, %mul3A_2] : memref<10240x128xf32, #tpu.memory_space<hbm>> -> memref<128x64xf32, #tpu.memory_space<hbm>>
        tpu.wait_dma2 semaphore(%run_scoped3A : memref<!tpu.dma_semaphore, #tpu.memory_space<semaphore_mem>>) src(%dma_wait3A_278 : memref<128x64xf32, #tpu.memory_space<hbm>>) dst(%arg10 : memref<128x64xf32, #tpu.memory_space<vmem>>)
        tpu.yield
      }) : () -> ()
      %scan3A_199 = arith.constant 0 : i32
      %scan3A_200 = arith.constant 0 : i32
      %scan3A_201 = arith.constant 128 : i32
      %scan3A_202 = arith.addi %scan3A_200, %scan3A_201 : i32
      %scan3A_203 = arith.constant 1 : i32
      scf.for %scan3A_276 = %scan3A_200 to %scan3A_202 step %scan3A_203  : i32 {
        %add3A_277 = arith.constant 0 : i32
        %add3A_278 = arith.addi %add3A_277, %scan3A_276 : i32
        %get3A_279 = arith.index_cast %add3A_278 : i32 to index
        %get3A_280 = tpu.vector_load %arg13[%get3A_279] {strides = array<i32>} : memref<656xf32, #tpu.memory_space<vmem>>, vector<16xf32>,
        %slice3A_281 = vector.extract_strided_slice %get3A_280 {offsets = [0], sizes = [1], strides = [1]} : vector<16xf32> to vector<1xf32>
        %squeeze3A_282 = vector.extract %slice3A_281[0] : f32 from vector<1xf32>
        %get3A_283 = arith.index_cast %scan3A_276 : i32 to index
        %get3A_284 = arith.constant 0 : index
        %get3A_285 = tpu.vector_load %arg11[%get3A_283, %get3A_284] {strides = array<i32>} : memref<128x64xf32, #tpu.memory_space<vmem>>, vector<16xf32>,
        %mul3A_286 = vector.broadcast %squeeze3A_282 : f32 to vector<16xf32>
        %mul3A_287 = arith.mulf %mul3A_286, %get3A_285 : vector<16xf32>
        %get3A_288 = arith.index_cast %scan3A_276 : i32 to index
        %get3A_289 = arith.constant 0 : index
        %get3A_290 = tpu.vector_load %arg10[%get3A_288, %get3A_289] {strides = array<i32>} : memref<128x64xf32, #tpu.memory_space<vmem>>, vector<16xf32>,
        %mul3A_291 = vector.broadcast %squeeze3A_130 : f32 to vector<16xf32>
        %mul3A_292 = arith.mulf %mul3A_291, %mul3A_287 : vector<16xf32>
        %add3A_293 = arith.addf %get3A_290, %mul3A_292 : vector<16xf32>
        %swap3A_294 = arith.index_cast %scan3A_276 : i32 to index
        %swap3A_295 = arith.constant 0 : index
        %swap3A_296 = tpu.vector_load %arg10[%swap3A_294, %swap3A_295] {strides = array<i32>} : memref<128x64xf32, #tpu.memory_space<vmem>>, vector<16xf32>,
        tpu.vector_store %arg10[%swap3A_294, %swap3A_295], %add3A_293 {strides = array<i32>} : memref<128x64xf32, #tpu.memory_space<vmem>>, vector<16xf32>,
        %mul3A_297 = vector.broadcast %squeeze3A_282 : f32 to vector<16xf32>
        %mul3A_298 = arith.mulf %mul3A_297, %mul3A_287 : vector<16xf32>
        %swap3A_299 = arith.index_cast %scan3A_276 : i32 to index
        %swap3A_300 = arith.constant 0 : index
        %swap3A_301 = tpu.vector_load %arg11[%swap3A_299, %swap3A_300] {strides = array<i32>} : memref<128x64xf32, #tpu.memory_space<vmem>>, vector<16xf32>,
        tpu.vector_store %arg11[%swap3A_299, %swap3A_300], %mul3A_298 {strides = array<i32>} : memref<128x64xf32, #tpu.memory_space<vmem>>, vector<16xf32>,
        %get3A_302 = arith.index_cast %scan3A_276 : i32 to index
        %get3A_303 = arith.constant 16 : index
        %get3A_304 = tpu.vector_load %arg11[%get3A_302, %get3A_303] {strides = array<i32>} : memref<128x64xf32, #tpu.memory_space<vmem>>, vector<16xf32>,
        %mul3A_305 = vector.broadcast %squeeze3A_282 : f32 to vector<16xf32>
        %mul3A_306 = arith.mulf %mul3A_305, %get3A_304 : vector<16xf32>
        %get3A_307 = arith.index_cast %scan3A_276 : i32 to index
        %get3A_308 = arith.constant 16 : index
        %get3A_309 = tpu.vector_load %arg10[%get3A_307, %get3A_308] {strides = array<i32>} : memref<128x64xf32, #tpu.memory_space<vmem>>, vector<16xf32>,
        %mul3A_310 = vector.broadcast %squeeze3A_130 : f32 to vector<16xf32>
        %mul3A_311 = arith.mulf %mul3A_310, %mul3A_306 : vector<16xf32>
        %add3A_312 = arith.addf %get3A_309, %mul3A_311 : vector<16xf32>
        %swap3A_313 = arith.index_cast %scan3A_276 : i32 to index
        %swap3A_314 = arith.constant 16 : index
        %swap3A_315 = tpu.vector_load %arg10[%swap3A_313, %swap3A_314] {strides = array<i32>} : memref<128x64xf32, #tpu.memory_space<vmem>>, vector<16xf32>,
        tpu.vector_store %arg10[%swap3A_313, %swap3A_314], %add3A_312 {strides = array<i32>} : memref<128x64xf32, #tpu.memory_space<vmem>>, vector<16xf32>,
        %mul3A_316 = vector.broadcast %squeeze3A_282 : f32 to vector<16xf32>
        %mul3A_317 = arith.mulf %mul3A_316, %mul3A_306 : vector<16xf32>
        %swap3A_318 = arith.index_cast %scan3A_276 : i32 to index
        %swap3A_319 = arith.constant 16 : index
        %swap3A_320 = tpu.vector_load %arg11[%swap3A_318, %swap3A_319] {strides = array<i32>} : memref<128x64xf32, #tpu.memory_space<vmem>>, vector<16xf32>,
        tpu.vector_store %arg11[%swap3A_318, %swap3A_319], %mul3A_317 {strides = array<i32>} : memref<128x64xf32, #tpu.memory_space<vmem>>, vector<16xf32>,
        %get3A_321 = arith.index_cast %scan3A_276 : i32 to index
        %get3A_322 = arith.constant 32 : index
        %get3A_323 = tpu.vector_load %arg11[%get3A_321, %get3A_322] {strides = array<i32>} : memref<128x64xf32, #tpu.memory_space<vmem>>, vector<16xf32>,
        %mul3A_324 = vector.broadcast %squeeze3A_282 : f32 to vector<16xf32>
        %mul3A_325 = arith.mulf %mul3A_324, %get3A_323 : vector<16xf32>
        %get3A_326 = arith.index_cast %scan3A_276 : i32 to index
        %get3A_327 = arith.constant 32 : index
        %get3A_328 = tpu.vector_load %arg10[%get3A_326, %get3A_327] {strides = array<i32>} : memref<128x64xf32, #tpu.memory_space<vmem>>, vector<16xf32>,
        %mul3A_329 = vector.broadcast %squeeze3A_130 : f32 to vector<16xf32>
        %mul3A_330 = arith.mulf %mul3A_329, %mul3A_325 : vector<16xf32>
        %add3A_331 = arith.addf %get3A_328, %mul3A_330 : vector<16xf32>
        %swap3A_332 = arith.index_cast %scan3A_276 : i32 to index
        %swap3A_333 = arith.constant 32 : index
        %swap3A_334 = tpu.vector_load %arg10[%swap3A_332, %swap3A_333] {strides = array<i32>} : memref<128x64xf32, #tpu.memory_space<vmem>>, vector<16xf32>,
        tpu.vector_store %arg10[%swap3A_332, %swap3A_333], %add3A_331 {strides = array<i32>} : memref<128x64xf32, #tpu.memory_space<vmem>>, vector<16xf32>,
        %mul3A_335 = vector.broadcast %squeeze3A_282 : f32 to vector<16xf32>
        %mul3A_336 = arith.mulf %mul3A_335, %mul3A_325 : vector<16xf32>
        %swap3A_337 = arith.index_cast %scan3A_276 : i32 to index
        %swap3A_338 = arith.constant 32 : index
        %swap3A_339 = tpu.vector_load %arg11[%swap3A_337, %swap3A_338] {strides = array<i32>} : memref<128x64xf32, #tpu.memory_space<vmem>>, vector<16xf32>,
        tpu.vector_store %arg11[%swap3A_337, %swap3A_338], %mul3A_336 {strides = array<i32>} : memref<128x64xf32, #tpu.memory_space<vmem>>, vector<16xf32>,
        %get3A_340 = arith.index_cast %scan3A_276 : i32 to index
        %get3A_341 = arith.constant 48 : index
        %get3A_342 = tpu.vector_load %arg11[%get3A_340, %get3A_341] {strides = array<i32>} : memref<128x64xf32, #tpu.memory_space<vmem>>, vector<16xf32>,
        %mul3A_343 = vector.broadcast %squeeze3A_282 : f32 to vector<16xf32>
        %mul3A_344 = arith.mulf %mul3A_343, %get3A_342 : vector<16xf32>
        %get3A_345 = arith.index_cast %scan3A_276 : i32 to index
        %get3A_346 = arith.constant 48 : index
        %get3A_347 = tpu.vector_load %arg10[%get3A_345, %get3A_346] {strides = array<i32>} : memref<128x64xf32, #tpu.memory_space<vmem>>, vector<16xf32>,
        %mul3A_348 = vector.broadcast %squeeze3A_130 : f32 to vector<16xf32>
        %mul3A_349 = arith.mulf %mul3A_348, %mul3A_344 : vector<16xf32>
        %add3A_350 = arith.addf %get3A_347, %mul3A_349 : vector<16xf32>
        %swap3A_351 = arith.index_cast %scan3A_276 : i32 to index
        %swap3A_352 = arith.constant 48 : index
        %swap3A_353 = tpu.vector_load %arg10[%swap3A_351, %swap3A_352] {strides = array<i32>} : memref<128x64xf32, #tpu.memory_space<vmem>>, vector<16xf32>,
        tpu.vector_store %arg10[%swap3A_351, %swap3A_352], %add3A_350 {strides = array<i32>} : memref<128x64xf32, #tpu.memory_space<vmem>>, vector<16xf32>,
        %mul3A_354 = vector.broadcast %squeeze3A_282 : f32 to vector<16xf32>
        %mul3A_355 = arith.mulf %mul3A_354, %mul3A_344 : vector<16xf32>
        %swap3A_356 = arith.index_cast %scan3A_276 : i32 to index
        %swap3A_357 = arith.constant 48 : index
        %swap3A_358 = tpu.vector_load %arg11[%swap3A_356, %swap3A_357] {strides = array<i32>} : memref<128x64xf32, #tpu.memory_space<vmem>>, vector<16xf32>,
        tpu.vector_store %arg11[%swap3A_356, %swap3A_357], %mul3A_355 {strides = array<i32>} : memref<128x64xf32, #tpu.memory_space<vmem>>, vector<16xf32>,
      }
      %scan3A_204 = arith.constant 128 : i32
      %add3A_205 = arith.constant 0 : i32
      %add3A_206 = arith.addi %mul3A_0, %add3A_205 : i32
      "tpu.region"() ({
        %run_scoped3A = tpu.sem_alloc : memref<!tpu.dma_semaphore, #tpu.memory_space<semaphore_mem>>
        %dma_start3A_276 = arith.constant 0 : i32
        %dma_start3A_277 = tpu.memref_slice %arg6[%add3A_206, %dma_start3A_276] : memref<10240x64xf32, #tpu.memory_space<vmem_shared>> -> memref<128x64xf32, #tpu.memory_space<vmem_shared>>
        %dma_start3A_278 = arith.constant 0 : i32
        %dma_start3A_279 = tpu.memref_slice %arg6[%add3A_206, %dma_start3A_278] : memref<10240x64xf32, #tpu.memory_space<vmem_shared>> -> memref<128x64xf32, #tpu.memory_space<vmem_shared>>
        tpu.enqueue_dma source(%arg11 : memref<128x64xf32, #tpu.memory_space<vmem>>) target(%dma_start3A_279 : memref<128x64xf32, #tpu.memory_space<vmem_shared>>) target_semaphore(%run_scoped3A : memref<!tpu.dma_semaphore, #tpu.memory_space<semaphore_mem>>)
        %dma_wait3A = arith.constant 0 : i32
        %dma_wait3A_280 = tpu.memref_slice %arg6[%add3A_206, %dma_wait3A] : memref<10240x64xf32, #tpu.memory_space<vmem_shared>> -> memref<128x64xf32, #tpu.memory_space<vmem_shared>>
        %dma_wait3A_281 = arith.constant 0 : i32
        %dma_wait3A_282 = tpu.memref_slice %arg6[%add3A_206, %dma_wait3A_281] : memref<10240x64xf32, #tpu.memory_space<vmem_shared>> -> memref<128x64xf32, #tpu.memory_space<vmem_shared>>
        tpu.wait_dma2 semaphore(%run_scoped3A : memref<!tpu.dma_semaphore, #tpu.memory_space<semaphore_mem>>) src(%arg11 : memref<128x64xf32, #tpu.memory_space<vmem>>) dst(%dma_wait3A_282 : memref<128x64xf32, #tpu.memory_space<vmem_shared>>)
        tpu.yield
      }) : () -> ()
      %add3A_207 = arith.constant 0 : i32
      %add3A_208 = arith.addi %mul3A_0, %add3A_207 : i32
      "tpu.region"() ({
        %run_scoped3A = tpu.sem_alloc : memref<!tpu.dma_semaphore, #tpu.memory_space<semaphore_mem>>
        %dma_start3A_276 = tpu.memref_slice %arg5[%add3A_208, %mul3A_2] : memref<10240x128xf32, #tpu.memory_space<hbm>> -> memref<128x64xf32, #tpu.memory_space<hbm>>
        %dma_start3A_277 = tpu.memref_slice %arg5[%add3A_208, %mul3A_2] : memref<10240x128xf32, #tpu.memory_space<hbm>> -> memref<128x64xf32, #tpu.memory_space<hbm>>
        tpu.enqueue_dma source(%arg10 : memref<128x64xf32, #tpu.memory_space<vmem>>) target(%dma_start3A_277 : memref<128x64xf32, #tpu.memory_space<hbm>>) target_semaphore(%run_scoped3A : memref<!tpu.dma_semaphore, #tpu.memory_space<semaphore_mem>>)
        %dma_wait3A = tpu.memref_slice %arg5[%add3A_208, %mul3A_2] : memref<10240x128xf32, #tpu.memory_space<hbm>> -> memref<128x64xf32, #tpu.memory_space<hbm>>
        %dma_wait3A_278 = tpu.memref_slice %arg5[%add3A_208, %mul3A_2] : memref<10240x128xf32, #tpu.memory_space<hbm>> -> memref<128x64xf32, #tpu.memory_space<hbm>>
        tpu.wait_dma2 semaphore(%run_scoped3A : memref<!tpu.dma_semaphore, #tpu.memory_space<semaphore_mem>>) src(%arg10 : memref<128x64xf32, #tpu.memory_space<vmem>>) dst(%dma_wait3A_278 : memref<128x64xf32, #tpu.memory_space<hbm>>)
        tpu.yield
      }) : () -> ()
      %add3A_209 = arith.constant 0 : i32
      %add3A_210 = arith.addi %mul3A_0, %add3A_209 : i32
      "tpu.region"() ({
        %run_scoped3A = tpu.sem_alloc : memref<!tpu.dma_semaphore, #tpu.memory_space<semaphore_mem>>
        %dma_start3A_276 = arith.constant 0 : i32
        %dma_start3A_277 = tpu.memref_slice %arg7[%add3A_210, %dma_start3A_276] : memref<10240x64xf32, #tpu.memory_space<vmem_shared>> -> memref<128x64xf32, #tpu.memory_space<vmem_shared>>
        %dma_start3A_278 = arith.constant 0 : i32
        %dma_start3A_279 = tpu.memref_slice %arg7[%add3A_210, %dma_start3A_278] : memref<10240x64xf32, #tpu.memory_space<vmem_shared>> -> memref<128x64xf32, #tpu.memory_space<vmem_shared>>
        tpu.enqueue_dma source(%arg12 : memref<128x64xf32, #tpu.memory_space<vmem>>) target(%dma_start3A_279 : memref<128x64xf32, #tpu.memory_space<vmem_shared>>) target_semaphore(%run_scoped3A : memref<!tpu.dma_semaphore, #tpu.memory_space<semaphore_mem>>)
        %dma_wait3A = arith.constant 0 : i32
        %dma_wait3A_280 = tpu.memref_slice %arg7[%add3A_210, %dma_wait3A] : memref<10240x64xf32, #tpu.memory_space<vmem_shared>> -> memref<128x64xf32, #tpu.memory_space<vmem_shared>>
        %dma_wait3A_281 = arith.constant 0 : i32
        %dma_wait3A_282 = tpu.memref_slice %arg7[%add3A_210, %dma_wait3A_281] : memref<10240x64xf32, #tpu.memory_space<vmem_shared>> -> memref<128x64xf32, #tpu.memory_space<vmem_shared>>
        tpu.wait_dma2 semaphore(%run_scoped3A : memref<!tpu.dma_semaphore, #tpu.memory_space<semaphore_mem>>) src(%arg12 : memref<128x64xf32, #tpu.memory_space<vmem>>) dst(%dma_wait3A_282 : memref<128x64xf32, #tpu.memory_space<vmem_shared>>)
        tpu.yield
      }) : () -> ()
      %add3A_211 = arith.constant 128 : i32
      %add3A_212 = arith.addi %mul3A_0, %add3A_211 : i32
      "tpu.region"() ({
        %run_scoped3A = tpu.sem_alloc : memref<!tpu.dma_semaphore, #tpu.memory_space<semaphore_mem>>
        %dma_start3A_276 = arith.constant 0 : i32
        %dma_start3A_277 = tpu.memref_slice %arg7[%add3A_212, %dma_start3A_276] : memref<10240x64xf32, #tpu.memory_space<vmem_shared>> -> memref<128x64xf32, #tpu.memory_space<vmem_shared>>
        %dma_start3A_278 = arith.constant 0 : i32
        %dma_start3A_279 = tpu.memref_slice %arg7[%add3A_212, %dma_start3A_278] : memref<10240x64xf32, #tpu.memory_space<vmem_shared>> -> memref<128x64xf32, #tpu.memory_space<vmem_shared>>
        tpu.enqueue_dma source(%dma_start3A_279 : memref<128x64xf32, #tpu.memory_space<vmem_shared>>) target(%arg11 : memref<128x64xf32, #tpu.memory_space<vmem>>) target_semaphore(%run_scoped3A : memref<!tpu.dma_semaphore, #tpu.memory_space<semaphore_mem>>)
        %dma_wait3A = arith.constant 0 : i32
        %dma_wait3A_280 = tpu.memref_slice %arg7[%add3A_212, %dma_wait3A] : memref<10240x64xf32, #tpu.memory_space<vmem_shared>> -> memref<128x64xf32, #tpu.memory_space<vmem_shared>>
        %dma_wait3A_281 = arith.constant 0 : i32
        %dma_wait3A_282 = tpu.memref_slice %arg7[%add3A_212, %dma_wait3A_281] : memref<10240x64xf32, #tpu.memory_space<vmem_shared>> -> memref<128x64xf32, #tpu.memory_space<vmem_shared>>
        tpu.wait_dma2 semaphore(%run_scoped3A : memref<!tpu.dma_semaphore, #tpu.memory_space<semaphore_mem>>) src(%dma_wait3A_282 : memref<128x64xf32, #tpu.memory_space<vmem_shared>>) dst(%arg11 : memref<128x64xf32, #tpu.memory_space<vmem>>)
        tpu.yield
      }) : () -> ()
      %add3A_213 = arith.constant 128 : i32
      %add3A_214 = arith.addi %mul3A_0, %add3A_213 : i32
      "tpu.region"() ({
        %run_scoped3A = tpu.sem_alloc : memref<!tpu.dma_semaphore, #tpu.memory_space<semaphore_mem>>
        %dma_start3A_276 = tpu.memref_slice %arg5[%add3A_214, %mul3A_2] : memref<10240x128xf32, #tpu.memory_space<hbm>> -> memref<128x64xf32, #tpu.memory_space<hbm>>
        %dma_start3A_277 = tpu.memref_slice %arg5[%add3A_214, %mul3A_2] : memref<10240x128xf32, #tpu.memory_space<hbm>> -> memref<128x64xf32, #tpu.memory_space<hbm>>
        tpu.enqueue_dma source(%dma_start3A_277 : memref<128x64xf32, #tpu.memory_space<hbm>>) target(%arg10 : memref<128x64xf32, #tpu.memory_space<vmem>>) target_semaphore(%run_scoped3A : memref<!tpu.dma_semaphore, #tpu.memory_space<semaphore_mem>>)
        %dma_wait3A = tpu.memref_slice %arg5[%add3A_214, %mul3A_2] : memref<10240x128xf32, #tpu.memory_space<hbm>> -> memref<128x64xf32, #tpu.memory_space<hbm>>
        %dma_wait3A_278 = tpu.memref_slice %arg5[%add3A_214, %mul3A_2] : memref<10240x128xf32, #tpu.memory_space<hbm>> -> memref<128x64xf32, #tpu.memory_space<hbm>>
        tpu.wait_dma2 semaphore(%run_scoped3A : memref<!tpu.dma_semaphore, #tpu.memory_space<semaphore_mem>>) src(%dma_wait3A_278 : memref<128x64xf32, #tpu.memory_space<hbm>>) dst(%arg10 : memref<128x64xf32, #tpu.memory_space<vmem>>)
        tpu.yield
      }) : () -> ()
      %scan3A_215 = arith.constant 0 : i32
      %scan3A_216 = arith.constant 0 : i32
      %scan3A_217 = arith.constant 128 : i32
      %scan3A_218 = arith.addi %scan3A_216, %scan3A_217 : i32
      %scan3A_219 = arith.constant 1 : i32
      scf.for %scan3A_276 = %scan3A_216 to %scan3A_218 step %scan3A_219  : i32 {
        %add3A_277 = arith.constant 128 : i32
        %add3A_278 = arith.addi %add3A_277, %scan3A_276 : i32
        %get3A_279 = arith.index_cast %add3A_278 : i32 to index
        %get3A_280 = tpu.vector_load %arg13[%get3A_279] {strides = array<i32>} : memref<656xf32, #tpu.memory_space<vmem>>, vector<16xf32>,
        %slice3A_281 = vector.extract_strided_slice %get3A_280 {offsets = [0], sizes = [1], strides = [1]} : vector<16xf32> to vector<1xf32>
        %squeeze3A_282 = vector.extract %slice3A_281[0] : f32 from vector<1xf32>
        %get3A_283 = arith.index_cast %scan3A_276 : i32 to index
        %get3A_284 = arith.constant 0 : index
        %get3A_285 = tpu.vector_load %arg11[%get3A_283, %get3A_284] {strides = array<i32>} : memref<128x64xf32, #tpu.memory_space<vmem>>, vector<16xf32>,
        %mul3A_286 = vector.broadcast %squeeze3A_282 : f32 to vector<16xf32>
        %mul3A_287 = arith.mulf %mul3A_286, %get3A_285 : vector<16xf32>
        %get3A_288 = arith.index_cast %scan3A_276 : i32 to index
        %get3A_289 = arith.constant 0 : index
        %get3A_290 = tpu.vector_load %arg10[%get3A_288, %get3A_289] {strides = array<i32>} : memref<128x64xf32, #tpu.memory_space<vmem>>, vector<16xf32>,
        %mul3A_291 = vector.broadcast %squeeze3A_130 : f32 to vector<16xf32>
        %mul3A_292 = arith.mulf %mul3A_291, %mul3A_287 : vector<16xf32>
        %add3A_293 = arith.addf %get3A_290, %mul3A_292 : vector<16xf32>
        %swap3A_294 = arith.index_cast %scan3A_276 : i32 to index
        %swap3A_295 = arith.constant 0 : index
        %swap3A_296 = tpu.vector_load %arg10[%swap3A_294, %swap3A_295] {strides = array<i32>} : memref<128x64xf32, #tpu.memory_space<vmem>>, vector<16xf32>,
        tpu.vector_store %arg10[%swap3A_294, %swap3A_295], %add3A_293 {strides = array<i32>} : memref<128x64xf32, #tpu.memory_space<vmem>>, vector<16xf32>,
        %mul3A_297 = vector.broadcast %squeeze3A_282 : f32 to vector<16xf32>
        %mul3A_298 = arith.mulf %mul3A_297, %mul3A_287 : vector<16xf32>
        %swap3A_299 = arith.index_cast %scan3A_276 : i32 to index
        %swap3A_300 = arith.constant 0 : index
        %swap3A_301 = tpu.vector_load %arg11[%swap3A_299, %swap3A_300] {strides = array<i32>} : memref<128x64xf32, #tpu.memory_space<vmem>>, vector<16xf32>,
        tpu.vector_store %arg11[%swap3A_299, %swap3A_300], %mul3A_298 {strides = array<i32>} : memref<128x64xf32, #tpu.memory_space<vmem>>, vector<16xf32>,
        %get3A_302 = arith.index_cast %scan3A_276 : i32 to index
        %get3A_303 = arith.constant 16 : index
        %get3A_304 = tpu.vector_load %arg11[%get3A_302, %get3A_303] {strides = array<i32>} : memref<128x64xf32, #tpu.memory_space<vmem>>, vector<16xf32>,
        %mul3A_305 = vector.broadcast %squeeze3A_282 : f32 to vector<16xf32>
        %mul3A_306 = arith.mulf %mul3A_305, %get3A_304 : vector<16xf32>
        %get3A_307 = arith.index_cast %scan3A_276 : i32 to index
        %get3A_308 = arith.constant 16 : index
        %get3A_309 = tpu.vector_load %arg10[%get3A_307, %get3A_308] {strides = array<i32>} : memref<128x64xf32, #tpu.memory_space<vmem>>, vector<16xf32>,
        %mul3A_310 = vector.broadcast %squeeze3A_130 : f32 to vector<16xf32>
        %mul3A_311 = arith.mulf %mul3A_310, %mul3A_306 : vector<16xf32>
        %add3A_312 = arith.addf %get3A_309, %mul3A_311 : vector<16xf32>
        %swap3A_313 = arith.index_cast %scan3A_276 : i32 to index
        %swap3A_314 = arith.constant 16 : index
        %swap3A_315 = tpu.vector_load %arg10[%swap3A_313, %swap3A_314] {strides = array<i32>} : memref<128x64xf32, #tpu.memory_space<vmem>>, vector<16xf32>,
        tpu.vector_store %arg10[%swap3A_313, %swap3A_314], %add3A_312 {strides = array<i32>} : memref<128x64xf32, #tpu.memory_space<vmem>>, vector<16xf32>,
        %mul3A_316 = vector.broadcast %squeeze3A_282 : f32 to vector<16xf32>
        %mul3A_317 = arith.mulf %mul3A_316, %mul3A_306 : vector<16xf32>
        %swap3A_318 = arith.index_cast %scan3A_276 : i32 to index
        %swap3A_319 = arith.constant 16 : index
        %swap3A_320 = tpu.vector_load %arg11[%swap3A_318, %swap3A_319] {strides = array<i32>} : memref<128x64xf32, #tpu.memory_space<vmem>>, vector<16xf32>,
        tpu.vector_store %arg11[%swap3A_318, %swap3A_319], %mul3A_317 {strides = array<i32>} : memref<128x64xf32, #tpu.memory_space<vmem>>, vector<16xf32>,
        %get3A_321 = arith.index_cast %scan3A_276 : i32 to index
        %get3A_322 = arith.constant 32 : index
        %get3A_323 = tpu.vector_load %arg11[%get3A_321, %get3A_322] {strides = array<i32>} : memref<128x64xf32, #tpu.memory_space<vmem>>, vector<16xf32>,
        %mul3A_324 = vector.broadcast %squeeze3A_282 : f32 to vector<16xf32>
        %mul3A_325 = arith.mulf %mul3A_324, %get3A_323 : vector<16xf32>
        %get3A_326 = arith.index_cast %scan3A_276 : i32 to index
        %get3A_327 = arith.constant 32 : index
        %get3A_328 = tpu.vector_load %arg10[%get3A_326, %get3A_327] {strides = array<i32>} : memref<128x64xf32, #tpu.memory_space<vmem>>, vector<16xf32>,
        %mul3A_329 = vector.broadcast %squeeze3A_130 : f32 to vector<16xf32>
        %mul3A_330 = arith.mulf %mul3A_329, %mul3A_325 : vector<16xf32>
        %add3A_331 = arith.addf %get3A_328, %mul3A_330 : vector<16xf32>
        %swap3A_332 = arith.index_cast %scan3A_276 : i32 to index
        %swap3A_333 = arith.constant 32 : index
        %swap3A_334 = tpu.vector_load %arg10[%swap3A_332, %swap3A_333] {strides = array<i32>} : memref<128x64xf32, #tpu.memory_space<vmem>>, vector<16xf32>,
        tpu.vector_store %arg10[%swap3A_332, %swap3A_333], %add3A_331 {strides = array<i32>} : memref<128x64xf32, #tpu.memory_space<vmem>>, vector<16xf32>,
        %mul3A_335 = vector.broadcast %squeeze3A_282 : f32 to vector<16xf32>
        %mul3A_336 = arith.mulf %mul3A_335, %mul3A_325 : vector<16xf32>
        %swap3A_337 = arith.index_cast %scan3A_276 : i32 to index
        %swap3A_338 = arith.constant 32 : index
        %swap3A_339 = tpu.vector_load %arg11[%swap3A_337, %swap3A_338] {strides = array<i32>} : memref<128x64xf32, #tpu.memory_space<vmem>>, vector<16xf32>,
        tpu.vector_store %arg11[%swap3A_337, %swap3A_338], %mul3A_336 {strides = array<i32>} : memref<128x64xf32, #tpu.memory_space<vmem>>, vector<16xf32>,
        %get3A_340 = arith.index_cast %scan3A_276 : i32 to index
        %get3A_341 = arith.constant 48 : index
        %get3A_342 = tpu.vector_load %arg11[%get3A_340, %get3A_341] {strides = array<i32>} : memref<128x64xf32, #tpu.memory_space<vmem>>, vector<16xf32>,
        %mul3A_343 = vector.broadcast %squeeze3A_282 : f32 to vector<16xf32>
        %mul3A_344 = arith.mulf %mul3A_343, %get3A_342 : vector<16xf32>
        %get3A_345 = arith.index_cast %scan3A_276 : i32 to index
        %get3A_346 = arith.constant 48 : index
        %get3A_347 = tpu.vector_load %arg10[%get3A_345, %get3A_346] {strides = array<i32>} : memref<128x64xf32, #tpu.memory_space<vmem>>, vector<16xf32>,
        %mul3A_348 = vector.broadcast %squeeze3A_130 : f32 to vector<16xf32>
        %mul3A_349 = arith.mulf %mul3A_348, %mul3A_344 : vector<16xf32>
        %add3A_350 = arith.addf %get3A_347, %mul3A_349 : vector<16xf32>
        %swap3A_351 = arith.index_cast %scan3A_276 : i32 to index
        %swap3A_352 = arith.constant 48 : index
        %swap3A_353 = tpu.vector_load %arg10[%swap3A_351, %swap3A_352] {strides = array<i32>} : memref<128x64xf32, #tpu.memory_space<vmem>>, vector<16xf32>,
        tpu.vector_store %arg10[%swap3A_351, %swap3A_352], %add3A_350 {strides = array<i32>} : memref<128x64xf32, #tpu.memory_space<vmem>>, vector<16xf32>,
        %mul3A_354 = vector.broadcast %squeeze3A_282 : f32 to vector<16xf32>
        %mul3A_355 = arith.mulf %mul3A_354, %mul3A_344 : vector<16xf32>
        %swap3A_356 = arith.index_cast %scan3A_276 : i32 to index
        %swap3A_357 = arith.constant 48 : index
        %swap3A_358 = tpu.vector_load %arg11[%swap3A_356, %swap3A_357] {strides = array<i32>} : memref<128x64xf32, #tpu.memory_space<vmem>>, vector<16xf32>,
        tpu.vector_store %arg11[%swap3A_356, %swap3A_357], %mul3A_355 {strides = array<i32>} : memref<128x64xf32, #tpu.memory_space<vmem>>, vector<16xf32>,
      }
      %scan3A_220 = arith.constant 128 : i32
      %add3A_221 = arith.constant 128 : i32
      %add3A_222 = arith.addi %mul3A_0, %add3A_221 : i32
      "tpu.region"() ({
        %run_scoped3A = tpu.sem_alloc : memref<!tpu.dma_semaphore, #tpu.memory_space<semaphore_mem>>
        %dma_start3A_276 = arith.constant 0 : i32
        %dma_start3A_277 = tpu.memref_slice %arg6[%add3A_222, %dma_start3A_276] : memref<10240x64xf32, #tpu.memory_space<vmem_shared>> -> memref<128x64xf32, #tpu.memory_space<vmem_shared>>
        %dma_start3A_278 = arith.constant 0 : i32
        %dma_start3A_279 = tpu.memref_slice %arg6[%add3A_222, %dma_start3A_278] : memref<10240x64xf32, #tpu.memory_space<vmem_shared>> -> memref<128x64xf32, #tpu.memory_space<vmem_shared>>
        tpu.enqueue_dma source(%arg11 : memref<128x64xf32, #tpu.memory_space<vmem>>) target(%dma_start3A_279 : memref<128x64xf32, #tpu.memory_space<vmem_shared>>) target_semaphore(%run_scoped3A : memref<!tpu.dma_semaphore, #tpu.memory_space<semaphore_mem>>)
        %dma_wait3A = arith.constant 0 : i32
        %dma_wait3A_280 = tpu.memref_slice %arg6[%add3A_222, %dma_wait3A] : memref<10240x64xf32, #tpu.memory_space<vmem_shared>> -> memref<128x64xf32, #tpu.memory_space<vmem_shared>>
        %dma_wait3A_281 = arith.constant 0 : i32
        %dma_wait3A_282 = tpu.memref_slice %arg6[%add3A_222, %dma_wait3A_281] : memref<10240x64xf32, #tpu.memory_space<vmem_shared>> -> memref<128x64xf32, #tpu.memory_space<vmem_shared>>
        tpu.wait_dma2 semaphore(%run_scoped3A : memref<!tpu.dma_semaphore, #tpu.memory_space<semaphore_mem>>) src(%arg11 : memref<128x64xf32, #tpu.memory_space<vmem>>) dst(%dma_wait3A_282 : memref<128x64xf32, #tpu.memory_space<vmem_shared>>)
        tpu.yield
      }) : () -> ()
      %add3A_223 = arith.constant 128 : i32
      %add3A_224 = arith.addi %mul3A_0, %add3A_223 : i32
      "tpu.region"() ({
        %run_scoped3A = tpu.sem_alloc : memref<!tpu.dma_semaphore, #tpu.memory_space<semaphore_mem>>
        %dma_start3A_276 = tpu.memref_slice %arg5[%add3A_224, %mul3A_2] : memref<10240x128xf32, #tpu.memory_space<hbm>> -> memref<128x64xf32, #tpu.memory_space<hbm>>
        %dma_start3A_277 = tpu.memref_slice %arg5[%add3A_224, %mul3A_2] : memref<10240x128xf32, #tpu.memory_space<hbm>> -> memref<128x64xf32, #tpu.memory_space<hbm>>
        tpu.enqueue_dma source(%arg10 : memref<128x64xf32, #tpu.memory_space<vmem>>) target(%dma_start3A_277 : memref<128x64xf32, #tpu.memory_space<hbm>>) target_semaphore(%run_scoped3A : memref<!tpu.dma_semaphore, #tpu.memory_space<semaphore_mem>>)
        %dma_wait3A = tpu.memref_slice %arg5[%add3A_224, %mul3A_2] : memref<10240x128xf32, #tpu.memory_space<hbm>> -> memref<128x64xf32, #tpu.memory_space<hbm>>
        %dma_wait3A_278 = tpu.memref_slice %arg5[%add3A_224, %mul3A_2] : memref<10240x128xf32, #tpu.memory_space<hbm>> -> memref<128x64xf32, #tpu.memory_space<hbm>>
        tpu.wait_dma2 semaphore(%run_scoped3A : memref<!tpu.dma_semaphore, #tpu.memory_space<semaphore_mem>>) src(%arg10 : memref<128x64xf32, #tpu.memory_space<vmem>>) dst(%dma_wait3A_278 : memref<128x64xf32, #tpu.memory_space<hbm>>)
        tpu.yield
      }) : () -> ()
      %add3A_225 = arith.constant 128 : i32
      %add3A_226 = arith.addi %mul3A_0, %add3A_225 : i32
      "tpu.region"() ({
        %run_scoped3A = tpu.sem_alloc : memref<!tpu.dma_semaphore, #tpu.memory_space<semaphore_mem>>
        %dma_start3A_276 = arith.constant 0 : i32
        %dma_start3A_277 = tpu.memref_slice %arg7[%add3A_226, %dma_start3A_276] : memref<10240x64xf32, #tpu.memory_space<vmem_shared>> -> memref<128x64xf32, #tpu.memory_space<vmem_shared>>
        %dma_start3A_278 = arith.constant 0 : i32
        %dma_start3A_279 = tpu.memref_slice %arg7[%add3A_226, %dma_start3A_278] : memref<10240x64xf32, #tpu.memory_space<vmem_shared>> -> memref<128x64xf32, #tpu.memory_space<vmem_shared>>
        tpu.enqueue_dma source(%arg12 : memref<128x64xf32, #tpu.memory_space<vmem>>) target(%dma_start3A_279 : memref<128x64xf32, #tpu.memory_space<vmem_shared>>) target_semaphore(%run_scoped3A : memref<!tpu.dma_semaphore, #tpu.memory_space<semaphore_mem>>)
        %dma_wait3A = arith.constant 0 : i32
        %dma_wait3A_280 = tpu.memref_slice %arg7[%add3A_226, %dma_wait3A] : memref<10240x64xf32, #tpu.memory_space<vmem_shared>> -> memref<128x64xf32, #tpu.memory_space<vmem_shared>>
        %dma_wait3A_281 = arith.constant 0 : i32
        %dma_wait3A_282 = tpu.memref_slice %arg7[%add3A_226, %dma_wait3A_281] : memref<10240x64xf32, #tpu.memory_space<vmem_shared>> -> memref<128x64xf32, #tpu.memory_space<vmem_shared>>
        tpu.wait_dma2 semaphore(%run_scoped3A : memref<!tpu.dma_semaphore, #tpu.memory_space<semaphore_mem>>) src(%arg12 : memref<128x64xf32, #tpu.memory_space<vmem>>) dst(%dma_wait3A_282 : memref<128x64xf32, #tpu.memory_space<vmem_shared>>)
        tpu.yield
      }) : () -> ()
      %add3A_227 = arith.constant 256 : i32
      %add3A_228 = arith.addi %mul3A_0, %add3A_227 : i32
      "tpu.region"() ({
        %run_scoped3A = tpu.sem_alloc : memref<!tpu.dma_semaphore, #tpu.memory_space<semaphore_mem>>
        %dma_start3A_276 = arith.constant 0 : i32
        %dma_start3A_277 = tpu.memref_slice %arg7[%add3A_228, %dma_start3A_276] : memref<10240x64xf32, #tpu.memory_space<vmem_shared>> -> memref<128x64xf32, #tpu.memory_space<vmem_shared>>
        %dma_start3A_278 = arith.constant 0 : i32
        %dma_start3A_279 = tpu.memref_slice %arg7[%add3A_228, %dma_start3A_278] : memref<10240x64xf32, #tpu.memory_space<vmem_shared>> -> memref<128x64xf32, #tpu.memory_space<vmem_shared>>
        tpu.enqueue_dma source(%dma_start3A_279 : memref<128x64xf32, #tpu.memory_space<vmem_shared>>) target(%arg11 : memref<128x64xf32, #tpu.memory_space<vmem>>) target_semaphore(%run_scoped3A : memref<!tpu.dma_semaphore, #tpu.memory_space<semaphore_mem>>)
        %dma_wait3A = arith.constant 0 : i32
        %dma_wait3A_280 = tpu.memref_slice %arg7[%add3A_228, %dma_wait3A] : memref<10240x64xf32, #tpu.memory_space<vmem_shared>> -> memref<128x64xf32, #tpu.memory_space<vmem_shared>>
        %dma_wait3A_281 = arith.constant 0 : i32
        %dma_wait3A_282 = tpu.memref_slice %arg7[%add3A_228, %dma_wait3A_281] : memref<10240x64xf32, #tpu.memory_space<vmem_shared>> -> memref<128x64xf32, #tpu.memory_space<vmem_shared>>
        tpu.wait_dma2 semaphore(%run_scoped3A : memref<!tpu.dma_semaphore, #tpu.memory_space<semaphore_mem>>) src(%dma_wait3A_282 : memref<128x64xf32, #tpu.memory_space<vmem_shared>>) dst(%arg11 : memref<128x64xf32, #tpu.memory_space<vmem>>)
        tpu.yield
      }) : () -> ()
      %add3A_229 = arith.constant 256 : i32
      %add3A_230 = arith.addi %mul3A_0, %add3A_229 : i32
      "tpu.region"() ({
        %run_scoped3A = tpu.sem_alloc : memref<!tpu.dma_semaphore, #tpu.memory_space<semaphore_mem>>
        %dma_start3A_276 = tpu.memref_slice %arg5[%add3A_230, %mul3A_2] : memref<10240x128xf32, #tpu.memory_space<hbm>> -> memref<128x64xf32, #tpu.memory_space<hbm>>
        %dma_start3A_277 = tpu.memref_slice %arg5[%add3A_230, %mul3A_2] : memref<10240x128xf32, #tpu.memory_space<hbm>> -> memref<128x64xf32, #tpu.memory_space<hbm>>
        tpu.enqueue_dma source(%dma_start3A_277 : memref<128x64xf32, #tpu.memory_space<hbm>>) target(%arg10 : memref<128x64xf32, #tpu.memory_space<vmem>>) target_semaphore(%run_scoped3A : memref<!tpu.dma_semaphore, #tpu.memory_space<semaphore_mem>>)
        %dma_wait3A = tpu.memref_slice %arg5[%add3A_230, %mul3A_2] : memref<10240x128xf32, #tpu.memory_space<hbm>> -> memref<128x64xf32, #tpu.memory_space<hbm>>
        %dma_wait3A_278 = tpu.memref_slice %arg5[%add3A_230, %mul3A_2] : memref<10240x128xf32, #tpu.memory_space<hbm>> -> memref<128x64xf32, #tpu.memory_space<hbm>>
        tpu.wait_dma2 semaphore(%run_scoped3A : memref<!tpu.dma_semaphore, #tpu.memory_space<semaphore_mem>>) src(%dma_wait3A_278 : memref<128x64xf32, #tpu.memory_space<hbm>>) dst(%arg10 : memref<128x64xf32, #tpu.memory_space<vmem>>)
        tpu.yield
      }) : () -> ()
      %scan3A_231 = arith.constant 0 : i32
      %scan3A_232 = arith.constant 0 : i32
      %scan3A_233 = arith.constant 128 : i32
      %scan3A_234 = arith.addi %scan3A_232, %scan3A_233 : i32
      %scan3A_235 = arith.constant 1 : i32
      scf.for %scan3A_276 = %scan3A_232 to %scan3A_234 step %scan3A_235  : i32 {
        %add3A_277 = arith.constant 256 : i32
        %add3A_278 = arith.addi %add3A_277, %scan3A_276 : i32
        %get3A_279 = arith.index_cast %add3A_278 : i32 to index
        %get3A_280 = tpu.vector_load %arg13[%get3A_279] {strides = array<i32>} : memref<656xf32, #tpu.memory_space<vmem>>, vector<16xf32>,
        %slice3A_281 = vector.extract_strided_slice %get3A_280 {offsets = [0], sizes = [1], strides = [1]} : vector<16xf32> to vector<1xf32>
        %squeeze3A_282 = vector.extract %slice3A_281[0] : f32 from vector<1xf32>
        %get3A_283 = arith.index_cast %scan3A_276 : i32 to index
        %get3A_284 = arith.constant 0 : index
        %get3A_285 = tpu.vector_load %arg11[%get3A_283, %get3A_284] {strides = array<i32>} : memref<128x64xf32, #tpu.memory_space<vmem>>, vector<16xf32>,
        %mul3A_286 = vector.broadcast %squeeze3A_282 : f32 to vector<16xf32>
        %mul3A_287 = arith.mulf %mul3A_286, %get3A_285 : vector<16xf32>
        %get3A_288 = arith.index_cast %scan3A_276 : i32 to index
        %get3A_289 = arith.constant 0 : index
        %get3A_290 = tpu.vector_load %arg10[%get3A_288, %get3A_289] {strides = array<i32>} : memref<128x64xf32, #tpu.memory_space<vmem>>, vector<16xf32>,
        %mul3A_291 = vector.broadcast %squeeze3A_130 : f32 to vector<16xf32>
        %mul3A_292 = arith.mulf %mul3A_291, %mul3A_287 : vector<16xf32>
        %add3A_293 = arith.addf %get3A_290, %mul3A_292 : vector<16xf32>
        %swap3A_294 = arith.index_cast %scan3A_276 : i32 to index
        %swap3A_295 = arith.constant 0 : index
        %swap3A_296 = tpu.vector_load %arg10[%swap3A_294, %swap3A_295] {strides = array<i32>} : memref<128x64xf32, #tpu.memory_space<vmem>>, vector<16xf32>,
        tpu.vector_store %arg10[%swap3A_294, %swap3A_295], %add3A_293 {strides = array<i32>} : memref<128x64xf32, #tpu.memory_space<vmem>>, vector<16xf32>,
        %mul3A_297 = vector.broadcast %squeeze3A_282 : f32 to vector<16xf32>
        %mul3A_298 = arith.mulf %mul3A_297, %mul3A_287 : vector<16xf32>
        %swap3A_299 = arith.index_cast %scan3A_276 : i32 to index
        %swap3A_300 = arith.constant 0 : index
        %swap3A_301 = tpu.vector_load %arg11[%swap3A_299, %swap3A_300] {strides = array<i32>} : memref<128x64xf32, #tpu.memory_space<vmem>>, vector<16xf32>,
        tpu.vector_store %arg11[%swap3A_299, %swap3A_300], %mul3A_298 {strides = array<i32>} : memref<128x64xf32, #tpu.memory_space<vmem>>, vector<16xf32>,
        %get3A_302 = arith.index_cast %scan3A_276 : i32 to index
        %get3A_303 = arith.constant 16 : index
        %get3A_304 = tpu.vector_load %arg11[%get3A_302, %get3A_303] {strides = array<i32>} : memref<128x64xf32, #tpu.memory_space<vmem>>, vector<16xf32>,
        %mul3A_305 = vector.broadcast %squeeze3A_282 : f32 to vector<16xf32>
        %mul3A_306 = arith.mulf %mul3A_305, %get3A_304 : vector<16xf32>
        %get3A_307 = arith.index_cast %scan3A_276 : i32 to index
        %get3A_308 = arith.constant 16 : index
        %get3A_309 = tpu.vector_load %arg10[%get3A_307, %get3A_308] {strides = array<i32>} : memref<128x64xf32, #tpu.memory_space<vmem>>, vector<16xf32>,
        %mul3A_310 = vector.broadcast %squeeze3A_130 : f32 to vector<16xf32>
        %mul3A_311 = arith.mulf %mul3A_310, %mul3A_306 : vector<16xf32>
        %add3A_312 = arith.addf %get3A_309, %mul3A_311 : vector<16xf32>
        %swap3A_313 = arith.index_cast %scan3A_276 : i32 to index
        %swap3A_314 = arith.constant 16 : index
        %swap3A_315 = tpu.vector_load %arg10[%swap3A_313, %swap3A_314] {strides = array<i32>} : memref<128x64xf32, #tpu.memory_space<vmem>>, vector<16xf32>,
        tpu.vector_store %arg10[%swap3A_313, %swap3A_314], %add3A_312 {strides = array<i32>} : memref<128x64xf32, #tpu.memory_space<vmem>>, vector<16xf32>,
        %mul3A_316 = vector.broadcast %squeeze3A_282 : f32 to vector<16xf32>
        %mul3A_317 = arith.mulf %mul3A_316, %mul3A_306 : vector<16xf32>
        %swap3A_318 = arith.index_cast %scan3A_276 : i32 to index
        %swap3A_319 = arith.constant 16 : index
        %swap3A_320 = tpu.vector_load %arg11[%swap3A_318, %swap3A_319] {strides = array<i32>} : memref<128x64xf32, #tpu.memory_space<vmem>>, vector<16xf32>,
        tpu.vector_store %arg11[%swap3A_318, %swap3A_319], %mul3A_317 {strides = array<i32>} : memref<128x64xf32, #tpu.memory_space<vmem>>, vector<16xf32>,
        %get3A_321 = arith.index_cast %scan3A_276 : i32 to index
        %get3A_322 = arith.constant 32 : index
        %get3A_323 = tpu.vector_load %arg11[%get3A_321, %get3A_322] {strides = array<i32>} : memref<128x64xf32, #tpu.memory_space<vmem>>, vector<16xf32>,
        %mul3A_324 = vector.broadcast %squeeze3A_282 : f32 to vector<16xf32>
        %mul3A_325 = arith.mulf %mul3A_324, %get3A_323 : vector<16xf32>
        %get3A_326 = arith.index_cast %scan3A_276 : i32 to index
        %get3A_327 = arith.constant 32 : index
        %get3A_328 = tpu.vector_load %arg10[%get3A_326, %get3A_327] {strides = array<i32>} : memref<128x64xf32, #tpu.memory_space<vmem>>, vector<16xf32>,
        %mul3A_329 = vector.broadcast %squeeze3A_130 : f32 to vector<16xf32>
        %mul3A_330 = arith.mulf %mul3A_329, %mul3A_325 : vector<16xf32>
        %add3A_331 = arith.addf %get3A_328, %mul3A_330 : vector<16xf32>
        %swap3A_332 = arith.index_cast %scan3A_276 : i32 to index
        %swap3A_333 = arith.constant 32 : index
        %swap3A_334 = tpu.vector_load %arg10[%swap3A_332, %swap3A_333] {strides = array<i32>} : memref<128x64xf32, #tpu.memory_space<vmem>>, vector<16xf32>,
        tpu.vector_store %arg10[%swap3A_332, %swap3A_333], %add3A_331 {strides = array<i32>} : memref<128x64xf32, #tpu.memory_space<vmem>>, vector<16xf32>,
        %mul3A_335 = vector.broadcast %squeeze3A_282 : f32 to vector<16xf32>
        %mul3A_336 = arith.mulf %mul3A_335, %mul3A_325 : vector<16xf32>
        %swap3A_337 = arith.index_cast %scan3A_276 : i32 to index
        %swap3A_338 = arith.constant 32 : index
        %swap3A_339 = tpu.vector_load %arg11[%swap3A_337, %swap3A_338] {strides = array<i32>} : memref<128x64xf32, #tpu.memory_space<vmem>>, vector<16xf32>,
        tpu.vector_store %arg11[%swap3A_337, %swap3A_338], %mul3A_336 {strides = array<i32>} : memref<128x64xf32, #tpu.memory_space<vmem>>, vector<16xf32>,
        %get3A_340 = arith.index_cast %scan3A_276 : i32 to index
        %get3A_341 = arith.constant 48 : index
        %get3A_342 = tpu.vector_load %arg11[%get3A_340, %get3A_341] {strides = array<i32>} : memref<128x64xf32, #tpu.memory_space<vmem>>, vector<16xf32>,
        %mul3A_343 = vector.broadcast %squeeze3A_282 : f32 to vector<16xf32>
        %mul3A_344 = arith.mulf %mul3A_343, %get3A_342 : vector<16xf32>
        %get3A_345 = arith.index_cast %scan3A_276 : i32 to index
        %get3A_346 = arith.constant 48 : index
        %get3A_347 = tpu.vector_load %arg10[%get3A_345, %get3A_346] {strides = array<i32>} : memref<128x64xf32, #tpu.memory_space<vmem>>, vector<16xf32>,
        %mul3A_348 = vector.broadcast %squeeze3A_130 : f32 to vector<16xf32>
        %mul3A_349 = arith.mulf %mul3A_348, %mul3A_344 : vector<16xf32>
        %add3A_350 = arith.addf %get3A_347, %mul3A_349 : vector<16xf32>
        %swap3A_351 = arith.index_cast %scan3A_276 : i32 to index
        %swap3A_352 = arith.constant 48 : index
        %swap3A_353 = tpu.vector_load %arg10[%swap3A_351, %swap3A_352] {strides = array<i32>} : memref<128x64xf32, #tpu.memory_space<vmem>>, vector<16xf32>,
        tpu.vector_store %arg10[%swap3A_351, %swap3A_352], %add3A_350 {strides = array<i32>} : memref<128x64xf32, #tpu.memory_space<vmem>>, vector<16xf32>,
        %mul3A_354 = vector.broadcast %squeeze3A_282 : f32 to vector<16xf32>
        %mul3A_355 = arith.mulf %mul3A_354, %mul3A_344 : vector<16xf32>
        %swap3A_356 = arith.index_cast %scan3A_276 : i32 to index
        %swap3A_357 = arith.constant 48 : index
        %swap3A_358 = tpu.vector_load %arg11[%swap3A_356, %swap3A_357] {strides = array<i32>} : memref<128x64xf32, #tpu.memory_space<vmem>>, vector<16xf32>,
        tpu.vector_store %arg11[%swap3A_356, %swap3A_357], %mul3A_355 {strides = array<i32>} : memref<128x64xf32, #tpu.memory_space<vmem>>, vector<16xf32>,
      }
      %scan3A_236 = arith.constant 128 : i32
      %add3A_237 = arith.constant 256 : i32
      %add3A_238 = arith.addi %mul3A_0, %add3A_237 : i32
      "tpu.region"() ({
        %run_scoped3A = tpu.sem_alloc : memref<!tpu.dma_semaphore, #tpu.memory_space<semaphore_mem>>
        %dma_start3A_276 = arith.constant 0 : i32
        %dma_start3A_277 = tpu.memref_slice %arg6[%add3A_238, %dma_start3A_276] : memref<10240x64xf32, #tpu.memory_space<vmem_shared>> -> memref<128x64xf32, #tpu.memory_space<vmem_shared>>
        %dma_start3A_278 = arith.constant 0 : i32
        %dma_start3A_279 = tpu.memref_slice %arg6[%add3A_238, %dma_start3A_278] : memref<10240x64xf32, #tpu.memory_space<vmem_shared>> -> memref<128x64xf32, #tpu.memory_space<vmem_shared>>
        tpu.enqueue_dma source(%arg11 : memref<128x64xf32, #tpu.memory_space<vmem>>) target(%dma_start3A_279 : memref<128x64xf32, #tpu.memory_space<vmem_shared>>) target_semaphore(%run_scoped3A : memref<!tpu.dma_semaphore, #tpu.memory_space<semaphore_mem>>)
        %dma_wait3A = arith.constant 0 : i32
        %dma_wait3A_280 = tpu.memref_slice %arg6[%add3A_238, %dma_wait3A] : memref<10240x64xf32, #tpu.memory_space<vmem_shared>> -> memref<128x64xf32, #tpu.memory_space<vmem_shared>>
        %dma_wait3A_281 = arith.constant 0 : i32
        %dma_wait3A_282 = tpu.memref_slice %arg6[%add3A_238, %dma_wait3A_281] : memref<10240x64xf32, #tpu.memory_space<vmem_shared>> -> memref<128x64xf32, #tpu.memory_space<vmem_shared>>
        tpu.wait_dma2 semaphore(%run_scoped3A : memref<!tpu.dma_semaphore, #tpu.memory_space<semaphore_mem>>) src(%arg11 : memref<128x64xf32, #tpu.memory_space<vmem>>) dst(%dma_wait3A_282 : memref<128x64xf32, #tpu.memory_space<vmem_shared>>)
        tpu.yield
      }) : () -> ()
      %add3A_239 = arith.constant 256 : i32
      %add3A_240 = arith.addi %mul3A_0, %add3A_239 : i32
      "tpu.region"() ({
        %run_scoped3A = tpu.sem_alloc : memref<!tpu.dma_semaphore, #tpu.memory_space<semaphore_mem>>
        %dma_start3A_276 = tpu.memref_slice %arg5[%add3A_240, %mul3A_2] : memref<10240x128xf32, #tpu.memory_space<hbm>> -> memref<128x64xf32, #tpu.memory_space<hbm>>
        %dma_start3A_277 = tpu.memref_slice %arg5[%add3A_240, %mul3A_2] : memref<10240x128xf32, #tpu.memory_space<hbm>> -> memref<128x64xf32, #tpu.memory_space<hbm>>
        tpu.enqueue_dma source(%arg10 : memref<128x64xf32, #tpu.memory_space<vmem>>) target(%dma_start3A_277 : memref<128x64xf32, #tpu.memory_space<hbm>>) target_semaphore(%run_scoped3A : memref<!tpu.dma_semaphore, #tpu.memory_space<semaphore_mem>>)
        %dma_wait3A = tpu.memref_slice %arg5[%add3A_240, %mul3A_2] : memref<10240x128xf32, #tpu.memory_space<hbm>> -> memref<128x64xf32, #tpu.memory_space<hbm>>
        %dma_wait3A_278 = tpu.memref_slice %arg5[%add3A_240, %mul3A_2] : memref<10240x128xf32, #tpu.memory_space<hbm>> -> memref<128x64xf32, #tpu.memory_space<hbm>>
        tpu.wait_dma2 semaphore(%run_scoped3A : memref<!tpu.dma_semaphore, #tpu.memory_space<semaphore_mem>>) src(%arg10 : memref<128x64xf32, #tpu.memory_space<vmem>>) dst(%dma_wait3A_278 : memref<128x64xf32, #tpu.memory_space<hbm>>)
        tpu.yield
      }) : () -> ()
      %add3A_241 = arith.constant 256 : i32
      %add3A_242 = arith.addi %mul3A_0, %add3A_241 : i32
      "tpu.region"() ({
        %run_scoped3A = tpu.sem_alloc : memref<!tpu.dma_semaphore, #tpu.memory_space<semaphore_mem>>
        %dma_start3A_276 = arith.constant 0 : i32
        %dma_start3A_277 = tpu.memref_slice %arg7[%add3A_242, %dma_start3A_276] : memref<10240x64xf32, #tpu.memory_space<vmem_shared>> -> memref<128x64xf32, #tpu.memory_space<vmem_shared>>
        %dma_start3A_278 = arith.constant 0 : i32
        %dma_start3A_279 = tpu.memref_slice %arg7[%add3A_242, %dma_start3A_278] : memref<10240x64xf32, #tpu.memory_space<vmem_shared>> -> memref<128x64xf32, #tpu.memory_space<vmem_shared>>
        tpu.enqueue_dma source(%arg12 : memref<128x64xf32, #tpu.memory_space<vmem>>) target(%dma_start3A_279 : memref<128x64xf32, #tpu.memory_space<vmem_shared>>) target_semaphore(%run_scoped3A : memref<!tpu.dma_semaphore, #tpu.memory_space<semaphore_mem>>)
        %dma_wait3A = arith.constant 0 : i32
        %dma_wait3A_280 = tpu.memref_slice %arg7[%add3A_242, %dma_wait3A] : memref<10240x64xf32, #tpu.memory_space<vmem_shared>> -> memref<128x64xf32, #tpu.memory_space<vmem_shared>>
        %dma_wait3A_281 = arith.constant 0 : i32
        %dma_wait3A_282 = tpu.memref_slice %arg7[%add3A_242, %dma_wait3A_281] : memref<10240x64xf32, #tpu.memory_space<vmem_shared>> -> memref<128x64xf32, #tpu.memory_space<vmem_shared>>
        tpu.wait_dma2 semaphore(%run_scoped3A : memref<!tpu.dma_semaphore, #tpu.memory_space<semaphore_mem>>) src(%arg12 : memref<128x64xf32, #tpu.memory_space<vmem>>) dst(%dma_wait3A_282 : memref<128x64xf32, #tpu.memory_space<vmem_shared>>)
        tpu.yield
      }) : () -> ()
      %add3A_243 = arith.constant 384 : i32
      %add3A_244 = arith.addi %mul3A_0, %add3A_243 : i32
      "tpu.region"() ({
        %run_scoped3A = tpu.sem_alloc : memref<!tpu.dma_semaphore, #tpu.memory_space<semaphore_mem>>
        %dma_start3A_276 = arith.constant 0 : i32
        %dma_start3A_277 = tpu.memref_slice %arg7[%add3A_244, %dma_start3A_276] : memref<10240x64xf32, #tpu.memory_space<vmem_shared>> -> memref<128x64xf32, #tpu.memory_space<vmem_shared>>
        %dma_start3A_278 = arith.constant 0 : i32
        %dma_start3A_279 = tpu.memref_slice %arg7[%add3A_244, %dma_start3A_278] : memref<10240x64xf32, #tpu.memory_space<vmem_shared>> -> memref<128x64xf32, #tpu.memory_space<vmem_shared>>
        tpu.enqueue_dma source(%dma_start3A_279 : memref<128x64xf32, #tpu.memory_space<vmem_shared>>) target(%arg11 : memref<128x64xf32, #tpu.memory_space<vmem>>) target_semaphore(%run_scoped3A : memref<!tpu.dma_semaphore, #tpu.memory_space<semaphore_mem>>)
        %dma_wait3A = arith.constant 0 : i32
        %dma_wait3A_280 = tpu.memref_slice %arg7[%add3A_244, %dma_wait3A] : memref<10240x64xf32, #tpu.memory_space<vmem_shared>> -> memref<128x64xf32, #tpu.memory_space<vmem_shared>>
        %dma_wait3A_281 = arith.constant 0 : i32
        %dma_wait3A_282 = tpu.memref_slice %arg7[%add3A_244, %dma_wait3A_281] : memref<10240x64xf32, #tpu.memory_space<vmem_shared>> -> memref<128x64xf32, #tpu.memory_space<vmem_shared>>
        tpu.wait_dma2 semaphore(%run_scoped3A : memref<!tpu.dma_semaphore, #tpu.memory_space<semaphore_mem>>) src(%dma_wait3A_282 : memref<128x64xf32, #tpu.memory_space<vmem_shared>>) dst(%arg11 : memref<128x64xf32, #tpu.memory_space<vmem>>)
        tpu.yield
      }) : () -> ()
      %add3A_245 = arith.constant 384 : i32
      %add3A_246 = arith.addi %mul3A_0, %add3A_245 : i32
      "tpu.region"() ({
        %run_scoped3A = tpu.sem_alloc : memref<!tpu.dma_semaphore, #tpu.memory_space<semaphore_mem>>
        %dma_start3A_276 = tpu.memref_slice %arg5[%add3A_246, %mul3A_2] : memref<10240x128xf32, #tpu.memory_space<hbm>> -> memref<128x64xf32, #tpu.memory_space<hbm>>
        %dma_start3A_277 = tpu.memref_slice %arg5[%add3A_246, %mul3A_2] : memref<10240x128xf32, #tpu.memory_space<hbm>> -> memref<128x64xf32, #tpu.memory_space<hbm>>
        tpu.enqueue_dma source(%dma_start3A_277 : memref<128x64xf32, #tpu.memory_space<hbm>>) target(%arg10 : memref<128x64xf32, #tpu.memory_space<vmem>>) target_semaphore(%run_scoped3A : memref<!tpu.dma_semaphore, #tpu.memory_space<semaphore_mem>>)
        %dma_wait3A = tpu.memref_slice %arg5[%add3A_246, %mul3A_2] : memref<10240x128xf32, #tpu.memory_space<hbm>> -> memref<128x64xf32, #tpu.memory_space<hbm>>
        %dma_wait3A_278 = tpu.memref_slice %arg5[%add3A_246, %mul3A_2] : memref<10240x128xf32, #tpu.memory_space<hbm>> -> memref<128x64xf32, #tpu.memory_space<hbm>>
        tpu.wait_dma2 semaphore(%run_scoped3A : memref<!tpu.dma_semaphore, #tpu.memory_space<semaphore_mem>>) src(%dma_wait3A_278 : memref<128x64xf32, #tpu.memory_space<hbm>>) dst(%arg10 : memref<128x64xf32, #tpu.memory_space<vmem>>)
        tpu.yield
      }) : () -> ()
      %scan3A_247 = arith.constant 0 : i32
      %scan3A_248 = arith.constant 0 : i32
      %scan3A_249 = arith.constant 128 : i32
      %scan3A_250 = arith.addi %scan3A_248, %scan3A_249 : i32
      %scan3A_251 = arith.constant 1 : i32
      scf.for %scan3A_276 = %scan3A_248 to %scan3A_250 step %scan3A_251  : i32 {
        %add3A_277 = arith.constant 384 : i32
        %add3A_278 = arith.addi %add3A_277, %scan3A_276 : i32
        %get3A_279 = arith.index_cast %add3A_278 : i32 to index
        %get3A_280 = tpu.vector_load %arg13[%get3A_279] {strides = array<i32>} : memref<656xf32, #tpu.memory_space<vmem>>, vector<16xf32>,
        %slice3A_281 = vector.extract_strided_slice %get3A_280 {offsets = [0], sizes = [1], strides = [1]} : vector<16xf32> to vector<1xf32>
        %squeeze3A_282 = vector.extract %slice3A_281[0] : f32 from vector<1xf32>
        %get3A_283 = arith.index_cast %scan3A_276 : i32 to index
        %get3A_284 = arith.constant 0 : index
        %get3A_285 = tpu.vector_load %arg11[%get3A_283, %get3A_284] {strides = array<i32>} : memref<128x64xf32, #tpu.memory_space<vmem>>, vector<16xf32>,
        %mul3A_286 = vector.broadcast %squeeze3A_282 : f32 to vector<16xf32>
        %mul3A_287 = arith.mulf %mul3A_286, %get3A_285 : vector<16xf32>
        %get3A_288 = arith.index_cast %scan3A_276 : i32 to index
        %get3A_289 = arith.constant 0 : index
        %get3A_290 = tpu.vector_load %arg10[%get3A_288, %get3A_289] {strides = array<i32>} : memref<128x64xf32, #tpu.memory_space<vmem>>, vector<16xf32>,
        %mul3A_291 = vector.broadcast %squeeze3A_130 : f32 to vector<16xf32>
        %mul3A_292 = arith.mulf %mul3A_291, %mul3A_287 : vector<16xf32>
        %add3A_293 = arith.addf %get3A_290, %mul3A_292 : vector<16xf32>
        %swap3A_294 = arith.index_cast %scan3A_276 : i32 to index
        %swap3A_295 = arith.constant 0 : index
        %swap3A_296 = tpu.vector_load %arg10[%swap3A_294, %swap3A_295] {strides = array<i32>} : memref<128x64xf32, #tpu.memory_space<vmem>>, vector<16xf32>,
        tpu.vector_store %arg10[%swap3A_294, %swap3A_295], %add3A_293 {strides = array<i32>} : memref<128x64xf32, #tpu.memory_space<vmem>>, vector<16xf32>,
        %mul3A_297 = vector.broadcast %squeeze3A_282 : f32 to vector<16xf32>
        %mul3A_298 = arith.mulf %mul3A_297, %mul3A_287 : vector<16xf32>
        %swap3A_299 = arith.index_cast %scan3A_276 : i32 to index
        %swap3A_300 = arith.constant 0 : index
        %swap3A_301 = tpu.vector_load %arg11[%swap3A_299, %swap3A_300] {strides = array<i32>} : memref<128x64xf32, #tpu.memory_space<vmem>>, vector<16xf32>,
        tpu.vector_store %arg11[%swap3A_299, %swap3A_300], %mul3A_298 {strides = array<i32>} : memref<128x64xf32, #tpu.memory_space<vmem>>, vector<16xf32>,
        %get3A_302 = arith.index_cast %scan3A_276 : i32 to index
        %get3A_303 = arith.constant 16 : index
        %get3A_304 = tpu.vector_load %arg11[%get3A_302, %get3A_303] {strides = array<i32>} : memref<128x64xf32, #tpu.memory_space<vmem>>, vector<16xf32>,
        %mul3A_305 = vector.broadcast %squeeze3A_282 : f32 to vector<16xf32>
        %mul3A_306 = arith.mulf %mul3A_305, %get3A_304 : vector<16xf32>
        %get3A_307 = arith.index_cast %scan3A_276 : i32 to index
        %get3A_308 = arith.constant 16 : index
        %get3A_309 = tpu.vector_load %arg10[%get3A_307, %get3A_308] {strides = array<i32>} : memref<128x64xf32, #tpu.memory_space<vmem>>, vector<16xf32>,
        %mul3A_310 = vector.broadcast %squeeze3A_130 : f32 to vector<16xf32>
        %mul3A_311 = arith.mulf %mul3A_310, %mul3A_306 : vector<16xf32>
        %add3A_312 = arith.addf %get3A_309, %mul3A_311 : vector<16xf32>
        %swap3A_313 = arith.index_cast %scan3A_276 : i32 to index
        %swap3A_314 = arith.constant 16 : index
        %swap3A_315 = tpu.vector_load %arg10[%swap3A_313, %swap3A_314] {strides = array<i32>} : memref<128x64xf32, #tpu.memory_space<vmem>>, vector<16xf32>,
        tpu.vector_store %arg10[%swap3A_313, %swap3A_314], %add3A_312 {strides = array<i32>} : memref<128x64xf32, #tpu.memory_space<vmem>>, vector<16xf32>,
        %mul3A_316 = vector.broadcast %squeeze3A_282 : f32 to vector<16xf32>
        %mul3A_317 = arith.mulf %mul3A_316, %mul3A_306 : vector<16xf32>
        %swap3A_318 = arith.index_cast %scan3A_276 : i32 to index
        %swap3A_319 = arith.constant 16 : index
        %swap3A_320 = tpu.vector_load %arg11[%swap3A_318, %swap3A_319] {strides = array<i32>} : memref<128x64xf32, #tpu.memory_space<vmem>>, vector<16xf32>,
        tpu.vector_store %arg11[%swap3A_318, %swap3A_319], %mul3A_317 {strides = array<i32>} : memref<128x64xf32, #tpu.memory_space<vmem>>, vector<16xf32>,
        %get3A_321 = arith.index_cast %scan3A_276 : i32 to index
        %get3A_322 = arith.constant 32 : index
        %get3A_323 = tpu.vector_load %arg11[%get3A_321, %get3A_322] {strides = array<i32>} : memref<128x64xf32, #tpu.memory_space<vmem>>, vector<16xf32>,
        %mul3A_324 = vector.broadcast %squeeze3A_282 : f32 to vector<16xf32>
        %mul3A_325 = arith.mulf %mul3A_324, %get3A_323 : vector<16xf32>
        %get3A_326 = arith.index_cast %scan3A_276 : i32 to index
        %get3A_327 = arith.constant 32 : index
        %get3A_328 = tpu.vector_load %arg10[%get3A_326, %get3A_327] {strides = array<i32>} : memref<128x64xf32, #tpu.memory_space<vmem>>, vector<16xf32>,
        %mul3A_329 = vector.broadcast %squeeze3A_130 : f32 to vector<16xf32>
        %mul3A_330 = arith.mulf %mul3A_329, %mul3A_325 : vector<16xf32>
        %add3A_331 = arith.addf %get3A_328, %mul3A_330 : vector<16xf32>
        %swap3A_332 = arith.index_cast %scan3A_276 : i32 to index
        %swap3A_333 = arith.constant 32 : index
        %swap3A_334 = tpu.vector_load %arg10[%swap3A_332, %swap3A_333] {strides = array<i32>} : memref<128x64xf32, #tpu.memory_space<vmem>>, vector<16xf32>,
        tpu.vector_store %arg10[%swap3A_332, %swap3A_333], %add3A_331 {strides = array<i32>} : memref<128x64xf32, #tpu.memory_space<vmem>>, vector<16xf32>,
        %mul3A_335 = vector.broadcast %squeeze3A_282 : f32 to vector<16xf32>
        %mul3A_336 = arith.mulf %mul3A_335, %mul3A_325 : vector<16xf32>
        %swap3A_337 = arith.index_cast %scan3A_276 : i32 to index
        %swap3A_338 = arith.constant 32 : index
        %swap3A_339 = tpu.vector_load %arg11[%swap3A_337, %swap3A_338] {strides = array<i32>} : memref<128x64xf32, #tpu.memory_space<vmem>>, vector<16xf32>,
        tpu.vector_store %arg11[%swap3A_337, %swap3A_338], %mul3A_336 {strides = array<i32>} : memref<128x64xf32, #tpu.memory_space<vmem>>, vector<16xf32>,
        %get3A_340 = arith.index_cast %scan3A_276 : i32 to index
        %get3A_341 = arith.constant 48 : index
        %get3A_342 = tpu.vector_load %arg11[%get3A_340, %get3A_341] {strides = array<i32>} : memref<128x64xf32, #tpu.memory_space<vmem>>, vector<16xf32>,
        %mul3A_343 = vector.broadcast %squeeze3A_282 : f32 to vector<16xf32>
        %mul3A_344 = arith.mulf %mul3A_343, %get3A_342 : vector<16xf32>
        %get3A_345 = arith.index_cast %scan3A_276 : i32 to index
        %get3A_346 = arith.constant 48 : index
        %get3A_347 = tpu.vector_load %arg10[%get3A_345, %get3A_346] {strides = array<i32>} : memref<128x64xf32, #tpu.memory_space<vmem>>, vector<16xf32>,
        %mul3A_348 = vector.broadcast %squeeze3A_130 : f32 to vector<16xf32>
        %mul3A_349 = arith.mulf %mul3A_348, %mul3A_344 : vector<16xf32>
        %add3A_350 = arith.addf %get3A_347, %mul3A_349 : vector<16xf32>
        %swap3A_351 = arith.index_cast %scan3A_276 : i32 to index
        %swap3A_352 = arith.constant 48 : index
        %swap3A_353 = tpu.vector_load %arg10[%swap3A_351, %swap3A_352] {strides = array<i32>} : memref<128x64xf32, #tpu.memory_space<vmem>>, vector<16xf32>,
        tpu.vector_store %arg10[%swap3A_351, %swap3A_352], %add3A_350 {strides = array<i32>} : memref<128x64xf32, #tpu.memory_space<vmem>>, vector<16xf32>,
        %mul3A_354 = vector.broadcast %squeeze3A_282 : f32 to vector<16xf32>
        %mul3A_355 = arith.mulf %mul3A_354, %mul3A_344 : vector<16xf32>
        %swap3A_356 = arith.index_cast %scan3A_276 : i32 to index
        %swap3A_357 = arith.constant 48 : index
        %swap3A_358 = tpu.vector_load %arg11[%swap3A_356, %swap3A_357] {strides = array<i32>} : memref<128x64xf32, #tpu.memory_space<vmem>>, vector<16xf32>,
        tpu.vector_store %arg11[%swap3A_356, %swap3A_357], %mul3A_355 {strides = array<i32>} : memref<128x64xf32, #tpu.memory_space<vmem>>, vector<16xf32>,
      }
      %scan3A_252 = arith.constant 128 : i32
      %add3A_253 = arith.constant 384 : i32
      %add3A_254 = arith.addi %mul3A_0, %add3A_253 : i32
      "tpu.region"() ({
        %run_scoped3A = tpu.sem_alloc : memref<!tpu.dma_semaphore, #tpu.memory_space<semaphore_mem>>
        %dma_start3A_276 = arith.constant 0 : i32
        %dma_start3A_277 = tpu.memref_slice %arg6[%add3A_254, %dma_start3A_276] : memref<10240x64xf32, #tpu.memory_space<vmem_shared>> -> memref<128x64xf32, #tpu.memory_space<vmem_shared>>
        %dma_start3A_278 = arith.constant 0 : i32
        %dma_start3A_279 = tpu.memref_slice %arg6[%add3A_254, %dma_start3A_278] : memref<10240x64xf32, #tpu.memory_space<vmem_shared>> -> memref<128x64xf32, #tpu.memory_space<vmem_shared>>
        tpu.enqueue_dma source(%arg11 : memref<128x64xf32, #tpu.memory_space<vmem>>) target(%dma_start3A_279 : memref<128x64xf32, #tpu.memory_space<vmem_shared>>) target_semaphore(%run_scoped3A : memref<!tpu.dma_semaphore, #tpu.memory_space<semaphore_mem>>)
        %dma_wait3A = arith.constant 0 : i32
        %dma_wait3A_280 = tpu.memref_slice %arg6[%add3A_254, %dma_wait3A] : memref<10240x64xf32, #tpu.memory_space<vmem_shared>> -> memref<128x64xf32, #tpu.memory_space<vmem_shared>>
        %dma_wait3A_281 = arith.constant 0 : i32
        %dma_wait3A_282 = tpu.memref_slice %arg6[%add3A_254, %dma_wait3A_281] : memref<10240x64xf32, #tpu.memory_space<vmem_shared>> -> memref<128x64xf32, #tpu.memory_space<vmem_shared>>
        tpu.wait_dma2 semaphore(%run_scoped3A : memref<!tpu.dma_semaphore, #tpu.memory_space<semaphore_mem>>) src(%arg11 : memref<128x64xf32, #tpu.memory_space<vmem>>) dst(%dma_wait3A_282 : memref<128x64xf32, #tpu.memory_space<vmem_shared>>)
        tpu.yield
      }) : () -> ()
      %add3A_255 = arith.constant 384 : i32
      %add3A_256 = arith.addi %mul3A_0, %add3A_255 : i32
      "tpu.region"() ({
        %run_scoped3A = tpu.sem_alloc : memref<!tpu.dma_semaphore, #tpu.memory_space<semaphore_mem>>
        %dma_start3A_276 = tpu.memref_slice %arg5[%add3A_256, %mul3A_2] : memref<10240x128xf32, #tpu.memory_space<hbm>> -> memref<128x64xf32, #tpu.memory_space<hbm>>
        %dma_start3A_277 = tpu.memref_slice %arg5[%add3A_256, %mul3A_2] : memref<10240x128xf32, #tpu.memory_space<hbm>> -> memref<128x64xf32, #tpu.memory_space<hbm>>
        tpu.enqueue_dma source(%arg10 : memref<128x64xf32, #tpu.memory_space<vmem>>) target(%dma_start3A_277 : memref<128x64xf32, #tpu.memory_space<hbm>>) target_semaphore(%run_scoped3A : memref<!tpu.dma_semaphore, #tpu.memory_space<semaphore_mem>>)
        %dma_wait3A = tpu.memref_slice %arg5[%add3A_256, %mul3A_2] : memref<10240x128xf32, #tpu.memory_space<hbm>> -> memref<128x64xf32, #tpu.memory_space<hbm>>
        %dma_wait3A_278 = tpu.memref_slice %arg5[%add3A_256, %mul3A_2] : memref<10240x128xf32, #tpu.memory_space<hbm>> -> memref<128x64xf32, #tpu.memory_space<hbm>>
        tpu.wait_dma2 semaphore(%run_scoped3A : memref<!tpu.dma_semaphore, #tpu.memory_space<semaphore_mem>>) src(%arg10 : memref<128x64xf32, #tpu.memory_space<vmem>>) dst(%dma_wait3A_278 : memref<128x64xf32, #tpu.memory_space<hbm>>)
        tpu.yield
      }) : () -> ()
      %add3A_257 = arith.constant 384 : i32
      %add3A_258 = arith.addi %mul3A_0, %add3A_257 : i32
      "tpu.region"() ({
        %run_scoped3A = tpu.sem_alloc : memref<!tpu.dma_semaphore, #tpu.memory_space<semaphore_mem>>
        %dma_start3A_276 = arith.constant 0 : i32
        %dma_start3A_277 = tpu.memref_slice %arg7[%add3A_258, %dma_start3A_276] : memref<10240x64xf32, #tpu.memory_space<vmem_shared>> -> memref<128x64xf32, #tpu.memory_space<vmem_shared>>
        %dma_start3A_278 = arith.constant 0 : i32
        %dma_start3A_279 = tpu.memref_slice %arg7[%add3A_258, %dma_start3A_278] : memref<10240x64xf32, #tpu.memory_space<vmem_shared>> -> memref<128x64xf32, #tpu.memory_space<vmem_shared>>
        tpu.enqueue_dma source(%arg12 : memref<128x64xf32, #tpu.memory_space<vmem>>) target(%dma_start3A_279 : memref<128x64xf32, #tpu.memory_space<vmem_shared>>) target_semaphore(%run_scoped3A : memref<!tpu.dma_semaphore, #tpu.memory_space<semaphore_mem>>)
        %dma_wait3A = arith.constant 0 : i32
        %dma_wait3A_280 = tpu.memref_slice %arg7[%add3A_258, %dma_wait3A] : memref<10240x64xf32, #tpu.memory_space<vmem_shared>> -> memref<128x64xf32, #tpu.memory_space<vmem_shared>>
        %dma_wait3A_281 = arith.constant 0 : i32
        %dma_wait3A_282 = tpu.memref_slice %arg7[%add3A_258, %dma_wait3A_281] : memref<10240x64xf32, #tpu.memory_space<vmem_shared>> -> memref<128x64xf32, #tpu.memory_space<vmem_shared>>
        tpu.wait_dma2 semaphore(%run_scoped3A : memref<!tpu.dma_semaphore, #tpu.memory_space<semaphore_mem>>) src(%arg12 : memref<128x64xf32, #tpu.memory_space<vmem>>) dst(%dma_wait3A_282 : memref<128x64xf32, #tpu.memory_space<vmem_shared>>)
        tpu.yield
      }) : () -> ()
      %add3A_259 = arith.constant 512 : i32
      %add3A_260 = arith.addi %mul3A_0, %add3A_259 : i32
      "tpu.region"() ({
        %run_scoped3A = tpu.sem_alloc : memref<!tpu.dma_semaphore, #tpu.memory_space<semaphore_mem>>
        %dma_start3A_276 = arith.constant 0 : i32
        %dma_start3A_277 = tpu.memref_slice %arg7[%add3A_260, %dma_start3A_276] : memref<10240x64xf32, #tpu.memory_space<vmem_shared>> -> memref<128x64xf32, #tpu.memory_space<vmem_shared>>
        %dma_start3A_278 = arith.constant 0 : i32
        %dma_start3A_279 = tpu.memref_slice %arg7[%add3A_260, %dma_start3A_278] : memref<10240x64xf32, #tpu.memory_space<vmem_shared>> -> memref<128x64xf32, #tpu.memory_space<vmem_shared>>
        tpu.enqueue_dma source(%dma_start3A_279 : memref<128x64xf32, #tpu.memory_space<vmem_shared>>) target(%arg11 : memref<128x64xf32, #tpu.memory_space<vmem>>) target_semaphore(%run_scoped3A : memref<!tpu.dma_semaphore, #tpu.memory_space<semaphore_mem>>)
        %dma_wait3A = arith.constant 0 : i32
        %dma_wait3A_280 = tpu.memref_slice %arg7[%add3A_260, %dma_wait3A] : memref<10240x64xf32, #tpu.memory_space<vmem_shared>> -> memref<128x64xf32, #tpu.memory_space<vmem_shared>>
        %dma_wait3A_281 = arith.constant 0 : i32
        %dma_wait3A_282 = tpu.memref_slice %arg7[%add3A_260, %dma_wait3A_281] : memref<10240x64xf32, #tpu.memory_space<vmem_shared>> -> memref<128x64xf32, #tpu.memory_space<vmem_shared>>
        tpu.wait_dma2 semaphore(%run_scoped3A : memref<!tpu.dma_semaphore, #tpu.memory_space<semaphore_mem>>) src(%dma_wait3A_282 : memref<128x64xf32, #tpu.memory_space<vmem_shared>>) dst(%arg11 : memref<128x64xf32, #tpu.memory_space<vmem>>)
        tpu.yield
      }) : () -> ()
      %add3A_261 = arith.constant 512 : i32
      %add3A_262 = arith.addi %mul3A_0, %add3A_261 : i32
      "tpu.region"() ({
        %run_scoped3A = tpu.sem_alloc : memref<!tpu.dma_semaphore, #tpu.memory_space<semaphore_mem>>
        %dma_start3A_276 = tpu.memref_slice %arg5[%add3A_262, %mul3A_2] : memref<10240x128xf32, #tpu.memory_space<hbm>> -> memref<128x64xf32, #tpu.memory_space<hbm>>
        %dma_start3A_277 = tpu.memref_slice %arg5[%add3A_262, %mul3A_2] : memref<10240x128xf32, #tpu.memory_space<hbm>> -> memref<128x64xf32, #tpu.memory_space<hbm>>
        tpu.enqueue_dma source(%dma_start3A_277 : memref<128x64xf32, #tpu.memory_space<hbm>>) target(%arg10 : memref<128x64xf32, #tpu.memory_space<vmem>>) target_semaphore(%run_scoped3A : memref<!tpu.dma_semaphore, #tpu.memory_space<semaphore_mem>>)
        %dma_wait3A = tpu.memref_slice %arg5[%add3A_262, %mul3A_2] : memref<10240x128xf32, #tpu.memory_space<hbm>> -> memref<128x64xf32, #tpu.memory_space<hbm>>
        %dma_wait3A_278 = tpu.memref_slice %arg5[%add3A_262, %mul3A_2] : memref<10240x128xf32, #tpu.memory_space<hbm>> -> memref<128x64xf32, #tpu.memory_space<hbm>>
        tpu.wait_dma2 semaphore(%run_scoped3A : memref<!tpu.dma_semaphore, #tpu.memory_space<semaphore_mem>>) src(%dma_wait3A_278 : memref<128x64xf32, #tpu.memory_space<hbm>>) dst(%arg10 : memref<128x64xf32, #tpu.memory_space<vmem>>)
        tpu.yield
      }) : () -> ()
      %scan3A_263 = arith.constant 0 : i32
      %scan3A_264 = arith.constant 0 : i32
      %scan3A_265 = arith.constant 128 : i32
      %scan3A_266 = arith.addi %scan3A_264, %scan3A_265 : i32
      %scan3A_267 = arith.constant 1 : i32
      scf.for %scan3A_276 = %scan3A_264 to %scan3A_266 step %scan3A_267  : i32 {
        %add3A_277 = arith.constant 512 : i32
        %add3A_278 = arith.addi %add3A_277, %scan3A_276 : i32
        %get3A_279 = arith.index_cast %add3A_278 : i32 to index
        %get3A_280 = tpu.vector_load %arg13[%get3A_279] {strides = array<i32>} : memref<656xf32, #tpu.memory_space<vmem>>, vector<16xf32>,
        %slice3A_281 = vector.extract_strided_slice %get3A_280 {offsets = [0], sizes = [1], strides = [1]} : vector<16xf32> to vector<1xf32>
        %squeeze3A_282 = vector.extract %slice3A_281[0] : f32 from vector<1xf32>
        %get3A_283 = arith.index_cast %scan3A_276 : i32 to index
        %get3A_284 = arith.constant 0 : index
        %get3A_285 = tpu.vector_load %arg11[%get3A_283, %get3A_284] {strides = array<i32>} : memref<128x64xf32, #tpu.memory_space<vmem>>, vector<16xf32>,
        %mul3A_286 = vector.broadcast %squeeze3A_282 : f32 to vector<16xf32>
        %mul3A_287 = arith.mulf %mul3A_286, %get3A_285 : vector<16xf32>
        %get3A_288 = arith.index_cast %scan3A_276 : i32 to index
        %get3A_289 = arith.constant 0 : index
        %get3A_290 = tpu.vector_load %arg10[%get3A_288, %get3A_289] {strides = array<i32>} : memref<128x64xf32, #tpu.memory_space<vmem>>, vector<16xf32>,
        %mul3A_291 = vector.broadcast %squeeze3A_130 : f32 to vector<16xf32>
        %mul3A_292 = arith.mulf %mul3A_291, %mul3A_287 : vector<16xf32>
        %add3A_293 = arith.addf %get3A_290, %mul3A_292 : vector<16xf32>
        %swap3A_294 = arith.index_cast %scan3A_276 : i32 to index
        %swap3A_295 = arith.constant 0 : index
        %swap3A_296 = tpu.vector_load %arg10[%swap3A_294, %swap3A_295] {strides = array<i32>} : memref<128x64xf32, #tpu.memory_space<vmem>>, vector<16xf32>,
        tpu.vector_store %arg10[%swap3A_294, %swap3A_295], %add3A_293 {strides = array<i32>} : memref<128x64xf32, #tpu.memory_space<vmem>>, vector<16xf32>,
        %mul3A_297 = vector.broadcast %squeeze3A_282 : f32 to vector<16xf32>
        %mul3A_298 = arith.mulf %mul3A_297, %mul3A_287 : vector<16xf32>
        %swap3A_299 = arith.index_cast %scan3A_276 : i32 to index
        %swap3A_300 = arith.constant 0 : index
        %swap3A_301 = tpu.vector_load %arg11[%swap3A_299, %swap3A_300] {strides = array<i32>} : memref<128x64xf32, #tpu.memory_space<vmem>>, vector<16xf32>,
        tpu.vector_store %arg11[%swap3A_299, %swap3A_300], %mul3A_298 {strides = array<i32>} : memref<128x64xf32, #tpu.memory_space<vmem>>, vector<16xf32>,
        %get3A_302 = arith.index_cast %scan3A_276 : i32 to index
        %get3A_303 = arith.constant 16 : index
        %get3A_304 = tpu.vector_load %arg11[%get3A_302, %get3A_303] {strides = array<i32>} : memref<128x64xf32, #tpu.memory_space<vmem>>, vector<16xf32>,
        %mul3A_305 = vector.broadcast %squeeze3A_282 : f32 to vector<16xf32>
        %mul3A_306 = arith.mulf %mul3A_305, %get3A_304 : vector<16xf32>
        %get3A_307 = arith.index_cast %scan3A_276 : i32 to index
        %get3A_308 = arith.constant 16 : index
        %get3A_309 = tpu.vector_load %arg10[%get3A_307, %get3A_308] {strides = array<i32>} : memref<128x64xf32, #tpu.memory_space<vmem>>, vector<16xf32>,
        %mul3A_310 = vector.broadcast %squeeze3A_130 : f32 to vector<16xf32>
        %mul3A_311 = arith.mulf %mul3A_310, %mul3A_306 : vector<16xf32>
        %add3A_312 = arith.addf %get3A_309, %mul3A_311 : vector<16xf32>
        %swap3A_313 = arith.index_cast %scan3A_276 : i32 to index
        %swap3A_314 = arith.constant 16 : index
        %swap3A_315 = tpu.vector_load %arg10[%swap3A_313, %swap3A_314] {strides = array<i32>} : memref<128x64xf32, #tpu.memory_space<vmem>>, vector<16xf32>,
        tpu.vector_store %arg10[%swap3A_313, %swap3A_314], %add3A_312 {strides = array<i32>} : memref<128x64xf32, #tpu.memory_space<vmem>>, vector<16xf32>,
        %mul3A_316 = vector.broadcast %squeeze3A_282 : f32 to vector<16xf32>
        %mul3A_317 = arith.mulf %mul3A_316, %mul3A_306 : vector<16xf32>
        %swap3A_318 = arith.index_cast %scan3A_276 : i32 to index
        %swap3A_319 = arith.constant 16 : index
        %swap3A_320 = tpu.vector_load %arg11[%swap3A_318, %swap3A_319] {strides = array<i32>} : memref<128x64xf32, #tpu.memory_space<vmem>>, vector<16xf32>,
        tpu.vector_store %arg11[%swap3A_318, %swap3A_319], %mul3A_317 {strides = array<i32>} : memref<128x64xf32, #tpu.memory_space<vmem>>, vector<16xf32>,
        %get3A_321 = arith.index_cast %scan3A_276 : i32 to index
        %get3A_322 = arith.constant 32 : index
        %get3A_323 = tpu.vector_load %arg11[%get3A_321, %get3A_322] {strides = array<i32>} : memref<128x64xf32, #tpu.memory_space<vmem>>, vector<16xf32>,
        %mul3A_324 = vector.broadcast %squeeze3A_282 : f32 to vector<16xf32>
        %mul3A_325 = arith.mulf %mul3A_324, %get3A_323 : vector<16xf32>
        %get3A_326 = arith.index_cast %scan3A_276 : i32 to index
        %get3A_327 = arith.constant 32 : index
        %get3A_328 = tpu.vector_load %arg10[%get3A_326, %get3A_327] {strides = array<i32>} : memref<128x64xf32, #tpu.memory_space<vmem>>, vector<16xf32>,
        %mul3A_329 = vector.broadcast %squeeze3A_130 : f32 to vector<16xf32>
        %mul3A_330 = arith.mulf %mul3A_329, %mul3A_325 : vector<16xf32>
        %add3A_331 = arith.addf %get3A_328, %mul3A_330 : vector<16xf32>
        %swap3A_332 = arith.index_cast %scan3A_276 : i32 to index
        %swap3A_333 = arith.constant 32 : index
        %swap3A_334 = tpu.vector_load %arg10[%swap3A_332, %swap3A_333] {strides = array<i32>} : memref<128x64xf32, #tpu.memory_space<vmem>>, vector<16xf32>,
        tpu.vector_store %arg10[%swap3A_332, %swap3A_333], %add3A_331 {strides = array<i32>} : memref<128x64xf32, #tpu.memory_space<vmem>>, vector<16xf32>,
        %mul3A_335 = vector.broadcast %squeeze3A_282 : f32 to vector<16xf32>
        %mul3A_336 = arith.mulf %mul3A_335, %mul3A_325 : vector<16xf32>
        %swap3A_337 = arith.index_cast %scan3A_276 : i32 to index
        %swap3A_338 = arith.constant 32 : index
        %swap3A_339 = tpu.vector_load %arg11[%swap3A_337, %swap3A_338] {strides = array<i32>} : memref<128x64xf32, #tpu.memory_space<vmem>>, vector<16xf32>,
        tpu.vector_store %arg11[%swap3A_337, %swap3A_338], %mul3A_336 {strides = array<i32>} : memref<128x64xf32, #tpu.memory_space<vmem>>, vector<16xf32>,
        %get3A_340 = arith.index_cast %scan3A_276 : i32 to index
        %get3A_341 = arith.constant 48 : index
        %get3A_342 = tpu.vector_load %arg11[%get3A_340, %get3A_341] {strides = array<i32>} : memref<128x64xf32, #tpu.memory_space<vmem>>, vector<16xf32>,
        %mul3A_343 = vector.broadcast %squeeze3A_282 : f32 to vector<16xf32>
        %mul3A_344 = arith.mulf %mul3A_343, %get3A_342 : vector<16xf32>
        %get3A_345 = arith.index_cast %scan3A_276 : i32 to index
        %get3A_346 = arith.constant 48 : index
        %get3A_347 = tpu.vector_load %arg10[%get3A_345, %get3A_346] {strides = array<i32>} : memref<128x64xf32, #tpu.memory_space<vmem>>, vector<16xf32>,
        %mul3A_348 = vector.broadcast %squeeze3A_130 : f32 to vector<16xf32>
        %mul3A_349 = arith.mulf %mul3A_348, %mul3A_344 : vector<16xf32>
        %add3A_350 = arith.addf %get3A_347, %mul3A_349 : vector<16xf32>
        %swap3A_351 = arith.index_cast %scan3A_276 : i32 to index
        %swap3A_352 = arith.constant 48 : index
        %swap3A_353 = tpu.vector_load %arg10[%swap3A_351, %swap3A_352] {strides = array<i32>} : memref<128x64xf32, #tpu.memory_space<vmem>>, vector<16xf32>,
        tpu.vector_store %arg10[%swap3A_351, %swap3A_352], %add3A_350 {strides = array<i32>} : memref<128x64xf32, #tpu.memory_space<vmem>>, vector<16xf32>,
        %mul3A_354 = vector.broadcast %squeeze3A_282 : f32 to vector<16xf32>
        %mul3A_355 = arith.mulf %mul3A_354, %mul3A_344 : vector<16xf32>
        %swap3A_356 = arith.index_cast %scan3A_276 : i32 to index
        %swap3A_357 = arith.constant 48 : index
        %swap3A_358 = tpu.vector_load %arg11[%swap3A_356, %swap3A_357] {strides = array<i32>} : memref<128x64xf32, #tpu.memory_space<vmem>>, vector<16xf32>,
        tpu.vector_store %arg11[%swap3A_356, %swap3A_357], %mul3A_355 {strides = array<i32>} : memref<128x64xf32, #tpu.memory_space<vmem>>, vector<16xf32>,
      }
      %scan3A_268 = arith.constant 128 : i32
      %add3A_269 = arith.constant 512 : i32
      %add3A_270 = arith.addi %mul3A_0, %add3A_269 : i32
      "tpu.region"() ({
        %run_scoped3A = tpu.sem_alloc : memref<!tpu.dma_semaphore, #tpu.memory_space<semaphore_mem>>
        %dma_start3A_276 = arith.constant 0 : i32
        %dma_start3A_277 = tpu.memref_slice %arg6[%add3A_270, %dma_start3A_276] : memref<10240x64xf32, #tpu.memory_space<vmem_shared>> -> memref<128x64xf32, #tpu.memory_space<vmem_shared>>
        %dma_start3A_278 = arith.constant 0 : i32
        %dma_start3A_279 = tpu.memref_slice %arg6[%add3A_270, %dma_start3A_278] : memref<10240x64xf32, #tpu.memory_space<vmem_shared>> -> memref<128x64xf32, #tpu.memory_space<vmem_shared>>
        tpu.enqueue_dma source(%arg11 : memref<128x64xf32, #tpu.memory_space<vmem>>) target(%dma_start3A_279 : memref<128x64xf32, #tpu.memory_space<vmem_shared>>) target_semaphore(%run_scoped3A : memref<!tpu.dma_semaphore, #tpu.memory_space<semaphore_mem>>)
        %dma_wait3A = arith.constant 0 : i32
        %dma_wait3A_280 = tpu.memref_slice %arg6[%add3A_270, %dma_wait3A] : memref<10240x64xf32, #tpu.memory_space<vmem_shared>> -> memref<128x64xf32, #tpu.memory_space<vmem_shared>>
        %dma_wait3A_281 = arith.constant 0 : i32
        %dma_wait3A_282 = tpu.memref_slice %arg6[%add3A_270, %dma_wait3A_281] : memref<10240x64xf32, #tpu.memory_space<vmem_shared>> -> memref<128x64xf32, #tpu.memory_space<vmem_shared>>
        tpu.wait_dma2 semaphore(%run_scoped3A : memref<!tpu.dma_semaphore, #tpu.memory_space<semaphore_mem>>) src(%arg11 : memref<128x64xf32, #tpu.memory_space<vmem>>) dst(%dma_wait3A_282 : memref<128x64xf32, #tpu.memory_space<vmem_shared>>)
        tpu.yield
      }) : () -> ()
      %add3A_271 = arith.constant 512 : i32
      %add3A_272 = arith.addi %mul3A_0, %add3A_271 : i32
      "tpu.region"() ({
        %run_scoped3A = tpu.sem_alloc : memref<!tpu.dma_semaphore, #tpu.memory_space<semaphore_mem>>
        %dma_start3A_276 = tpu.memref_slice %arg5[%add3A_272, %mul3A_2] : memref<10240x128xf32, #tpu.memory_space<hbm>> -> memref<128x64xf32, #tpu.memory_space<hbm>>
        %dma_start3A_277 = tpu.memref_slice %arg5[%add3A_272, %mul3A_2] : memref<10240x128xf32, #tpu.memory_space<hbm>> -> memref<128x64xf32, #tpu.memory_space<hbm>>
        tpu.enqueue_dma source(%arg10 : memref<128x64xf32, #tpu.memory_space<vmem>>) target(%dma_start3A_277 : memref<128x64xf32, #tpu.memory_space<hbm>>) target_semaphore(%run_scoped3A : memref<!tpu.dma_semaphore, #tpu.memory_space<semaphore_mem>>)
        %dma_wait3A = tpu.memref_slice %arg5[%add3A_272, %mul3A_2] : memref<10240x128xf32, #tpu.memory_space<hbm>> -> memref<128x64xf32, #tpu.memory_space<hbm>>
        %dma_wait3A_278 = tpu.memref_slice %arg5[%add3A_272, %mul3A_2] : memref<10240x128xf32, #tpu.memory_space<hbm>> -> memref<128x64xf32, #tpu.memory_space<hbm>>
        tpu.wait_dma2 semaphore(%run_scoped3A : memref<!tpu.dma_semaphore, #tpu.memory_space<semaphore_mem>>) src(%arg10 : memref<128x64xf32, #tpu.memory_space<vmem>>) dst(%dma_wait3A_278 : memref<128x64xf32, #tpu.memory_space<hbm>>)
        tpu.yield
      }) : () -> ()
      %add3A_273 = arith.constant 512 : i32
      %add3A_274 = arith.addi %mul3A_0, %add3A_273 : i32
      "tpu.region"() ({
        %run_scoped3A = tpu.sem_alloc : memref<!tpu.dma_semaphore, #tpu.memory_space<semaphore_mem>>
        %dma_start3A_276 = arith.constant 0 : i32
        %dma_start3A_277 = tpu.memref_slice %arg7[%add3A_274, %dma_start3A_276] : memref<10240x64xf32, #tpu.memory_space<vmem_shared>> -> memref<128x64xf32, #tpu.memory_space<vmem_shared>>
        %dma_start3A_278 = arith.constant 0 : i32
        %dma_start3A_279 = tpu.memref_slice %arg7[%add3A_274, %dma_start3A_278] : memref<10240x64xf32, #tpu.memory_space<vmem_shared>> -> memref<128x64xf32, #tpu.memory_space<vmem_shared>>
        tpu.enqueue_dma source(%arg12 : memref<128x64xf32, #tpu.memory_space<vmem>>) target(%dma_start3A_279 : memref<128x64xf32, #tpu.memory_space<vmem_shared>>) target_semaphore(%run_scoped3A : memref<!tpu.dma_semaphore, #tpu.memory_space<semaphore_mem>>)
        %dma_wait3A = arith.constant 0 : i32
        %dma_wait3A_280 = tpu.memref_slice %arg7[%add3A_274, %dma_wait3A] : memref<10240x64xf32, #tpu.memory_space<vmem_shared>> -> memref<128x64xf32, #tpu.memory_space<vmem_shared>>
        %dma_wait3A_281 = arith.constant 0 : i32
        %dma_wait3A_282 = tpu.memref_slice %arg7[%add3A_274, %dma_wait3A_281] : memref<10240x64xf32, #tpu.memory_space<vmem_shared>> -> memref<128x64xf32, #tpu.memory_space<vmem_shared>>
        tpu.wait_dma2 semaphore(%run_scoped3A : memref<!tpu.dma_semaphore, #tpu.memory_space<semaphore_mem>>) src(%arg12 : memref<128x64xf32, #tpu.memory_space<vmem>>) dst(%dma_wait3A_282 : memref<128x64xf32, #tpu.memory_space<vmem_shared>>)
        tpu.yield
      }) : () -> ()
      %barrier3A_275 = arith.constant 0 : index
      tpu.barrier barrier_id(%barrier3A_275)
    }
    %scan3A_123 = arith.constant 10 : i32
    return
  }
}

</mosaic_0001>

<sc_bundles>
// kernel: _run.3.cloned.1.call-start
scs
__scs_entry_jumppad:
0x0: {  	(pc) =	sbr.rel $0x88, $3  }
0x1: {  	(tag) =	ssettag $0x0;
	lr =	simm.s32 $0x1  }
0x2: {  	[smem:$0x3F9E] =	sst lr;
	_ =	strace $0xD0000000  }
0x3: {  	_ = 	snop  }
0x4: {  	_ = 	snop  }
0x5: {  	_ = 	snop  }
0x6: {  	_ = 	snop  }
0x7: {  	_ = 	snop  }
__scs_overlays_trampoline_lowered:
0x8: {  	[smem:$0x3FAD] =	sst s0  }
0x9: {  	[smem:$0x3FAE] =	sst s1  }
0xa: {  	[smem:$0x3FAF] =	sst s2  }
0xb: {  	[smem:$0x3FB0] =	sst s3  }
0xc: {  	[smem:$0x3FB1] =	sst s4  }
0xd: {  	[smem:$0x3FB2] =	sst s5  }
0xe: {  	[smem:$0x3FB3] =	sst s6  }
0xf: {  	[smem:$0x3FB4] =	sst s7  }
0x10: {  	[smem:$0x3FB5] =	sst s8  }
0x11: {  	[smem:$0x3FB6] =	sst s9;
	s0 =	simm.s32 @!p0 $0x0  }
0x12: {  	s1 =	sld [smem:$0x3F9C];
	s0 =	simm.s32 @p0 $0x1  }
0x13: {  	[smem:$0x3FB7] =	sst s0;
	s0 =	simm.s32 @!p1 $0x0  }
0x14: {  	s2 =	sld [smem:$0x3F9B];
	s0 =	simm.s32 @p1 $0x1  }
0x15: {  	[smem:$0x3FB8] =	sst s0;
	s0 =	simm.s32 @!p2 $0x0  }
0x16: {  	s3 =	sld [smem:$0x3FDB];
	s0 =	simm.s32 @p2 $0x1  }
0x17: {  	s4 =	simm.s32 $0x1BF5;
	[smem:$0x3FBA] =	sst s0  }
0x18: {  	s0 =	sld [smem:$0x3F9D];
	_ =	swait.ge [sflag:s4], $0x0  }
0x19: {  	s7 =	sld [smem:$0x3F9E]  }
0x1a: {  	s8 =	sadd.s32 $0xFFFFE003, lr  }
0x1b: {  	s9 =	sadd.s32 $0xFFFFFEF7, lr;
	s5 =	simm.s32 $0xFFFFFFFF;
	p2 =	slt.u32 s8, $0xFFFFF086  }
0x1c: {  	p1 =	slt.u32 s9, $0xF7A;
	s5 =	simm.s32 @!p2 $0x0  }
0x1d: {  	s5 =	simm.s32 @p1 $0x1;
	p0 =	seq.s32 s7, s2  }
0x1e: {  	s7 =	smul.u32 @!p0 $0xF7A, s2;
	p2 =	seq.s32 @!p0 s5, $0x0  }
0x1f: {  	s9 =	smul.u32 $0xF7A, s1;
	s8 =	simm.s32 @!p0 $0x1BF5;
	p2 =	por !p2, p0  }
0x20: {  	[sflag:s8] =	ssyncset.s32 @!p0 $0xFFFFF086;
	s6 =	sadd.s32 @!p0 s3, s7;
	s7 =	simm.s32 @!p0 $0x108  }
0x21: {  	s3 =	sadd.s32 s3, s9;
	s6 =	sadd.s32 @!p0 $0x88, s6;
	s7 =	simm.s32 @p2 $0x1082  }
0x22: {  	[simem:s7], [sflag:s8] =	dma.local @!p0 [hbm:s6], $0xF7A  }
0x23: {  	s9 =	sor.u32 $0xD0000000, s2;
	s6 =	simm.s32 $0x108;
	_ =	swait.ge @!p0 [sflag:s8], $0x0  }
0x24: {  	s3 =	sadd.s32 $0x88, s3;
	s6 =	simm.s32 @!p1 $0x1082;
	[sflag:s4] =	ssyncset.s32 $0xFFFFF086  }
0x25: {  	[simem:s6], [sflag:s4] =	dma.local [hbm:s3], $0xF7A  }
0x26: {  	[smem:$0x3F9E] =	sst s1;
	(tag) =	ssettag s2;
	_ =	strace s9  }
0x27: {  	s1 =	sld [smem:$0x3FAE]  }
0x28: {  	s2 =	sld [smem:$0x3FAF]  }
0x29: {  	s4 =	sld [smem:$0x3FB1]  }
0x2a: {  	p0 =	seq.s32 s5, $0x0;
	s5 =	sld [smem:$0x3FB2]  }
0x2b: {  	s6 =	sld [smem:$0x3FB3]  }
0x2c: {  	s7 =	sld [smem:$0x3FB4]  }
0x2d: {  	s3 =	simm.s32 $0x108;
	s8 =	sld [smem:$0x3FB5]  }
0x2e: {  	s3 =	simm.s32 @!p0 $0x1082;
	s9 =	sld [smem:$0x3FB6]  }
0x2f: {  	lr =	sadd.s32 s0, s3;
	s0 =	sld [smem:$0x3FAD]  }
0x30: {  	s3 =	sld [smem:$0x3FB0]  }
0x31: {  	[smem:$0x3FB9] =	sst s10  }
0x32: {  	s10 =	sld [smem:$0x3FB7];
	_ =	sdelay $0x3  }
0x33: {  	p0 =	seq.s32 s10, $0x1;
	s10 =	sld [smem:$0x3FB9];
	_ =	sdelay $0x3  }
0x34: {  	[smem:$0x3FB9] =	sst s10  }
0x35: {  	s10 =	sld [smem:$0x3FB8];
	_ =	sdelay $0x3  }
0x36: {  	p1 =	seq.s32 s10, $0x1;
	s10 =	sld [smem:$0x3FB9];
	_ =	sdelay $0x3  }
0x37: {  	[smem:$0x3FB9] =	sst s10  }
0x38: {  	s10 =	sld [smem:$0x3FBA]  }
0x39: {  	_ = 	snop;
	(pc) =	sbr.ind lr, $3  }
0x3a: {  	_ = 	snop  }
0x3b: {  	_ = 	snop  }
0x3c: {  	p2 =	seq.s32 s10, $0x1;
	s10 =	sld [smem:$0x3FB9]  }
0x3d: {  	_ =	shalt  }
0x3e: {  	_ =	shalt  }
0x3f: {  	_ =	shalt  }
0x40: {  	_ =	shalt  }
0x41: {  	_ =	shalt  }
0x42: {  	_ =	shalt  }
0x43: {  	_ =	shalt  }
0x44: {  	_ =	shalt  }
0x45: {  	_ =	shalt  }
0x46: {  	_ =	shalt  }
0x47: {  	_ =	shalt  }
0x48: {  	_ =	shalt  }
0x49: {  	_ =	shalt  }
0x4a: {  	_ =	shalt  }
0x4b: {  	_ =	shalt  }
0x4c: {  	_ =	shalt  }
0x4d: {  	_ =	shalt  }
0x4e: {  	_ =	shalt  }
0x4f: {  	_ =	shalt  }
0x50: {  	_ =	shalt  }
0x51: {  	_ =	shalt  }
0x52: {  	_ =	shalt  }
0x53: {  	_ =	shalt  }
0x54: {  	_ =	shalt  }
0x55: {  	_ =	shalt  }
0x56: {  	_ =	shalt  }
0x57: {  	_ =	shalt  }
0x58: {  	_ =	shalt  }
0x59: {  	_ =	shalt  }
0x5a: {  	_ =	shalt  }
0x5b: {  	_ =	shalt  }
0x5c: {  	_ =	shalt  }
0x5d: {  	_ =	shalt  }
0x5e: {  	_ =	shalt  }
0x5f: {  	_ =	shalt  }
0x60: {  	_ =	shalt  }
0x61: {  	_ =	shalt  }
0x62: {  	_ =	shalt  }
0x63: {  	_ =	shalt  }
0x64: {  	_ =	shalt  }
0x65: {  	_ =	shalt  }
0x66: {  	_ =	shalt  }
0x67: {  	_ =	shalt  }
0x68: {  	_ =	shalt  }
0x69: {  	_ =	shalt  }
0x6a: {  	_ =	shalt  }
0x6b: {  	_ =	shalt  }
0x6c: {  	_ =	shalt  }
0x6d: {  	_ =	shalt  }
0x6e: {  	_ =	shalt  }
0x6f: {  	_ =	shalt  }
0x70: {  	_ =	shalt  }
0x71: {  	_ =	shalt  }
0x72: {  	_ =	shalt  }
0x73: {  	_ =	shalt  }
0x74: {  	_ =	shalt  }
0x75: {  	_ =	shalt  }
0x76: {  	_ =	shalt  }
0x77: {  	_ =	shalt  }
0x78: {  	_ =	shalt  }
0x79: {  	_ =	shalt  }
0x7a: {  	_ =	shalt  }
0x7b: {  	_ =	shalt  }
0x7c: {  	_ =	shalt  }
0x7d: {  	_ =	shalt  }
0x7e: {  	_ =	shalt  }
0x7f: {  	_ =	shalt  }
0x80: {  	_ =	shalt  }
0x81: {  	_ =	shalt  }
0x82: {  	_ =	shalt  }
0x83: {  	_ =	shalt  }
0x84: {  	_ =	shalt  }
0x85: {  	_ =	shalt  }
0x86: {  	_ =	shalt  }
0x87: {  	_ =	shalt  }
.Lfunc_end0:
.L_simem_size_0:
called_computation_lowered:
.L_overlay_start_0:
0x88: {  	s2 =	sld [smem:$0x3FD9]  }
0x89: {  	s3 =	sld [smem:$0x3FFE];
	_ =	sdelay $0x1  }
0x8a: {  	s1 =	srdreg.scid  }
0x8b: {  	s0 =	sand.u32 $0x1, s1  }
0x8c: {  	s17 =	sshll.u32 s0, $0xA;
	s2 =	sadd.s32 s3, s2  }
0x8d: {  	s2 =	sadd.s32 s2, s17  }
0x8e: {  	[smem:$0x3FC5] =	sst s2  }
0x8f: {  	_ = 	snop  }
0x90: {  	s2 =	sld [smem:$0x3FC9]  }
0x91: {  	s18 =	sld [smem:$0x3FC7]  }
0x92: {  	s4 =	sld [smem:$0x3FD0];
	(tm) =	ssettm $0x1  }
0x93: {  	s5 =	sld [smem:$0x3FFB];
	_ =	sdelay $0x3  }
0x94: {  	_ =	strace s5  }
0x95: {  	s5 =	sld [smem:$0x3FFC];
	_ =	sdelay $0x3  }
0x96: {  	_ =	strace s5  }
0x97: {  	s5 =	sld [smem:$0x3FFD];
	_ =	sdelay $0x3  }
0x98: {  	_ =	strace s5  }
0x99: {  	_ =	strace $0x8FFFFFFF  }
0x9a: {  	s19 =	sld [smem:$0x3FDB];
	_ =	sdelay $0x1  }
0x9b: {  	s6 =	simm.s32 $_scs_section_size  }
0x9c: {  	s7 =	simm.s32 $_size__tile_overlayer_lowered;
	s8 =	simm.s32 $_tile_overlayer_lowered  }
0x9d: {  	s22 =	simm.s32 $0x1BFF;
	s21 =	sshll.u32 s8, $0x1;
	s5 =	sadd.s32 s6, s19  }
0x9e: {  	s9 =	simm.s32 $0x0;
	s20 =	sshll.u32 s7, $0x1;
	s7 =	sadd.s32 s21, s5  }
0x9f: {  	[timem:s9], [sflag:s22] =	dma.local [hbm:s7], s20  }
0xa0: {  	_ =	swait.ge [sflag:s22], s20  }
0xa1: {  	s6 =	ssub.s32 $0x0, s20;
	[sflag:s22] =	ssyncset.done $0x0  }
0xa2: {  	[sflag:s22] =	ssyncadd.s32 s6;
	_ =	sdelay $0x1  }
0xa3: {  	s23 =	simm.s32 $0x1B8B  }
0xa4: {  	_ =	swait.ge [sflag:s23], $0x1  }
0xa5: {  	[sflag:s23] =	ssyncset.done $0x0  }
0xa6: {  	s25 =	simm.s32 $0x1B8E;
	s24 =	sld [smem:$0x3FFE];
	[sflag:s23] =	ssyncadd.s32 $0xFFFFFFFF  }
0xa7: {  	s26 =	simm.s32 $execute0_lowered;
	[smem:$0x3FD2] =	sst s25  }
0xa8: {  	s7 =	sshll.u32 s26, $0x1;
	_ =	strace $0x80000046;
	[dreg:$0x1] =	wrdreg $0xFFFFFFFF  }
0xa9: {  	s28 =	simm.s32 $_size_execute0_lowered;
	s5 =	sadd.s32 s5, s7;
	[dreg:$0x0] =	wrdreg $0x0  }
0xaa: {  	s7 =	sshll.u32 s28, $0x1;
	[dreg:$0x2] =	wrdreg s5  }
0xab: {  	[dreg:$0x3] =	wrdreg s7  }
0xac: {  	[dreg:$0x4] =	wrdreg $0xC0  }
0xad: {  	_ =	task [dreg:s9], $0x5FFFF  }
0xae: {  	[dreg:$0x1] =	wrdreg $0xFFFFFFFF  }
0xaf: {  	[dreg:$0x0] =	wrdreg $0x60  }
0xb0: {  	[dreg:$0x2] =	wrdreg s2  }
0xb1: {  	[dreg:$0x3] =	wrdreg s24  }
0xb2: {  	[dreg:$0x4] =	wrdreg s18  }
0xb3: {  	[dreg:$0x5] =	wrdreg s4  }
0xb4: {  	[dreg:$0x6] =	wrdreg $0x140000  }
0xb5: {  	[dreg:$0x7] =	wrdreg $0x0  }
0xb6: {  	[dreg:$0x8] =	wrdreg $0xA0000  }
0xb7: {  	[dreg:$0x9] =	wrdreg $0x9  }
0xb8: {  	_ =	task.clear_ibuf [dreg:s9], $0xAFFFF;
	_ =	strace $0x90000046  }
0xb9: {  	s29 =	simm.s32 $0x9;
	_ =	strace $0x80000048  }
0xba: {  	_ =	swait.ge [sflag:s29], $0x1  }
0xbb: {  	[sflag:s29] =	ssyncadd.s32 $0xFFFFFFFF  }
0xbc: {  	_ =	strace $0x90000048  }
0xbd: {  	_ =	sfence  }
0xbe: {  	s30 =	sld [smem:$0x0];
	_ =	sdelay $0x2  }
0xbf: {  	s31 =	sshll.u32 s1, $0xD;
	s1 =	sshrl.u32 s1, $0x2  }
0xc0: {  	s3 =	sand.u32 $0x4000, s31;
	s1 =	sadd.s32 s1, s30  }
0xc1: {  	s0 =	sor.u32 s3, s0;
	s1 =	sshll.u32 s1, $0x11  }
0xc2: {  	s0 =	sor.u32 s1, s0  }
0xc3: {  	s0 =	sadd.s32 $0x8F2B, s0  }
0xc4: {  	[sflag:s0] =	ssyncadd.remote.s32 $0x1  }
0xc5: {  	_ =	sfence.sel $0xFFFF  }
0xc6: {  	[dreg:$0x0] =	wrdreg $0xFFFFFFFF;
	(pc) =	sbr.abs _section_cstart, $3  }
0xc7: {  	[dreg:$0x1] =	wrdreg $0xFFFFFFFF  }
0xc8: {  	_ =	task.clear_ibuf [dreg:s9], $0x2FFFF;
	_ =	strace $0x9FFFFFFF  }
0xc9: {  	(tm) =	ssettm $0x7FFFFFFF  }
tec
execute0_lowered:
.L_overlay_start_1:
0x0: {  	(tag) =	ssettag $0x1  }
0x1: {  	s0 =	rddreg [dreg:$0x0]  }
0x2: {  	s1 =	rddreg [dreg:$0x1]  }
0x3: {  	s3 =	rddreg [dreg:$0x3]  }
0x4: {  	s2 =	rddreg [dreg:$0x4]  }
0x5: {  	s4 =	rddreg [dreg:$0x5];
	s11 =	stileid.u32  }
0x6: {  	s5 =	rddreg [dreg:$0x6];
	s7 =	smul.u32 $0xA20, s11  }
0x7: {  	s19 =	simm.s32 $0x0;
	s6 =	srdreg.scid;
	s9 =	smul.u32 $0x280, s11  }
0x8: {  	s31 =	simm.s32 $0x80;
	s30 =	simm.s32 $0x1;
	s10 =	smul.u32 $0x14000, s11  }
0x9: {  	[smem:$0x7FF] =	sst s19;
	s6 =	sand.u32 $0x1, s6;
	s11 =	smul.u32 $0xA000, s11  }
0xa: {  	_ =	strace $0x80000047;
	s8 =	ssub.s32 $0x2, s6;
	s6 =	sshll.u32 s6, $0x6  }
0xb: {  	s1 =	sadd.s32 s7, s1;
	s18 =	sshrl.u32 s8, $0x1;
	s20 =	sor.u32 s6, s10  }
0xc: {  	s23 =	sadd.s32 s9, s2;
	s25 =	sadd.s32 $0x100, s9;
	s15 =	sadd.s32 $0x180, s9  }
0xd: {  	s7 =	ssub.s32 s8, s18;
	s8 =	sadd.s32 $0x80, s9;
	s1 =	sadd.s32 $0x400, s1  }
0xe: {  	s13 =	sshll.u32 s25, $0x7;
	s14 =	sshll.u32 s15, $0x7;
	[dreg:$0xa] =	wrdreg s23  }
0xf: {  	s9 =	sadd.s32 $0x200, s9;
	s15 =	sshll.u32 s15, $0x6;
	[dreg:$0x9] =	wrdreg s1  }
0x10: {  	s21 =	sshll.u32 s8, $0x7;
	s1 =	sshrl.u32 s20, $0x3;
	s13 =	sor.u32 s6, s13  }
0x11: {  	s14 =	sor.u32 s6, s14;
	s16 =	sshll.u32 s9, $0x7;
	s20 =	sadd.s32 s11, s5  }
0x12: {  	s10 =	sor.u32 s6, s21;
	s12 =	sadd.s32 s0, s1;
	s1 =	sadd.s32 s3, s1  }
0x13: {  	s13 =	sshrl.u32 s13, $0x3;
	s17 =	sshrl.u32 s14, $0x3;
	s6 =	sor.u32 s6, s16  }
0x14: {  	s21 =	sshll.u32 s9, $0x6;
	s9 =	simm.s32 $0x40;
	[dreg:$0xb] =	wrdreg s12  }
0x15: {  	s22 =	sshrl.u32 s10, $0x3;
	[dreg:$0xc] =	wrdreg s1;
	s26 =	sadd.s32 s0, s13  }
0x16: {  	s14 =	sadd.s32 s3, s13;
	s28 =	sadd.s32 s0, s17;
	s6 =	sshrl.u32 s6, $0x3  }
0x17: {  	s16 =	sadd.s32 s3, s17;
	s10 =	sshll.u32 s8, $0x6;
	s13 =	sshll.u32 s25, $0x6  }
0x18: {  	s17 =	sadd.s32 s15, s4;
	s25 =	sadd.s32 s21, s4;
	[dreg:$0xe] =	wrdreg s26  }
0x19: {  	s29 =	sadd.s32 s21, s5;
	s8 =	simm.s32 $0x2;
	[dreg:$0xf] =	wrdreg s28  }
0x1a: {  	s24 =	sadd.s32 s0, s22;
	s12 =	sadd.s32 s3, s22;
	[dreg:$0x14] =	wrdreg s17  }
0x1b: {  	s0 =	sadd.s32 s0, s6;
	s18 =	sadd.s32 s3, s6;
	[dreg:$0x15] =	wrdreg s25  }
0x1c: {  	s6 =	sadd.s32 s11, s4;
	s11 =	sadd.s32 s10, s4;
	[dreg:$0xd] =	wrdreg s24  }
0x1d: {  	s22 =	sadd.s32 s10, s5;
	s1 =	sadd.s32 s13, s4;
	[dreg:$0x10] =	wrdreg s0  }
0x1e: {  	s26 =	sadd.s32 s15, s5;
	s28 =	smax.u32 s7, $0x1;
	[dreg:$0x11] =	wrdreg s6  }
0x1f: {  	s25 =	simm.s32 $0x1F380;
	s3 =	simm.s32 $0x1F7B0;
	[dreg:$0x12] =	wrdreg s11  }
0x20: {  	s7 =	simm.s32 $0x1F610;
	s17 =	simm.s32 $0x1F730;
	[dreg:$0x13] =	wrdreg s1  }
0x21: {  	s24 =	sadd.s32 s13, s5;
	[dreg:$0x16] =	wrdreg s28;
	s0 =	simm.s32 $0x3  }
0x22: {  	v0 =	vimm.f32 $0.0e+00;
	v1 =	vimm.f32 $1.000000000e+00;
	s1 =	simm.s32 $0x1B380;
	s11 =	simm.s32 $0x19380;
	s13 =	simm.s32 $0x1D380  }
.LBB2_1:
0x23: {  	[dreg:$0x8] =	wrdreg s19;
	s15 =	simm.s32 $0x100;
	s6 =	simm.s32 $0x0  }
.LBB2_2:
0x24: {  	p0 =	sne.s32 s15, $0x7F00;
	[tilespmem:s6+$0x1D3B0] =	vst v0;
	s19 =	smov.u32 s15;
	s15 =	sadd.s32 $0x100, s15  }
.Ltmp0:
0x25: {  	[tilespmem:s6+$0x1D3A0] =	vst v0;
	(pc) =	sbr.rel @p0 .LBB2_2-.Ltmp0, $3  }
0x26: {  	[tilespmem:s6+$0x1D380] =	vst v0  }
0x27: {  	[tilespmem:s6+$0x1D390] =	vst v0;
	_ =	sdelay $0x1  }
0x28: {  	s6 =	sshra.s32 s19, $0x2  }
0x29: {  	[tilespmem:s6+$0x1D3B0] =	vst v0  }
0x2a: {  	[tilespmem:s6+$0x1D3A0] =	vst v0  }
0x2b: {  	[tilespmem:s6+$0x1D380] =	vst v0  }
0x2c: {  	[tilespmem:s6+$0x1D390] =	vst v0  }
0x2d: {  	[tilespmem:$0x1F610] =	vst v1  }
0x2e: {  	[tilespmem:$0x1F620] =	vst v1  }
0x2f: {  	[tilespmem:$0x1F630] =	vst v1  }
0x30: {  	[tilespmem:$0x1F640] =	vst v1  }
0x31: {  	[tilespmem:$0x1F650] =	vst v1  }
0x32: {  	[tilespmem:$0x1F660] =	vst v1  }
0x33: {  	[tilespmem:$0x1F670] =	vst v1  }
0x34: {  	[tilespmem:$0x1F680] =	vst v1  }
0x35: {  	[tilespmem:$0x1F380] =	vst v0  }
0x36: {  	[tilespmem:$0x1F390] =	vst v0  }
0x37: {  	[tilespmem:$0x1F3A0] =	vst v0  }
0x38: {  	[tilespmem:$0x1F3B0] =	vst v0  }
0x39: {  	[tilespmem:$0x1F3C0] =	vst v0  }
0x3a: {  	[tilespmem:$0x1F3D0] =	vst v0  }
0x3b: {  	[tilespmem:$0x1F3E0] =	vst v0  }
0x3c: {  	[tilespmem:$0x1F3F0] =	vst v0  }
0x3d: {  	[tilespmem:$0x1F400] =	vst v0  }
0x3e: {  	[tilespmem:$0x1F410] =	vst v0  }
0x3f: {  	[tilespmem:$0x1F420] =	vst v0  }
0x40: {  	[tilespmem:$0x1F430] =	vst v0  }
0x41: {  	[tilespmem:$0x1F440] =	vst v0  }
0x42: {  	[tilespmem:$0x1F450] =	vst v0  }
0x43: {  	[tilespmem:$0x1F460] =	vst v0  }
0x44: {  	[tilespmem:$0x1F470] =	vst v0  }
0x45: {  	[tilespmem:$0x1F480] =	vst v0  }
0x46: {  	[tilespmem:$0x1F490] =	vst v0  }
0x47: {  	[tilespmem:$0x1F4A0] =	vst v0  }
0x48: {  	[tilespmem:$0x1F4B0] =	vst v0  }
0x49: {  	[tilespmem:$0x1F4C0] =	vst v0  }
0x4a: {  	[tilespmem:$0x1F4D0] =	vst v0  }
0x4b: {  	[tilespmem:$0x1F4E0] =	vst v0  }
0x4c: {  	[tilespmem:$0x1F4F0] =	vst v0  }
0x4d: {  	[tilespmem:$0x1F500] =	vst v0  }
0x4e: {  	[tilespmem:$0x1F510] =	vst v0  }
0x4f: {  	[tilespmem:$0x1F520] =	vst v0  }
0x50: {  	[tilespmem:$0x1F530] =	vst v0  }
0x51: {  	[tilespmem:$0x1F540] =	vst v0  }
0x52: {  	[tilespmem:$0x1F550] =	vst v0  }
0x53: {  	[tilespmem:$0x1F560] =	vst v0  }
0x54: {  	[tilespmem:$0x1F570] =	vst v0  }
0x55: {  	[tilespmem:$0x1F580] =	vst v0  }
0x56: {  	[tilespmem:$0x1F590] =	vst v0  }
0x57: {  	[tilespmem:$0x1F5A0] =	vst v0  }
0x58: {  	[tilespmem:$0x1F5B0] =	vst v0  }
0x59: {  	[tilespmem:$0x1F5C0] =	vst v0  }
0x5a: {  	[tilespmem:$0x1F5D0] =	vst v0  }
0x5b: {  	[tilespmem:$0x1F5E0] =	vst v0  }
0x5c: {  	[tilespmem:$0x1F5F0] =	vst v0  }
0x5d: {  	s28 =	simm.s32 $0x0;
	s10 =	rddreg [dreg:$0x9];
	s15 =	simm.s32 $0x14280;
	[tilespmem:$0x1F600] =	vst v0  }
0x5e: {  	[tilespmem:s15], [sflag:$0x3] =	stream.linear.gather [hbm4b:s10+s28], $0x5100, $0x38;
	[tilespmem:$0x1F830] =	vst v63  }
0x5f: {  	_ =	swait.ge [sflag:s0], $0x5100  }
0x60: {  	[sflag:s0] =	ssyncset.done $0x0  }
0x61: {  	[sflag:s0] =	ssyncadd.s32 $0xFFFFAF00  }
0x62: {  	s21 =	simm.s32 $0x1F690;
	s19 =	rddreg [dreg:$0x2]  }
0x63: {  	[tilespmem:s21], [sflag:$0x3] =	stream.linear.gather [hbm4b:s19+s28], $0x20, $0x38;
	[tilespmem:$0x1F830] =	vst v63  }
0x64: {  	_ =	swait.ge [sflag:s0], $0x20  }
0x65: {  	[sflag:s0] =	ssyncset.done $0x0  }
0x66: {  	[sflag:s0] =	ssyncadd.s32 $0xFFFFFFE0  }
0x67: {  	[spmem:s23] =	stream.linear.scatter [tilespmem:s25], [sflag:$0x3], $0x280, $0x38;
	[tilespmem:$0x1F830] =	vst v63  }
0x68: {  	_ =	swait.ge [sflag:s0], $0x280  }
0x69: {  	[sflag:s0] =	ssyncset.done $0x0  }
0x6a: {  	[sflag:s0] =	ssyncadd.s32 $0xFFFFFD80  }
0x6b: {  	s28 =	simm.s32 $0x0;
	[bflag:$0x0] =	sbarrier.arrive $0xFFFF  }
0x6c: {  	v2 =	vld [tilespmem:s28+$0x14280];
	_ =	sdelay $0x4  }
0x6d: {  	v2 =	vshrl.u32 v2, $0xE  }
0x6e: {  	[tilespmem:$0x1F7B0] =	vst v2  }
0x6f: {  	v2 =	vld [tilespmem:s28+$0x14290];
	_ =	sdelay $0x4  }
0x70: {  	v2 =	vshrl.u32 v2, $0xE  }
0x71: {  	[tilespmem:$0x1F7C0] =	vst v2  }
0x72: {  	v2 =	vld [tilespmem:s28+$0x142A0];
	_ =	sdelay $0x4  }
0x73: {  	v2 =	vshrl.u32 v2, $0xE  }
0x74: {  	[tilespmem:$0x1F7D0] =	vst v2  }
0x75: {  	v2 =	vld [tilespmem:s28+$0x142B0];
	_ =	sdelay $0x4  }
0x76: {  	v2 =	vshrl.u32 v2, $0xE  }
0x77: {  	[tilespmem:$0x1F7E0] =	vst v2  }
0x78: {  	v2 =	vld [tilespmem:s28+$0x142C0];
	_ =	sdelay $0x4  }
0x79: {  	v2 =	vshrl.u32 v2, $0xE  }
0x7a: {  	[tilespmem:$0x1F7F0] =	vst v2  }
0x7b: {  	v2 =	vld [tilespmem:s28+$0x142D0];
	_ =	sdelay $0x4  }
0x7c: {  	v2 =	vshrl.u32 v2, $0xE  }
0x7d: {  	[tilespmem:$0x1F800] =	vst v2  }
0x7e: {  	v2 =	vld [tilespmem:s28+$0x142E0];
	_ =	sdelay $0x4  }
0x7f: {  	v2 =	vshrl.u32 v2, $0xE  }
0x80: {  	[tilespmem:$0x1F810] =	vst v2  }
0x81: {  	v2 =	vld [tilespmem:s28+$0x142F0];
	_ =	sdelay $0x4  }
0x82: {  	v2 =	vshrl.u32 v2, $0xE  }
0x83: {  	[tilespmem:$0x1F820] =	vst v2  }
0x84: {  	[spmem:s2] =	stream.indirect.scatter.add.f32 [tilespmem:s7], [sflag:$0x3], $0x1, s3, s31, $0xb8;
	[tilespmem:$0x1F830] =	vst v63  }
0x85: {  	_ =	swait.ge [sflag:s0], $0x80  }
0x86: {  	s6 =	simm.s32 $0x200;
	s21 =	simm.s32 $0x400;
	[sflag:s0] =	ssyncset.done $0x0  }
.LBB2_4:
0x87: {  	s19 =	sshra.s32 s6, $0x2  }
0x88: {  	[sflag:s0] =	ssyncadd.s32 $0xFFFFFF80;
	s6 =	smov.u32 s21;
	s15 =	sadd.s32 $0x200, s21  }
0x89: {  	p0 =	sne.s32 s21, $0x14200;
	v2 =	vld [tilespmem:s19+$0x14280];
	_ =	sdelay $0x4  }
0x8a: {  	v2 =	vshrl.u32 v2, $0xE  }
0x8b: {  	[tilespmem:$0x1F7B0] =	vst v2  }
0x8c: {  	v2 =	vld [tilespmem:s19+$0x14290];
	_ =	sdelay $0x4  }
0x8d: {  	v2 =	vshrl.u32 v2, $0xE  }
0x8e: {  	[tilespmem:$0x1F7C0] =	vst v2  }
0x8f: {  	v2 =	vld [tilespmem:s19+$0x142A0];
	_ =	sdelay $0x4  }
0x90: {  	v2 =	vshrl.u32 v2, $0xE  }
0x91: {  	[tilespmem:$0x1F7D0] =	vst v2  }
0x92: {  	v2 =	vld [tilespmem:s19+$0x142B0];
	_ =	sdelay $0x4  }
0x93: {  	v2 =	vshrl.u32 v2, $0xE  }
0x94: {  	[tilespmem:$0x1F7E0] =	vst v2  }
0x95: {  	v2 =	vld [tilespmem:s19+$0x142C0];
	_ =	sdelay $0x4  }
0x96: {  	v2 =	vshrl.u32 v2, $0xE  }
0x97: {  	[tilespmem:$0x1F7F0] =	vst v2  }
0x98: {  	v2 =	vld [tilespmem:s19+$0x142D0];
	_ =	sdelay $0x4  }
0x99: {  	v2 =	vshrl.u32 v2, $0xE  }
0x9a: {  	[tilespmem:$0x1F800] =	vst v2  }
0x9b: {  	v2 =	vld [tilespmem:s19+$0x142E0];
	_ =	sdelay $0x4  }
0x9c: {  	v2 =	vshrl.u32 v2, $0xE  }
0x9d: {  	[tilespmem:$0x1F810] =	vst v2  }
0x9e: {  	v2 =	vld [tilespmem:s19+$0x142F0];
	_ =	sdelay $0x4  }
.Ltmp1:
0x9f: {  	v2 =	vshrl.u32 v2, $0xE;
	(pc) =	sbr.rel @p0 .LBB2_4-.Ltmp1, $4  }
0xa0: {  	[tilespmem:$0x1F820] =	vst v2  }
0xa1: {  	[spmem:s2] =	stream.indirect.scatter.add.f32 [tilespmem:s7], [sflag:$0x3], $0x1, s3, s31, $0xb8;
	[tilespmem:$0x1F830] =	vst v63  }
0xa2: {  	_ =	swait.ge [sflag:s0], $0x80  }
0xa3: {  	s21 =	smov.u32 s15;
	[sflag:s0] =	ssyncset.done $0x0  }
0xa4: {  	s6 =	sshra.s32 s6, $0x2;
	[sflag:s0] =	ssyncadd.s32 $0xFFFFFF80  }
0xa5: {  	v2 =	vld [tilespmem:s6+$0x14280];
	_ =	sdelay $0x4  }
0xa6: {  	v2 =	vshrl.u32 v2, $0xE  }
0xa7: {  	[tilespmem:$0x1F7B0] =	vst v2  }
0xa8: {  	v2 =	vld [tilespmem:s6+$0x14290];
	_ =	sdelay $0x4  }
0xa9: {  	v2 =	vshrl.u32 v2, $0xE  }
0xaa: {  	[tilespmem:$0x1F7C0] =	vst v2  }
0xab: {  	v2 =	vld [tilespmem:s6+$0x142A0];
	_ =	sdelay $0x4  }
0xac: {  	v2 =	vshrl.u32 v2, $0xE  }
0xad: {  	[tilespmem:$0x1F7D0] =	vst v2  }
0xae: {  	v2 =	vld [tilespmem:s6+$0x142B0];
	_ =	sdelay $0x4  }
0xaf: {  	v2 =	vshrl.u32 v2, $0xE  }
0xb0: {  	[tilespmem:$0x1F7E0] =	vst v2  }
0xb1: {  	v2 =	vld [tilespmem:s6+$0x142C0];
	_ =	sdelay $0x4  }
0xb2: {  	v2 =	vshrl.u32 v2, $0xE  }
0xb3: {  	[tilespmem:$0x1F7F0] =	vst v2  }
0xb4: {  	v2 =	vld [tilespmem:s6+$0x142D0];
	_ =	sdelay $0x4  }
0xb5: {  	v2 =	vshrl.u32 v2, $0xE  }
0xb6: {  	[tilespmem:$0x1F800] =	vst v2  }
0xb7: {  	v2 =	vld [tilespmem:s6+$0x142E0];
	_ =	sdelay $0x4  }
0xb8: {  	v2 =	vshrl.u32 v2, $0xE  }
0xb9: {  	[tilespmem:$0x1F810] =	vst v2  }
0xba: {  	v2 =	vld [tilespmem:s6+$0x142F0];
	_ =	sdelay $0x4  }
0xbb: {  	v2 =	vshrl.u32 v2, $0xE  }
0xbc: {  	[tilespmem:$0x1F820] =	vst v2  }
0xbd: {  	[spmem:s2] =	stream.indirect.scatter.add.f32 [tilespmem:s7], [sflag:$0x3], $0x1, s3, s31, $0xb8;
	[tilespmem:$0x1F830] =	vst v63  }
0xbe: {  	_ =	swait.ge [sflag:s0], $0x80  }
0xbf: {  	[sflag:s0] =	ssyncset.done $0x0  }
0xc0: {  	[sflag:s0] =	ssyncadd.s32 $0xFFFFFF80  }
0xc1: {  	[bflag:$0x0] =	sbarrier.arrive $0xFFFF  }
0xc2: {  	[tilespmem:s25], [sflag:$0x3] =	stream.linear.gather [spmem:s23], $0x280, $0x38;
	[tilespmem:$0x1F830] =	vst v63  }
0xc3: {  	_ =	swait.ge [sflag:s0], $0x280  }
0xc4: {  	[sflag:s0] =	ssyncset.done $0x0  }
0xc5: {  	s15 =	simm.s32 $0x40;
	s6 =	simm.s32 $0x0;
	[sflag:s0] =	ssyncadd.s32 $0xFFFFFD80  }
.LBB2_6:
0xc6: {  	p0 =	sne.s32 s15, $0x9C0;
	v2 =	vld [tilespmem:s6+$0x1F380];
	_ =	sdelay $0x4  }
0xc7: {  	v3 =	vshrl.u32 v2, $0x1;
	v2 =	vmul.f32 $5.000000000e-01, v2  }
0xc8: {  	v3 =	vsub.s32 $0x5F3759DF, v3  }
0xc9: {  	v4 =	vmul.f32 v3, v2;
	_ =	sdelay $0x1  }
0xca: {  	v4 =	vmul.f32 v3, v4;
	_ =	sdelay $0x1  }
0xcb: {  	v4 =	vsub.f32 $1.500000000e+00, v4;
	_ =	sdelay $0x1  }
0xcc: {  	v3 =	vmul.f32 v3, v4;
	_ =	sdelay $0x1  }
0xcd: {  	v4 =	vmul.f32 v3, v2;
	_ =	sdelay $0x1  }
0xce: {  	v4 =	vmul.f32 v4, v3;
	_ =	sdelay $0x1  }
0xcf: {  	v4 =	vsub.f32 $1.500000000e+00, v4;
	_ =	sdelay $0x1  }
0xd0: {  	v3 =	vmul.f32 v4, v3;
	_ =	sdelay $0x1  }
0xd1: {  	v2 =	vmul.f32 v3, v2;
	_ =	sdelay $0x1  }
0xd2: {  	v2 =	vmul.f32 v2, v3;
	_ =	sdelay $0x1  }
.Ltmp2:
0xd3: {  	v2 =	vsub.f32 $1.500000000e+00, v2;
	(pc) =	sbr.rel @p0 .LBB2_6-.Ltmp2, $3  }
0xd4: {  	_ = 	snop  }
0xd5: {  	v2 =	vmul.f32 v2, v3;
	_ =	sdelay $0x1  }
0xd6: {  	[tilespmem:s6+$0x1F380] =	vst v2;
	s6 =	sshra.s32 s15, $0x2;
	s15 =	sadd.s32 $0x40, s15  }
0xd7: {  	v2 =	vld [tilespmem:s6+$0x1F380];
	_ =	sdelay $0x4  }
0xd8: {  	v3 =	vshrl.u32 v2, $0x1;
	v2 =	vmul.f32 $5.000000000e-01, v2  }
0xd9: {  	v3 =	vsub.s32 $0x5F3759DF, v3  }
0xda: {  	v4 =	vmul.f32 v3, v2;
	_ =	sdelay $0x1  }
0xdb: {  	v4 =	vmul.f32 v3, v4;
	_ =	sdelay $0x1  }
0xdc: {  	v4 =	vsub.f32 $1.500000000e+00, v4;
	_ =	sdelay $0x1  }
0xdd: {  	v3 =	vmul.f32 v3, v4;
	_ =	sdelay $0x1  }
0xde: {  	v4 =	vmul.f32 v3, v2;
	_ =	sdelay $0x1  }
0xdf: {  	v4 =	vmul.f32 v4, v3;
	_ =	sdelay $0x1  }
0xe0: {  	v4 =	vsub.f32 $1.500000000e+00, v4;
	_ =	sdelay $0x1  }
0xe1: {  	v3 =	vmul.f32 v4, v3;
	_ =	sdelay $0x1  }
0xe2: {  	v2 =	vmul.f32 v3, v2;
	_ =	sdelay $0x1  }
0xe3: {  	v2 =	vmul.f32 v2, v3;
	_ =	sdelay $0x1  }
0xe4: {  	v2 =	vsub.f32 $1.500000000e+00, v2;
	_ =	sdelay $0x1  }
0xe5: {  	v2 =	vmul.f32 v2, v3;
	_ =	sdelay $0x1  }
0xe6: {  	s23 =	rddreg [dreg:$0xb];
	[tilespmem:s6+$0x1F380] =	vst v2  }
0xe7: {  	v2 =	vld.msk [tilespmem:$0x1F690 ss:$0x0], $0xffff;
	[tilespmem:s1], [sflag:$0x3] =	stream.strided.gather [hbm4b:s23+s9], $0x2000, s31, s9, $0x38  }
0xe8: {  	_ =	swait.ge [sflag:s0], $0x2000  }
0xe9: {  	[sflag:s0] =	ssyncset.done $0x0  }
0xea: {  	s21 =	simm.s32 $0x0;
	[sflag:s0] =	ssyncadd.s32 $0xFFFFE000  }
0xeb: {  	v7 =	vld [tilespmem:s21+$0x1B390]  }
0xec: {  	v6 =	vld [tilespmem:s21+$0x1B380]  }
0xed: {  	v3 =	vld [tilespmem:s21+$0x1B3B0]  }
0xee: {  	s25 =	simm.s32 $0x1F380  }
0xef: {  	v4 =	vld.msk [tilespmem:s25+$0x0 ss:$0x0], $0xffff  }
0xf0: {  	v8 =	vmul.f32 v7, v2  }
0xf1: {  	v5 =	vld [tilespmem:s21+$0x1B3A0];
	v9 =	vmul.f32 v6, v2  }
0xf2: {  	[tilespmem:s21+$0x19390] =	vst v8;
	v8 =	vmul.f32 v3, v2  }
0xf3: {  	s15 =	simm.s32 $0x40;
	s28 =	simm.s32 $0x1F382;
	s19 =	simm.s32 $0x1F382;
	[tilespmem:s21+$0x19380] =	vst v9  }
0xf4: {  	s6 =	simm.s32 $0x80;
	s23 =	simm.s32 $0x1F381;
	s25 =	simm.s32 $0x300;
	v6 =	vmul.f32 v6, v4;
	v7 =	vmul.f32 v7, v4;
	[tilespmem:s21+$0x193B0] =	vst v8  }
.LBB2_8:
0xf5: {  	p0 =	sne.s32 s25, $0x7F00  }
0xf6: {  	s28 =	sadd.s32 $0x1, s28;
	v8 =	vmul.f32 v5, v4;
	v3 =	vmul.f32 v3, v4;
	s10 =	smov.u32 s25;
	s25 =	sadd.s32 $0x100, s25  }
0xf7: {  	[tilespmem:s21+$0x1B390] =	vst v7  }
0xf8: {  	v4 =	vmul.f32 v5, v2;
	[tilespmem:s21+$0x1B3B0] =	vst v3  }
0xf9: {  	v7 =	vld [tilespmem:s15+$0x1B390];
	[tilespmem:s21+$0x1B380] =	vst v6  }
0xfa: {  	v6 =	vld [tilespmem:s15+$0x1B380];
	[tilespmem:s21+$0x193A0] =	vst v4  }
0xfb: {  	v3 =	vld [tilespmem:s15+$0x1B3B0];
	[tilespmem:s21+$0x1B3A0] =	vst v8;
	s21 =	smov.u32 s15;
	s15 =	smov.u32 s6;
	s6 =	sshra.s32 s10, $0x2  }
0xfc: {  	v4 =	vld.msk [tilespmem:s23+$0x0 ss:$0x0], $0xffff;
	s23 =	smov.u32 s19;
	s19 =	smov.u32 s28;
	_ =	sdelay $0x1  }
.Ltmp3:
0xfd: {  	v8 =	vmul.f32 v7, v2;
	v5 =	vld [tilespmem:s21+$0x1B3A0];
	(pc) =	sbr.rel @p0 .LBB2_8-.Ltmp3, $4  }
0xfe: {  	v9 =	vmul.f32 v6, v2  }
0xff: {  	[tilespmem:s21+$0x19390] =	vst v8;
	v8 =	vmul.f32 v3, v2  }
0x100: {  	[tilespmem:s21+$0x19380] =	vst v9  }
0x101: {  	v6 =	vmul.f32 v6, v4;
	v7 =	vmul.f32 v7, v4;
	[tilespmem:s21+$0x193B0] =	vst v8  }
0x102: {  	v3 =	vmul.f32 v3, v4  }
0x103: {  	[tilespmem:s21+$0x1B390] =	vst v7  }
0x104: {  	v7 =	vmul.f32 v5, v2;
	[tilespmem:s21+$0x1B3B0] =	vst v3  }
0x105: {  	v4 =	vmul.f32 v5, v4;
	v3 =	vld [tilespmem:s15+$0x1B390];
	[tilespmem:s21+$0x1B380] =	vst v6  }
0x106: {  	v6 =	vld [tilespmem:s15+$0x1B380];
	[tilespmem:s21+$0x193A0] =	vst v7  }
0x107: {  	v5 =	vld [tilespmem:s15+$0x1B3B0];
	[tilespmem:s21+$0x1B3A0] =	vst v4  }
0x108: {  	v4 =	vld.msk [tilespmem:s23+$0x0 ss:$0x0], $0xffff;
	_ =	sdelay $0x1  }
0x109: {  	v7 =	vmul.f32 v3, v2  }
0x10a: {  	v8 =	vld [tilespmem:s15+$0x1B3A0];
	v9 =	vmul.f32 v6, v2  }
0x10b: {  	[tilespmem:s15+$0x19390] =	vst v7;
	v7 =	vmul.f32 v5, v2  }
0x10c: {  	[tilespmem:s15+$0x19380] =	vst v9;
	v3 =	vmul.f32 v3, v4  }
0x10d: {  	v5 =	vmul.f32 v5, v4;
	[tilespmem:s15+$0x193B0] =	vst v7  }
0x10e: {  	[tilespmem:s15+$0x1B390] =	vst v3;
	v3 =	vmul.f32 v6, v4  }
0x10f: {  	[tilespmem:s15+$0x1B3B0] =	vst v5;
	v6 =	vmul.f32 v8, v2  }
0x110: {  	v4 =	vmul.f32 v8, v4;
	v5 =	vld [tilespmem:s6+$0x1B390];
	[tilespmem:s15+$0x1B380] =	vst v3  }
0x111: {  	v3 =	vld [tilespmem:s6+$0x1B380];
	[tilespmem:s15+$0x193A0] =	vst v6  }
0x112: {  	v6 =	vld [tilespmem:s6+$0x1B3B0];
	[tilespmem:s15+$0x1B3A0] =	vst v4  }
0x113: {  	v4 =	vld.msk [tilespmem:s19+$0x0 ss:$0x0], $0xffff;
	_ =	sdelay $0x1  }
0x114: {  	v7 =	vmul.f32 v5, v2  }
0x115: {  	v62 =	vld [tilespmem:s6+$0x1B3A0];
	v63 =	vmul.f32 v3, v2  }
0x116: {  	[tilespmem:s6+$0x19390] =	vst v7;
	v7 =	vmul.f32 v6, v2  }
0x117: {  	[tilespmem:s6+$0x19380] =	vst v63;
	v5 =	vmul.f32 v5, v4  }
0x118: {  	v6 =	vmul.f32 v6, v4;
	[tilespmem:s6+$0x193B0] =	vst v7  }
0x119: {  	v3 =	vmul.f32 v3, v4;
	[tilespmem:s6+$0x1B390] =	vst v5  }
0x11a: {  	v4 =	vmul.f32 v62, v4;
	[tilespmem:s6+$0x1B3B0] =	vst v6  }
0x11b: {  	v5 =	vmul.f32 v62, v2;
	[tilespmem:s6+$0x1B380] =	vst v3  }
0x11c: {  	[tilespmem:s6+$0x1B3A0] =	vst v4  }
0x11d: {  	s15 =	rddreg [dreg:$0x11];
	[tilespmem:s6+$0x193A0] =	vst v5  }
0x11e: {  	[spmem:s15] =	stream.linear.scatter [tilespmem:s1], [sflag:$0x3], $0x2000, $0x38;
	[tilespmem:$0x1F830] =	vst v63  }
0x11f: {  	_ =	swait.ge [sflag:s0], $0x2000  }
0x120: {  	[sflag:s0] =	ssyncset.done $0x0  }
0x121: {  	s19 =	rddreg [dreg:$0xc];
	[sflag:s0] =	ssyncadd.s32 $0xFFFFE000  }
0x122: {  	[hbm4b:s19+s9] =	stream.strided.scatter [tilespmem:s11], [sflag:$0x3], $0x2000, s31, s9, $0x38;
	[tilespmem:$0x1F830] =	vst v63  }
0x123: {  	_ =	swait.ge [sflag:s0], $0x2000  }
0x124: {  	[sflag:s0] =	ssyncset.done $0x0  }
0x125: {  	[sflag:s0] =	ssyncadd.s32 $0xFFFFE000  }
0x126: {  	[spmem:s20] =	stream.linear.scatter [tilespmem:s13], [sflag:$0x3], $0x2000, $0x38;
	[tilespmem:$0x1F830] =	vst v63  }
0x127: {  	_ =	swait.ge [sflag:s0], $0x2000  }
0x128: {  	[sflag:s0] =	ssyncset.done $0x0  }
0x129: {  	s21 =	rddreg [dreg:$0xd];
	[sflag:s0] =	ssyncadd.s32 $0xFFFFE000  }
0x12a: {  	[tilespmem:s1], [sflag:$0x3] =	stream.strided.gather [hbm4b:s21+s9], $0x2000, s31, s9, $0x38;
	[tilespmem:$0x1F830] =	vst v63  }
0x12b: {  	_ =	swait.ge [sflag:s0], $0x2000  }
0x12c: {  	[sflag:s0] =	ssyncset.done $0x0  }
0x12d: {  	s10 =	simm.s32 $0x1B3A0;
	[sflag:s0] =	ssyncadd.s32 $0xFFFFE000  }
0x12e: {  	v3 =	vld [tilespmem:s10+$0xFFFFFFE0];
	_ =	sdelay $0x3  }
0x12f: {  	s23 =	simm.s32 $0x0  }
0x130: {  	s6 =	sand.u32 $0x7F, s23;
	v4 =	vmul.f32 v3, v2  }
0x131: {  	s25 =	sor.u32 $0x1F400, s6;
	s6 =	simm.s32 $0x193A0  }
0x132: {  	v5 =	vld.msk [tilespmem:s25+$0x0 ss:$0x0], $0xffff;
	[tilespmem:s6+$0xFFFFFFE0] =	vst v4  }
0x133: {  	v4 =	vld [tilespmem:s10+$0xFFFFFFF0];
	_ =	sdelay $0x3  }
0x134: {  	v3 =	vmul.f32 v3, v5  }
0x135: {  	v6 =	vmul.f32 v4, v2  }
0x136: {  	[tilespmem:s10+$0xFFFFFFE0] =	vst v3  }
0x137: {  	[tilespmem:s6+$0xFFFFFFF0] =	vst v6  }
0x138: {  	v3 =	vld [tilespmem:s10+$0x0];
	_ =	sdelay $0x3  }
0x139: {  	v4 =	vmul.f32 v4, v5  }
0x13a: {  	v6 =	vmul.f32 v3, v2  }
0x13b: {  	[tilespmem:s10+$0xFFFFFFF0] =	vst v4  }
0x13c: {  	[tilespmem:s6+$0x0] =	vst v6  }
0x13d: {  	v4 =	vld [tilespmem:s10+$0x10];
	_ =	sdelay $0x3  }
0x13e: {  	v3 =	vmul.f32 v3, v5  }
0x13f: {  	v6 =	vmul.f32 v4, v2  }
0x140: {  	s28 =	simm.s32 $0x1;
	[tilespmem:s10+$0x0] =	vst v3;
	v3 =	vmul.f32 v4, v5  }
0x141: {  	s15 =	simm.s32 $0x1B3E0;
	s19 =	sand.u32 $0x7F, s28;
	[tilespmem:s6+$0x10] =	vst v6  }
0x142: {  	s19 =	sor.u32 $0x1F400, s19;
	v4 =	vld [tilespmem:s15+$0xFFFFFFE0];
	[tilespmem:s10+$0x10] =	vst v3  }
0x143: {  	s21 =	simm.s32 $0x2;
	v3 =	vld.msk [tilespmem:s19+$0x0 ss:$0x0], $0xffff;
	s19 =	simm.s32 $0x1B3E0  }
.LBB2_10:
0x144: {  	p0 =	sne.s32 s21, $0x7F;
	_ =	sdelay $0x2  }
0x145: {  	v5 =	vmul.f32 v4, v2  }
0x146: {  	s6 =	sadd.s32 $0x40, s6  }
0x147: {  	[tilespmem:s6+$0xFFFFFFE0] =	vst v5  }
0x148: {  	v5 =	vld [tilespmem:s15+$0xFFFFFFF0];
	_ =	sdelay $0x3  }
0x149: {  	v4 =	vmul.f32 v4, v3  }
0x14a: {  	v6 =	vmul.f32 v5, v2  }
0x14b: {  	[tilespmem:s15+$0xFFFFFFE0] =	vst v4  }
0x14c: {  	[tilespmem:s6+$0xFFFFFFF0] =	vst v6  }
0x14d: {  	v4 =	vld [tilespmem:s15+$0x0];
	_ =	sdelay $0x3  }
0x14e: {  	v5 =	vmul.f32 v5, v3  }
0x14f: {  	v6 =	vmul.f32 v4, v2  }
0x150: {  	[tilespmem:s15+$0xFFFFFFF0] =	vst v5  }
0x151: {  	[tilespmem:s6+$0x0] =	vst v6  }
0x152: {  	v5 =	vld [tilespmem:s15+$0x10];
	_ =	sdelay $0x3  }
0x153: {  	v4 =	vmul.f32 v4, v3  }
.Ltmp4:
0x154: {  	v6 =	vmul.f32 v5, v2;
	(pc) =	sbr.rel @p0 .LBB2_10-.Ltmp4, $4  }
0x155: {  	v3 =	vmul.f32 v5, v3;
	[tilespmem:s15+$0x0] =	vst v4  }
0x156: {  	s10 =	sand.u32 $0x7F, s21;
	s15 =	sadd.s32 $0x40, s15;
	[tilespmem:s6+$0x10] =	vst v6  }
0x157: {  	s10 =	sor.u32 $0x1F400, s10;
	v4 =	vld [tilespmem:s15+$0xFFFFFFE0];
	[tilespmem:s19+$0x10] =	vst v3;
	s19 =	smov.u32 s15  }
0x158: {  	s21 =	sadd.s32 $0x1, s21;
	v3 =	vld.msk [tilespmem:s10+$0x0 ss:$0x0], $0xffff  }
0x159: {  	_ =	sdelay $0x2  }
0x15a: {  	v5 =	vmul.f32 v4, v2  }
0x15b: {  	s6 =	sadd.s32 $0x40, s6  }
0x15c: {  	[tilespmem:s6+$0xFFFFFFE0] =	vst v5  }
0x15d: {  	v5 =	vld [tilespmem:s15+$0xFFFFFFF0];
	_ =	sdelay $0x3  }
0x15e: {  	v4 =	vmul.f32 v4, v3  }
0x15f: {  	v6 =	vmul.f32 v5, v2  }
0x160: {  	[tilespmem:s15+$0xFFFFFFE0] =	vst v4  }
0x161: {  	[tilespmem:s6+$0xFFFFFFF0] =	vst v6  }
0x162: {  	v4 =	vld [tilespmem:s15+$0x0];
	_ =	sdelay $0x3  }
0x163: {  	v5 =	vmul.f32 v5, v3  }
0x164: {  	v6 =	vmul.f32 v4, v2  }
0x165: {  	[tilespmem:s15+$0xFFFFFFF0] =	vst v5  }
0x166: {  	[tilespmem:s6+$0x0] =	vst v6  }
0x167: {  	v5 =	vld [tilespmem:s15+$0x10];
	_ =	sdelay $0x3  }
0x168: {  	v4 =	vmul.f32 v4, v3  }
0x169: {  	v6 =	vmul.f32 v5, v2  }
0x16a: {  	[tilespmem:s15+$0x0] =	vst v4;
	v3 =	vmul.f32 v5, v3  }
0x16b: {  	[tilespmem:s6+$0x10] =	vst v6  }
0x16c: {  	[tilespmem:s19+$0x10] =	vst v3;
	s19 =	rddreg [dreg:$0x12]  }
0x16d: {  	[spmem:s19] =	stream.linear.scatter [tilespmem:s1], [sflag:$0x3], $0x2000, $0x38;
	[tilespmem:$0x1F830] =	vst v63  }
0x16e: {  	_ =	swait.ge [sflag:s0], $0x2000  }
0x16f: {  	[sflag:s0] =	ssyncset.done $0x0  }
0x170: {  	[sflag:s0] =	ssyncadd.s32 $0xFFFFE000  }
0x171: {  	[hbm4b:s12+s9] =	stream.strided.scatter [tilespmem:s11], [sflag:$0x3], $0x2000, s31, s9, $0x38;
	[tilespmem:$0x1F830] =	vst v63  }
0x172: {  	_ =	swait.ge [sflag:s0], $0x2000  }
0x173: {  	[sflag:s0] =	ssyncset.done $0x0  }
0x174: {  	[sflag:s0] =	ssyncadd.s32 $0xFFFFE000  }
0x175: {  	[spmem:s22] =	stream.linear.scatter [tilespmem:s13], [sflag:$0x3], $0x2000, $0x38;
	[tilespmem:$0x1F830] =	vst v63  }
0x176: {  	_ =	swait.ge [sflag:s0], $0x2000  }
0x177: {  	[sflag:s0] =	ssyncset.done $0x0  }
0x178: {  	s21 =	rddreg [dreg:$0xe];
	[sflag:s0] =	ssyncadd.s32 $0xFFFFE000  }
0x179: {  	[tilespmem:s1], [sflag:$0x3] =	stream.strided.gather [hbm4b:s21+s9], $0x2000, s31, s9, $0x38;
	[tilespmem:$0x1F830] =	vst v63  }
0x17a: {  	_ =	swait.ge [sflag:s0], $0x2000  }
0x17b: {  	[sflag:s0] =	ssyncset.done $0x0  }
0x17c: {  	s10 =	simm.s32 $0x1B3A0;
	[sflag:s0] =	ssyncadd.s32 $0xFFFFE000  }
0x17d: {  	v3 =	vld [tilespmem:s10+$0xFFFFFFE0];
	_ =	sdelay $0x3  }
0x17e: {  	s23 =	simm.s32 $0x0  }
0x17f: {  	s6 =	sand.u32 $0x7F, s23;
	v4 =	vmul.f32 v3, v2  }
0x180: {  	s25 =	sor.u32 $0x1F480, s6;
	s6 =	simm.s32 $0x193A0  }
0x181: {  	v5 =	vld.msk [tilespmem:s25+$0x0 ss:$0x0], $0xffff;
	[tilespmem:s6+$0xFFFFFFE0] =	vst v4  }
0x182: {  	v4 =	vld [tilespmem:s10+$0xFFFFFFF0];
	_ =	sdelay $0x3  }
0x183: {  	v3 =	vmul.f32 v3, v5  }
0x184: {  	v6 =	vmul.f32 v4, v2  }
0x185: {  	[tilespmem:s10+$0xFFFFFFE0] =	vst v3  }
0x186: {  	[tilespmem:s6+$0xFFFFFFF0] =	vst v6  }
0x187: {  	v3 =	vld [tilespmem:s10+$0x0];
	_ =	sdelay $0x3  }
0x188: {  	v4 =	vmul.f32 v4, v5  }
0x189: {  	v6 =	vmul.f32 v3, v2  }
0x18a: {  	[tilespmem:s10+$0xFFFFFFF0] =	vst v4  }
0x18b: {  	[tilespmem:s6+$0x0] =	vst v6  }
0x18c: {  	v4 =	vld [tilespmem:s10+$0x10];
	_ =	sdelay $0x3  }
0x18d: {  	v3 =	vmul.f32 v3, v5  }
0x18e: {  	v6 =	vmul.f32 v4, v2  }
0x18f: {  	s28 =	simm.s32 $0x1;
	[tilespmem:s10+$0x0] =	vst v3;
	v3 =	vmul.f32 v4, v5  }
0x190: {  	s15 =	simm.s32 $0x1B3E0;
	s19 =	sand.u32 $0x7F, s28;
	[tilespmem:s6+$0x10] =	vst v6  }
0x191: {  	s19 =	sor.u32 $0x1F480, s19;
	v4 =	vld [tilespmem:s15+$0xFFFFFFE0];
	[tilespmem:s10+$0x10] =	vst v3  }
0x192: {  	s21 =	simm.s32 $0x2;
	v3 =	vld.msk [tilespmem:s19+$0x0 ss:$0x0], $0xffff;
	s19 =	simm.s32 $0x1B3E0  }
.LBB2_12:
0x193: {  	p0 =	sne.s32 s21, $0x7F;
	_ =	sdelay $0x2  }
0x194: {  	v5 =	vmul.f32 v4, v2  }
0x195: {  	s6 =	sadd.s32 $0x40, s6  }
0x196: {  	[tilespmem:s6+$0xFFFFFFE0] =	vst v5  }
0x197: {  	v5 =	vld [tilespmem:s15+$0xFFFFFFF0];
	_ =	sdelay $0x3  }
0x198: {  	v4 =	vmul.f32 v4, v3  }
0x199: {  	v6 =	vmul.f32 v5, v2  }
0x19a: {  	[tilespmem:s15+$0xFFFFFFE0] =	vst v4  }
0x19b: {  	[tilespmem:s6+$0xFFFFFFF0] =	vst v6  }
0x19c: {  	v4 =	vld [tilespmem:s15+$0x0];
	_ =	sdelay $0x3  }
0x19d: {  	v5 =	vmul.f32 v5, v3  }
0x19e: {  	v6 =	vmul.f32 v4, v2  }
0x19f: {  	[tilespmem:s15+$0xFFFFFFF0] =	vst v5  }
0x1a0: {  	[tilespmem:s6+$0x0] =	vst v6  }
0x1a1: {  	v5 =	vld [tilespmem:s15+$0x10];
	_ =	sdelay $0x3  }
0x1a2: {  	v4 =	vmul.f32 v4, v3  }
.Ltmp5:
0x1a3: {  	v6 =	vmul.f32 v5, v2;
	(pc) =	sbr.rel @p0 .LBB2_12-.Ltmp5, $4  }
0x1a4: {  	v3 =	vmul.f32 v5, v3;
	[tilespmem:s15+$0x0] =	vst v4  }
0x1a5: {  	s10 =	sand.u32 $0x7F, s21;
	s15 =	sadd.s32 $0x40, s15;
	[tilespmem:s6+$0x10] =	vst v6  }
0x1a6: {  	s10 =	sor.u32 $0x1F480, s10;
	v4 =	vld [tilespmem:s15+$0xFFFFFFE0];
	[tilespmem:s19+$0x10] =	vst v3;
	s19 =	smov.u32 s15  }
0x1a7: {  	s21 =	sadd.s32 $0x1, s21;
	v3 =	vld.msk [tilespmem:s10+$0x0 ss:$0x0], $0xffff  }
0x1a8: {  	_ =	sdelay $0x2  }
0x1a9: {  	v5 =	vmul.f32 v4, v2  }
0x1aa: {  	s6 =	sadd.s32 $0x40, s6  }
0x1ab: {  	[tilespmem:s6+$0xFFFFFFE0] =	vst v5  }
0x1ac: {  	v5 =	vld [tilespmem:s15+$0xFFFFFFF0];
	_ =	sdelay $0x3  }
0x1ad: {  	v4 =	vmul.f32 v4, v3  }
0x1ae: {  	v6 =	vmul.f32 v5, v2  }
0x1af: {  	[tilespmem:s15+$0xFFFFFFE0] =	vst v4  }
0x1b0: {  	[tilespmem:s6+$0xFFFFFFF0] =	vst v6  }
0x1b1: {  	v4 =	vld [tilespmem:s15+$0x0];
	_ =	sdelay $0x3  }
0x1b2: {  	v5 =	vmul.f32 v5, v3  }
0x1b3: {  	v6 =	vmul.f32 v4, v2  }
0x1b4: {  	[tilespmem:s15+$0xFFFFFFF0] =	vst v5  }
0x1b5: {  	[tilespmem:s6+$0x0] =	vst v6  }
0x1b6: {  	v5 =	vld [tilespmem:s15+$0x10];
	_ =	sdelay $0x3  }
0x1b7: {  	v4 =	vmul.f32 v4, v3  }
0x1b8: {  	v6 =	vmul.f32 v5, v2  }
0x1b9: {  	[tilespmem:s15+$0x0] =	vst v4;
	v3 =	vmul.f32 v5, v3  }
0x1ba: {  	[tilespmem:s6+$0x10] =	vst v6  }
0x1bb: {  	[tilespmem:s19+$0x10] =	vst v3;
	s19 =	rddreg [dreg:$0x13]  }
0x1bc: {  	[spmem:s19] =	stream.linear.scatter [tilespmem:s1], [sflag:$0x3], $0x2000, $0x38;
	[tilespmem:$0x1F830] =	vst v63  }
0x1bd: {  	_ =	swait.ge [sflag:s0], $0x2000  }
0x1be: {  	[sflag:s0] =	ssyncset.done $0x0  }
0x1bf: {  	[sflag:s0] =	ssyncadd.s32 $0xFFFFE000  }
0x1c0: {  	[hbm4b:s14+s9] =	stream.strided.scatter [tilespmem:s11], [sflag:$0x3], $0x2000, s31, s9, $0x38;
	[tilespmem:$0x1F830] =	vst v63  }
0x1c1: {  	_ =	swait.ge [sflag:s0], $0x2000  }
0x1c2: {  	[sflag:s0] =	ssyncset.done $0x0  }
0x1c3: {  	[sflag:s0] =	ssyncadd.s32 $0xFFFFE000  }
0x1c4: {  	[spmem:s24] =	stream.linear.scatter [tilespmem:s13], [sflag:$0x3], $0x2000, $0x38;
	[tilespmem:$0x1F830] =	vst v63  }
0x1c5: {  	_ =	swait.ge [sflag:s0], $0x2000  }
0x1c6: {  	[sflag:s0] =	ssyncset.done $0x0  }
0x1c7: {  	s21 =	rddreg [dreg:$0xf];
	[sflag:s0] =	ssyncadd.s32 $0xFFFFE000  }
0x1c8: {  	[tilespmem:s1], [sflag:$0x3] =	stream.strided.gather [hbm4b:s21+s9], $0x2000, s31, s9, $0x38;
	[tilespmem:$0x1F830] =	vst v63  }
0x1c9: {  	_ =	swait.ge [sflag:s0], $0x2000  }
0x1ca: {  	[sflag:s0] =	ssyncset.done $0x0  }
0x1cb: {  	s10 =	simm.s32 $0x1B3A0;
	[sflag:s0] =	ssyncadd.s32 $0xFFFFE000  }
0x1cc: {  	v3 =	vld [tilespmem:s10+$0xFFFFFFE0];
	_ =	sdelay $0x3  }
0x1cd: {  	s23 =	simm.s32 $0x0  }
0x1ce: {  	s6 =	sand.u32 $0x7F, s23;
	v4 =	vmul.f32 v3, v2  }
0x1cf: {  	s25 =	sor.u32 $0x1F500, s6;
	s6 =	simm.s32 $0x193A0  }
0x1d0: {  	v5 =	vld.msk [tilespmem:s25+$0x0 ss:$0x0], $0xffff;
	[tilespmem:s6+$0xFFFFFFE0] =	vst v4  }
0x1d1: {  	v4 =	vld [tilespmem:s10+$0xFFFFFFF0];
	_ =	sdelay $0x3  }
0x1d2: {  	v3 =	vmul.f32 v3, v5  }
0x1d3: {  	v6 =	vmul.f32 v4, v2  }
0x1d4: {  	[tilespmem:s10+$0xFFFFFFE0] =	vst v3  }
0x1d5: {  	[tilespmem:s6+$0xFFFFFFF0] =	vst v6  }
0x1d6: {  	v3 =	vld [tilespmem:s10+$0x0];
	_ =	sdelay $0x3  }
0x1d7: {  	v4 =	vmul.f32 v4, v5  }
0x1d8: {  	v6 =	vmul.f32 v3, v2  }
0x1d9: {  	[tilespmem:s10+$0xFFFFFFF0] =	vst v4  }
0x1da: {  	[tilespmem:s6+$0x0] =	vst v6  }
0x1db: {  	v4 =	vld [tilespmem:s10+$0x10];
	_ =	sdelay $0x3  }
0x1dc: {  	v3 =	vmul.f32 v3, v5  }
0x1dd: {  	v6 =	vmul.f32 v4, v2  }
0x1de: {  	s28 =	simm.s32 $0x1;
	[tilespmem:s10+$0x0] =	vst v3;
	v3 =	vmul.f32 v4, v5  }
0x1df: {  	s15 =	simm.s32 $0x1B3E0;
	s19 =	sand.u32 $0x7F, s28;
	[tilespmem:s6+$0x10] =	vst v6  }
0x1e0: {  	s19 =	sor.u32 $0x1F500, s19;
	v4 =	vld [tilespmem:s15+$0xFFFFFFE0];
	[tilespmem:s10+$0x10] =	vst v3  }
0x1e1: {  	s21 =	simm.s32 $0x2;
	v3 =	vld.msk [tilespmem:s19+$0x0 ss:$0x0], $0xffff;
	s19 =	simm.s32 $0x1B3E0  }
.LBB2_14:
0x1e2: {  	p0 =	sne.s32 s21, $0x7F;
	_ =	sdelay $0x2  }
0x1e3: {  	v5 =	vmul.f32 v4, v2  }
0x1e4: {  	s6 =	sadd.s32 $0x40, s6  }
0x1e5: {  	[tilespmem:s6+$0xFFFFFFE0] =	vst v5  }
0x1e6: {  	v5 =	vld [tilespmem:s15+$0xFFFFFFF0];
	_ =	sdelay $0x3  }
0x1e7: {  	v4 =	vmul.f32 v4, v3  }
0x1e8: {  	v6 =	vmul.f32 v5, v2  }
0x1e9: {  	[tilespmem:s15+$0xFFFFFFE0] =	vst v4  }
0x1ea: {  	[tilespmem:s6+$0xFFFFFFF0] =	vst v6  }
0x1eb: {  	v4 =	vld [tilespmem:s15+$0x0];
	_ =	sdelay $0x3  }
0x1ec: {  	v5 =	vmul.f32 v5, v3  }
0x1ed: {  	v6 =	vmul.f32 v4, v2  }
0x1ee: {  	[tilespmem:s15+$0xFFFFFFF0] =	vst v5  }
0x1ef: {  	[tilespmem:s6+$0x0] =	vst v6  }
0x1f0: {  	v5 =	vld [tilespmem:s15+$0x10];
	_ =	sdelay $0x3  }
0x1f1: {  	v4 =	vmul.f32 v4, v3  }
.Ltmp6:
0x1f2: {  	v6 =	vmul.f32 v5, v2;
	(pc) =	sbr.rel @p0 .LBB2_14-.Ltmp6, $4  }
0x1f3: {  	v3 =	vmul.f32 v5, v3;
	[tilespmem:s15+$0x0] =	vst v4  }
0x1f4: {  	s10 =	sand.u32 $0x7F, s21;
	s15 =	sadd.s32 $0x40, s15;
	[tilespmem:s6+$0x10] =	vst v6  }
0x1f5: {  	s10 =	sor.u32 $0x1F500, s10;
	v4 =	vld [tilespmem:s15+$0xFFFFFFE0];
	[tilespmem:s19+$0x10] =	vst v3;
	s19 =	smov.u32 s15  }
0x1f6: {  	s21 =	sadd.s32 $0x1, s21;
	v3 =	vld.msk [tilespmem:s10+$0x0 ss:$0x0], $0xffff  }
0x1f7: {  	_ =	sdelay $0x2  }
0x1f8: {  	v5 =	vmul.f32 v4, v2  }
0x1f9: {  	s6 =	sadd.s32 $0x40, s6  }
0x1fa: {  	[tilespmem:s6+$0xFFFFFFE0] =	vst v5  }
0x1fb: {  	v5 =	vld [tilespmem:s15+$0xFFFFFFF0];
	_ =	sdelay $0x3  }
0x1fc: {  	v4 =	vmul.f32 v4, v3  }
0x1fd: {  	v6 =	vmul.f32 v5, v2  }
0x1fe: {  	[tilespmem:s15+$0xFFFFFFE0] =	vst v4  }
0x1ff: {  	[tilespmem:s6+$0xFFFFFFF0] =	vst v6  }
0x200: {  	v4 =	vld [tilespmem:s15+$0x0];
	_ =	sdelay $0x3  }
0x201: {  	v5 =	vmul.f32 v5, v3  }
0x202: {  	v6 =	vmul.f32 v4, v2  }
0x203: {  	[tilespmem:s15+$0xFFFFFFF0] =	vst v5  }
0x204: {  	[tilespmem:s6+$0x0] =	vst v6  }
0x205: {  	v5 =	vld [tilespmem:s15+$0x10];
	_ =	sdelay $0x3  }
0x206: {  	v4 =	vmul.f32 v4, v3  }
0x207: {  	v6 =	vmul.f32 v5, v2  }
0x208: {  	[tilespmem:s15+$0x0] =	vst v4;
	v3 =	vmul.f32 v5, v3  }
0x209: {  	[tilespmem:s6+$0x10] =	vst v6  }
0x20a: {  	[tilespmem:s19+$0x10] =	vst v3;
	s19 =	rddreg [dreg:$0x14]  }
0x20b: {  	[spmem:s19] =	stream.linear.scatter [tilespmem:s1], [sflag:$0x3], $0x2000, $0x38;
	[tilespmem:$0x1F830] =	vst v63  }
0x20c: {  	_ =	swait.ge [sflag:s0], $0x2000  }
0x20d: {  	[sflag:s0] =	ssyncset.done $0x0  }
0x20e: {  	[sflag:s0] =	ssyncadd.s32 $0xFFFFE000  }
0x20f: {  	[hbm4b:s16+s9] =	stream.strided.scatter [tilespmem:s11], [sflag:$0x3], $0x2000, s31, s9, $0x38;
	[tilespmem:$0x1F830] =	vst v63  }
0x210: {  	_ =	swait.ge [sflag:s0], $0x2000  }
0x211: {  	[sflag:s0] =	ssyncset.done $0x0  }
0x212: {  	[sflag:s0] =	ssyncadd.s32 $0xFFFFE000  }
0x213: {  	[spmem:s26] =	stream.linear.scatter [tilespmem:s13], [sflag:$0x3], $0x2000, $0x38;
	[tilespmem:$0x1F830] =	vst v63  }
0x214: {  	_ =	swait.ge [sflag:s0], $0x2000  }
0x215: {  	[sflag:s0] =	ssyncset.done $0x0  }
0x216: {  	s21 =	rddreg [dreg:$0x10];
	[sflag:s0] =	ssyncadd.s32 $0xFFFFE000  }
0x217: {  	[tilespmem:s1], [sflag:$0x3] =	stream.strided.gather [hbm4b:s21+s9], $0x2000, s31, s9, $0x38;
	[tilespmem:$0x1F830] =	vst v63  }
0x218: {  	_ =	swait.ge [sflag:s0], $0x2000  }
0x219: {  	[sflag:s0] =	ssyncset.done $0x0  }
0x21a: {  	s10 =	simm.s32 $0x1B3A0;
	[sflag:s0] =	ssyncadd.s32 $0xFFFFE000  }
0x21b: {  	v3 =	vld [tilespmem:s10+$0xFFFFFFE0];
	_ =	sdelay $0x3  }
0x21c: {  	s23 =	simm.s32 $0x0  }
0x21d: {  	s6 =	sand.u32 $0x7F, s23;
	v4 =	vmul.f32 v3, v2  }
0x21e: {  	s25 =	sor.u32 $0x1F580, s6;
	s6 =	simm.s32 $0x193A0  }
0x21f: {  	v5 =	vld.msk [tilespmem:s25+$0x0 ss:$0x0], $0xffff;
	[tilespmem:s6+$0xFFFFFFE0] =	vst v4  }
0x220: {  	v4 =	vld [tilespmem:s10+$0xFFFFFFF0];
	_ =	sdelay $0x3  }
0x221: {  	v3 =	vmul.f32 v3, v5  }
0x222: {  	v6 =	vmul.f32 v4, v2  }
0x223: {  	[tilespmem:s10+$0xFFFFFFE0] =	vst v3  }
0x224: {  	[tilespmem:s6+$0xFFFFFFF0] =	vst v6  }
0x225: {  	v3 =	vld [tilespmem:s10+$0x0];
	_ =	sdelay $0x3  }
0x226: {  	v4 =	vmul.f32 v4, v5  }
0x227: {  	v6 =	vmul.f32 v3, v2  }
0x228: {  	[tilespmem:s10+$0xFFFFFFF0] =	vst v4  }
0x229: {  	[tilespmem:s6+$0x0] =	vst v6  }
0x22a: {  	v4 =	vld [tilespmem:s10+$0x10];
	_ =	sdelay $0x3  }
0x22b: {  	v3 =	vmul.f32 v3, v5  }
0x22c: {  	v6 =	vmul.f32 v4, v2  }
0x22d: {  	s28 =	simm.s32 $0x1;
	[tilespmem:s10+$0x0] =	vst v3;
	v3 =	vmul.f32 v4, v5  }
0x22e: {  	s15 =	simm.s32 $0x1B3E0;
	s19 =	sand.u32 $0x7F, s28;
	[tilespmem:s6+$0x10] =	vst v6  }
0x22f: {  	s19 =	sor.u32 $0x1F580, s19;
	v4 =	vld [tilespmem:s15+$0xFFFFFFE0];
	[tilespmem:s10+$0x10] =	vst v3  }
0x230: {  	s21 =	simm.s32 $0x2;
	v3 =	vld.msk [tilespmem:s19+$0x0 ss:$0x0], $0xffff;
	s19 =	simm.s32 $0x1B3E0  }
.LBB2_16:
0x231: {  	p0 =	sne.s32 s21, $0x7F;
	_ =	sdelay $0x2  }
0x232: {  	v5 =	vmul.f32 v4, v2  }
0x233: {  	s6 =	sadd.s32 $0x40, s6  }
0x234: {  	[tilespmem:s6+$0xFFFFFFE0] =	vst v5  }
0x235: {  	v5 =	vld [tilespmem:s15+$0xFFFFFFF0];
	_ =	sdelay $0x3  }
0x236: {  	v4 =	vmul.f32 v4, v3  }
0x237: {  	v6 =	vmul.f32 v5, v2  }
0x238: {  	[tilespmem:s15+$0xFFFFFFE0] =	vst v4  }
0x239: {  	[tilespmem:s6+$0xFFFFFFF0] =	vst v6  }
0x23a: {  	v4 =	vld [tilespmem:s15+$0x0];
	_ =	sdelay $0x3  }
0x23b: {  	v5 =	vmul.f32 v5, v3  }
0x23c: {  	v6 =	vmul.f32 v4, v2  }
0x23d: {  	[tilespmem:s15+$0xFFFFFFF0] =	vst v5  }
0x23e: {  	[tilespmem:s6+$0x0] =	vst v6  }
0x23f: {  	v5 =	vld [tilespmem:s15+$0x10];
	_ =	sdelay $0x3  }
0x240: {  	v4 =	vmul.f32 v4, v3  }
.Ltmp7:
0x241: {  	v6 =	vmul.f32 v5, v2;
	(pc) =	sbr.rel @p0 .LBB2_16-.Ltmp7, $4  }
0x242: {  	v3 =	vmul.f32 v5, v3;
	[tilespmem:s15+$0x0] =	vst v4  }
0x243: {  	s10 =	sand.u32 $0x7F, s21;
	s15 =	sadd.s32 $0x40, s15;
	[tilespmem:s6+$0x10] =	vst v6  }
0x244: {  	s10 =	sor.u32 $0x1F580, s10;
	v4 =	vld [tilespmem:s15+$0xFFFFFFE0];
	[tilespmem:s19+$0x10] =	vst v3;
	s19 =	smov.u32 s15  }
0x245: {  	s21 =	sadd.s32 $0x1, s21;
	v3 =	vld.msk [tilespmem:s10+$0x0 ss:$0x0], $0xffff  }
0x246: {  	_ =	sdelay $0x2  }
0x247: {  	v5 =	vmul.f32 v4, v2  }
0x248: {  	s6 =	sadd.s32 $0x40, s6  }
0x249: {  	[tilespmem:s6+$0xFFFFFFE0] =	vst v5  }
0x24a: {  	v5 =	vld [tilespmem:s15+$0xFFFFFFF0];
	_ =	sdelay $0x3  }
0x24b: {  	v60 =	vmul.f32 v4, v3  }
0x24c: {  	v6 =	vmul.f32 v5, v2  }
0x24d: {  	[tilespmem:s15+$0xFFFFFFE0] =	vst v60  }
0x24e: {  	[tilespmem:s6+$0xFFFFFFF0] =	vst v6  }
0x24f: {  	v61 =	vld [tilespmem:s15+$0x0];
	_ =	sdelay $0x3  }
0x250: {  	v5 =	vmul.f32 v5, v3  }
0x251: {  	v62 =	vmul.f32 v61, v2  }
0x252: {  	[tilespmem:s15+$0xFFFFFFF0] =	vst v5  }
0x253: {  	[tilespmem:s6+$0x0] =	vst v62  }
0x254: {  	v63 =	vld [tilespmem:s15+$0x10];
	_ =	sdelay $0x3  }
0x255: {  	v4 =	vmul.f32 v61, v3  }
0x256: {  	v2 =	vmul.f32 v63, v2  }
0x257: {  	[tilespmem:s15+$0x0] =	vst v4;
	v3 =	vmul.f32 v63, v3  }
0x258: {  	[tilespmem:s6+$0x10] =	vst v2  }
0x259: {  	s28 =	rddreg [dreg:$0x15];
	[tilespmem:s19+$0x10] =	vst v3  }
0x25a: {  	[spmem:s28] =	stream.linear.scatter [tilespmem:s1], [sflag:$0x3], $0x2000, $0x38;
	[tilespmem:$0x1F830] =	vst v63  }
0x25b: {  	_ =	swait.ge [sflag:s0], $0x2000  }
0x25c: {  	[sflag:s0] =	ssyncset.done $0x0  }
0x25d: {  	[sflag:s0] =	ssyncadd.s32 $0xFFFFE000  }
0x25e: {  	[hbm4b:s18+s9] =	stream.strided.scatter [tilespmem:s11], [sflag:$0x3], $0x2000, s31, s9, $0x38;
	[tilespmem:$0x1F830] =	vst v63  }
0x25f: {  	_ =	swait.ge [sflag:s0], $0x2000  }
0x260: {  	[sflag:s0] =	ssyncset.done $0x0  }
0x261: {  	[sflag:s0] =	ssyncadd.s32 $0xFFFFE000  }
0x262: {  	[spmem:s29] =	stream.linear.scatter [tilespmem:s13], [sflag:$0x3], $0x2000, $0x38;
	[tilespmem:$0x1F830] =	vst v63  }
0x263: {  	_ =	swait.ge [sflag:s0], $0x2000  }
0x264: {  	[sflag:s0] =	ssyncset.done $0x0  }
0x265: {  	[sflag:s0] =	ssyncadd.s32 $0xFFFFE000  }
0x266: {  	s6 =	simm.s32 $0x0;
	[bflag:$0x0] =	sbarrier.arrive $0xFFFF  }
.LBB2_18:
0x267: {  	v2 =	vld [tilespmem:s6+$0x1F691]  }
0x268: {  	v3 =	vld [tilespmem:$0x14280]  }
0x269: {  	v4 =	vld [tilespmem:$0x14290]  }
0x26a: {  	v5 =	vld [tilespmem:$0x142A0]  }
0x26b: {  	v6 =	vld [tilespmem:$0x142B0]  }
0x26c: {  	v7 =	vld [tilespmem:$0x142C0]  }
0x26d: {  	v8 =	vld [tilespmem:$0x142D0];
	v3 =	vand.u32 $0x3FFF, v3  }
0x26e: {  	v62 =	vld [tilespmem:$0x142E0];
	[tilespmem:$0x1F6B0] =	vst v3;
	v3 =	vand.u32 $0x3FFF, v4  }
0x26f: {  	v63 =	vld [tilespmem:$0x142F0];
	[tilespmem:$0x1F6C0] =	vst v3;
	v3 =	vand.u32 $0x3FFF, v5  }
0x270: {  	[tilespmem:$0x1F6D0] =	vst v3;
	v3 =	vand.u32 $0x3FFF, v6  }
0x271: {  	[tilespmem:$0x1F6E0] =	vst v3;
	v3 =	vand.u32 $0x3FFF, v7  }
0x272: {  	[tilespmem:$0x1F6F0] =	vst v3;
	v3 =	vand.u32 $0x3FFF, v8  }
0x273: {  	[tilespmem:$0x1F700] =	vst v3;
	v3 =	vand.u32 $0x3FFF, v62  }
0x274: {  	[tilespmem:$0x1F710] =	vst v3;
	v3 =	vand.u32 $0x3FFF, v63  }
0x275: {  	s10 =	simm.s32 $0x1F6B0;
	s15 =	simm.s32 $0x0;
	[tilespmem:$0x1F720] =	vst v3  }
0x276: {  	[tilespmem:s11], [sflag:$0x1] =	stream.indirect.gather [spmem:s4], $0x40, s10, s31, $0xb8;
	[tilespmem:$0x1F830] =	vst v63  }
0x277: {  	v3 =	vld [tilespmem:s15+$0x14300];
	_ =	sdelay $0x4  }
0x278: {  	v3 =	vand.u32 $0x3FFF, v3  }
0x279: {  	[tilespmem:$0x1F730] =	vst v3  }
0x27a: {  	v3 =	vld [tilespmem:s15+$0x14310];
	_ =	sdelay $0x4  }
0x27b: {  	v3 =	vand.u32 $0x3FFF, v3  }
0x27c: {  	[tilespmem:$0x1F740] =	vst v3  }
0x27d: {  	v3 =	vld [tilespmem:s15+$0x14320];
	_ =	sdelay $0x4  }
0x27e: {  	v3 =	vand.u32 $0x3FFF, v3  }
0x27f: {  	[tilespmem:$0x1F750] =	vst v3  }
0x280: {  	v3 =	vld [tilespmem:s15+$0x14330];
	_ =	sdelay $0x4  }
0x281: {  	v3 =	vand.u32 $0x3FFF, v3  }
0x282: {  	[tilespmem:$0x1F760] =	vst v3  }
0x283: {  	v3 =	vld [tilespmem:s15+$0x14340];
	_ =	sdelay $0x4  }
0x284: {  	v3 =	vand.u32 $0x3FFF, v3  }
0x285: {  	[tilespmem:$0x1F770] =	vst v3  }
0x286: {  	v3 =	vld [tilespmem:s15+$0x14350];
	_ =	sdelay $0x4  }
0x287: {  	v3 =	vand.u32 $0x3FFF, v3  }
0x288: {  	[tilespmem:$0x1F780] =	vst v3  }
0x289: {  	v3 =	vld [tilespmem:s15+$0x14360];
	_ =	sdelay $0x4  }
0x28a: {  	v3 =	vand.u32 $0x3FFF, v3  }
0x28b: {  	[tilespmem:$0x1F790] =	vst v3  }
0x28c: {  	v3 =	vld [tilespmem:s15+$0x14370];
	_ =	sdelay $0x4  }
0x28d: {  	v3 =	vand.u32 $0x3FFF, v3  }
0x28e: {  	[tilespmem:$0x1F7A0] =	vst v3  }
0x28f: {  	[tilespmem:s1], [sflag:$0x2] =	stream.indirect.gather [spmem:s4], $0x40, s17, s31, $0xb8;
	[tilespmem:$0x1F830] =	vst v63  }
0x290: {  	_ =	swait.ge [sflag:s30], $0x2000  }
0x291: {  	[sflag:s30] =	ssyncset.done $0x0  }
0x292: {  	[sflag:s30] =	ssyncadd.s32 $0xFFFFE000  }
0x293: {  	v3 =	vld [tilespmem:s15+$0x14280];
	_ =	sdelay $0x4  }
0x294: {  	v3 =	vshrl.u32 v3, $0xE  }
0x295: {  	[tilespmem:$0x1F7B0] =	vst v3  }
0x296: {  	v3 =	vld [tilespmem:s15+$0x14290];
	_ =	sdelay $0x4  }
0x297: {  	v3 =	vshrl.u32 v3, $0xE  }
0x298: {  	[tilespmem:$0x1F7C0] =	vst v3  }
0x299: {  	v3 =	vld [tilespmem:s15+$0x142A0];
	_ =	sdelay $0x4  }
0x29a: {  	v3 =	vshrl.u32 v3, $0xE  }
0x29b: {  	[tilespmem:$0x1F7D0] =	vst v3  }
0x29c: {  	v3 =	vld [tilespmem:s15+$0x142B0];
	_ =	sdelay $0x4  }
0x29d: {  	v3 =	vshrl.u32 v3, $0xE  }
0x29e: {  	[tilespmem:$0x1F7E0] =	vst v3  }
0x29f: {  	v3 =	vld [tilespmem:s15+$0x142C0];
	_ =	sdelay $0x4  }
0x2a0: {  	v3 =	vshrl.u32 v3, $0xE  }
0x2a1: {  	[tilespmem:$0x1F7F0] =	vst v3  }
0x2a2: {  	v3 =	vld [tilespmem:s15+$0x142D0];
	_ =	sdelay $0x4  }
0x2a3: {  	v3 =	vshrl.u32 v3, $0xE  }
0x2a4: {  	[tilespmem:$0x1F800] =	vst v3  }
0x2a5: {  	v3 =	vld [tilespmem:s15+$0x142E0];
	_ =	sdelay $0x4  }
0x2a6: {  	v3 =	vshrl.u32 v3, $0xE  }
0x2a7: {  	[tilespmem:$0x1F810] =	vst v3  }
0x2a8: {  	v3 =	vld [tilespmem:s15+$0x142F0];
	_ =	sdelay $0x4  }
0x2a9: {  	v3 =	vshrl.u32 v3, $0xE  }
0x2aa: {  	[tilespmem:$0x1F820] =	vst v3  }
0x2ab: {  	[spmem:s5] =	stream.indirect.scatter.add.f32 [tilespmem:s11], [sflag:$0x3], $0x40, s3, s31, $0xb8;
	[tilespmem:$0x1F830] =	vst v63  }
0x2ac: {  	_ =	swait.ge [sflag:s0], $0x2000  }
0x2ad: {  	p0 =	por $0x0, $0x0;
	[sflag:s0] =	ssyncset.done $0x0  }
0x2ae: {  	s10 =	simm.s32 @!p0 $0x0;
	[sflag:s0] =	ssyncadd.s32 $0xFFFFE000  }
0x2af: {  	v3 =	vld @!p0 [tilespmem:s10+$0x14380];
	_ =	sdelay $0x4  }
0x2b0: {  	v3 =	vand.u32 @!p0 $0x3FFF, v3  }
0x2b1: {  	[tilespmem:$0x1F6B0] =	vst @!p0 v3  }
0x2b2: {  	v3 =	vld @!p0 [tilespmem:s10+$0x14390];
	_ =	sdelay $0x4  }
0x2b3: {  	v3 =	vand.u32 @!p0 $0x3FFF, v3  }
0x2b4: {  	[tilespmem:$0x1F6C0] =	vst @!p0 v3  }
0x2b5: {  	v3 =	vld @!p0 [tilespmem:s10+$0x143A0];
	_ =	sdelay $0x4  }
0x2b6: {  	v3 =	vand.u32 @!p0 $0x3FFF, v3  }
0x2b7: {  	[tilespmem:$0x1F6D0] =	vst @!p0 v3  }
0x2b8: {  	v3 =	vld @!p0 [tilespmem:s10+$0x143B0];
	_ =	sdelay $0x4  }
0x2b9: {  	v3 =	vand.u32 @!p0 $0x3FFF, v3  }
0x2ba: {  	[tilespmem:$0x1F6E0] =	vst @!p0 v3  }
0x2bb: {  	v3 =	vld @!p0 [tilespmem:s10+$0x143C0];
	_ =	sdelay $0x4  }
0x2bc: {  	v3 =	vand.u32 @!p0 $0x3FFF, v3  }
0x2bd: {  	[tilespmem:$0x1F6F0] =	vst @!p0 v3  }
0x2be: {  	v3 =	vld @!p0 [tilespmem:s10+$0x143D0];
	_ =	sdelay $0x4  }
0x2bf: {  	v3 =	vand.u32 @!p0 $0x3FFF, v3  }
0x2c0: {  	[tilespmem:$0x1F700] =	vst @!p0 v3  }
0x2c1: {  	v3 =	vld @!p0 [tilespmem:s10+$0x143E0];
	_ =	sdelay $0x4  }
0x2c2: {  	v3 =	vand.u32 @!p0 $0x3FFF, v3  }
0x2c3: {  	[tilespmem:$0x1F710] =	vst @!p0 v3  }
0x2c4: {  	v3 =	vld @!p0 [tilespmem:s10+$0x143F0];
	_ =	sdelay $0x4  }
0x2c5: {  	v3 =	vand.u32 @!p0 $0x3FFF, v3  }
0x2c6: {  	s19 =	simm.s32 @!p0 $0x1F6B0;
	s21 =	simm.s32 @!p0 $0x19380;
	s10 =	simm.s32 @!p0 $0x80;
	[tilespmem:$0x1F720] =	vst @!p0 v3  }
0x2c7: {  	[tilespmem:s21], [sflag:$0x1] =	stream.indirect.gather @!p0 [spmem:s4], $0x40, s19, s10, $0xb8;
	[tilespmem:$0x1F830] =	vst v63  }
0x2c8: {  	_ =	swait.ge [sflag:s8], $0x2000  }
0x2c9: {  	[sflag:s8] =	ssyncset.done $0x0  }
0x2ca: {  	[sflag:s8] =	ssyncadd.s32 $0xFFFFE000  }
0x2cb: {  	v3 =	vld [tilespmem:s15+$0x14300];
	_ =	sdelay $0x4  }
0x2cc: {  	v3 =	vshrl.u32 v3, $0xE  }
0x2cd: {  	[tilespmem:$0x1F7B0] =	vst v3  }
0x2ce: {  	v3 =	vld [tilespmem:s15+$0x14310];
	_ =	sdelay $0x4  }
0x2cf: {  	v3 =	vshrl.u32 v3, $0xE  }
0x2d0: {  	[tilespmem:$0x1F7C0] =	vst v3  }
0x2d1: {  	v3 =	vld [tilespmem:s15+$0x14320];
	_ =	sdelay $0x4  }
0x2d2: {  	v3 =	vshrl.u32 v3, $0xE  }
0x2d3: {  	[tilespmem:$0x1F7D0] =	vst v3  }
0x2d4: {  	v3 =	vld [tilespmem:s15+$0x14330];
	_ =	sdelay $0x4  }
0x2d5: {  	v3 =	vshrl.u32 v3, $0xE  }
0x2d6: {  	[tilespmem:$0x1F7E0] =	vst v3  }
0x2d7: {  	v3 =	vld [tilespmem:s15+$0x14340];
	_ =	sdelay $0x4  }
0x2d8: {  	v3 =	vshrl.u32 v3, $0xE  }
0x2d9: {  	[tilespmem:$0x1F7F0] =	vst v3  }
0x2da: {  	v3 =	vld [tilespmem:s15+$0x14350];
	_ =	sdelay $0x4  }
0x2db: {  	v3 =	vshrl.u32 v3, $0xE  }
0x2dc: {  	[tilespmem:$0x1F800] =	vst v3  }
0x2dd: {  	v3 =	vld [tilespmem:s15+$0x14360];
	_ =	sdelay $0x4  }
0x2de: {  	v3 =	vshrl.u32 v3, $0xE  }
0x2df: {  	[tilespmem:$0x1F810] =	vst v3  }
0x2e0: {  	v3 =	vld [tilespmem:s15+$0x14370];
	_ =	sdelay $0x4  }
0x2e1: {  	v3 =	vshrl.u32 v3, $0xE  }
0x2e2: {  	[tilespmem:$0x1F820] =	vst v3  }
0x2e3: {  	[spmem:s5] =	stream.indirect.scatter.add.f32 [tilespmem:s1], [sflag:$0x3], $0x40, s3, s31, $0xb8;
	[tilespmem:$0x1F830] =	vst v63  }
0x2e4: {  	s6 =	sadd.s32 $0x1, s6;
	_ =	swait.ge [sflag:s0], $0x2000  }
0x2e5: {  	s19 =	simm.s32 $0x800;
	s15 =	simm.s32 $0x400;
	[sflag:s0] =	ssyncset.done $0x0  }
.LBB2_19:
0x2e6: {  	s21 =	sshra.s32 s15, $0x2  }
0x2e7: {  	[sflag:s0] =	ssyncadd.s32 $0xFFFFE000;
	s23 =	smov.u32 s19;
	s19 =	sadd.s32 $0x400, s19  }
0x2e8: {  	p0 =	sne.s32 s19, $0x14400;
	v3 =	vld [tilespmem:s21+$0x14300];
	_ =	sdelay $0x4  }
0x2e9: {  	v3 =	vand.u32 $0x3FFF, v3  }
0x2ea: {  	[tilespmem:$0x1F730] =	vst v3  }
0x2eb: {  	v3 =	vld [tilespmem:s21+$0x14310];
	_ =	sdelay $0x4  }
0x2ec: {  	v3 =	vand.u32 $0x3FFF, v3  }
0x2ed: {  	[tilespmem:$0x1F740] =	vst v3  }
0x2ee: {  	v3 =	vld [tilespmem:s21+$0x14320];
	_ =	sdelay $0x4  }
0x2ef: {  	v3 =	vand.u32 $0x3FFF, v3  }
0x2f0: {  	[tilespmem:$0x1F750] =	vst v3  }
0x2f1: {  	v3 =	vld [tilespmem:s21+$0x14330];
	_ =	sdelay $0x4  }
0x2f2: {  	v3 =	vand.u32 $0x3FFF, v3  }
0x2f3: {  	[tilespmem:$0x1F760] =	vst v3  }
0x2f4: {  	v3 =	vld [tilespmem:s21+$0x14340];
	_ =	sdelay $0x4  }
0x2f5: {  	v3 =	vand.u32 $0x3FFF, v3  }
0x2f6: {  	[tilespmem:$0x1F770] =	vst v3  }
0x2f7: {  	v3 =	vld [tilespmem:s21+$0x14350];
	_ =	sdelay $0x4  }
0x2f8: {  	v3 =	vand.u32 $0x3FFF, v3  }
0x2f9: {  	[tilespmem:$0x1F780] =	vst v3  }
0x2fa: {  	v3 =	vld [tilespmem:s21+$0x14360];
	_ =	sdelay $0x4  }
0x2fb: {  	v3 =	vand.u32 $0x3FFF, v3  }
0x2fc: {  	[tilespmem:$0x1F790] =	vst v3  }
0x2fd: {  	v3 =	vld [tilespmem:s21+$0x14370];
	_ =	sdelay $0x4  }
0x2fe: {  	v3 =	vand.u32 $0x3FFF, v3  }
0x2ff: {  	[tilespmem:$0x1F7A0] =	vst v3  }
0x300: {  	[tilespmem:s1], [sflag:$0x2] =	stream.indirect.gather [spmem:s4], $0x40, s17, s31, $0xb8;
	[tilespmem:$0x1F830] =	vst v63  }
0x301: {  	_ =	swait.ge [sflag:s30], $0x2000  }
0x302: {  	[sflag:s30] =	ssyncset.done $0x0  }
0x303: {  	[sflag:s30] =	ssyncadd.s32 $0xFFFFE000  }
0x304: {  	v3 =	vld [tilespmem:s21+$0x14280];
	_ =	sdelay $0x4  }
0x305: {  	v3 =	vshrl.u32 v3, $0xE  }
0x306: {  	[tilespmem:$0x1F7B0] =	vst v3  }
0x307: {  	v3 =	vld [tilespmem:s21+$0x14290];
	_ =	sdelay $0x4  }
0x308: {  	v3 =	vshrl.u32 v3, $0xE  }
0x309: {  	[tilespmem:$0x1F7C0] =	vst v3  }
0x30a: {  	v3 =	vld [tilespmem:s21+$0x142A0];
	_ =	sdelay $0x4  }
0x30b: {  	v3 =	vshrl.u32 v3, $0xE  }
0x30c: {  	[tilespmem:$0x1F7D0] =	vst v3  }
0x30d: {  	v3 =	vld [tilespmem:s21+$0x142B0];
	_ =	sdelay $0x4  }
0x30e: {  	v3 =	vshrl.u32 v3, $0xE  }
0x30f: {  	[tilespmem:$0x1F7E0] =	vst v3  }
0x310: {  	v3 =	vld [tilespmem:s21+$0x142C0];
	_ =	sdelay $0x4  }
0x311: {  	v3 =	vshrl.u32 v3, $0xE  }
0x312: {  	[tilespmem:$0x1F7F0] =	vst v3  }
0x313: {  	v3 =	vld [tilespmem:s21+$0x142D0];
	_ =	sdelay $0x4  }
0x314: {  	v3 =	vshrl.u32 v3, $0xE  }
0x315: {  	[tilespmem:$0x1F800] =	vst v3  }
0x316: {  	v3 =	vld [tilespmem:s21+$0x142E0];
	_ =	sdelay $0x4  }
0x317: {  	v3 =	vshrl.u32 v3, $0xE  }
0x318: {  	[tilespmem:$0x1F810] =	vst v3  }
0x319: {  	v3 =	vld [tilespmem:s21+$0x142F0];
	_ =	sdelay $0x4  }
0x31a: {  	v3 =	vshrl.u32 v3, $0xE  }
0x31b: {  	[tilespmem:$0x1F820] =	vst v3  }
0x31c: {  	[spmem:s5] =	stream.indirect.scatter.add.f32 [tilespmem:s11], [sflag:$0x3], $0x40, s3, s31, $0xb8;
	[tilespmem:$0x1F830] =	vst v63  }
0x31d: {  	_ =	swait.ge [sflag:s0], $0x2000  }
0x31e: {  	p1 =	seq.s32 s15, $0x14000;
	[sflag:s0] =	ssyncset.done $0x0  }
0x31f: {  	s25 =	sshra.s32 @!p1 s15, $0x2;
	s15 =	smov.u32 s23;
	[sflag:s0] =	ssyncadd.s32 $0xFFFFE000  }
0x320: {  	v3 =	vld @!p1 [tilespmem:s25+$0x14380];
	_ =	sdelay $0x4  }
0x321: {  	v3 =	vand.u32 @!p1 $0x3FFF, v3  }
0x322: {  	[tilespmem:$0x1F6B0] =	vst @!p1 v3  }
0x323: {  	v3 =	vld @!p1 [tilespmem:s25+$0x14390];
	_ =	sdelay $0x4  }
0x324: {  	v3 =	vand.u32 @!p1 $0x3FFF, v3  }
0x325: {  	[tilespmem:$0x1F6C0] =	vst @!p1 v3  }
0x326: {  	v3 =	vld @!p1 [tilespmem:s25+$0x143A0];
	_ =	sdelay $0x4  }
0x327: {  	v3 =	vand.u32 @!p1 $0x3FFF, v3  }
0x328: {  	[tilespmem:$0x1F6D0] =	vst @!p1 v3  }
0x329: {  	v3 =	vld @!p1 [tilespmem:s25+$0x143B0];
	_ =	sdelay $0x4  }
0x32a: {  	v3 =	vand.u32 @!p1 $0x3FFF, v3  }
0x32b: {  	[tilespmem:$0x1F6E0] =	vst @!p1 v3  }
0x32c: {  	v3 =	vld @!p1 [tilespmem:s25+$0x143C0];
	_ =	sdelay $0x4  }
0x32d: {  	v3 =	vand.u32 @!p1 $0x3FFF, v3  }
0x32e: {  	[tilespmem:$0x1F6F0] =	vst @!p1 v3  }
0x32f: {  	v3 =	vld @!p1 [tilespmem:s25+$0x143D0];
	_ =	sdelay $0x4  }
0x330: {  	v3 =	vand.u32 @!p1 $0x3FFF, v3  }
0x331: {  	[tilespmem:$0x1F700] =	vst @!p1 v3  }
0x332: {  	v3 =	vld @!p1 [tilespmem:s25+$0x143E0];
	_ =	sdelay $0x4  }
0x333: {  	v3 =	vand.u32 @!p1 $0x3FFF, v3  }
0x334: {  	[tilespmem:$0x1F710] =	vst @!p1 v3  }
0x335: {  	v3 =	vld @!p1 [tilespmem:s25+$0x143F0];
	_ =	sdelay $0x4  }
0x336: {  	v3 =	vand.u32 @!p1 $0x3FFF, v3  }
0x337: {  	s10 =	simm.s32 @!p1 $0x80;
	s23 =	simm.s32 @!p1 $0x1F6B0;
	s25 =	simm.s32 @!p1 $0x19380;
	[tilespmem:$0x1F720] =	vst @!p1 v3  }
0x338: {  	[tilespmem:s25], [sflag:$0x1] =	stream.indirect.gather @!p1 [spmem:s4], $0x40, s23, s10, $0xb8;
	[tilespmem:$0x1F830] =	vst v63  }
0x339: {  	_ =	swait.ge [sflag:s8], $0x2000  }
0x33a: {  	[sflag:s8] =	ssyncset.done $0x0  }
0x33b: {  	[sflag:s8] =	ssyncadd.s32 $0xFFFFE000  }
0x33c: {  	v3 =	vld [tilespmem:s21+$0x14300];
	_ =	sdelay $0x4  }
0x33d: {  	v3 =	vshrl.u32 v3, $0xE  }
0x33e: {  	[tilespmem:$0x1F7B0] =	vst v3  }
0x33f: {  	v3 =	vld [tilespmem:s21+$0x14310];
	_ =	sdelay $0x4  }
0x340: {  	v3 =	vshrl.u32 v3, $0xE  }
0x341: {  	[tilespmem:$0x1F7C0] =	vst v3  }
0x342: {  	v3 =	vld [tilespmem:s21+$0x14320];
	_ =	sdelay $0x4  }
0x343: {  	v3 =	vshrl.u32 v3, $0xE  }
0x344: {  	[tilespmem:$0x1F7D0] =	vst v3  }
0x345: {  	v3 =	vld [tilespmem:s21+$0x14330];
	_ =	sdelay $0x4  }
0x346: {  	v3 =	vshrl.u32 v3, $0xE  }
0x347: {  	[tilespmem:$0x1F7E0] =	vst v3  }
0x348: {  	v3 =	vld [tilespmem:s21+$0x14340];
	_ =	sdelay $0x4  }
0x349: {  	v3 =	vshrl.u32 v3, $0xE  }
0x34a: {  	[tilespmem:$0x1F7F0] =	vst v3  }
0x34b: {  	v3 =	vld [tilespmem:s21+$0x14350];
	_ =	sdelay $0x4  }
0x34c: {  	v3 =	vshrl.u32 v3, $0xE  }
0x34d: {  	[tilespmem:$0x1F800] =	vst v3  }
0x34e: {  	v3 =	vld [tilespmem:s21+$0x14360];
	_ =	sdelay $0x4  }
0x34f: {  	v3 =	vshrl.u32 v3, $0xE  }
0x350: {  	[tilespmem:$0x1F810] =	vst v3  }
0x351: {  	v3 =	vld [tilespmem:s21+$0x14370];
	_ =	sdelay $0x4  }
.Ltmp8:
0x352: {  	v3 =	vshrl.u32 v3, $0xE;
	(pc) =	sbr.rel @p0 .LBB2_19-.Ltmp8, $4  }
0x353: {  	[tilespmem:$0x1F820] =	vst v3  }
0x354: {  	[spmem:s5] =	stream.indirect.scatter.add.f32 [tilespmem:s1], [sflag:$0x3], $0x40, s3, s31, $0xb8;
	[tilespmem:$0x1F830] =	vst v63  }
0x355: {  	_ =	swait.ge [sflag:s0], $0x2000  }
0x356: {  	[sflag:s0] =	ssyncset.done $0x0  }
0x357: {  	s19 =	sshra.s32 s15, $0x2;
	[sflag:s0] =	ssyncadd.s32 $0xFFFFE000  }
0x358: {  	v3 =	vld [tilespmem:s19+$0x14300];
	_ =	sdelay $0x4  }
0x359: {  	v3 =	vand.u32 $0x3FFF, v3  }
0x35a: {  	[tilespmem:$0x1F730] =	vst v3  }
0x35b: {  	v3 =	vld [tilespmem:s19+$0x14310];
	_ =	sdelay $0x4  }
0x35c: {  	v3 =	vand.u32 $0x3FFF, v3  }
0x35d: {  	[tilespmem:$0x1F740] =	vst v3  }
0x35e: {  	v3 =	vld [tilespmem:s19+$0x14320];
	_ =	sdelay $0x4  }
0x35f: {  	v3 =	vand.u32 $0x3FFF, v3  }
0x360: {  	[tilespmem:$0x1F750] =	vst v3  }
0x361: {  	v3 =	vld [tilespmem:s19+$0x14330];
	_ =	sdelay $0x4  }
0x362: {  	v3 =	vand.u32 $0x3FFF, v3  }
0x363: {  	[tilespmem:$0x1F760] =	vst v3  }
0x364: {  	v3 =	vld [tilespmem:s19+$0x14340];
	_ =	sdelay $0x4  }
0x365: {  	v3 =	vand.u32 $0x3FFF, v3  }
0x366: {  	[tilespmem:$0x1F770] =	vst v3  }
0x367: {  	v3 =	vld [tilespmem:s19+$0x14350];
	_ =	sdelay $0x4  }
0x368: {  	v3 =	vand.u32 $0x3FFF, v3  }
0x369: {  	[tilespmem:$0x1F780] =	vst v3  }
0x36a: {  	v3 =	vld [tilespmem:s19+$0x14360];
	_ =	sdelay $0x4  }
0x36b: {  	v3 =	vand.u32 $0x3FFF, v3  }
0x36c: {  	[tilespmem:$0x1F790] =	vst v3  }
0x36d: {  	v3 =	vld [tilespmem:s19+$0x14370];
	_ =	sdelay $0x4  }
0x36e: {  	v3 =	vand.u32 $0x3FFF, v3  }
0x36f: {  	[tilespmem:$0x1F7A0] =	vst v3  }
0x370: {  	[tilespmem:s1], [sflag:$0x2] =	stream.indirect.gather [spmem:s4], $0x40, s17, s31, $0xb8;
	[tilespmem:$0x1F830] =	vst v63  }
0x371: {  	_ =	swait.ge [sflag:s30], $0x2000  }
0x372: {  	[sflag:s30] =	ssyncset.done $0x0  }
0x373: {  	[sflag:s30] =	ssyncadd.s32 $0xFFFFE000  }
0x374: {  	v3 =	vld [tilespmem:s19+$0x14280];
	_ =	sdelay $0x4  }
0x375: {  	v3 =	vshrl.u32 v3, $0xE  }
0x376: {  	[tilespmem:$0x1F7B0] =	vst v3  }
0x377: {  	v3 =	vld [tilespmem:s19+$0x14290];
	_ =	sdelay $0x4  }
0x378: {  	v3 =	vshrl.u32 v3, $0xE  }
0x379: {  	[tilespmem:$0x1F7C0] =	vst v3  }
0x37a: {  	v3 =	vld [tilespmem:s19+$0x142A0];
	_ =	sdelay $0x4  }
0x37b: {  	v3 =	vshrl.u32 v3, $0xE  }
0x37c: {  	[tilespmem:$0x1F7D0] =	vst v3  }
0x37d: {  	v3 =	vld [tilespmem:s19+$0x142B0];
	_ =	sdelay $0x4  }
0x37e: {  	v3 =	vshrl.u32 v3, $0xE  }
0x37f: {  	[tilespmem:$0x1F7E0] =	vst v3  }
0x380: {  	v3 =	vld [tilespmem:s19+$0x142C0];
	_ =	sdelay $0x4  }
0x381: {  	v3 =	vshrl.u32 v3, $0xE  }
0x382: {  	[tilespmem:$0x1F7F0] =	vst v3  }
0x383: {  	v3 =	vld [tilespmem:s19+$0x142D0];
	_ =	sdelay $0x4  }
0x384: {  	v3 =	vshrl.u32 v3, $0xE  }
0x385: {  	[tilespmem:$0x1F800] =	vst v3  }
0x386: {  	v3 =	vld [tilespmem:s19+$0x142E0];
	_ =	sdelay $0x4  }
0x387: {  	v3 =	vshrl.u32 v3, $0xE  }
0x388: {  	[tilespmem:$0x1F810] =	vst v3  }
0x389: {  	v3 =	vld [tilespmem:s19+$0x142F0];
	_ =	sdelay $0x4  }
0x38a: {  	v3 =	vshrl.u32 v3, $0xE  }
0x38b: {  	[tilespmem:$0x1F820] =	vst v3  }
0x38c: {  	[spmem:s5] =	stream.indirect.scatter.add.f32 [tilespmem:s11], [sflag:$0x3], $0x40, s3, s31, $0xb8;
	[tilespmem:$0x1F830] =	vst v63  }
0x38d: {  	_ =	swait.ge [sflag:s0], $0x2000  }
0x38e: {  	p0 =	seq.s32 s15, $0x14000;
	[sflag:s0] =	ssyncset.done $0x0  }
0x38f: {  	s10 =	sshra.s32 @!p0 s15, $0x2;
	[sflag:s0] =	ssyncadd.s32 $0xFFFFE000  }
0x390: {  	v3 =	vld @!p0 [tilespmem:s10+$0x14380];
	_ =	sdelay $0x4  }
0x391: {  	v3 =	vand.u32 @!p0 $0x3FFF, v3  }
0x392: {  	[tilespmem:$0x1F6B0] =	vst @!p0 v3  }
0x393: {  	v3 =	vld @!p0 [tilespmem:s10+$0x14390];
	_ =	sdelay $0x4  }
0x394: {  	v3 =	vand.u32 @!p0 $0x3FFF, v3  }
0x395: {  	[tilespmem:$0x1F6C0] =	vst @!p0 v3  }
0x396: {  	v3 =	vld @!p0 [tilespmem:s10+$0x143A0];
	_ =	sdelay $0x4  }
0x397: {  	v3 =	vand.u32 @!p0 $0x3FFF, v3  }
0x398: {  	[tilespmem:$0x1F6D0] =	vst @!p0 v3  }
0x399: {  	v3 =	vld @!p0 [tilespmem:s10+$0x143B0];
	_ =	sdelay $0x4  }
0x39a: {  	v3 =	vand.u32 @!p0 $0x3FFF, v3  }
0x39b: {  	[tilespmem:$0x1F6E0] =	vst @!p0 v3  }
0x39c: {  	v3 =	vld @!p0 [tilespmem:s10+$0x143C0];
	_ =	sdelay $0x4  }
0x39d: {  	v3 =	vand.u32 @!p0 $0x3FFF, v3  }
0x39e: {  	[tilespmem:$0x1F6F0] =	vst @!p0 v3  }
0x39f: {  	v3 =	vld @!p0 [tilespmem:s10+$0x143D0];
	_ =	sdelay $0x4  }
0x3a0: {  	v3 =	vand.u32 @!p0 $0x3FFF, v3  }
0x3a1: {  	[tilespmem:$0x1F700] =	vst @!p0 v3  }
0x3a2: {  	v3 =	vld @!p0 [tilespmem:s10+$0x143E0];
	_ =	sdelay $0x4  }
0x3a3: {  	v3 =	vand.u32 @!p0 $0x3FFF, v3  }
0x3a4: {  	[tilespmem:$0x1F710] =	vst @!p0 v3  }
0x3a5: {  	v3 =	vld @!p0 [tilespmem:s10+$0x143F0];
	_ =	sdelay $0x4  }
0x3a6: {  	v3 =	vand.u32 @!p0 $0x3FFF, v3  }
0x3a7: {  	s15 =	simm.s32 @!p0 $0x1F6B0;
	s21 =	simm.s32 @!p0 $0x19380;
	s10 =	simm.s32 @!p0 $0x80;
	[tilespmem:$0x1F720] =	vst @!p0 v3  }
0x3a8: {  	[tilespmem:s21], [sflag:$0x1] =	stream.indirect.gather @!p0 [spmem:s4], $0x40, s15, s10, $0xb8;
	[tilespmem:$0x1F830] =	vst v63  }
0x3a9: {  	_ =	swait.ge [sflag:s8], $0x2000  }
0x3aa: {  	[sflag:s8] =	ssyncset.done $0x0  }
0x3ab: {  	[sflag:s8] =	ssyncadd.s32 $0xFFFFE000  }
0x3ac: {  	v3 =	vld [tilespmem:s19+$0x14300];
	_ =	sdelay $0x4  }
0x3ad: {  	v3 =	vshrl.u32 v3, $0xE  }
0x3ae: {  	[tilespmem:$0x1F7B0] =	vst v3  }
0x3af: {  	v3 =	vld [tilespmem:s19+$0x14310];
	_ =	sdelay $0x4  }
0x3b0: {  	v3 =	vshrl.u32 v3, $0xE  }
0x3b1: {  	[tilespmem:$0x1F7C0] =	vst v3  }
0x3b2: {  	v3 =	vld [tilespmem:s19+$0x14320];
	_ =	sdelay $0x4  }
0x3b3: {  	v3 =	vshrl.u32 v3, $0xE  }
0x3b4: {  	[tilespmem:$0x1F7D0] =	vst v3  }
0x3b5: {  	v3 =	vld [tilespmem:s19+$0x14330];
	_ =	sdelay $0x4  }
0x3b6: {  	v3 =	vshrl.u32 v3, $0xE  }
0x3b7: {  	[tilespmem:$0x1F7E0] =	vst v3  }
0x3b8: {  	v3 =	vld [tilespmem:s19+$0x14340];
	_ =	sdelay $0x4  }
0x3b9: {  	v3 =	vshrl.u32 v3, $0xE  }
0x3ba: {  	[tilespmem:$0x1F7F0] =	vst v3  }
0x3bb: {  	v3 =	vld [tilespmem:s19+$0x14350];
	_ =	sdelay $0x4  }
0x3bc: {  	v3 =	vshrl.u32 v3, $0xE  }
0x3bd: {  	[tilespmem:$0x1F800] =	vst v3  }
0x3be: {  	v3 =	vld [tilespmem:s19+$0x14360];
	_ =	sdelay $0x4  }
0x3bf: {  	v3 =	vshrl.u32 v3, $0xE  }
0x3c0: {  	[tilespmem:$0x1F810] =	vst v3  }
0x3c1: {  	v3 =	vld [tilespmem:s19+$0x14370];
	_ =	sdelay $0x4  }
0x3c2: {  	v3 =	vshrl.u32 v3, $0xE  }
0x3c3: {  	[tilespmem:$0x1F820] =	vst v3  }
0x3c4: {  	[spmem:s5] =	stream.indirect.scatter.add.f32 [tilespmem:s1], [sflag:$0x3], $0x40, s3, s31, $0xb8;
	[tilespmem:$0x1F830] =	vst v63  }
0x3c5: {  	_ =	swait.ge [sflag:s0], $0x2000  }
0x3c6: {  	[sflag:s0] =	ssyncset.done $0x0  }
0x3c7: {  	[sflag:s0] =	ssyncadd.s32 $0xFFFFE000  }
0x3c8: {  	[bflag:$0x0] =	sbarrier.arrive $0xFFFF  }
0x3c9: {  	[tilespmem:s1], [sflag:$0x3] =	stream.linear.gather [spmem:s20], $0x2000, $0x38;
	[tilespmem:$0x1F830] =	vst v63  }
0x3ca: {  	_ =	swait.ge [sflag:s0], $0x2000  }
0x3cb: {  	[sflag:s0] =	ssyncset.done $0x0  }
0x3cc: {  	s28 =	rddreg [dreg:$0xc];
	[sflag:s0] =	ssyncadd.s32 $0xFFFFE000  }
0x3cd: {  	[tilespmem:s11], [sflag:$0x3] =	stream.strided.gather [hbm4b:s28+s9], $0x2000, s31, s9, $0x38;
	[tilespmem:$0x1F830] =	vst v63  }
0x3ce: {  	_ =	swait.ge [sflag:s0], $0x2000  }
0x3cf: {  	[sflag:s0] =	ssyncset.done $0x0  }
0x3d0: {  	s15 =	simm.s32 $0x0;
	[sflag:s0] =	ssyncadd.s32 $0xFFFFE000  }
0x3d1: {  	v5 =	vld [tilespmem:s15+$0x1B3A0]  }
0x3d2: {  	v6 =	vld [tilespmem:s15+$0x1B3B0]  }
0x3d3: {  	s19 =	simm.s32 $0x1F380;
	v4 =	vld [tilespmem:s15+$0x193A0]  }
0x3d4: {  	v3 =	vld.msk [tilespmem:s19+$0x0 ss:$0x0], $0xffff  }
0x3d5: {  	v7 =	vld [tilespmem:s15+$0x1B390]  }
0x3d6: {  	v2 =	vbroadcast v2, $0x0;
	s21 =	simm.s32 $0x100;
	v8 =	vld [tilespmem:s15+$0x1B380]  }
.LBB2_21:
0x3d7: {  	_ = 	snop  }
0x3d8: {  	p0 =	sne.s32 s21, $0x7F00  }
0x3d9: {  	s19 =	sadd.s32 $0x1, s19;
	s10 =	smov.u32 s21;
	s21 =	sadd.s32 $0x100, s21  }
0x3da: {  	v9 =	vld [tilespmem:s15+$0x19390];
	v5 =	vmul.f32 v5, v3;
	v6 =	vmul.f32 v6, v3  }
0x3db: {  	v7 =	vmul.f32 v7, v3;
	v10 =	vld [tilespmem:s15+$0x193B0];
	v8 =	vmul.f32 v8, v3  }
0x3dc: {  	v12 =	vmul.f32 v5, v2;
	v5 =	vmul.f32 v5, v3;
	v11 =	vld [tilespmem:s15+$0x19380]  }
0x3dd: {  	v14 =	vmul.f32 v6, v3;
	v13 =	vmul.f32 v8, v3  }
0x3de: {  	v6 =	vmul.f32 v6, v2;
	v15 =	vmul.f32 v7, v2;
	v4 =	vadd.f32 v12, v4;
	[tilespmem:s15+$0x1B3A0] =	vst v5  }
0x3df: {  	s10 =	sshra.s32 s10, $0x2;
	v8 =	vmul.f32 v8, v2;
	v3 =	vmul.f32 v7, v3;
	[tilespmem:s15+$0x1B3B0] =	vst v14  }
0x3e0: {  	v7 =	vadd.f32 v15, v9;
	v9 =	vadd.f32 v6, v10;
	v5 =	vld [tilespmem:s10+$0x1B3A0];
	[tilespmem:s15+$0x193A0] =	vst v4  }
0x3e1: {  	v6 =	vld [tilespmem:s10+$0x1B3B0];
	v8 =	vadd.f32 v8, v11;
	[tilespmem:s15+$0x1B390] =	vst v3  }
0x3e2: {  	v4 =	vld [tilespmem:s10+$0x193A0];
	[tilespmem:s15+$0x19390] =	vst v7  }
0x3e3: {  	[tilespmem:s15+$0x19380] =	vst v8  }
.Ltmp9:
0x3e4: {  	[tilespmem:s15+$0x193B0] =	vst v9;
	(pc) =	sbr.rel @p0 .LBB2_21-.Ltmp9, $4  }
0x3e5: {  	[tilespmem:s15+$0x1B380] =	vst v13;
	s15 =	smov.u32 s10  }
0x3e6: {  	v3 =	vld.msk [tilespmem:s19+$0x0 ss:$0x0], $0xffff  }
0x3e7: {  	v7 =	vld [tilespmem:s15+$0x1B390]  }
0x3e8: {  	v8 =	vld [tilespmem:s15+$0x1B380]  }
0x3e9: {  	_ =	sdelay $0x1  }
0x3ea: {  	v5 =	vmul.f32 v5, v3  }
0x3eb: {  	v6 =	vmul.f32 v6, v3;
	v7 =	vmul.f32 v7, v3  }
0x3ec: {  	v9 =	vld [tilespmem:s15+$0x19390];
	v11 =	vmul.f32 v5, v2;
	v5 =	vmul.f32 v5, v3  }
0x3ed: {  	v10 =	vld [tilespmem:s15+$0x19380];
	v8 =	vmul.f32 v8, v3;
	v13 =	vmul.f32 v6, v3  }
0x3ee: {  	v12 =	vld [tilespmem:s15+$0x193B0];
	v14 =	vmul.f32 v7, v2;
	v7 =	vmul.f32 v7, v3;
	[tilespmem:s15+$0x1B3A0] =	vst v5  }
0x3ef: {  	v4 =	vadd.f32 v11, v4;
	[tilespmem:s15+$0x1B3B0] =	vst v13  }
0x3f0: {  	v5 =	vmul.f32 v8, v2;
	v3 =	vmul.f32 v8, v3;
	[tilespmem:s15+$0x1B390] =	vst v7  }
0x3f1: {  	v6 =	vmul.f32 v6, v2;
	v9 =	vadd.f32 v14, v9;
	[tilespmem:s15+$0x193A0] =	vst v4  }
0x3f2: {  	v4 =	vadd.f32 v5, v10;
	[tilespmem:s15+$0x1B380] =	vst v3  }
0x3f3: {  	v5 =	vadd.f32 v6, v12;
	[tilespmem:s15+$0x19390] =	vst v9  }
0x3f4: {  	[tilespmem:s15+$0x19380] =	vst v4  }
0x3f5: {  	s10 =	rddreg [dreg:$0x11];
	[tilespmem:s15+$0x193B0] =	vst v5  }
0x3f6: {  	[spmem:s10] =	stream.linear.scatter [tilespmem:s1], [sflag:$0x3], $0x2000, $0x38;
	[tilespmem:$0x1F830] =	vst v63  }
0x3f7: {  	_ =	swait.ge [sflag:s0], $0x2000  }
0x3f8: {  	[sflag:s0] =	ssyncset.done $0x0  }
0x3f9: {  	s21 =	rddreg [dreg:$0xc];
	[sflag:s0] =	ssyncadd.s32 $0xFFFFE000  }
0x3fa: {  	[hbm4b:s21+s9] =	stream.strided.scatter [tilespmem:s11], [sflag:$0x3], $0x2000, s31, s9, $0x38;
	[tilespmem:$0x1F830] =	vst v63  }
0x3fb: {  	_ =	swait.ge [sflag:s0], $0x2000  }
0x3fc: {  	[sflag:s0] =	ssyncset.done $0x0  }
0x3fd: {  	[sflag:s0] =	ssyncadd.s32 $0xFFFFE000  }
0x3fe: {  	[spmem:s20] =	stream.linear.scatter [tilespmem:s13], [sflag:$0x3], $0x2000, $0x38;
	[tilespmem:$0x1F830] =	vst v63  }
0x3ff: {  	_ =	swait.ge [sflag:s0], $0x2000  }
0x400: {  	[sflag:s0] =	ssyncset.done $0x0  }
0x401: {  	[sflag:s0] =	ssyncadd.s32 $0xFFFFE000  }
0x402: {  	[tilespmem:s1], [sflag:$0x3] =	stream.linear.gather [spmem:s22], $0x2000, $0x38;
	[tilespmem:$0x1F830] =	vst v63  }
0x403: {  	_ =	swait.ge [sflag:s0], $0x2000  }
0x404: {  	[sflag:s0] =	ssyncset.done $0x0  }
0x405: {  	[sflag:s0] =	ssyncadd.s32 $0xFFFFE000  }
0x406: {  	[tilespmem:s11], [sflag:$0x3] =	stream.strided.gather [hbm4b:s12+s9], $0x2000, s31, s9, $0x38;
	[tilespmem:$0x1F830] =	vst v63  }
0x407: {  	s23 =	simm.s32 $0x0;
	_ =	swait.ge [sflag:s0], $0x2000  }
0x408: {  	s10 =	sand.u32 $0x7F, s23;
	[sflag:s0] =	ssyncset.done $0x0  }
0x409: {  	s10 =	sor.u32 $0x1F400, s10;
	[sflag:s0] =	ssyncadd.s32 $0xFFFFE000  }
0x40a: {  	s21 =	simm.s32 $0x1B3A0;
	v3 =	vld.msk [tilespmem:s10+$0x0 ss:$0x0], $0xffff  }
0x40b: {  	v4 =	vld [tilespmem:s21+$0xFFFFFFE0];
	_ =	sdelay $0x2  }
0x40c: {  	s15 =	simm.s32 $0x193A0  }
0x40d: {  	v5 =	vld [tilespmem:s15+$0xFFFFFFE0]  }
0x40e: {  	v4 =	vmul.f32 v4, v3;
	_ =	sdelay $0x1  }
0x40f: {  	v60 =	vmul.f32 v4, v2;
	_ =	sdelay $0x1  }
0x410: {  	v5 =	vadd.f32 v60, v5;
	_ =	sdelay $0x1  }
0x411: {  	[tilespmem:s15+$0xFFFFFFE0] =	vst v5  }
0x412: {  	v5 =	vld [tilespmem:s21+$0xFFFFFFF0]  }
0x413: {  	v4 =	vmul.f32 v4, v3;
	_ =	sdelay $0x1  }
0x414: {  	[tilespmem:s21+$0xFFFFFFE0] =	vst v4  }
0x415: {  	v4 =	vld [tilespmem:s15+$0xFFFFFFF0]  }
0x416: {  	v5 =	vmul.f32 v5, v3;
	_ =	sdelay $0x1  }
0x417: {  	v61 =	vmul.f32 v5, v2;
	_ =	sdelay $0x1  }
0x418: {  	v4 =	vadd.f32 v61, v4;
	_ =	sdelay $0x1  }
0x419: {  	[tilespmem:s15+$0xFFFFFFF0] =	vst v4  }
0x41a: {  	v4 =	vld [tilespmem:s21+$0x0]  }
0x41b: {  	v5 =	vmul.f32 v5, v3;
	_ =	sdelay $0x1  }
0x41c: {  	[tilespmem:s21+$0xFFFFFFF0] =	vst v5  }
0x41d: {  	v5 =	vld [tilespmem:s15+$0x0]  }
0x41e: {  	v4 =	vmul.f32 v4, v3;
	_ =	sdelay $0x1  }
0x41f: {  	v62 =	vmul.f32 v4, v2;
	_ =	sdelay $0x1  }
0x420: {  	v5 =	vadd.f32 v62, v5  }
0x421: {  	v4 =	vmul.f32 v4, v3  }
0x422: {  	[tilespmem:s15+$0x0] =	vst v5  }
0x423: {  	[tilespmem:s21+$0x0] =	vst v4;
	v4 =	vld [tilespmem:s21+$0x10];
	_ =	sdelay $0x3  }
0x424: {  	v5 =	vld [tilespmem:s15+$0x10]  }
0x425: {  	v4 =	vmul.f32 v4, v3;
	_ =	sdelay $0x1  }
0x426: {  	v63 =	vmul.f32 v4, v2;
	_ =	sdelay $0x1  }
0x427: {  	v5 =	vadd.f32 v63, v5  }
0x428: {  	s25 =	simm.s32 $0x1  }
0x429: {  	s28 =	simm.s32 $0x2;
	s19 =	simm.s32 $0x1B3E0;
	s25 =	sand.u32 $0x7F, s25;
	v3 =	vmul.f32 v4, v3;
	[tilespmem:s15+$0x10] =	vst v5  }
.LBB2_23:
0x42a: {  	s10 =	sor.u32 $0x1F400, s25;
	s15 =	sadd.s32 $0x40, s15  }
0x42b: {  	[tilespmem:s21+$0x10] =	vst v3;
	s25 =	smov.u32 s28;
	s23 =	sadd.s32 $0x1, s28;
	s21 =	smov.u32 s19  }
0x42c: {  	p0 =	sne.s32 s28, $0x7F;
	v3 =	vld.msk [tilespmem:s10+$0x0 ss:$0x0], $0xffff  }
0x42d: {  	v4 =	vld [tilespmem:s19+$0xFFFFFFE0];
	_ =	sdelay $0x3  }
0x42e: {  	v5 =	vld [tilespmem:s15+$0xFFFFFFE0]  }
0x42f: {  	v4 =	vmul.f32 v4, v3;
	_ =	sdelay $0x1  }
0x430: {  	v6 =	vmul.f32 v4, v2;
	v4 =	vmul.f32 v4, v3;
	_ =	sdelay $0x1  }
0x431: {  	v5 =	vadd.f32 v6, v5;
	_ =	sdelay $0x1  }
0x432: {  	[tilespmem:s15+$0xFFFFFFE0] =	vst v5  }
0x433: {  	v5 =	vld [tilespmem:s19+$0xFFFFFFF0];
	_ =	sdelay $0x2  }
0x434: {  	[tilespmem:s19+$0xFFFFFFE0] =	vst v4  }
0x435: {  	v4 =	vld [tilespmem:s15+$0xFFFFFFF0]  }
0x436: {  	v5 =	vmul.f32 v5, v3;
	_ =	sdelay $0x1  }
0x437: {  	v6 =	vmul.f32 v5, v2;
	v5 =	vmul.f32 v5, v3;
	_ =	sdelay $0x1  }
0x438: {  	v4 =	vadd.f32 v6, v4;
	_ =	sdelay $0x1  }
0x439: {  	[tilespmem:s15+$0xFFFFFFF0] =	vst v4  }
0x43a: {  	[tilespmem:s19+$0xFFFFFFF0] =	vst v5;
	v4 =	vld [tilespmem:s19+$0x0];
	_ =	sdelay $0x3  }
0x43b: {  	v5 =	vld [tilespmem:s15+$0x0]  }
0x43c: {  	v4 =	vmul.f32 v4, v3;
	_ =	sdelay $0x1  }
0x43d: {  	v6 =	vmul.f32 v4, v2;
	v4 =	vmul.f32 v4, v3;
	_ =	sdelay $0x1  }
0x43e: {  	v5 =	vadd.f32 v6, v5;
	_ =	sdelay $0x1  }
0x43f: {  	[tilespmem:s15+$0x0] =	vst v5  }
0x440: {  	[tilespmem:s19+$0x0] =	vst v4;
	v4 =	vld [tilespmem:s19+$0x10];
	_ =	sdelay $0x3  }
0x441: {  	v5 =	vld [tilespmem:s15+$0x10]  }
0x442: {  	v4 =	vmul.f32 v4, v3;
	_ =	sdelay $0x1  }
.Ltmp10:
0x443: {  	v6 =	vmul.f32 v4, v2;
	v3 =	vmul.f32 v4, v3;
	(pc) =	sbr.rel @p0 .LBB2_23-.Ltmp10, $3  }
0x444: {  	_ = 	snop  }
0x445: {  	v4 =	vadd.f32 v6, v5;
	_ =	sdelay $0x1  }
0x446: {  	s25 =	sand.u32 $0x7F, s25;
	s28 =	smov.u32 s23;
	s19 =	sadd.s32 $0x40, s19;
	[tilespmem:s15+$0x10] =	vst v4  }
0x447: {  	s10 =	sor.u32 $0x1F400, s25;
	[tilespmem:s21+$0x10] =	vst v3  }
0x448: {  	v3 =	vld.msk [tilespmem:s10+$0x0 ss:$0x0], $0xffff  }
0x449: {  	v4 =	vld [tilespmem:s19+$0xFFFFFFE0];
	_ =	sdelay $0x2  }
0x44a: {  	s15 =	sadd.s32 $0x40, s15  }
0x44b: {  	v5 =	vld [tilespmem:s15+$0xFFFFFFE0]  }
0x44c: {  	v4 =	vmul.f32 v4, v3;
	_ =	sdelay $0x1  }
0x44d: {  	v6 =	vmul.f32 v4, v2;
	_ =	sdelay $0x1  }
0x44e: {  	v5 =	vadd.f32 v6, v5;
	_ =	sdelay $0x1  }
0x44f: {  	[tilespmem:s15+$0xFFFFFFE0] =	vst v5  }
0x450: {  	v5 =	vld [tilespmem:s19+$0xFFFFFFF0]  }
0x451: {  	v4 =	vmul.f32 v4, v3;
	_ =	sdelay $0x1  }
0x452: {  	[tilespmem:s19+$0xFFFFFFE0] =	vst v4  }
0x453: {  	v4 =	vld [tilespmem:s15+$0xFFFFFFF0]  }
0x454: {  	v5 =	vmul.f32 v5, v3;
	_ =	sdelay $0x1  }
0x455: {  	v57 =	vmul.f32 v5, v2;
	_ =	sdelay $0x1  }
0x456: {  	v4 =	vadd.f32 v57, v4;
	_ =	sdelay $0x1  }
0x457: {  	[tilespmem:s15+$0xFFFFFFF0] =	vst v4  }
0x458: {  	v4 =	vld [tilespmem:s19+$0x0]  }
0x459: {  	v5 =	vmul.f32 v5, v3;
	_ =	sdelay $0x1  }
0x45a: {  	[tilespmem:s19+$0xFFFFFFF0] =	vst v5  }
0x45b: {  	v5 =	vld [tilespmem:s15+$0x0]  }
0x45c: {  	v4 =	vmul.f32 v4, v3;
	_ =	sdelay $0x1  }
0x45d: {  	v58 =	vmul.f32 v4, v2;
	_ =	sdelay $0x1  }
0x45e: {  	v5 =	vadd.f32 v58, v5  }
0x45f: {  	v4 =	vmul.f32 v4, v3  }
0x460: {  	[tilespmem:s15+$0x0] =	vst v5  }
0x461: {  	[tilespmem:s19+$0x0] =	vst v4;
	v4 =	vld [tilespmem:s19+$0x10];
	_ =	sdelay $0x3  }
0x462: {  	v5 =	vld [tilespmem:s15+$0x10]  }
0x463: {  	v4 =	vmul.f32 v4, v3;
	_ =	sdelay $0x1  }
0x464: {  	v59 =	vmul.f32 v4, v2;
	_ =	sdelay $0x1  }
0x465: {  	v5 =	vadd.f32 v59, v5  }
0x466: {  	v3 =	vmul.f32 v4, v3  }
0x467: {  	[tilespmem:s15+$0x10] =	vst v5  }
0x468: {  	s21 =	rddreg [dreg:$0x12];
	[tilespmem:s19+$0x10] =	vst v3  }
0x469: {  	[spmem:s21] =	stream.linear.scatter [tilespmem:s1], [sflag:$0x3], $0x2000, $0x38;
	[tilespmem:$0x1F830] =	vst v63  }
0x46a: {  	_ =	swait.ge [sflag:s0], $0x2000  }
0x46b: {  	[sflag:s0] =	ssyncset.done $0x0  }
0x46c: {  	[sflag:s0] =	ssyncadd.s32 $0xFFFFE000  }
0x46d: {  	[hbm4b:s12+s9] =	stream.strided.scatter [tilespmem:s11], [sflag:$0x3], $0x2000, s31, s9, $0x38;
	[tilespmem:$0x1F830] =	vst v63  }
0x46e: {  	_ =	swait.ge [sflag:s0], $0x2000  }
0x46f: {  	[sflag:s0] =	ssyncset.done $0x0  }
0x470: {  	[sflag:s0] =	ssyncadd.s32 $0xFFFFE000  }
0x471: {  	[spmem:s22] =	stream.linear.scatter [tilespmem:s13], [sflag:$0x3], $0x2000, $0x38;
	[tilespmem:$0x1F830] =	vst v63  }
0x472: {  	_ =	swait.ge [sflag:s0], $0x2000  }
0x473: {  	[sflag:s0] =	ssyncset.done $0x0  }
0x474: {  	[sflag:s0] =	ssyncadd.s32 $0xFFFFE000  }
0x475: {  	[tilespmem:s1], [sflag:$0x3] =	stream.linear.gather [spmem:s24], $0x2000, $0x38;
	[tilespmem:$0x1F830] =	vst v63  }
0x476: {  	_ =	swait.ge [sflag:s0], $0x2000  }
0x477: {  	[sflag:s0] =	ssyncset.done $0x0  }
0x478: {  	[sflag:s0] =	ssyncadd.s32 $0xFFFFE000  }
0x479: {  	[tilespmem:s11], [sflag:$0x3] =	stream.strided.gather [hbm4b:s14+s9], $0x2000, s31, s9, $0x38;
	[tilespmem:$0x1F830] =	vst v63  }
0x47a: {  	s23 =	simm.s32 $0x0;
	_ =	swait.ge [sflag:s0], $0x2000  }
0x47b: {  	s10 =	sand.u32 $0x7F, s23;
	[sflag:s0] =	ssyncset.done $0x0  }
0x47c: {  	s10 =	sor.u32 $0x1F480, s10;
	[sflag:s0] =	ssyncadd.s32 $0xFFFFE000  }
0x47d: {  	s21 =	simm.s32 $0x1B3A0;
	v3 =	vld.msk [tilespmem:s10+$0x0 ss:$0x0], $0xffff  }
0x47e: {  	v4 =	vld [tilespmem:s21+$0xFFFFFFE0];
	_ =	sdelay $0x2  }
0x47f: {  	s15 =	simm.s32 $0x193A0  }
0x480: {  	v5 =	vld [tilespmem:s15+$0xFFFFFFE0]  }
0x481: {  	v4 =	vmul.f32 v4, v3;
	_ =	sdelay $0x1  }
0x482: {  	v60 =	vmul.f32 v4, v2;
	_ =	sdelay $0x1  }
0x483: {  	v5 =	vadd.f32 v60, v5;
	_ =	sdelay $0x1  }
0x484: {  	[tilespmem:s15+$0xFFFFFFE0] =	vst v5  }
0x485: {  	v5 =	vld [tilespmem:s21+$0xFFFFFFF0]  }
0x486: {  	v4 =	vmul.f32 v4, v3;
	_ =	sdelay $0x1  }
0x487: {  	[tilespmem:s21+$0xFFFFFFE0] =	vst v4  }
0x488: {  	v4 =	vld [tilespmem:s15+$0xFFFFFFF0]  }
0x489: {  	v5 =	vmul.f32 v5, v3;
	_ =	sdelay $0x1  }
0x48a: {  	v61 =	vmul.f32 v5, v2;
	_ =	sdelay $0x1  }
0x48b: {  	v4 =	vadd.f32 v61, v4;
	_ =	sdelay $0x1  }
0x48c: {  	[tilespmem:s15+$0xFFFFFFF0] =	vst v4  }
0x48d: {  	v4 =	vld [tilespmem:s21+$0x0]  }
0x48e: {  	v5 =	vmul.f32 v5, v3;
	_ =	sdelay $0x1  }
0x48f: {  	[tilespmem:s21+$0xFFFFFFF0] =	vst v5  }
0x490: {  	v5 =	vld [tilespmem:s15+$0x0]  }
0x491: {  	v4 =	vmul.f32 v4, v3;
	_ =	sdelay $0x1  }
0x492: {  	v62 =	vmul.f32 v4, v2;
	_ =	sdelay $0x1  }
0x493: {  	v5 =	vadd.f32 v62, v5  }
0x494: {  	v4 =	vmul.f32 v4, v3  }
0x495: {  	[tilespmem:s15+$0x0] =	vst v5  }
0x496: {  	[tilespmem:s21+$0x0] =	vst v4;
	v4 =	vld [tilespmem:s21+$0x10];
	_ =	sdelay $0x3  }
0x497: {  	v5 =	vld [tilespmem:s15+$0x10]  }
0x498: {  	v4 =	vmul.f32 v4, v3;
	_ =	sdelay $0x1  }
0x499: {  	v63 =	vmul.f32 v4, v2;
	_ =	sdelay $0x1  }
0x49a: {  	v5 =	vadd.f32 v63, v5  }
0x49b: {  	s25 =	simm.s32 $0x1  }
0x49c: {  	s28 =	simm.s32 $0x2;
	s25 =	sand.u32 $0x7F, s25;
	s19 =	simm.s32 $0x1B3E0;
	v3 =	vmul.f32 v4, v3;
	[tilespmem:s15+$0x10] =	vst v5  }
.LBB2_25:
0x49d: {  	s10 =	sor.u32 $0x1F480, s25;
	s15 =	sadd.s32 $0x40, s15  }
0x49e: {  	[tilespmem:s21+$0x10] =	vst v3;
	s25 =	smov.u32 s28;
	s23 =	sadd.s32 $0x1, s28;
	s21 =	smov.u32 s19  }
0x49f: {  	p0 =	sne.s32 s28, $0x7F;
	v3 =	vld.msk [tilespmem:s10+$0x0 ss:$0x0], $0xffff  }
0x4a0: {  	v4 =	vld [tilespmem:s19+$0xFFFFFFE0];
	_ =	sdelay $0x3  }
0x4a1: {  	v5 =	vld [tilespmem:s15+$0xFFFFFFE0]  }
0x4a2: {  	v4 =	vmul.f32 v4, v3;
	_ =	sdelay $0x1  }
0x4a3: {  	v6 =	vmul.f32 v4, v2;
	v4 =	vmul.f32 v4, v3;
	_ =	sdelay $0x1  }
0x4a4: {  	v5 =	vadd.f32 v6, v5;
	_ =	sdelay $0x1  }
0x4a5: {  	[tilespmem:s15+$0xFFFFFFE0] =	vst v5  }
0x4a6: {  	v5 =	vld [tilespmem:s19+$0xFFFFFFF0];
	_ =	sdelay $0x2  }
0x4a7: {  	[tilespmem:s19+$0xFFFFFFE0] =	vst v4  }
0x4a8: {  	v4 =	vld [tilespmem:s15+$0xFFFFFFF0]  }
0x4a9: {  	v5 =	vmul.f32 v5, v3;
	_ =	sdelay $0x1  }
0x4aa: {  	v6 =	vmul.f32 v5, v2;
	v5 =	vmul.f32 v5, v3;
	_ =	sdelay $0x1  }
0x4ab: {  	v4 =	vadd.f32 v6, v4;
	_ =	sdelay $0x1  }
0x4ac: {  	[tilespmem:s15+$0xFFFFFFF0] =	vst v4  }
0x4ad: {  	[tilespmem:s19+$0xFFFFFFF0] =	vst v5;
	v4 =	vld [tilespmem:s19+$0x0];
	_ =	sdelay $0x3  }
0x4ae: {  	v5 =	vld [tilespmem:s15+$0x0]  }
0x4af: {  	v4 =	vmul.f32 v4, v3;
	_ =	sdelay $0x1  }
0x4b0: {  	v6 =	vmul.f32 v4, v2;
	v4 =	vmul.f32 v4, v3;
	_ =	sdelay $0x1  }
0x4b1: {  	v5 =	vadd.f32 v6, v5;
	_ =	sdelay $0x1  }
0x4b2: {  	[tilespmem:s15+$0x0] =	vst v5  }
0x4b3: {  	[tilespmem:s19+$0x0] =	vst v4;
	v4 =	vld [tilespmem:s19+$0x10];
	_ =	sdelay $0x3  }
0x4b4: {  	v5 =	vld [tilespmem:s15+$0x10]  }
0x4b5: {  	v4 =	vmul.f32 v4, v3;
	_ =	sdelay $0x1  }
.Ltmp11:
0x4b6: {  	v6 =	vmul.f32 v4, v2;
	v3 =	vmul.f32 v4, v3;
	(pc) =	sbr.rel @p0 .LBB2_25-.Ltmp11, $3  }
0x4b7: {  	_ = 	snop  }
0x4b8: {  	v4 =	vadd.f32 v6, v5;
	_ =	sdelay $0x1  }
0x4b9: {  	s25 =	sand.u32 $0x7F, s25;
	s28 =	smov.u32 s23;
	s19 =	sadd.s32 $0x40, s19;
	[tilespmem:s15+$0x10] =	vst v4  }
0x4ba: {  	s10 =	sor.u32 $0x1F480, s25;
	[tilespmem:s21+$0x10] =	vst v3  }
0x4bb: {  	v3 =	vld.msk [tilespmem:s10+$0x0 ss:$0x0], $0xffff  }
0x4bc: {  	v4 =	vld [tilespmem:s19+$0xFFFFFFE0];
	_ =	sdelay $0x2  }
0x4bd: {  	s15 =	sadd.s32 $0x40, s15  }
0x4be: {  	v5 =	vld [tilespmem:s15+$0xFFFFFFE0]  }
0x4bf: {  	v4 =	vmul.f32 v4, v3;
	_ =	sdelay $0x1  }
0x4c0: {  	v6 =	vmul.f32 v4, v2;
	_ =	sdelay $0x1  }
0x4c1: {  	v5 =	vadd.f32 v6, v5;
	_ =	sdelay $0x1  }
0x4c2: {  	[tilespmem:s15+$0xFFFFFFE0] =	vst v5  }
0x4c3: {  	v5 =	vld [tilespmem:s19+$0xFFFFFFF0]  }
0x4c4: {  	v4 =	vmul.f32 v4, v3;
	_ =	sdelay $0x1  }
0x4c5: {  	[tilespmem:s19+$0xFFFFFFE0] =	vst v4  }
0x4c6: {  	v4 =	vld [tilespmem:s15+$0xFFFFFFF0]  }
0x4c7: {  	v5 =	vmul.f32 v5, v3;
	_ =	sdelay $0x1  }
0x4c8: {  	v57 =	vmul.f32 v5, v2;
	_ =	sdelay $0x1  }
0x4c9: {  	v4 =	vadd.f32 v57, v4;
	_ =	sdelay $0x1  }
0x4ca: {  	[tilespmem:s15+$0xFFFFFFF0] =	vst v4  }
0x4cb: {  	v4 =	vld [tilespmem:s19+$0x0]  }
0x4cc: {  	v5 =	vmul.f32 v5, v3;
	_ =	sdelay $0x1  }
0x4cd: {  	[tilespmem:s19+$0xFFFFFFF0] =	vst v5  }
0x4ce: {  	v5 =	vld [tilespmem:s15+$0x0]  }
0x4cf: {  	v4 =	vmul.f32 v4, v3;
	_ =	sdelay $0x1  }
0x4d0: {  	v58 =	vmul.f32 v4, v2;
	_ =	sdelay $0x1  }
0x4d1: {  	v5 =	vadd.f32 v58, v5  }
0x4d2: {  	v4 =	vmul.f32 v4, v3  }
0x4d3: {  	[tilespmem:s15+$0x0] =	vst v5  }
0x4d4: {  	[tilespmem:s19+$0x0] =	vst v4;
	v4 =	vld [tilespmem:s19+$0x10];
	_ =	sdelay $0x3  }
0x4d5: {  	v5 =	vld [tilespmem:s15+$0x10]  }
0x4d6: {  	v4 =	vmul.f32 v4, v3;
	_ =	sdelay $0x1  }
0x4d7: {  	v59 =	vmul.f32 v4, v2;
	_ =	sdelay $0x1  }
0x4d8: {  	v5 =	vadd.f32 v59, v5  }
0x4d9: {  	v3 =	vmul.f32 v4, v3  }
0x4da: {  	[tilespmem:s15+$0x10] =	vst v5  }
0x4db: {  	s21 =	rddreg [dreg:$0x13];
	[tilespmem:s19+$0x10] =	vst v3  }
0x4dc: {  	[spmem:s21] =	stream.linear.scatter [tilespmem:s1], [sflag:$0x3], $0x2000, $0x38;
	[tilespmem:$0x1F830] =	vst v63  }
0x4dd: {  	_ =	swait.ge [sflag:s0], $0x2000  }
0x4de: {  	[sflag:s0] =	ssyncset.done $0x0  }
0x4df: {  	[sflag:s0] =	ssyncadd.s32 $0xFFFFE000  }
0x4e0: {  	[hbm4b:s14+s9] =	stream.strided.scatter [tilespmem:s11], [sflag:$0x3], $0x2000, s31, s9, $0x38;
	[tilespmem:$0x1F830] =	vst v63  }
0x4e1: {  	_ =	swait.ge [sflag:s0], $0x2000  }
0x4e2: {  	[sflag:s0] =	ssyncset.done $0x0  }
0x4e3: {  	[sflag:s0] =	ssyncadd.s32 $0xFFFFE000  }
0x4e4: {  	[spmem:s24] =	stream.linear.scatter [tilespmem:s13], [sflag:$0x3], $0x2000, $0x38;
	[tilespmem:$0x1F830] =	vst v63  }
0x4e5: {  	_ =	swait.ge [sflag:s0], $0x2000  }
0x4e6: {  	[sflag:s0] =	ssyncset.done $0x0  }
0x4e7: {  	[sflag:s0] =	ssyncadd.s32 $0xFFFFE000  }
0x4e8: {  	[tilespmem:s1], [sflag:$0x3] =	stream.linear.gather [spmem:s26], $0x2000, $0x38;
	[tilespmem:$0x1F830] =	vst v63  }
0x4e9: {  	_ =	swait.ge [sflag:s0], $0x2000  }
0x4ea: {  	[sflag:s0] =	ssyncset.done $0x0  }
0x4eb: {  	[sflag:s0] =	ssyncadd.s32 $0xFFFFE000  }
0x4ec: {  	[tilespmem:s11], [sflag:$0x3] =	stream.strided.gather [hbm4b:s16+s9], $0x2000, s31, s9, $0x38;
	[tilespmem:$0x1F830] =	vst v63  }
0x4ed: {  	s23 =	simm.s32 $0x0;
	_ =	swait.ge [sflag:s0], $0x2000  }
0x4ee: {  	s10 =	sand.u32 $0x7F, s23;
	[sflag:s0] =	ssyncset.done $0x0  }
0x4ef: {  	s10 =	sor.u32 $0x1F500, s10;
	[sflag:s0] =	ssyncadd.s32 $0xFFFFE000  }
0x4f0: {  	s21 =	simm.s32 $0x1B3A0;
	v3 =	vld.msk [tilespmem:s10+$0x0 ss:$0x0], $0xffff  }
0x4f1: {  	v4 =	vld [tilespmem:s21+$0xFFFFFFE0];
	_ =	sdelay $0x2  }
0x4f2: {  	s15 =	simm.s32 $0x193A0  }
0x4f3: {  	v5 =	vld [tilespmem:s15+$0xFFFFFFE0]  }
0x4f4: {  	v4 =	vmul.f32 v4, v3;
	_ =	sdelay $0x1  }
0x4f5: {  	v60 =	vmul.f32 v4, v2;
	_ =	sdelay $0x1  }
0x4f6: {  	v5 =	vadd.f32 v60, v5;
	_ =	sdelay $0x1  }
0x4f7: {  	[tilespmem:s15+$0xFFFFFFE0] =	vst v5  }
0x4f8: {  	v5 =	vld [tilespmem:s21+$0xFFFFFFF0]  }
0x4f9: {  	v4 =	vmul.f32 v4, v3;
	_ =	sdelay $0x1  }
0x4fa: {  	[tilespmem:s21+$0xFFFFFFE0] =	vst v4  }
0x4fb: {  	v4 =	vld [tilespmem:s15+$0xFFFFFFF0]  }
0x4fc: {  	v5 =	vmul.f32 v5, v3;
	_ =	sdelay $0x1  }
0x4fd: {  	v61 =	vmul.f32 v5, v2;
	_ =	sdelay $0x1  }
0x4fe: {  	v4 =	vadd.f32 v61, v4;
	_ =	sdelay $0x1  }
0x4ff: {  	[tilespmem:s15+$0xFFFFFFF0] =	vst v4  }
0x500: {  	v4 =	vld [tilespmem:s21+$0x0]  }
0x501: {  	v5 =	vmul.f32 v5, v3;
	_ =	sdelay $0x1  }
0x502: {  	[tilespmem:s21+$0xFFFFFFF0] =	vst v5  }
0x503: {  	v5 =	vld [tilespmem:s15+$0x0]  }
0x504: {  	v4 =	vmul.f32 v4, v3;
	_ =	sdelay $0x1  }
0x505: {  	v62 =	vmul.f32 v4, v2;
	_ =	sdelay $0x1  }
0x506: {  	v5 =	vadd.f32 v62, v5  }
0x507: {  	v4 =	vmul.f32 v4, v3  }
0x508: {  	[tilespmem:s15+$0x0] =	vst v5  }
0x509: {  	[tilespmem:s21+$0x0] =	vst v4;
	v4 =	vld [tilespmem:s21+$0x10];
	_ =	sdelay $0x3  }
0x50a: {  	v5 =	vld [tilespmem:s15+$0x10]  }
0x50b: {  	v4 =	vmul.f32 v4, v3;
	_ =	sdelay $0x1  }
0x50c: {  	v63 =	vmul.f32 v4, v2;
	_ =	sdelay $0x1  }
0x50d: {  	v5 =	vadd.f32 v63, v5  }
0x50e: {  	s25 =	simm.s32 $0x1  }
0x50f: {  	s28 =	simm.s32 $0x2;
	s25 =	sand.u32 $0x7F, s25;
	s19 =	simm.s32 $0x1B3E0;
	v3 =	vmul.f32 v4, v3;
	[tilespmem:s15+$0x10] =	vst v5  }
.LBB2_27:
0x510: {  	s10 =	sor.u32 $0x1F500, s25;
	s15 =	sadd.s32 $0x40, s15  }
0x511: {  	[tilespmem:s21+$0x10] =	vst v3;
	s25 =	smov.u32 s28;
	s23 =	sadd.s32 $0x1, s28;
	s21 =	smov.u32 s19  }
0x512: {  	p0 =	sne.s32 s28, $0x7F;
	v3 =	vld.msk [tilespmem:s10+$0x0 ss:$0x0], $0xffff  }
0x513: {  	v4 =	vld [tilespmem:s19+$0xFFFFFFE0];
	_ =	sdelay $0x3  }
0x514: {  	v5 =	vld [tilespmem:s15+$0xFFFFFFE0]  }
0x515: {  	v4 =	vmul.f32 v4, v3;
	_ =	sdelay $0x1  }
0x516: {  	v6 =	vmul.f32 v4, v2;
	v4 =	vmul.f32 v4, v3;
	_ =	sdelay $0x1  }
0x517: {  	v5 =	vadd.f32 v6, v5;
	_ =	sdelay $0x1  }
0x518: {  	[tilespmem:s15+$0xFFFFFFE0] =	vst v5  }
0x519: {  	v5 =	vld [tilespmem:s19+$0xFFFFFFF0];
	_ =	sdelay $0x2  }
0x51a: {  	[tilespmem:s19+$0xFFFFFFE0] =	vst v4  }
0x51b: {  	v4 =	vld [tilespmem:s15+$0xFFFFFFF0]  }
0x51c: {  	v5 =	vmul.f32 v5, v3;
	_ =	sdelay $0x1  }
0x51d: {  	v6 =	vmul.f32 v5, v2;
	v5 =	vmul.f32 v5, v3;
	_ =	sdelay $0x1  }
0x51e: {  	v4 =	vadd.f32 v6, v4;
	_ =	sdelay $0x1  }
0x51f: {  	[tilespmem:s15+$0xFFFFFFF0] =	vst v4  }
0x520: {  	[tilespmem:s19+$0xFFFFFFF0] =	vst v5;
	v4 =	vld [tilespmem:s19+$0x0];
	_ =	sdelay $0x3  }
0x521: {  	v5 =	vld [tilespmem:s15+$0x0]  }
0x522: {  	v4 =	vmul.f32 v4, v3;
	_ =	sdelay $0x1  }
0x523: {  	v6 =	vmul.f32 v4, v2;
	v4 =	vmul.f32 v4, v3;
	_ =	sdelay $0x1  }
0x524: {  	v5 =	vadd.f32 v6, v5;
	_ =	sdelay $0x1  }
0x525: {  	[tilespmem:s15+$0x0] =	vst v5  }
0x526: {  	[tilespmem:s19+$0x0] =	vst v4;
	v4 =	vld [tilespmem:s19+$0x10];
	_ =	sdelay $0x3  }
0x527: {  	v5 =	vld [tilespmem:s15+$0x10]  }
0x528: {  	v4 =	vmul.f32 v4, v3;
	_ =	sdelay $0x1  }
.Ltmp12:
0x529: {  	v6 =	vmul.f32 v4, v2;
	v3 =	vmul.f32 v4, v3;
	(pc) =	sbr.rel @p0 .LBB2_27-.Ltmp12, $3  }
0x52a: {  	_ = 	snop  }
0x52b: {  	v4 =	vadd.f32 v6, v5;
	_ =	sdelay $0x1  }
0x52c: {  	s25 =	sand.u32 $0x7F, s25;
	s28 =	smov.u32 s23;
	s19 =	sadd.s32 $0x40, s19;
	[tilespmem:s15+$0x10] =	vst v4  }
0x52d: {  	s10 =	sor.u32 $0x1F500, s25;
	[tilespmem:s21+$0x10] =	vst v3  }
0x52e: {  	v3 =	vld.msk [tilespmem:s10+$0x0 ss:$0x0], $0xffff  }
0x52f: {  	v4 =	vld [tilespmem:s19+$0xFFFFFFE0];
	_ =	sdelay $0x2  }
0x530: {  	s15 =	sadd.s32 $0x40, s15  }
0x531: {  	v5 =	vld [tilespmem:s15+$0xFFFFFFE0]  }
0x532: {  	v4 =	vmul.f32 v4, v3;
	_ =	sdelay $0x1  }
0x533: {  	v6 =	vmul.f32 v4, v2;
	_ =	sdelay $0x1  }
0x534: {  	v5 =	vadd.f32 v6, v5;
	_ =	sdelay $0x1  }
0x535: {  	[tilespmem:s15+$0xFFFFFFE0] =	vst v5  }
0x536: {  	v5 =	vld [tilespmem:s19+$0xFFFFFFF0]  }
0x537: {  	v4 =	vmul.f32 v4, v3;
	_ =	sdelay $0x1  }
0x538: {  	[tilespmem:s19+$0xFFFFFFE0] =	vst v4  }
0x539: {  	v4 =	vld [tilespmem:s15+$0xFFFFFFF0]  }
0x53a: {  	v5 =	vmul.f32 v5, v3;
	_ =	sdelay $0x1  }
0x53b: {  	v57 =	vmul.f32 v5, v2;
	_ =	sdelay $0x1  }
0x53c: {  	v4 =	vadd.f32 v57, v4;
	_ =	sdelay $0x1  }
0x53d: {  	[tilespmem:s15+$0xFFFFFFF0] =	vst v4  }
0x53e: {  	v4 =	vld [tilespmem:s19+$0x0]  }
0x53f: {  	v5 =	vmul.f32 v5, v3;
	_ =	sdelay $0x1  }
0x540: {  	[tilespmem:s19+$0xFFFFFFF0] =	vst v5  }
0x541: {  	v5 =	vld [tilespmem:s15+$0x0]  }
0x542: {  	v4 =	vmul.f32 v4, v3;
	_ =	sdelay $0x1  }
0x543: {  	v58 =	vmul.f32 v4, v2;
	_ =	sdelay $0x1  }
0x544: {  	v5 =	vadd.f32 v58, v5  }
0x545: {  	v4 =	vmul.f32 v4, v3  }
0x546: {  	[tilespmem:s15+$0x0] =	vst v5  }
0x547: {  	[tilespmem:s19+$0x0] =	vst v4;
	v4 =	vld [tilespmem:s19+$0x10];
	_ =	sdelay $0x3  }
0x548: {  	v5 =	vld [tilespmem:s15+$0x10]  }
0x549: {  	v4 =	vmul.f32 v4, v3;
	_ =	sdelay $0x1  }
0x54a: {  	v59 =	vmul.f32 v4, v2;
	_ =	sdelay $0x1  }
0x54b: {  	v5 =	vadd.f32 v59, v5  }
0x54c: {  	v3 =	vmul.f32 v4, v3  }
0x54d: {  	[tilespmem:s15+$0x10] =	vst v5  }
0x54e: {  	s21 =	rddreg [dreg:$0x14];
	[tilespmem:s19+$0x10] =	vst v3  }
0x54f: {  	[spmem:s21] =	stream.linear.scatter [tilespmem:s1], [sflag:$0x3], $0x2000, $0x38;
	[tilespmem:$0x1F830] =	vst v63  }
0x550: {  	_ =	swait.ge [sflag:s0], $0x2000  }
0x551: {  	[sflag:s0] =	ssyncset.done $0x0  }
0x552: {  	[sflag:s0] =	ssyncadd.s32 $0xFFFFE000  }
0x553: {  	[hbm4b:s16+s9] =	stream.strided.scatter [tilespmem:s11], [sflag:$0x3], $0x2000, s31, s9, $0x38;
	[tilespmem:$0x1F830] =	vst v63  }
0x554: {  	_ =	swait.ge [sflag:s0], $0x2000  }
0x555: {  	[sflag:s0] =	ssyncset.done $0x0  }
0x556: {  	[sflag:s0] =	ssyncadd.s32 $0xFFFFE000  }
0x557: {  	[spmem:s26] =	stream.linear.scatter [tilespmem:s13], [sflag:$0x3], $0x2000, $0x38;
	[tilespmem:$0x1F830] =	vst v63  }
0x558: {  	_ =	swait.ge [sflag:s0], $0x2000  }
0x559: {  	[sflag:s0] =	ssyncset.done $0x0  }
0x55a: {  	[sflag:s0] =	ssyncadd.s32 $0xFFFFE000  }
0x55b: {  	[tilespmem:s1], [sflag:$0x3] =	stream.linear.gather [spmem:s29], $0x2000, $0x38;
	[tilespmem:$0x1F830] =	vst v63  }
0x55c: {  	_ =	swait.ge [sflag:s0], $0x2000  }
0x55d: {  	[sflag:s0] =	ssyncset.done $0x0  }
0x55e: {  	[sflag:s0] =	ssyncadd.s32 $0xFFFFE000  }
0x55f: {  	[tilespmem:s11], [sflag:$0x3] =	stream.strided.gather [hbm4b:s18+s9], $0x2000, s31, s9, $0x38;
	[tilespmem:$0x1F830] =	vst v63  }
0x560: {  	s23 =	simm.s32 $0x0;
	_ =	swait.ge [sflag:s0], $0x2000  }
0x561: {  	s10 =	sand.u32 $0x7F, s23;
	[sflag:s0] =	ssyncset.done $0x0  }
0x562: {  	s10 =	sor.u32 $0x1F580, s10;
	[sflag:s0] =	ssyncadd.s32 $0xFFFFE000  }
0x563: {  	s21 =	simm.s32 $0x1B3A0;
	v3 =	vld.msk [tilespmem:s10+$0x0 ss:$0x0], $0xffff  }
0x564: {  	v4 =	vld [tilespmem:s21+$0xFFFFFFE0];
	_ =	sdelay $0x2  }
0x565: {  	s15 =	simm.s32 $0x193A0  }
0x566: {  	v5 =	vld [tilespmem:s15+$0xFFFFFFE0]  }
0x567: {  	v4 =	vmul.f32 v4, v3;
	_ =	sdelay $0x1  }
0x568: {  	v60 =	vmul.f32 v4, v2;
	_ =	sdelay $0x1  }
0x569: {  	v5 =	vadd.f32 v60, v5;
	_ =	sdelay $0x1  }
0x56a: {  	[tilespmem:s15+$0xFFFFFFE0] =	vst v5  }
0x56b: {  	v5 =	vld [tilespmem:s21+$0xFFFFFFF0]  }
0x56c: {  	v4 =	vmul.f32 v4, v3;
	_ =	sdelay $0x1  }
0x56d: {  	[tilespmem:s21+$0xFFFFFFE0] =	vst v4  }
0x56e: {  	v4 =	vld [tilespmem:s15+$0xFFFFFFF0]  }
0x56f: {  	v5 =	vmul.f32 v5, v3;
	_ =	sdelay $0x1  }
0x570: {  	v61 =	vmul.f32 v5, v2;
	_ =	sdelay $0x1  }
0x571: {  	v4 =	vadd.f32 v61, v4;
	_ =	sdelay $0x1  }
0x572: {  	[tilespmem:s15+$0xFFFFFFF0] =	vst v4  }
0x573: {  	v4 =	vld [tilespmem:s21+$0x0]  }
0x574: {  	v5 =	vmul.f32 v5, v3;
	_ =	sdelay $0x1  }
0x575: {  	[tilespmem:s21+$0xFFFFFFF0] =	vst v5  }
0x576: {  	v5 =	vld [tilespmem:s15+$0x0]  }
0x577: {  	v4 =	vmul.f32 v4, v3;
	_ =	sdelay $0x1  }
0x578: {  	v62 =	vmul.f32 v4, v2;
	_ =	sdelay $0x1  }
0x579: {  	v5 =	vadd.f32 v62, v5  }
0x57a: {  	v4 =	vmul.f32 v4, v3  }
0x57b: {  	[tilespmem:s15+$0x0] =	vst v5  }
0x57c: {  	[tilespmem:s21+$0x0] =	vst v4;
	v4 =	vld [tilespmem:s21+$0x10];
	_ =	sdelay $0x3  }
0x57d: {  	v5 =	vld [tilespmem:s15+$0x10]  }
0x57e: {  	v4 =	vmul.f32 v4, v3;
	_ =	sdelay $0x1  }
0x57f: {  	v63 =	vmul.f32 v4, v2;
	_ =	sdelay $0x1  }
0x580: {  	v5 =	vadd.f32 v63, v5  }
0x581: {  	s25 =	simm.s32 $0x1  }
0x582: {  	s28 =	simm.s32 $0x2;
	s25 =	sand.u32 $0x7F, s25;
	s19 =	simm.s32 $0x1B3E0;
	v3 =	vmul.f32 v4, v3;
	[tilespmem:s15+$0x10] =	vst v5  }
.LBB2_29:
0x583: {  	s10 =	sor.u32 $0x1F580, s25;
	s15 =	sadd.s32 $0x40, s15  }
0x584: {  	[tilespmem:s21+$0x10] =	vst v3;
	s25 =	smov.u32 s28;
	s23 =	sadd.s32 $0x1, s28;
	s21 =	smov.u32 s19  }
0x585: {  	p0 =	sne.s32 s28, $0x7F;
	v3 =	vld.msk [tilespmem:s10+$0x0 ss:$0x0], $0xffff  }
0x586: {  	v4 =	vld [tilespmem:s19+$0xFFFFFFE0];
	_ =	sdelay $0x3  }
0x587: {  	v5 =	vld [tilespmem:s15+$0xFFFFFFE0]  }
0x588: {  	v4 =	vmul.f32 v4, v3;
	_ =	sdelay $0x1  }
0x589: {  	v6 =	vmul.f32 v4, v2;
	v4 =	vmul.f32 v4, v3;
	_ =	sdelay $0x1  }
0x58a: {  	v5 =	vadd.f32 v6, v5;
	_ =	sdelay $0x1  }
0x58b: {  	[tilespmem:s15+$0xFFFFFFE0] =	vst v5  }
0x58c: {  	v5 =	vld [tilespmem:s19+$0xFFFFFFF0];
	_ =	sdelay $0x2  }
0x58d: {  	[tilespmem:s19+$0xFFFFFFE0] =	vst v4  }
0x58e: {  	v4 =	vld [tilespmem:s15+$0xFFFFFFF0]  }
0x58f: {  	v5 =	vmul.f32 v5, v3;
	_ =	sdelay $0x1  }
0x590: {  	v6 =	vmul.f32 v5, v2;
	v5 =	vmul.f32 v5, v3;
	_ =	sdelay $0x1  }
0x591: {  	v4 =	vadd.f32 v6, v4;
	_ =	sdelay $0x1  }
0x592: {  	[tilespmem:s15+$0xFFFFFFF0] =	vst v4  }
0x593: {  	[tilespmem:s19+$0xFFFFFFF0] =	vst v5;
	v4 =	vld [tilespmem:s19+$0x0];
	_ =	sdelay $0x3  }
0x594: {  	v5 =	vld [tilespmem:s15+$0x0]  }
0x595: {  	v4 =	vmul.f32 v4, v3;
	_ =	sdelay $0x1  }
0x596: {  	v6 =	vmul.f32 v4, v2;
	v4 =	vmul.f32 v4, v3;
	_ =	sdelay $0x1  }
0x597: {  	v5 =	vadd.f32 v6, v5;
	_ =	sdelay $0x1  }
0x598: {  	[tilespmem:s15+$0x0] =	vst v5  }
0x599: {  	[tilespmem:s19+$0x0] =	vst v4;
	v4 =	vld [tilespmem:s19+$0x10];
	_ =	sdelay $0x3  }
0x59a: {  	v5 =	vld [tilespmem:s15+$0x10]  }
0x59b: {  	v4 =	vmul.f32 v4, v3;
	_ =	sdelay $0x1  }
.Ltmp13:
0x59c: {  	v6 =	vmul.f32 v4, v2;
	v3 =	vmul.f32 v4, v3;
	(pc) =	sbr.rel @p0 .LBB2_29-.Ltmp13, $3  }
0x59d: {  	_ = 	snop  }
0x59e: {  	v4 =	vadd.f32 v6, v5;
	_ =	sdelay $0x1  }
0x59f: {  	s25 =	sand.u32 $0x7F, s25;
	s28 =	smov.u32 s23;
	s19 =	sadd.s32 $0x40, s19;
	[tilespmem:s15+$0x10] =	vst v4  }
0x5a0: {  	s10 =	sor.u32 $0x1F580, s25;
	[tilespmem:s21+$0x10] =	vst v3  }
0x5a1: {  	v3 =	vld.msk [tilespmem:s10+$0x0 ss:$0x0], $0xffff  }
0x5a2: {  	v4 =	vld [tilespmem:s19+$0xFFFFFFE0];
	_ =	sdelay $0x2  }
0x5a3: {  	s25 =	sadd.s32 $0x40, s15  }
0x5a4: {  	v5 =	vld [tilespmem:s25+$0xFFFFFFE0]  }
0x5a5: {  	v4 =	vmul.f32 v4, v3;
	_ =	sdelay $0x1  }
0x5a6: {  	v6 =	vmul.f32 v4, v2;
	_ =	sdelay $0x1  }
0x5a7: {  	v5 =	vadd.f32 v6, v5;
	_ =	sdelay $0x1  }
0x5a8: {  	[tilespmem:s25+$0xFFFFFFE0] =	vst v5  }
0x5a9: {  	v5 =	vld [tilespmem:s19+$0xFFFFFFF0]  }
0x5aa: {  	v4 =	vmul.f32 v4, v3;
	_ =	sdelay $0x1  }
0x5ab: {  	[tilespmem:s19+$0xFFFFFFE0] =	vst v4  }
0x5ac: {  	v4 =	vld [tilespmem:s25+$0xFFFFFFF0]  }
0x5ad: {  	v5 =	vmul.f32 v5, v3;
	_ =	sdelay $0x1  }
0x5ae: {  	v60 =	vmul.f32 v5, v2;
	_ =	sdelay $0x1  }
0x5af: {  	v4 =	vadd.f32 v60, v4;
	_ =	sdelay $0x1  }
0x5b0: {  	[tilespmem:s25+$0xFFFFFFF0] =	vst v4  }
0x5b1: {  	v4 =	vld [tilespmem:s19+$0x0]  }
0x5b2: {  	v5 =	vmul.f32 v5, v3;
	_ =	sdelay $0x1  }
0x5b3: {  	[tilespmem:s19+$0xFFFFFFF0] =	vst v5  }
0x5b4: {  	v5 =	vld [tilespmem:s25+$0x0]  }
0x5b5: {  	v4 =	vmul.f32 v4, v3;
	_ =	sdelay $0x1  }
0x5b6: {  	v61 =	vmul.f32 v4, v2;
	_ =	sdelay $0x1  }
0x5b7: {  	v5 =	vadd.f32 v61, v5;
	_ =	sdelay $0x1  }
0x5b8: {  	[tilespmem:s25+$0x0] =	vst v5  }
0x5b9: {  	v62 =	vld [tilespmem:s19+$0x10]  }
0x5ba: {  	v4 =	vmul.f32 v4, v3;
	_ =	sdelay $0x1  }
0x5bb: {  	[tilespmem:s19+$0x0] =	vst v4  }
0x5bc: {  	v63 =	vld [tilespmem:s25+$0x10]  }
0x5bd: {  	v4 =	vmul.f32 v62, v3;
	_ =	sdelay $0x1  }
0x5be: {  	v2 =	vmul.f32 v4, v2;
	_ =	sdelay $0x1  }
0x5bf: {  	v2 =	vadd.f32 v2, v63  }
0x5c0: {  	v3 =	vmul.f32 v4, v3  }
0x5c1: {  	[tilespmem:s25+$0x10] =	vst v2  }
0x5c2: {  	s28 =	rddreg [dreg:$0x15];
	[tilespmem:s19+$0x10] =	vst v3  }
0x5c3: {  	[spmem:s28] =	stream.linear.scatter [tilespmem:s1], [sflag:$0x3], $0x2000, $0x38;
	[tilespmem:$0x1F830] =	vst v63  }
0x5c4: {  	_ =	swait.ge [sflag:s0], $0x2000  }
0x5c5: {  	[sflag:s0] =	ssyncset.done $0x0  }
0x5c6: {  	[sflag:s0] =	ssyncadd.s32 $0xFFFFE000  }
0x5c7: {  	[hbm4b:s18+s9] =	stream.strided.scatter [tilespmem:s11], [sflag:$0x3], $0x2000, s31, s9, $0x38;
	[tilespmem:$0x1F830] =	vst v63  }
0x5c8: {  	_ =	swait.ge [sflag:s0], $0x2000  }
0x5c9: {  	[sflag:s0] =	ssyncset.done $0x0  }
0x5ca: {  	p0 =	sne.s32 s6, $0xA;
	[sflag:s0] =	ssyncadd.s32 $0xFFFFE000  }
0x5cb: {  	[spmem:s29] =	stream.linear.scatter [tilespmem:s13], [sflag:$0x3], $0x2000, $0x38;
	[tilespmem:$0x1F830] =	vst v63  }
.Ltmp14:
0x5cc: {  	_ =	swait.ge [sflag:s0], $0x2000;
	(pc) =	sbr.rel @p0 .LBB2_18-.Ltmp14, $3  }
0x5cd: {  	[sflag:s0] =	ssyncset.done $0x0  }
0x5ce: {  	[sflag:s0] =	ssyncadd.s32 $0xFFFFE000  }
0x5cf: {  	[bflag:$0x0] =	sbarrier.arrive $0xFFFF;
	_ =	sdelay $0x1  }
0x5d0: {  	s19 =	rddreg [dreg:$0x8]  }
0x5d1: {  	s6 =	rddreg [dreg:$0x16];
	s19 =	sadd.s32 $0x1, s19  }
0x5d2: {  	p0 =	sne.s32 s19, s6  }
.Ltmp15:
0x5d3: {  	_ = 	snop;
	(pc) =	sbr.rel @p0 .LBB2_1-.Ltmp15, $2  }
0x5d4: {  	_ =	sdelay $0x2  }
0x5d5: {  	s23 =	rddreg [dreg:$0xa];
	s25 =	simm.s32 $0x1F380  }
0x5d6: {  	_ =	sfence.sel $0x180000  }
0x5d7: {  	[bflag:$0x0] =	sbarrier.arrive $0xFFFF  }
0x5d8: {  	_ =	strace $0x90000047  }
0x5d9: {  	s0 =	stileid.u32;
	[bflag:$0x2] =	sbarrier.arrive $0xFFFF  }
0x5da: {  	p0 =	sne.s32 s0, $0x0;
	s0 =	rddreg [dreg:$0x7]  }
0x5db: {  	s0 =	sadd.s32 @!p0 $0x100000, s0  }
0x5dc: {  	[sflag:s0] =	ssyncadd.tile.s32 @!p0 $0x1;
	_ =	shalt  }
.Lfunc_end2:
_tile_overlayer_lowered:
.L_overlay_start_2:
0x5dd: {  	(tag) =	ssettag $0x2  }
0x5de: {  	s0 =	rddreg [dreg:$0x0];
	s2 =	stileid.u32  }
0x5df: {  	s1 =	rddreg [dreg:$0x1];
	p0 =	sne.s32 s2, $0x0  }
0x5e0: {  	s3 =	rddreg [dreg:$0x2];
	[bflag:$0x3] =	sbarrier.arrive $0xFFFF;
	s2 =	simm.s32 @!p0 $0x1C03  }
0x5e1: {  	[timem:s3], [sflag:s2] =	dma.local @!p0 [hbm:s0], s1  }
0x5e2: {  	s0 =	simm.s32 @!p0 $0x3  }
0x5e3: {  	_ =	swait.ge @!p0 [sflag:s0], s1  }
0x5e4: {  	s1 =	ssub.s32 @!p0 $0x0, s1;
	[sflag:s0] =	ssyncset.done @!p0 $0x0  }
0x5e5: {  	[sflag:s0] =	ssyncadd.s32 @!p0 s1  }
0x5e6: {  	[bflag:$0x3] =	sbarrier.arrive $0xFFFF  }
0x5e7: {  	_ =	shalt  }

</sc_bundles>
